<compile_context>
chip_gen: v7x
topology: tpu7x:2x2x1
jax: 0.10.2.dev20260603
libtpu: 0.0.44.dev20260713+nightly
codegen_flags: <defaults>
</compile_context>

<pallas_src>
import jax
import jax.numpy as jnp
from jax import lax
from jax.experimental import pallas as pl
from jax.experimental.pallas import tpu as pltpu
from jax.experimental.pallas import tpu_sc as plsc

_NUM_TOKENS = 512
_DIM = 1024
_NUM_CHAPTERS = 16
_T = 32
_BATCH = 2048
_K = 2
_NPAIRS = _BATCH * _K
_NC = 2
_NS = 16
_HALF = _NPAIRS // _NC
_PPT = _HALF // _NS


def _sc_gather_kernel(mem_hbm, cidx_hbm, out_hbm, aidx_hbm,
                      mychap, cidx_v, aidx_v, out_sem, in_sem, chap_sem):
    cid = lax.axis_index("c")
    sid = lax.axis_index("s")
    half = cid * _HALF

    pltpu.async_copy(cidx_hbm.at[pl.ds(half, _HALF)], cidx_v, in_sem)
    pltpu.async_copy(mem_hbm.at[pl.ds(sid * _T, _T)], mychap, chap_sem)
    pltpu.make_async_copy(cidx_hbm.at[pl.ds(half, _HALF)], cidx_v,
                          in_sem).wait()

    iota = lax.broadcasted_iota(jnp.int32, (16,), 0)
    for g in range(_PPT // 16):
        cvec = cidx_v[pl.ds(sid * _PPT + g * 16, 16)]
        for l in range(16):
            p = g * 16 + l
            row0 = cvec[l] * _T
            lo = row0 + iota
            aidx_v[p, pl.ds(0, 16)] = lo
            aidx_v[p, pl.ds(16, 16)] = lo + 16
    pltpu.sync_copy(aidx_v, aidx_hbm.at[pl.ds(half + sid * _PPT, _PPT)])

    pltpu.make_async_copy(mem_hbm.at[pl.ds(sid * _T, _T)], mychap,
                          chap_sem).wait()

    def scan_body(g, cnt):
        vec = cidx_v[pl.ds(g * 16, 16)]
        for l in range(16):
            c = vec[l]
            hit = c == sid

            @pl.when(hit)
            def _():
                pltpu.async_copy(mychap, out_hbm.at[half + g * 16 + l],
                                 out_sem)

            cnt = jnp.where(hit, cnt + 1, cnt)
        return cnt

    n_served = lax.fori_loop(0, _HALF // 16, scan_body, jnp.int32(0))

    def drain_body(i, carry):
        pltpu.make_async_copy(mem_hbm.at[pl.ds(0, _T)], mychap,
                              out_sem).wait()
        return carry

    lax.fori_loop(0, n_served, drain_body, jnp.int32(0))


def kernel(memory, chapter_indices):
    cidx_flat = chapter_indices.reshape(_NPAIRS).astype(jnp.int32)
    mesh = plsc.VectorSubcoreMesh(core_axis_name="c", subcore_axis_name="s")
    gathered, aidx = pl.kernel(
        _sc_gather_kernel,
        out_type=(
            jax.ShapeDtypeStruct((_NPAIRS, _T, _DIM), jnp.float32),
            jax.ShapeDtypeStruct((_NPAIRS, _T), jnp.int32),
        ),
        mesh=mesh,
        scratch_types=[
            pltpu.VMEM((_T, _DIM), jnp.float32),
            pltpu.VMEM((_HALF,), jnp.int32),
            pltpu.VMEM((_PPT, _T), jnp.int32),
            pltpu.SemaphoreType.DMA,
            pltpu.SemaphoreType.DMA,
            pltpu.SemaphoreType.DMA,
        ],
    )(memory, cidx_flat)
    return (gathered.reshape(_BATCH, _K * _T, _DIM),
            aidx.reshape(_BATCH, _K * _T).astype(chapter_indices.dtype))

# --- scband reference (transcript-rebuilt; emitter-appended) ---
"""Pipeline reference for scband-chaptered-memory-bank-56521769615834 (READ-ONLY COPY).

The authoritative reference and input builder live on the scoring server;
editing this copy changes nothing except your own understanding.
"""

import jax, jax.numpy as jnp
import numpy as np

NUM_TOKENS = 512
DIM = 1024
NUM_CHAPTERS = 16
TOKENS_PER_CHAPTER = NUM_TOKENS // NUM_CHAPTERS  # 32
BATCH = 2048
K = 2


def setup_inputs(seed: int = 0) -> dict:
    key = jax.random.key(seed)
    k1, k2 = jax.random.split(key)
    # learned memory bank parameter (base_bank), init_std = 0.02
    memory = jax.random.normal(k1, (NUM_TOKENS, DIM), dtype=jnp.float32) * 0.02
    chapter_indices = jax.random.randint(k2, (BATCH, K), 0, NUM_CHAPTERS, dtype=jnp.int64 if jax.config.read('jax_enable_x64') else jnp.int32)
    return {"memory": memory, "chapter_indices": chapter_indices}


def reference(memory, chapter_indices):
    """Faithful translation of ChapteredMemoryBank.get_chapters_batched."""
    batch_size, k = chapter_indices.shape
    # expanded indices: (B, k, 1) * tokens_per_chapter + offsets (1, 1, T)
    expanded = chapter_indices[:, :, None]
    offsets = jnp.arange(TOKENS_PER_CHAPTER, dtype=chapter_indices.dtype).reshape(1, 1, -1)
    all_indices = expanded * TOKENS_PER_CHAPTER + offsets
    all_indices = all_indices.reshape(batch_size, -1)  # (B, k*T)
    # torch.gather over the batch-expanded memory == row gather from memory
    gathered = jnp.take(memory, all_indices, axis=0)  # (B, k*T, dim)
    return gathered, all_indices

if __name__ == "__main__":
    import jax
    _d = setup_inputs()
    print(jax.jit(kernel)(*tuple(_d.values())))

</pallas_src>

<mosaic_0001>
#map = affine_map<(d0, d1) -> (0, 0)>
#map1 = affine_map<(d0, d1) -> (0)>
#map2 = affine_map<(d0, d1) -> (0, 0, 0)>
module attributes {stable_mosaic.version = 14 : i64} {
  func.func @_sc_gather_kernel(%arg0: i32, %arg1: i32, %arg2: memref<512x1024xf32, #tpu.memory_space<hbm>>, %arg3: memref<4096xi32, #tpu.memory_space<hbm>>, %arg4: memref<4096x32x1024xf32, #tpu.memory_space<hbm>>, %arg5: memref<4096x32xi32, #tpu.memory_space<hbm>>, %arg6: memref<32x1024xf32, #tpu.memory_space<vmem>>, %arg7: memref<2048xi32, #tpu.memory_space<vmem>>, %arg8: memref<128x32xi32, #tpu.memory_space<vmem>>, %arg9: memref<!tpu.dma_semaphore, #tpu.memory_space<semaphore_mem>>, %arg10: memref<!tpu.dma_semaphore, #tpu.memory_space<semaphore_mem>>, %arg11: memref<!tpu.dma_semaphore, #tpu.memory_space<semaphore_mem>>) attributes {dimension_semantics = [#tpu.dimension_semantics<core_parallel>, #tpu.dimension_semantics<subcore_parallel>], iteration_bounds = array<i64: 2, 16>, scalar_prefetch = 0 : i64, scratch_operands = 6 : i64, tpu.core_type = #tpu.core_type<sc_vector_subcore>, window_params = [{transform_indices = #map}, {transform_indices = #map1}, {transform_indices = #map2}, {transform_indices = #map}]} {
    %mul3A = arith.constant 2048 : i32
    %mul3A_0 = arith.muli %arg0, %mul3A : i32
    %dma_start3A = tpu.memref_slice %arg3[%mul3A_0] : memref<4096xi32, #tpu.memory_space<hbm>> -> memref<2048xi32, #tpu.memory_space<hbm>>
    %dma_start3A_1 = tpu.memref_slice %arg3[%mul3A_0] : memref<4096xi32, #tpu.memory_space<hbm>> -> memref<2048xi32, #tpu.memory_space<hbm>>
    tpu.enqueue_dma source(%dma_start3A_1 : memref<2048xi32, #tpu.memory_space<hbm>>) target(%arg7 : memref<2048xi32, #tpu.memory_space<vmem>>) target_semaphore(%arg10 : memref<!tpu.dma_semaphore, #tpu.memory_space<semaphore_mem>>)
    %mul3A_2 = arith.constant 32 : i32
    %mul3A_3 = arith.muli %arg1, %mul3A_2 : i32
    %dma_start3A_4 = arith.constant 0 : i32
    %dma_start3A_5 = tpu.memref_slice %arg2[%mul3A_3, %dma_start3A_4] : memref<512x1024xf32, #tpu.memory_space<hbm>> -> memref<32x1024xf32, #tpu.memory_space<hbm>>
    %dma_start3A_6 = arith.constant 0 : i32
    %dma_start3A_7 = tpu.memref_slice %arg2[%mul3A_3, %dma_start3A_6] : memref<512x1024xf32, #tpu.memory_space<hbm>> -> memref<32x1024xf32, #tpu.memory_space<hbm>>
    tpu.enqueue_dma source(%dma_start3A_7 : memref<32x1024xf32, #tpu.memory_space<hbm>>) target(%arg6 : memref<32x1024xf32, #tpu.memory_space<vmem>>) target_semaphore(%arg11 : memref<!tpu.dma_semaphore, #tpu.memory_space<semaphore_mem>>)
    %dma_wait3A = tpu.memref_slice %arg3[%mul3A_0] : memref<4096xi32, #tpu.memory_space<hbm>> -> memref<2048xi32, #tpu.memory_space<hbm>>
    %dma_wait3A_8 = tpu.memref_slice %arg3[%mul3A_0] : memref<4096xi32, #tpu.memory_space<hbm>> -> memref<2048xi32, #tpu.memory_space<hbm>>
    tpu.wait_dma2 semaphore(%arg10 : memref<!tpu.dma_semaphore, #tpu.memory_space<semaphore_mem>>) src(%dma_wait3A_8 : memref<2048xi32, #tpu.memory_space<hbm>>) dst(%arg7 : memref<2048xi32, #tpu.memory_space<vmem>>)
    %iota3A = tpu.iota {dimensions = array<i32: 0>} : vector<16xi32>
    %mul3A_9 = arith.constant 128 : i32
    %mul3A_10 = arith.muli %arg1, %mul3A_9 : i32
    %add3A = arith.constant 0 : i32
    %add3A_11 = arith.addi %mul3A_10, %add3A : i32
    %get3A = arith.index_cast %add3A_11 : i32 to index
    %get3A_12 = tpu.vector_load %arg7[%get3A] {strides = array<i32>} : memref<2048xi32, #tpu.memory_space<vmem>>, vector<16xi32>,
    %get3A_13 = vector.shape_cast %get3A_12 : vector<16xi32> to vector<16xi32>
    %slice3A = vector.extract_strided_slice %get3A_13 {offsets = [0], sizes = [1], strides = [1]} : vector<16xi32> to vector<1xi32>
    %squeeze3A = vector.extract %slice3A[0] : i32 from vector<1xi32>
    %mul3A_14 = arith.constant 32 : i32
    %mul3A_15 = arith.muli %squeeze3A, %mul3A_14 : i32
    %add3A_16 = vector.broadcast %mul3A_15 : i32 to vector<16xi32>
    %add3A_17 = arith.addi %add3A_16, %iota3A : vector<16xi32>
    %swap3A = arith.constant 0 : i32
    %swap3A_18 = arith.index_cast %swap3A : i32 to index
    %swap3A_19 = arith.constant 0 : index
    %swap3A_20 = tpu.vector_load %arg8[%swap3A_18, %swap3A_19] {strides = array<i32>} : memref<128x32xi32, #tpu.memory_space<vmem>>, vector<1x16xi32>,
    %swap3A_21 = vector.shape_cast %swap3A_20 : vector<1x16xi32> to vector<16xi32>
    %swap3A_22 = vector.shape_cast %add3A_17 : vector<16xi32> to vector<1x16xi32>
    tpu.vector_store %arg8[%swap3A_18, %swap3A_19], %swap3A_22 {strides = array<i32>} : memref<128x32xi32, #tpu.memory_space<vmem>>, vector<1x16xi32>,
    %add3A_23 = arith.constant 16 : i32
    %add3A_24 = vector.broadcast %add3A_23 : i32 to vector<16xi32>
    %add3A_25 = arith.addi %add3A_17, %add3A_24 : vector<16xi32>
    %swap3A_26 = arith.constant 0 : i32
    %swap3A_27 = arith.index_cast %swap3A_26 : i32 to index
    %swap3A_28 = arith.constant 16 : index
    %swap3A_29 = tpu.vector_load %arg8[%swap3A_27, %swap3A_28] {strides = array<i32>} : memref<128x32xi32, #tpu.memory_space<vmem>>, vector<1x16xi32>,
    %swap3A_30 = vector.shape_cast %swap3A_29 : vector<1x16xi32> to vector<16xi32>
    %swap3A_31 = vector.shape_cast %add3A_25 : vector<16xi32> to vector<1x16xi32>
    tpu.vector_store %arg8[%swap3A_27, %swap3A_28], %swap3A_31 {strides = array<i32>} : memref<128x32xi32, #tpu.memory_space<vmem>>, vector<1x16xi32>,
    %slice3A_32 = vector.extract_strided_slice %get3A_13 {offsets = [1], sizes = [1], strides = [1]} : vector<16xi32> to vector<1xi32>
    %squeeze3A_33 = vector.extract %slice3A_32[0] : i32 from vector<1xi32>
    %mul3A_34 = arith.constant 32 : i32
    %mul3A_35 = arith.muli %squeeze3A_33, %mul3A_34 : i32
    %add3A_36 = vector.broadcast %mul3A_35 : i32 to vector<16xi32>
    %add3A_37 = arith.addi %add3A_36, %iota3A : vector<16xi32>
    %swap3A_38 = arith.constant 1 : i32
    %swap3A_39 = arith.index_cast %swap3A_38 : i32 to index
    %swap3A_40 = arith.constant 0 : index
    %swap3A_41 = tpu.vector_load %arg8[%swap3A_39, %swap3A_40] {strides = array<i32>} : memref<128x32xi32, #tpu.memory_space<vmem>>, vector<1x16xi32>,
    %swap3A_42 = vector.shape_cast %swap3A_41 : vector<1x16xi32> to vector<16xi32>
    %swap3A_43 = vector.shape_cast %add3A_37 : vector<16xi32> to vector<1x16xi32>
    tpu.vector_store %arg8[%swap3A_39, %swap3A_40], %swap3A_43 {strides = array<i32>} : memref<128x32xi32, #tpu.memory_space<vmem>>, vector<1x16xi32>,
    %add3A_44 = arith.constant 16 : i32
    %add3A_45 = vector.broadcast %add3A_44 : i32 to vector<16xi32>
    %add3A_46 = arith.addi %add3A_37, %add3A_45 : vector<16xi32>
    %swap3A_47 = arith.constant 1 : i32
    %swap3A_48 = arith.index_cast %swap3A_47 : i32 to index
    %swap3A_49 = arith.constant 16 : index
    %swap3A_50 = tpu.vector_load %arg8[%swap3A_48, %swap3A_49] {strides = array<i32>} : memref<128x32xi32, #tpu.memory_space<vmem>>, vector<1x16xi32>,
    %swap3A_51 = vector.shape_cast %swap3A_50 : vector<1x16xi32> to vector<16xi32>
    %swap3A_52 = vector.shape_cast %add3A_46 : vector<16xi32> to vector<1x16xi32>
    tpu.vector_store %arg8[%swap3A_48, %swap3A_49], %swap3A_52 {strides = array<i32>} : memref<128x32xi32, #tpu.memory_space<vmem>>, vector<1x16xi32>,
    %slice3A_53 = vector.extract_strided_slice %get3A_13 {offsets = [2], sizes = [1], strides = [1]} : vector<16xi32> to vector<1xi32>
    %squeeze3A_54 = vector.extract %slice3A_53[0] : i32 from vector<1xi32>
    %mul3A_55 = arith.constant 32 : i32
    %mul3A_56 = arith.muli %squeeze3A_54, %mul3A_55 : i32
    %add3A_57 = vector.broadcast %mul3A_56 : i32 to vector<16xi32>
    %add3A_58 = arith.addi %add3A_57, %iota3A : vector<16xi32>
    %swap3A_59 = arith.constant 2 : i32
    %swap3A_60 = arith.index_cast %swap3A_59 : i32 to index
    %swap3A_61 = arith.constant 0 : index
    %swap3A_62 = tpu.vector_load %arg8[%swap3A_60, %swap3A_61] {strides = array<i32>} : memref<128x32xi32, #tpu.memory_space<vmem>>, vector<1x16xi32>,
    %swap3A_63 = vector.shape_cast %swap3A_62 : vector<1x16xi32> to vector<16xi32>
    %swap3A_64 = vector.shape_cast %add3A_58 : vector<16xi32> to vector<1x16xi32>
    tpu.vector_store %arg8[%swap3A_60, %swap3A_61], %swap3A_64 {strides = array<i32>} : memref<128x32xi32, #tpu.memory_space<vmem>>, vector<1x16xi32>,
    %add3A_65 = arith.constant 16 : i32
    %add3A_66 = vector.broadcast %add3A_65 : i32 to vector<16xi32>
    %add3A_67 = arith.addi %add3A_58, %add3A_66 : vector<16xi32>
    %swap3A_68 = arith.constant 2 : i32
    %swap3A_69 = arith.index_cast %swap3A_68 : i32 to index
    %swap3A_70 = arith.constant 16 : index
    %swap3A_71 = tpu.vector_load %arg8[%swap3A_69, %swap3A_70] {strides = array<i32>} : memref<128x32xi32, #tpu.memory_space<vmem>>, vector<1x16xi32>,
    %swap3A_72 = vector.shape_cast %swap3A_71 : vector<1x16xi32> to vector<16xi32>
    %swap3A_73 = vector.shape_cast %add3A_67 : vector<16xi32> to vector<1x16xi32>
    tpu.vector_store %arg8[%swap3A_69, %swap3A_70], %swap3A_73 {strides = array<i32>} : memref<128x32xi32, #tpu.memory_space<vmem>>, vector<1x16xi32>,
    %slice3A_74 = vector.extract_strided_slice %get3A_13 {offsets = [3], sizes = [1], strides = [1]} : vector<16xi32> to vector<1xi32>
    %squeeze3A_75 = vector.extract %slice3A_74[0] : i32 from vector<1xi32>
    %mul3A_76 = arith.constant 32 : i32
    %mul3A_77 = arith.muli %squeeze3A_75, %mul3A_76 : i32
    %add3A_78 = vector.broadcast %mul3A_77 : i32 to vector<16xi32>
    %add3A_79 = arith.addi %add3A_78, %iota3A : vector<16xi32>
    %swap3A_80 = arith.constant 3 : i32
    %swap3A_81 = arith.index_cast %swap3A_80 : i32 to index
    %swap3A_82 = arith.constant 0 : index
    %swap3A_83 = tpu.vector_load %arg8[%swap3A_81, %swap3A_82] {strides = array<i32>} : memref<128x32xi32, #tpu.memory_space<vmem>>, vector<1x16xi32>,
    %swap3A_84 = vector.shape_cast %swap3A_83 : vector<1x16xi32> to vector<16xi32>
    %swap3A_85 = vector.shape_cast %add3A_79 : vector<16xi32> to vector<1x16xi32>
    tpu.vector_store %arg8[%swap3A_81, %swap3A_82], %swap3A_85 {strides = array<i32>} : memref<128x32xi32, #tpu.memory_space<vmem>>, vector<1x16xi32>,
    %add3A_86 = arith.constant 16 : i32
    %add3A_87 = vector.broadcast %add3A_86 : i32 to vector<16xi32>
    %add3A_88 = arith.addi %add3A_79, %add3A_87 : vector<16xi32>
    %swap3A_89 = arith.constant 3 : i32
    %swap3A_90 = arith.index_cast %swap3A_89 : i32 to index
    %swap3A_91 = arith.constant 16 : index
    %swap3A_92 = tpu.vector_load %arg8[%swap3A_90, %swap3A_91] {strides = array<i32>} : memref<128x32xi32, #tpu.memory_space<vmem>>, vector<1x16xi32>,
    %swap3A_93 = vector.shape_cast %swap3A_92 : vector<1x16xi32> to vector<16xi32>
    %swap3A_94 = vector.shape_cast %add3A_88 : vector<16xi32> to vector<1x16xi32>
    tpu.vector_store %arg8[%swap3A_90, %swap3A_91], %swap3A_94 {strides = array<i32>} : memref<128x32xi32, #tpu.memory_space<vmem>>, vector<1x16xi32>,
    %slice3A_95 = vector.extract_strided_slice %get3A_13 {offsets = [4], sizes = [1], strides = [1]} : vector<16xi32> to vector<1xi32>
    %squeeze3A_96 = vector.extract %slice3A_95[0] : i32 from vector<1xi32>
    %mul3A_97 = arith.constant 32 : i32
    %mul3A_98 = arith.muli %squeeze3A_96, %mul3A_97 : i32
    %add3A_99 = vector.broadcast %mul3A_98 : i32 to vector<16xi32>
    %add3A_100 = arith.addi %add3A_99, %iota3A : vector<16xi32>
    %swap3A_101 = arith.constant 4 : i32
    %swap3A_102 = arith.index_cast %swap3A_101 : i32 to index
    %swap3A_103 = arith.constant 0 : index
    %swap3A_104 = tpu.vector_load %arg8[%swap3A_102, %swap3A_103] {strides = array<i32>} : memref<128x32xi32, #tpu.memory_space<vmem>>, vector<1x16xi32>,
    %swap3A_105 = vector.shape_cast %swap3A_104 : vector<1x16xi32> to vector<16xi32>
    %swap3A_106 = vector.shape_cast %add3A_100 : vector<16xi32> to vector<1x16xi32>
    tpu.vector_store %arg8[%swap3A_102, %swap3A_103], %swap3A_106 {strides = array<i32>} : memref<128x32xi32, #tpu.memory_space<vmem>>, vector<1x16xi32>,
    %add3A_107 = arith.constant 16 : i32
    %add3A_108 = vector.broadcast %add3A_107 : i32 to vector<16xi32>
    %add3A_109 = arith.addi %add3A_100, %add3A_108 : vector<16xi32>
    %swap3A_110 = arith.constant 4 : i32
    %swap3A_111 = arith.index_cast %swap3A_110 : i32 to index
    %swap3A_112 = arith.constant 16 : index
    %swap3A_113 = tpu.vector_load %arg8[%swap3A_111, %swap3A_112] {strides = array<i32>} : memref<128x32xi32, #tpu.memory_space<vmem>>, vector<1x16xi32>,
    %swap3A_114 = vector.shape_cast %swap3A_113 : vector<1x16xi32> to vector<16xi32>
    %swap3A_115 = vector.shape_cast %add3A_109 : vector<16xi32> to vector<1x16xi32>
    tpu.vector_store %arg8[%swap3A_111, %swap3A_112], %swap3A_115 {strides = array<i32>} : memref<128x32xi32, #tpu.memory_space<vmem>>, vector<1x16xi32>,
    %slice3A_116 = vector.extract_strided_slice %get3A_13 {offsets = [5], sizes = [1], strides = [1]} : vector<16xi32> to vector<1xi32>
    %squeeze3A_117 = vector.extract %slice3A_116[0] : i32 from vector<1xi32>
    %mul3A_118 = arith.constant 32 : i32
    %mul3A_119 = arith.muli %squeeze3A_117, %mul3A_118 : i32
    %add3A_120 = vector.broadcast %mul3A_119 : i32 to vector<16xi32>
    %add3A_121 = arith.addi %add3A_120, %iota3A : vector<16xi32>
    %swap3A_122 = arith.constant 5 : i32
    %swap3A_123 = arith.index_cast %swap3A_122 : i32 to index
    %swap3A_124 = arith.constant 0 : index
    %swap3A_125 = tpu.vector_load %arg8[%swap3A_123, %swap3A_124] {strides = array<i32>} : memref<128x32xi32, #tpu.memory_space<vmem>>, vector<1x16xi32>,
    %swap3A_126 = vector.shape_cast %swap3A_125 : vector<1x16xi32> to vector<16xi32>
    %swap3A_127 = vector.shape_cast %add3A_121 : vector<16xi32> to vector<1x16xi32>
    tpu.vector_store %arg8[%swap3A_123, %swap3A_124], %swap3A_127 {strides = array<i32>} : memref<128x32xi32, #tpu.memory_space<vmem>>, vector<1x16xi32>,
    %add3A_128 = arith.constant 16 : i32
    %add3A_129 = vector.broadcast %add3A_128 : i32 to vector<16xi32>
    %add3A_130 = arith.addi %add3A_121, %add3A_129 : vector<16xi32>
    %swap3A_131 = arith.constant 5 : i32
    %swap3A_132 = arith.index_cast %swap3A_131 : i32 to index
    %swap3A_133 = arith.constant 16 : index
    %swap3A_134 = tpu.vector_load %arg8[%swap3A_132, %swap3A_133] {strides = array<i32>} : memref<128x32xi32, #tpu.memory_space<vmem>>, vector<1x16xi32>,
    %swap3A_135 = vector.shape_cast %swap3A_134 : vector<1x16xi32> to vector<16xi32>
    %swap3A_136 = vector.shape_cast %add3A_130 : vector<16xi32> to vector<1x16xi32>
    tpu.vector_store %arg8[%swap3A_132, %swap3A_133], %swap3A_136 {strides = array<i32>} : memref<128x32xi32, #tpu.memory_space<vmem>>, vector<1x16xi32>,
    %slice3A_137 = vector.extract_strided_slice %get3A_13 {offsets = [6], sizes = [1], strides = [1]} : vector<16xi32> to vector<1xi32>
    %squeeze3A_138 = vector.extract %slice3A_137[0] : i32 from vector<1xi32>
    %mul3A_139 = arith.constant 32 : i32
    %mul3A_140 = arith.muli %squeeze3A_138, %mul3A_139 : i32
    %add3A_141 = vector.broadcast %mul3A_140 : i32 to vector<16xi32>
    %add3A_142 = arith.addi %add3A_141, %iota3A : vector<16xi32>
    %swap3A_143 = arith.constant 6 : i32
    %swap3A_144 = arith.index_cast %swap3A_143 : i32 to index
    %swap3A_145 = arith.constant 0 : index
    %swap3A_146 = tpu.vector_load %arg8[%swap3A_144, %swap3A_145] {strides = array<i32>} : memref<128x32xi32, #tpu.memory_space<vmem>>, vector<1x16xi32>,
    %swap3A_147 = vector.shape_cast %swap3A_146 : vector<1x16xi32> to vector<16xi32>
    %swap3A_148 = vector.shape_cast %add3A_142 : vector<16xi32> to vector<1x16xi32>
    tpu.vector_store %arg8[%swap3A_144, %swap3A_145], %swap3A_148 {strides = array<i32>} : memref<128x32xi32, #tpu.memory_space<vmem>>, vector<1x16xi32>,
    %add3A_149 = arith.constant 16 : i32
    %add3A_150 = vector.broadcast %add3A_149 : i32 to vector<16xi32>
    %add3A_151 = arith.addi %add3A_142, %add3A_150 : vector<16xi32>
    %swap3A_152 = arith.constant 6 : i32
    %swap3A_153 = arith.index_cast %swap3A_152 : i32 to index
    %swap3A_154 = arith.constant 16 : index
    %swap3A_155 = tpu.vector_load %arg8[%swap3A_153, %swap3A_154] {strides = array<i32>} : memref<128x32xi32, #tpu.memory_space<vmem>>, vector<1x16xi32>,
    %swap3A_156 = vector.shape_cast %swap3A_155 : vector<1x16xi32> to vector<16xi32>
    %swap3A_157 = vector.shape_cast %add3A_151 : vector<16xi32> to vector<1x16xi32>
    tpu.vector_store %arg8[%swap3A_153, %swap3A_154], %swap3A_157 {strides = array<i32>} : memref<128x32xi32, #tpu.memory_space<vmem>>, vector<1x16xi32>,
    %slice3A_158 = vector.extract_strided_slice %get3A_13 {offsets = [7], sizes = [1], strides = [1]} : vector<16xi32> to vector<1xi32>
    %squeeze3A_159 = vector.extract %slice3A_158[0] : i32 from vector<1xi32>
    %mul3A_160 = arith.constant 32 : i32
    %mul3A_161 = arith.muli %squeeze3A_159, %mul3A_160 : i32
    %add3A_162 = vector.broadcast %mul3A_161 : i32 to vector<16xi32>
    %add3A_163 = arith.addi %add3A_162, %iota3A : vector<16xi32>
    %swap3A_164 = arith.constant 7 : i32
    %swap3A_165 = arith.index_cast %swap3A_164 : i32 to index
    %swap3A_166 = arith.constant 0 : index
    %swap3A_167 = tpu.vector_load %arg8[%swap3A_165, %swap3A_166] {strides = array<i32>} : memref<128x32xi32, #tpu.memory_space<vmem>>, vector<1x16xi32>,
    %swap3A_168 = vector.shape_cast %swap3A_167 : vector<1x16xi32> to vector<16xi32>
    %swap3A_169 = vector.shape_cast %add3A_163 : vector<16xi32> to vector<1x16xi32>
    tpu.vector_store %arg8[%swap3A_165, %swap3A_166], %swap3A_169 {strides = array<i32>} : memref<128x32xi32, #tpu.memory_space<vmem>>, vector<1x16xi32>,
    %add3A_170 = arith.constant 16 : i32
    %add3A_171 = vector.broadcast %add3A_170 : i32 to vector<16xi32>
    %add3A_172 = arith.addi %add3A_163, %add3A_171 : vector<16xi32>
    %swap3A_173 = arith.constant 7 : i32
    %swap3A_174 = arith.index_cast %swap3A_173 : i32 to index
    %swap3A_175 = arith.constant 16 : index
    %swap3A_176 = tpu.vector_load %arg8[%swap3A_174, %swap3A_175] {strides = array<i32>} : memref<128x32xi32, #tpu.memory_space<vmem>>, vector<1x16xi32>,
    %swap3A_177 = vector.shape_cast %swap3A_176 : vector<1x16xi32> to vector<16xi32>
    %swap3A_178 = vector.shape_cast %add3A_172 : vector<16xi32> to vector<1x16xi32>
    tpu.vector_store %arg8[%swap3A_174, %swap3A_175], %swap3A_178 {strides = array<i32>} : memref<128x32xi32, #tpu.memory_space<vmem>>, vector<1x16xi32>,
    %slice3A_179 = vector.extract_strided_slice %get3A_13 {offsets = [8], sizes = [1], strides = [1]} : vector<16xi32> to vector<1xi32>
    %squeeze3A_180 = vector.extract %slice3A_179[0] : i32 from vector<1xi32>
    %mul3A_181 = arith.constant 32 : i32
    %mul3A_182 = arith.muli %squeeze3A_180, %mul3A_181 : i32
    %add3A_183 = vector.broadcast %mul3A_182 : i32 to vector<16xi32>
    %add3A_184 = arith.addi %add3A_183, %iota3A : vector<16xi32>
    %swap3A_185 = arith.constant 8 : i32
    %swap3A_186 = arith.index_cast %swap3A_185 : i32 to index
    %swap3A_187 = arith.constant 0 : index
    %swap3A_188 = tpu.vector_load %arg8[%swap3A_186, %swap3A_187] {strides = array<i32>} : memref<128x32xi32, #tpu.memory_space<vmem>>, vector<1x16xi32>,
    %swap3A_189 = vector.shape_cast %swap3A_188 : vector<1x16xi32> to vector<16xi32>
    %swap3A_190 = vector.shape_cast %add3A_184 : vector<16xi32> to vector<1x16xi32>
    tpu.vector_store %arg8[%swap3A_186, %swap3A_187], %swap3A_190 {strides = array<i32>} : memref<128x32xi32, #tpu.memory_space<vmem>>, vector<1x16xi32>,
    %add3A_191 = arith.constant 16 : i32
    %add3A_192 = vector.broadcast %add3A_191 : i32 to vector<16xi32>
    %add3A_193 = arith.addi %add3A_184, %add3A_192 : vector<16xi32>
    %swap3A_194 = arith.constant 8 : i32
    %swap3A_195 = arith.index_cast %swap3A_194 : i32 to index
    %swap3A_196 = arith.constant 16 : index
    %swap3A_197 = tpu.vector_load %arg8[%swap3A_195, %swap3A_196] {strides = array<i32>} : memref<128x32xi32, #tpu.memory_space<vmem>>, vector<1x16xi32>,
    %swap3A_198 = vector.shape_cast %swap3A_197 : vector<1x16xi32> to vector<16xi32>
    %swap3A_199 = vector.shape_cast %add3A_193 : vector<16xi32> to vector<1x16xi32>
    tpu.vector_store %arg8[%swap3A_195, %swap3A_196], %swap3A_199 {strides = array<i32>} : memref<128x32xi32, #tpu.memory_space<vmem>>, vector<1x16xi32>,
    %slice3A_200 = vector.extract_strided_slice %get3A_13 {offsets = [9], sizes = [1], strides = [1]} : vector<16xi32> to vector<1xi32>
    %squeeze3A_201 = vector.extract %slice3A_200[0] : i32 from vector<1xi32>
    %mul3A_202 = arith.constant 32 : i32
    %mul3A_203 = arith.muli %squeeze3A_201, %mul3A_202 : i32
    %add3A_204 = vector.broadcast %mul3A_203 : i32 to vector<16xi32>
    %add3A_205 = arith.addi %add3A_204, %iota3A : vector<16xi32>
    %swap3A_206 = arith.constant 9 : i32
    %swap3A_207 = arith.index_cast %swap3A_206 : i32 to index
    %swap3A_208 = arith.constant 0 : index
    %swap3A_209 = tpu.vector_load %arg8[%swap3A_207, %swap3A_208] {strides = array<i32>} : memref<128x32xi32, #tpu.memory_space<vmem>>, vector<1x16xi32>,
    %swap3A_210 = vector.shape_cast %swap3A_209 : vector<1x16xi32> to vector<16xi32>
    %swap3A_211 = vector.shape_cast %add3A_205 : vector<16xi32> to vector<1x16xi32>
    tpu.vector_store %arg8[%swap3A_207, %swap3A_208], %swap3A_211 {strides = array<i32>} : memref<128x32xi32, #tpu.memory_space<vmem>>, vector<1x16xi32>,
    %add3A_212 = arith.constant 16 : i32
    %add3A_213 = vector.broadcast %add3A_212 : i32 to vector<16xi32>
    %add3A_214 = arith.addi %add3A_205, %add3A_213 : vector<16xi32>
    %swap3A_215 = arith.constant 9 : i32
    %swap3A_216 = arith.index_cast %swap3A_215 : i32 to index
    %swap3A_217 = arith.constant 16 : index
    %swap3A_218 = tpu.vector_load %arg8[%swap3A_216, %swap3A_217] {strides = array<i32>} : memref<128x32xi32, #tpu.memory_space<vmem>>, vector<1x16xi32>,
    %swap3A_219 = vector.shape_cast %swap3A_218 : vector<1x16xi32> to vector<16xi32>
    %swap3A_220 = vector.shape_cast %add3A_214 : vector<16xi32> to vector<1x16xi32>
    tpu.vector_store %arg8[%swap3A_216, %swap3A_217], %swap3A_220 {strides = array<i32>} : memref<128x32xi32, #tpu.memory_space<vmem>>, vector<1x16xi32>,
    %slice3A_221 = vector.extract_strided_slice %get3A_13 {offsets = [10], sizes = [1], strides = [1]} : vector<16xi32> to vector<1xi32>
    %squeeze3A_222 = vector.extract %slice3A_221[0] : i32 from vector<1xi32>
    %mul3A_223 = arith.constant 32 : i32
    %mul3A_224 = arith.muli %squeeze3A_222, %mul3A_223 : i32
    %add3A_225 = vector.broadcast %mul3A_224 : i32 to vector<16xi32>
    %add3A_226 = arith.addi %add3A_225, %iota3A : vector<16xi32>
    %swap3A_227 = arith.constant 10 : i32
    %swap3A_228 = arith.index_cast %swap3A_227 : i32 to index
    %swap3A_229 = arith.constant 0 : index
    %swap3A_230 = tpu.vector_load %arg8[%swap3A_228, %swap3A_229] {strides = array<i32>} : memref<128x32xi32, #tpu.memory_space<vmem>>, vector<1x16xi32>,
    %swap3A_231 = vector.shape_cast %swap3A_230 : vector<1x16xi32> to vector<16xi32>
    %swap3A_232 = vector.shape_cast %add3A_226 : vector<16xi32> to vector<1x16xi32>
    tpu.vector_store %arg8[%swap3A_228, %swap3A_229], %swap3A_232 {strides = array<i32>} : memref<128x32xi32, #tpu.memory_space<vmem>>, vector<1x16xi32>,
    %add3A_233 = arith.constant 16 : i32
    %add3A_234 = vector.broadcast %add3A_233 : i32 to vector<16xi32>
    %add3A_235 = arith.addi %add3A_226, %add3A_234 : vector<16xi32>
    %swap3A_236 = arith.constant 10 : i32
    %swap3A_237 = arith.index_cast %swap3A_236 : i32 to index
    %swap3A_238 = arith.constant 16 : index
    %swap3A_239 = tpu.vector_load %arg8[%swap3A_237, %swap3A_238] {strides = array<i32>} : memref<128x32xi32, #tpu.memory_space<vmem>>, vector<1x16xi32>,
    %swap3A_240 = vector.shape_cast %swap3A_239 : vector<1x16xi32> to vector<16xi32>
    %swap3A_241 = vector.shape_cast %add3A_235 : vector<16xi32> to vector<1x16xi32>
    tpu.vector_store %arg8[%swap3A_237, %swap3A_238], %swap3A_241 {strides = array<i32>} : memref<128x32xi32, #tpu.memory_space<vmem>>, vector<1x16xi32>,
    %slice3A_242 = vector.extract_strided_slice %get3A_13 {offsets = [11], sizes = [1], strides = [1]} : vector<16xi32> to vector<1xi32>
    %squeeze3A_243 = vector.extract %slice3A_242[0] : i32 from vector<1xi32>
    %mul3A_244 = arith.constant 32 : i32
    %mul3A_245 = arith.muli %squeeze3A_243, %mul3A_244 : i32
    %add3A_246 = vector.broadcast %mul3A_245 : i32 to vector<16xi32>
    %add3A_247 = arith.addi %add3A_246, %iota3A : vector<16xi32>
    %swap3A_248 = arith.constant 11 : i32
    %swap3A_249 = arith.index_cast %swap3A_248 : i32 to index
    %swap3A_250 = arith.constant 0 : index
    %swap3A_251 = tpu.vector_load %arg8[%swap3A_249, %swap3A_250] {strides = array<i32>} : memref<128x32xi32, #tpu.memory_space<vmem>>, vector<1x16xi32>,
    %swap3A_252 = vector.shape_cast %swap3A_251 : vector<1x16xi32> to vector<16xi32>
    %swap3A_253 = vector.shape_cast %add3A_247 : vector<16xi32> to vector<1x16xi32>
    tpu.vector_store %arg8[%swap3A_249, %swap3A_250], %swap3A_253 {strides = array<i32>} : memref<128x32xi32, #tpu.memory_space<vmem>>, vector<1x16xi32>,
    %add3A_254 = arith.constant 16 : i32
    %add3A_255 = vector.broadcast %add3A_254 : i32 to vector<16xi32>
    %add3A_256 = arith.addi %add3A_247, %add3A_255 : vector<16xi32>
    %swap3A_257 = arith.constant 11 : i32
    %swap3A_258 = arith.index_cast %swap3A_257 : i32 to index
    %swap3A_259 = arith.constant 16 : index
    %swap3A_260 = tpu.vector_load %arg8[%swap3A_258, %swap3A_259] {strides = array<i32>} : memref<128x32xi32, #tpu.memory_space<vmem>>, vector<1x16xi32>,
    %swap3A_261 = vector.shape_cast %swap3A_260 : vector<1x16xi32> to vector<16xi32>
    %swap3A_262 = vector.shape_cast %add3A_256 : vector<16xi32> to vector<1x16xi32>
    tpu.vector_store %arg8[%swap3A_258, %swap3A_259], %swap3A_262 {strides = array<i32>} : memref<128x32xi32, #tpu.memory_space<vmem>>, vector<1x16xi32>,
    %slice3A_263 = vector.extract_strided_slice %get3A_13 {offsets = [12], sizes = [1], strides = [1]} : vector<16xi32> to vector<1xi32>
    %squeeze3A_264 = vector.extract %slice3A_263[0] : i32 from vector<1xi32>
    %mul3A_265 = arith.constant 32 : i32
    %mul3A_266 = arith.muli %squeeze3A_264, %mul3A_265 : i32
    %add3A_267 = vector.broadcast %mul3A_266 : i32 to vector<16xi32>
    %add3A_268 = arith.addi %add3A_267, %iota3A : vector<16xi32>
    %swap3A_269 = arith.constant 12 : i32
    %swap3A_270 = arith.index_cast %swap3A_269 : i32 to index
    %swap3A_271 = arith.constant 0 : index
    %swap3A_272 = tpu.vector_load %arg8[%swap3A_270, %swap3A_271] {strides = array<i32>} : memref<128x32xi32, #tpu.memory_space<vmem>>, vector<1x16xi32>,
    %swap3A_273 = vector.shape_cast %swap3A_272 : vector<1x16xi32> to vector<16xi32>
    %swap3A_274 = vector.shape_cast %add3A_268 : vector<16xi32> to vector<1x16xi32>
    tpu.vector_store %arg8[%swap3A_270, %swap3A_271], %swap3A_274 {strides = array<i32>} : memref<128x32xi32, #tpu.memory_space<vmem>>, vector<1x16xi32>,
    %add3A_275 = arith.constant 16 : i32
    %add3A_276 = vector.broadcast %add3A_275 : i32 to vector<16xi32>
    %add3A_277 = arith.addi %add3A_268, %add3A_276 : vector<16xi32>
    %swap3A_278 = arith.constant 12 : i32
    %swap3A_279 = arith.index_cast %swap3A_278 : i32 to index
    %swap3A_280 = arith.constant 16 : index
    %swap3A_281 = tpu.vector_load %arg8[%swap3A_279, %swap3A_280] {strides = array<i32>} : memref<128x32xi32, #tpu.memory_space<vmem>>, vector<1x16xi32>,
    %swap3A_282 = vector.shape_cast %swap3A_281 : vector<1x16xi32> to vector<16xi32>
    %swap3A_283 = vector.shape_cast %add3A_277 : vector<16xi32> to vector<1x16xi32>
    tpu.vector_store %arg8[%swap3A_279, %swap3A_280], %swap3A_283 {strides = array<i32>} : memref<128x32xi32, #tpu.memory_space<vmem>>, vector<1x16xi32>,
    %slice3A_284 = vector.extract_strided_slice %get3A_13 {offsets = [13], sizes = [1], strides = [1]} : vector<16xi32> to vector<1xi32>
    %squeeze3A_285 = vector.extract %slice3A_284[0] : i32 from vector<1xi32>
    %mul3A_286 = arith.constant 32 : i32
    %mul3A_287 = arith.muli %squeeze3A_285, %mul3A_286 : i32
    %add3A_288 = vector.broadcast %mul3A_287 : i32 to vector<16xi32>
    %add3A_289 = arith.addi %add3A_288, %iota3A : vector<16xi32>
    %swap3A_290 = arith.constant 13 : i32
    %swap3A_291 = arith.index_cast %swap3A_290 : i32 to index
    %swap3A_292 = arith.constant 0 : index
    %swap3A_293 = tpu.vector_load %arg8[%swap3A_291, %swap3A_292] {strides = array<i32>} : memref<128x32xi32, #tpu.memory_space<vmem>>, vector<1x16xi32>,
    %swap3A_294 = vector.shape_cast %swap3A_293 : vector<1x16xi32> to vector<16xi32>
    %swap3A_295 = vector.shape_cast %add3A_289 : vector<16xi32> to vector<1x16xi32>
    tpu.vector_store %arg8[%swap3A_291, %swap3A_292], %swap3A_295 {strides = array<i32>} : memref<128x32xi32, #tpu.memory_space<vmem>>, vector<1x16xi32>,
    %add3A_296 = arith.constant 16 : i32
    %add3A_297 = vector.broadcast %add3A_296 : i32 to vector<16xi32>
    %add3A_298 = arith.addi %add3A_289, %add3A_297 : vector<16xi32>
    %swap3A_299 = arith.constant 13 : i32
    %swap3A_300 = arith.index_cast %swap3A_299 : i32 to index
    %swap3A_301 = arith.constant 16 : index
    %swap3A_302 = tpu.vector_load %arg8[%swap3A_300, %swap3A_301] {strides = array<i32>} : memref<128x32xi32, #tpu.memory_space<vmem>>, vector<1x16xi32>,
    %swap3A_303 = vector.shape_cast %swap3A_302 : vector<1x16xi32> to vector<16xi32>
    %swap3A_304 = vector.shape_cast %add3A_298 : vector<16xi32> to vector<1x16xi32>
    tpu.vector_store %arg8[%swap3A_300, %swap3A_301], %swap3A_304 {strides = array<i32>} : memref<128x32xi32, #tpu.memory_space<vmem>>, vector<1x16xi32>,
    %slice3A_305 = vector.extract_strided_slice %get3A_13 {offsets = [14], sizes = [1], strides = [1]} : vector<16xi32> to vector<1xi32>
    %squeeze3A_306 = vector.extract %slice3A_305[0] : i32 from vector<1xi32>
    %mul3A_307 = arith.constant 32 : i32
    %mul3A_308 = arith.muli %squeeze3A_306, %mul3A_307 : i32
    %add3A_309 = vector.broadcast %mul3A_308 : i32 to vector<16xi32>
    %add3A_310 = arith.addi %add3A_309, %iota3A : vector<16xi32>
    %swap3A_311 = arith.constant 14 : i32
    %swap3A_312 = arith.index_cast %swap3A_311 : i32 to index
    %swap3A_313 = arith.constant 0 : index
    %swap3A_314 = tpu.vector_load %arg8[%swap3A_312, %swap3A_313] {strides = array<i32>} : memref<128x32xi32, #tpu.memory_space<vmem>>, vector<1x16xi32>,
    %swap3A_315 = vector.shape_cast %swap3A_314 : vector<1x16xi32> to vector<16xi32>
    %swap3A_316 = vector.shape_cast %add3A_310 : vector<16xi32> to vector<1x16xi32>
    tpu.vector_store %arg8[%swap3A_312, %swap3A_313], %swap3A_316 {strides = array<i32>} : memref<128x32xi32, #tpu.memory_space<vmem>>, vector<1x16xi32>,
    %add3A_317 = arith.constant 16 : i32
    %add3A_318 = vector.broadcast %add3A_317 : i32 to vector<16xi32>
    %add3A_319 = arith.addi %add3A_310, %add3A_318 : vector<16xi32>
    %swap3A_320 = arith.constant 14 : i32
    %swap3A_321 = arith.index_cast %swap3A_320 : i32 to index
    %swap3A_322 = arith.constant 16 : index
    %swap3A_323 = tpu.vector_load %arg8[%swap3A_321, %swap3A_322] {strides = array<i32>} : memref<128x32xi32, #tpu.memory_space<vmem>>, vector<1x16xi32>,
    %swap3A_324 = vector.shape_cast %swap3A_323 : vector<1x16xi32> to vector<16xi32>
    %swap3A_325 = vector.shape_cast %add3A_319 : vector<16xi32> to vector<1x16xi32>
    tpu.vector_store %arg8[%swap3A_321, %swap3A_322], %swap3A_325 {strides = array<i32>} : memref<128x32xi32, #tpu.memory_space<vmem>>, vector<1x16xi32>,
    %slice3A_326 = vector.extract_strided_slice %get3A_13 {offsets = [15], sizes = [1], strides = [1]} : vector<16xi32> to vector<1xi32>
    %squeeze3A_327 = vector.extract %slice3A_326[0] : i32 from vector<1xi32>
    %mul3A_328 = arith.constant 32 : i32
    %mul3A_329 = arith.muli %squeeze3A_327, %mul3A_328 : i32
    %add3A_330 = vector.broadcast %mul3A_329 : i32 to vector<16xi32>
    %add3A_331 = arith.addi %add3A_330, %iota3A : vector<16xi32>
    %swap3A_332 = arith.constant 15 : i32
    %swap3A_333 = arith.index_cast %swap3A_332 : i32 to index
    %swap3A_334 = arith.constant 0 : index
    %swap3A_335 = tpu.vector_load %arg8[%swap3A_333, %swap3A_334] {strides = array<i32>} : memref<128x32xi32, #tpu.memory_space<vmem>>, vector<1x16xi32>,
    %swap3A_336 = vector.shape_cast %swap3A_335 : vector<1x16xi32> to vector<16xi32>
    %swap3A_337 = vector.shape_cast %add3A_331 : vector<16xi32> to vector<1x16xi32>
    tpu.vector_store %arg8[%swap3A_333, %swap3A_334], %swap3A_337 {strides = array<i32>} : memref<128x32xi32, #tpu.memory_space<vmem>>, vector<1x16xi32>,
    %add3A_338 = arith.constant 16 : i32
    %add3A_339 = vector.broadcast %add3A_338 : i32 to vector<16xi32>
    %add3A_340 = arith.addi %add3A_331, %add3A_339 : vector<16xi32>
    %swap3A_341 = arith.constant 15 : i32
    %swap3A_342 = arith.index_cast %swap3A_341 : i32 to index
    %swap3A_343 = arith.constant 16 : index
    %swap3A_344 = tpu.vector_load %arg8[%swap3A_342, %swap3A_343] {strides = array<i32>} : memref<128x32xi32, #tpu.memory_space<vmem>>, vector<1x16xi32>,
    %swap3A_345 = vector.shape_cast %swap3A_344 : vector<1x16xi32> to vector<16xi32>
    %swap3A_346 = vector.shape_cast %add3A_340 : vector<16xi32> to vector<1x16xi32>
    tpu.vector_store %arg8[%swap3A_342, %swap3A_343], %swap3A_346 {strides = array<i32>} : memref<128x32xi32, #tpu.memory_space<vmem>>, vector<1x16xi32>,
    %mul3A_347 = arith.constant 128 : i32
    %mul3A_348 = arith.muli %arg1, %mul3A_347 : i32
    %add3A_349 = arith.constant 16 : i32
    %add3A_350 = arith.addi %mul3A_348, %add3A_349 : i32
    %get3A_351 = arith.index_cast %add3A_350 : i32 to index
    %get3A_352 = tpu.vector_load %arg7[%get3A_351] {strides = array<i32>} : memref<2048xi32, #tpu.memory_space<vmem>>, vector<16xi32>,
    %get3A_353 = vector.shape_cast %get3A_352 : vector<16xi32> to vector<16xi32>
    %slice3A_354 = vector.extract_strided_slice %get3A_353 {offsets = [0], sizes = [1], strides = [1]} : vector<16xi32> to vector<1xi32>
    %squeeze3A_355 = vector.extract %slice3A_354[0] : i32 from vector<1xi32>
    %mul3A_356 = arith.constant 32 : i32
    %mul3A_357 = arith.muli %squeeze3A_355, %mul3A_356 : i32
    %add3A_358 = vector.broadcast %mul3A_357 : i32 to vector<16xi32>
    %add3A_359 = arith.addi %add3A_358, %iota3A : vector<16xi32>
    %swap3A_360 = arith.constant 16 : i32
    %swap3A_361 = arith.index_cast %swap3A_360 : i32 to index
    %swap3A_362 = arith.constant 0 : index
    %swap3A_363 = tpu.vector_load %arg8[%swap3A_361, %swap3A_362] {strides = array<i32>} : memref<128x32xi32, #tpu.memory_space<vmem>>, vector<1x16xi32>,
    %swap3A_364 = vector.shape_cast %swap3A_363 : vector<1x16xi32> to vector<16xi32>
    %swap3A_365 = vector.shape_cast %add3A_359 : vector<16xi32> to vector<1x16xi32>
    tpu.vector_store %arg8[%swap3A_361, %swap3A_362], %swap3A_365 {strides = array<i32>} : memref<128x32xi32, #tpu.memory_space<vmem>>, vector<1x16xi32>,
    %add3A_366 = arith.constant 16 : i32
    %add3A_367 = vector.broadcast %add3A_366 : i32 to vector<16xi32>
    %add3A_368 = arith.addi %add3A_359, %add3A_367 : vector<16xi32>
    %swap3A_369 = arith.constant 16 : i32
    %swap3A_370 = arith.index_cast %swap3A_369 : i32 to index
    %swap3A_371 = arith.constant 16 : index
    %swap3A_372 = tpu.vector_load %arg8[%swap3A_370, %swap3A_371] {strides = array<i32>} : memref<128x32xi32, #tpu.memory_space<vmem>>, vector<1x16xi32>,
    %swap3A_373 = vector.shape_cast %swap3A_372 : vector<1x16xi32> to vector<16xi32>
    %swap3A_374 = vector.shape_cast %add3A_368 : vector<16xi32> to vector<1x16xi32>
    tpu.vector_store %arg8[%swap3A_370, %swap3A_371], %swap3A_374 {strides = array<i32>} : memref<128x32xi32, #tpu.memory_space<vmem>>, vector<1x16xi32>,
    %slice3A_375 = vector.extract_strided_slice %get3A_353 {offsets = [1], sizes = [1], strides = [1]} : vector<16xi32> to vector<1xi32>
    %squeeze3A_376 = vector.extract %slice3A_375[0] : i32 from vector<1xi32>
    %mul3A_377 = arith.constant 32 : i32
    %mul3A_378 = arith.muli %squeeze3A_376, %mul3A_377 : i32
    %add3A_379 = vector.broadcast %mul3A_378 : i32 to vector<16xi32>
    %add3A_380 = arith.addi %add3A_379, %iota3A : vector<16xi32>
    %swap3A_381 = arith.constant 17 : i32
    %swap3A_382 = arith.index_cast %swap3A_381 : i32 to index
    %swap3A_383 = arith.constant 0 : index
    %swap3A_384 = tpu.vector_load %arg8[%swap3A_382, %swap3A_383] {strides = array<i32>} : memref<128x32xi32, #tpu.memory_space<vmem>>, vector<1x16xi32>,
    %swap3A_385 = vector.shape_cast %swap3A_384 : vector<1x16xi32> to vector<16xi32>
    %swap3A_386 = vector.shape_cast %add3A_380 : vector<16xi32> to vector<1x16xi32>
    tpu.vector_store %arg8[%swap3A_382, %swap3A_383], %swap3A_386 {strides = array<i32>} : memref<128x32xi32, #tpu.memory_space<vmem>>, vector<1x16xi32>,
    %add3A_387 = arith.constant 16 : i32
    %add3A_388 = vector.broadcast %add3A_387 : i32 to vector<16xi32>
    %add3A_389 = arith.addi %add3A_380, %add3A_388 : vector<16xi32>
    %swap3A_390 = arith.constant 17 : i32
    %swap3A_391 = arith.index_cast %swap3A_390 : i32 to index
    %swap3A_392 = arith.constant 16 : index
    %swap3A_393 = tpu.vector_load %arg8[%swap3A_391, %swap3A_392] {strides = array<i32>} : memref<128x32xi32, #tpu.memory_space<vmem>>, vector<1x16xi32>,
    %swap3A_394 = vector.shape_cast %swap3A_393 : vector<1x16xi32> to vector<16xi32>
    %swap3A_395 = vector.shape_cast %add3A_389 : vector<16xi32> to vector<1x16xi32>
    tpu.vector_store %arg8[%swap3A_391, %swap3A_392], %swap3A_395 {strides = array<i32>} : memref<128x32xi32, #tpu.memory_space<vmem>>, vector<1x16xi32>,
    %slice3A_396 = vector.extract_strided_slice %get3A_353 {offsets = [2], sizes = [1], strides = [1]} : vector<16xi32> to vector<1xi32>
    %squeeze3A_397 = vector.extract %slice3A_396[0] : i32 from vector<1xi32>
    %mul3A_398 = arith.constant 32 : i32
    %mul3A_399 = arith.muli %squeeze3A_397, %mul3A_398 : i32
    %add3A_400 = vector.broadcast %mul3A_399 : i32 to vector<16xi32>
    %add3A_401 = arith.addi %add3A_400, %iota3A : vector<16xi32>
    %swap3A_402 = arith.constant 18 : i32
    %swap3A_403 = arith.index_cast %swap3A_402 : i32 to index
    %swap3A_404 = arith.constant 0 : index
    %swap3A_405 = tpu.vector_load %arg8[%swap3A_403, %swap3A_404] {strides = array<i32>} : memref<128x32xi32, #tpu.memory_space<vmem>>, vector<1x16xi32>,
    %swap3A_406 = vector.shape_cast %swap3A_405 : vector<1x16xi32> to vector<16xi32>
    %swap3A_407 = vector.shape_cast %add3A_401 : vector<16xi32> to vector<1x16xi32>
    tpu.vector_store %arg8[%swap3A_403, %swap3A_404], %swap3A_407 {strides = array<i32>} : memref<128x32xi32, #tpu.memory_space<vmem>>, vector<1x16xi32>,
    %add3A_408 = arith.constant 16 : i32
    %add3A_409 = vector.broadcast %add3A_408 : i32 to vector<16xi32>
    %add3A_410 = arith.addi %add3A_401, %add3A_409 : vector<16xi32>
    %swap3A_411 = arith.constant 18 : i32
    %swap3A_412 = arith.index_cast %swap3A_411 : i32 to index
    %swap3A_413 = arith.constant 16 : index
    %swap3A_414 = tpu.vector_load %arg8[%swap3A_412, %swap3A_413] {strides = array<i32>} : memref<128x32xi32, #tpu.memory_space<vmem>>, vector<1x16xi32>,
    %swap3A_415 = vector.shape_cast %swap3A_414 : vector<1x16xi32> to vector<16xi32>
    %swap3A_416 = vector.shape_cast %add3A_410 : vector<16xi32> to vector<1x16xi32>
    tpu.vector_store %arg8[%swap3A_412, %swap3A_413], %swap3A_416 {strides = array<i32>} : memref<128x32xi32, #tpu.memory_space<vmem>>, vector<1x16xi32>,
    %slice3A_417 = vector.extract_strided_slice %get3A_353 {offsets = [3], sizes = [1], strides = [1]} : vector<16xi32> to vector<1xi32>
    %squeeze3A_418 = vector.extract %slice3A_417[0] : i32 from vector<1xi32>
    %mul3A_419 = arith.constant 32 : i32
    %mul3A_420 = arith.muli %squeeze3A_418, %mul3A_419 : i32
    %add3A_421 = vector.broadcast %mul3A_420 : i32 to vector<16xi32>
    %add3A_422 = arith.addi %add3A_421, %iota3A : vector<16xi32>
    %swap3A_423 = arith.constant 19 : i32
    %swap3A_424 = arith.index_cast %swap3A_423 : i32 to index
    %swap3A_425 = arith.constant 0 : index
    %swap3A_426 = tpu.vector_load %arg8[%swap3A_424, %swap3A_425] {strides = array<i32>} : memref<128x32xi32, #tpu.memory_space<vmem>>, vector<1x16xi32>,
    %swap3A_427 = vector.shape_cast %swap3A_426 : vector<1x16xi32> to vector<16xi32>
    %swap3A_428 = vector.shape_cast %add3A_422 : vector<16xi32> to vector<1x16xi32>
    tpu.vector_store %arg8[%swap3A_424, %swap3A_425], %swap3A_428 {strides = array<i32>} : memref<128x32xi32, #tpu.memory_space<vmem>>, vector<1x16xi32>,
    %add3A_429 = arith.constant 16 : i32
    %add3A_430 = vector.broadcast %add3A_429 : i32 to vector<16xi32>
    %add3A_431 = arith.addi %add3A_422, %add3A_430 : vector<16xi32>
    %swap3A_432 = arith.constant 19 : i32
    %swap3A_433 = arith.index_cast %swap3A_432 : i32 to index
    %swap3A_434 = arith.constant 16 : index
    %swap3A_435 = tpu.vector_load %arg8[%swap3A_433, %swap3A_434] {strides = array<i32>} : memref<128x32xi32, #tpu.memory_space<vmem>>, vector<1x16xi32>,
    %swap3A_436 = vector.shape_cast %swap3A_435 : vector<1x16xi32> to vector<16xi32>
    %swap3A_437 = vector.shape_cast %add3A_431 : vector<16xi32> to vector<1x16xi32>
    tpu.vector_store %arg8[%swap3A_433, %swap3A_434], %swap3A_437 {strides = array<i32>} : memref<128x32xi32, #tpu.memory_space<vmem>>, vector<1x16xi32>,
    %slice3A_438 = vector.extract_strided_slice %get3A_353 {offsets = [4], sizes = [1], strides = [1]} : vector<16xi32> to vector<1xi32>
    %squeeze3A_439 = vector.extract %slice3A_438[0] : i32 from vector<1xi32>
    %mul3A_440 = arith.constant 32 : i32
    %mul3A_441 = arith.muli %squeeze3A_439, %mul3A_440 : i32
    %add3A_442 = vector.broadcast %mul3A_441 : i32 to vector<16xi32>
    %add3A_443 = arith.addi %add3A_442, %iota3A : vector<16xi32>
    %swap3A_444 = arith.constant 20 : i32
    %swap3A_445 = arith.index_cast %swap3A_444 : i32 to index
    %swap3A_446 = arith.constant 0 : index
    %swap3A_447 = tpu.vector_load %arg8[%swap3A_445, %swap3A_446] {strides = array<i32>} : memref<128x32xi32, #tpu.memory_space<vmem>>, vector<1x16xi32>,
    %swap3A_448 = vector.shape_cast %swap3A_447 : vector<1x16xi32> to vector<16xi32>
    %swap3A_449 = vector.shape_cast %add3A_443 : vector<16xi32> to vector<1x16xi32>
    tpu.vector_store %arg8[%swap3A_445, %swap3A_446], %swap3A_449 {strides = array<i32>} : memref<128x32xi32, #tpu.memory_space<vmem>>, vector<1x16xi32>,
    %add3A_450 = arith.constant 16 : i32
    %add3A_451 = vector.broadcast %add3A_450 : i32 to vector<16xi32>
    %add3A_452 = arith.addi %add3A_443, %add3A_451 : vector<16xi32>
    %swap3A_453 = arith.constant 20 : i32
    %swap3A_454 = arith.index_cast %swap3A_453 : i32 to index
    %swap3A_455 = arith.constant 16 : index
    %swap3A_456 = tpu.vector_load %arg8[%swap3A_454, %swap3A_455] {strides = array<i32>} : memref<128x32xi32, #tpu.memory_space<vmem>>, vector<1x16xi32>,
    %swap3A_457 = vector.shape_cast %swap3A_456 : vector<1x16xi32> to vector<16xi32>
    %swap3A_458 = vector.shape_cast %add3A_452 : vector<16xi32> to vector<1x16xi32>
    tpu.vector_store %arg8[%swap3A_454, %swap3A_455], %swap3A_458 {strides = array<i32>} : memref<128x32xi32, #tpu.memory_space<vmem>>, vector<1x16xi32>,
    %slice3A_459 = vector.extract_strided_slice %get3A_353 {offsets = [5], sizes = [1], strides = [1]} : vector<16xi32> to vector<1xi32>
    %squeeze3A_460 = vector.extract %slice3A_459[0] : i32 from vector<1xi32>
    %mul3A_461 = arith.constant 32 : i32
    %mul3A_462 = arith.muli %squeeze3A_460, %mul3A_461 : i32
    %add3A_463 = vector.broadcast %mul3A_462 : i32 to vector<16xi32>
    %add3A_464 = arith.addi %add3A_463, %iota3A : vector<16xi32>
    %swap3A_465 = arith.constant 21 : i32
    %swap3A_466 = arith.index_cast %swap3A_465 : i32 to index
    %swap3A_467 = arith.constant 0 : index
    %swap3A_468 = tpu.vector_load %arg8[%swap3A_466, %swap3A_467] {strides = array<i32>} : memref<128x32xi32, #tpu.memory_space<vmem>>, vector<1x16xi32>,
    %swap3A_469 = vector.shape_cast %swap3A_468 : vector<1x16xi32> to vector<16xi32>
    %swap3A_470 = vector.shape_cast %add3A_464 : vector<16xi32> to vector<1x16xi32>
    tpu.vector_store %arg8[%swap3A_466, %swap3A_467], %swap3A_470 {strides = array<i32>} : memref<128x32xi32, #tpu.memory_space<vmem>>, vector<1x16xi32>,
    %add3A_471 = arith.constant 16 : i32
    %add3A_472 = vector.broadcast %add3A_471 : i32 to vector<16xi32>
    %add3A_473 = arith.addi %add3A_464, %add3A_472 : vector<16xi32>
    %swap3A_474 = arith.constant 21 : i32
    %swap3A_475 = arith.index_cast %swap3A_474 : i32 to index
    %swap3A_476 = arith.constant 16 : index
    %swap3A_477 = tpu.vector_load %arg8[%swap3A_475, %swap3A_476] {strides = array<i32>} : memref<128x32xi32, #tpu.memory_space<vmem>>, vector<1x16xi32>,
    %swap3A_478 = vector.shape_cast %swap3A_477 : vector<1x16xi32> to vector<16xi32>
    %swap3A_479 = vector.shape_cast %add3A_473 : vector<16xi32> to vector<1x16xi32>
    tpu.vector_store %arg8[%swap3A_475, %swap3A_476], %swap3A_479 {strides = array<i32>} : memref<128x32xi32, #tpu.memory_space<vmem>>, vector<1x16xi32>,
    %slice3A_480 = vector.extract_strided_slice %get3A_353 {offsets = [6], sizes = [1], strides = [1]} : vector<16xi32> to vector<1xi32>
    %squeeze3A_481 = vector.extract %slice3A_480[0] : i32 from vector<1xi32>
    %mul3A_482 = arith.constant 32 : i32
    %mul3A_483 = arith.muli %squeeze3A_481, %mul3A_482 : i32
    %add3A_484 = vector.broadcast %mul3A_483 : i32 to vector<16xi32>
    %add3A_485 = arith.addi %add3A_484, %iota3A : vector<16xi32>
    %swap3A_486 = arith.constant 22 : i32
    %swap3A_487 = arith.index_cast %swap3A_486 : i32 to index
    %swap3A_488 = arith.constant 0 : index
    %swap3A_489 = tpu.vector_load %arg8[%swap3A_487, %swap3A_488] {strides = array<i32>} : memref<128x32xi32, #tpu.memory_space<vmem>>, vector<1x16xi32>,
    %swap3A_490 = vector.shape_cast %swap3A_489 : vector<1x16xi32> to vector<16xi32>
    %swap3A_491 = vector.shape_cast %add3A_485 : vector<16xi32> to vector<1x16xi32>
    tpu.vector_store %arg8[%swap3A_487, %swap3A_488], %swap3A_491 {strides = array<i32>} : memref<128x32xi32, #tpu.memory_space<vmem>>, vector<1x16xi32>,
    %add3A_492 = arith.constant 16 : i32
    %add3A_493 = vector.broadcast %add3A_492 : i32 to vector<16xi32>
    %add3A_494 = arith.addi %add3A_485, %add3A_493 : vector<16xi32>
    %swap3A_495 = arith.constant 22 : i32
    %swap3A_496 = arith.index_cast %swap3A_495 : i32 to index
    %swap3A_497 = arith.constant 16 : index
    %swap3A_498 = tpu.vector_load %arg8[%swap3A_496, %swap3A_497] {strides = array<i32>} : memref<128x32xi32, #tpu.memory_space<vmem>>, vector<1x16xi32>,
    %swap3A_499 = vector.shape_cast %swap3A_498 : vector<1x16xi32> to vector<16xi32>
    %swap3A_500 = vector.shape_cast %add3A_494 : vector<16xi32> to vector<1x16xi32>
    tpu.vector_store %arg8[%swap3A_496, %swap3A_497], %swap3A_500 {strides = array<i32>} : memref<128x32xi32, #tpu.memory_space<vmem>>, vector<1x16xi32>,
    %slice3A_501 = vector.extract_strided_slice %get3A_353 {offsets = [7], sizes = [1], strides = [1]} : vector<16xi32> to vector<1xi32>
    %squeeze3A_502 = vector.extract %slice3A_501[0] : i32 from vector<1xi32>
    %mul3A_503 = arith.constant 32 : i32
    %mul3A_504 = arith.muli %squeeze3A_502, %mul3A_503 : i32
    %add3A_505 = vector.broadcast %mul3A_504 : i32 to vector<16xi32>
    %add3A_506 = arith.addi %add3A_505, %iota3A : vector<16xi32>
    %swap3A_507 = arith.constant 23 : i32
    %swap3A_508 = arith.index_cast %swap3A_507 : i32 to index
    %swap3A_509 = arith.constant 0 : index
    %swap3A_510 = tpu.vector_load %arg8[%swap3A_508, %swap3A_509] {strides = array<i32>} : memref<128x32xi32, #tpu.memory_space<vmem>>, vector<1x16xi32>,
    %swap3A_511 = vector.shape_cast %swap3A_510 : vector<1x16xi32> to vector<16xi32>
    %swap3A_512 = vector.shape_cast %add3A_506 : vector<16xi32> to vector<1x16xi32>
    tpu.vector_store %arg8[%swap3A_508, %swap3A_509], %swap3A_512 {strides = array<i32>} : memref<128x32xi32, #tpu.memory_space<vmem>>, vector<1x16xi32>,
    %add3A_513 = arith.constant 16 : i32
    %add3A_514 = vector.broadcast %add3A_513 : i32 to vector<16xi32>
    %add3A_515 = arith.addi %add3A_506, %add3A_514 : vector<16xi32>
    %swap3A_516 = arith.constant 23 : i32
    %swap3A_517 = arith.index_cast %swap3A_516 : i32 to index
    %swap3A_518 = arith.constant 16 : index
    %swap3A_519 = tpu.vector_load %arg8[%swap3A_517, %swap3A_518] {strides = array<i32>} : memref<128x32xi32, #tpu.memory_space<vmem>>, vector<1x16xi32>,
    %swap3A_520 = vector.shape_cast %swap3A_519 : vector<1x16xi32> to vector<16xi32>
    %swap3A_521 = vector.shape_cast %add3A_515 : vector<16xi32> to vector<1x16xi32>
    tpu.vector_store %arg8[%swap3A_517, %swap3A_518], %swap3A_521 {strides = array<i32>} : memref<128x32xi32, #tpu.memory_space<vmem>>, vector<1x16xi32>,
    %slice3A_522 = vector.extract_strided_slice %get3A_353 {offsets = [8], sizes = [1], strides = [1]} : vector<16xi32> to vector<1xi32>
    %squeeze3A_523 = vector.extract %slice3A_522[0] : i32 from vector<1xi32>
    %mul3A_524 = arith.constant 32 : i32
    %mul3A_525 = arith.muli %squeeze3A_523, %mul3A_524 : i32
    %add3A_526 = vector.broadcast %mul3A_525 : i32 to vector<16xi32>
    %add3A_527 = arith.addi %add3A_526, %iota3A : vector<16xi32>
    %swap3A_528 = arith.constant 24 : i32
    %swap3A_529 = arith.index_cast %swap3A_528 : i32 to index
    %swap3A_530 = arith.constant 0 : index
    %swap3A_531 = tpu.vector_load %arg8[%swap3A_529, %swap3A_530] {strides = array<i32>} : memref<128x32xi32, #tpu.memory_space<vmem>>, vector<1x16xi32>,
    %swap3A_532 = vector.shape_cast %swap3A_531 : vector<1x16xi32> to vector<16xi32>
    %swap3A_533 = vector.shape_cast %add3A_527 : vector<16xi32> to vector<1x16xi32>
    tpu.vector_store %arg8[%swap3A_529, %swap3A_530], %swap3A_533 {strides = array<i32>} : memref<128x32xi32, #tpu.memory_space<vmem>>, vector<1x16xi32>,
    %add3A_534 = arith.constant 16 : i32
    %add3A_535 = vector.broadcast %add3A_534 : i32 to vector<16xi32>
    %add3A_536 = arith.addi %add3A_527, %add3A_535 : vector<16xi32>
    %swap3A_537 = arith.constant 24 : i32
    %swap3A_538 = arith.index_cast %swap3A_537 : i32 to index
    %swap3A_539 = arith.constant 16 : index
    %swap3A_540 = tpu.vector_load %arg8[%swap3A_538, %swap3A_539] {strides = array<i32>} : memref<128x32xi32, #tpu.memory_space<vmem>>, vector<1x16xi32>,
    %swap3A_541 = vector.shape_cast %swap3A_540 : vector<1x16xi32> to vector<16xi32>
    %swap3A_542 = vector.shape_cast %add3A_536 : vector<16xi32> to vector<1x16xi32>
    tpu.vector_store %arg8[%swap3A_538, %swap3A_539], %swap3A_542 {strides = array<i32>} : memref<128x32xi32, #tpu.memory_space<vmem>>, vector<1x16xi32>,
    %slice3A_543 = vector.extract_strided_slice %get3A_353 {offsets = [9], sizes = [1], strides = [1]} : vector<16xi32> to vector<1xi32>
    %squeeze3A_544 = vector.extract %slice3A_543[0] : i32 from vector<1xi32>
    %mul3A_545 = arith.constant 32 : i32
    %mul3A_546 = arith.muli %squeeze3A_544, %mul3A_545 : i32
    %add3A_547 = vector.broadcast %mul3A_546 : i32 to vector<16xi32>
    %add3A_548 = arith.addi %add3A_547, %iota3A : vector<16xi32>
    %swap3A_549 = arith.constant 25 : i32
    %swap3A_550 = arith.index_cast %swap3A_549 : i32 to index
    %swap3A_551 = arith.constant 0 : index
    %swap3A_552 = tpu.vector_load %arg8[%swap3A_550, %swap3A_551] {strides = array<i32>} : memref<128x32xi32, #tpu.memory_space<vmem>>, vector<1x16xi32>,
    %swap3A_553 = vector.shape_cast %swap3A_552 : vector<1x16xi32> to vector<16xi32>
    %swap3A_554 = vector.shape_cast %add3A_548 : vector<16xi32> to vector<1x16xi32>
    tpu.vector_store %arg8[%swap3A_550, %swap3A_551], %swap3A_554 {strides = array<i32>} : memref<128x32xi32, #tpu.memory_space<vmem>>, vector<1x16xi32>,
    %add3A_555 = arith.constant 16 : i32
    %add3A_556 = vector.broadcast %add3A_555 : i32 to vector<16xi32>
    %add3A_557 = arith.addi %add3A_548, %add3A_556 : vector<16xi32>
    %swap3A_558 = arith.constant 25 : i32
    %swap3A_559 = arith.index_cast %swap3A_558 : i32 to index
    %swap3A_560 = arith.constant 16 : index
    %swap3A_561 = tpu.vector_load %arg8[%swap3A_559, %swap3A_560] {strides = array<i32>} : memref<128x32xi32, #tpu.memory_space<vmem>>, vector<1x16xi32>,
    %swap3A_562 = vector.shape_cast %swap3A_561 : vector<1x16xi32> to vector<16xi32>
    %swap3A_563 = vector.shape_cast %add3A_557 : vector<16xi32> to vector<1x16xi32>
    tpu.vector_store %arg8[%swap3A_559, %swap3A_560], %swap3A_563 {strides = array<i32>} : memref<128x32xi32, #tpu.memory_space<vmem>>, vector<1x16xi32>,
    %slice3A_564 = vector.extract_strided_slice %get3A_353 {offsets = [10], sizes = [1], strides = [1]} : vector<16xi32> to vector<1xi32>
    %squeeze3A_565 = vector.extract %slice3A_564[0] : i32 from vector<1xi32>
    %mul3A_566 = arith.constant 32 : i32
    %mul3A_567 = arith.muli %squeeze3A_565, %mul3A_566 : i32
    %add3A_568 = vector.broadcast %mul3A_567 : i32 to vector<16xi32>
    %add3A_569 = arith.addi %add3A_568, %iota3A : vector<16xi32>
    %swap3A_570 = arith.constant 26 : i32
    %swap3A_571 = arith.index_cast %swap3A_570 : i32 to index
    %swap3A_572 = arith.constant 0 : index
    %swap3A_573 = tpu.vector_load %arg8[%swap3A_571, %swap3A_572] {strides = array<i32>} : memref<128x32xi32, #tpu.memory_space<vmem>>, vector<1x16xi32>,
    %swap3A_574 = vector.shape_cast %swap3A_573 : vector<1x16xi32> to vector<16xi32>
    %swap3A_575 = vector.shape_cast %add3A_569 : vector<16xi32> to vector<1x16xi32>
    tpu.vector_store %arg8[%swap3A_571, %swap3A_572], %swap3A_575 {strides = array<i32>} : memref<128x32xi32, #tpu.memory_space<vmem>>, vector<1x16xi32>,
    %add3A_576 = arith.constant 16 : i32
    %add3A_577 = vector.broadcast %add3A_576 : i32 to vector<16xi32>
    %add3A_578 = arith.addi %add3A_569, %add3A_577 : vector<16xi32>
    %swap3A_579 = arith.constant 26 : i32
    %swap3A_580 = arith.index_cast %swap3A_579 : i32 to index
    %swap3A_581 = arith.constant 16 : index
    %swap3A_582 = tpu.vector_load %arg8[%swap3A_580, %swap3A_581] {strides = array<i32>} : memref<128x32xi32, #tpu.memory_space<vmem>>, vector<1x16xi32>,
    %swap3A_583 = vector.shape_cast %swap3A_582 : vector<1x16xi32> to vector<16xi32>
    %swap3A_584 = vector.shape_cast %add3A_578 : vector<16xi32> to vector<1x16xi32>
    tpu.vector_store %arg8[%swap3A_580, %swap3A_581], %swap3A_584 {strides = array<i32>} : memref<128x32xi32, #tpu.memory_space<vmem>>, vector<1x16xi32>,
    %slice3A_585 = vector.extract_strided_slice %get3A_353 {offsets = [11], sizes = [1], strides = [1]} : vector<16xi32> to vector<1xi32>
    %squeeze3A_586 = vector.extract %slice3A_585[0] : i32 from vector<1xi32>
    %mul3A_587 = arith.constant 32 : i32
    %mul3A_588 = arith.muli %squeeze3A_586, %mul3A_587 : i32
    %add3A_589 = vector.broadcast %mul3A_588 : i32 to vector<16xi32>
    %add3A_590 = arith.addi %add3A_589, %iota3A : vector<16xi32>
    %swap3A_591 = arith.constant 27 : i32
    %swap3A_592 = arith.index_cast %swap3A_591 : i32 to index
    %swap3A_593 = arith.constant 0 : index
    %swap3A_594 = tpu.vector_load %arg8[%swap3A_592, %swap3A_593] {strides = array<i32>} : memref<128x32xi32, #tpu.memory_space<vmem>>, vector<1x16xi32>,
    %swap3A_595 = vector.shape_cast %swap3A_594 : vector<1x16xi32> to vector<16xi32>
    %swap3A_596 = vector.shape_cast %add3A_590 : vector<16xi32> to vector<1x16xi32>
    tpu.vector_store %arg8[%swap3A_592, %swap3A_593], %swap3A_596 {strides = array<i32>} : memref<128x32xi32, #tpu.memory_space<vmem>>, vector<1x16xi32>,
    %add3A_597 = arith.constant 16 : i32
    %add3A_598 = vector.broadcast %add3A_597 : i32 to vector<16xi32>
    %add3A_599 = arith.addi %add3A_590, %add3A_598 : vector<16xi32>
    %swap3A_600 = arith.constant 27 : i32
    %swap3A_601 = arith.index_cast %swap3A_600 : i32 to index
    %swap3A_602 = arith.constant 16 : index
    %swap3A_603 = tpu.vector_load %arg8[%swap3A_601, %swap3A_602] {strides = array<i32>} : memref<128x32xi32, #tpu.memory_space<vmem>>, vector<1x16xi32>,
    %swap3A_604 = vector.shape_cast %swap3A_603 : vector<1x16xi32> to vector<16xi32>
    %swap3A_605 = vector.shape_cast %add3A_599 : vector<16xi32> to vector<1x16xi32>
    tpu.vector_store %arg8[%swap3A_601, %swap3A_602], %swap3A_605 {strides = array<i32>} : memref<128x32xi32, #tpu.memory_space<vmem>>, vector<1x16xi32>,
    %slice3A_606 = vector.extract_strided_slice %get3A_353 {offsets = [12], sizes = [1], strides = [1]} : vector<16xi32> to vector<1xi32>
    %squeeze3A_607 = vector.extract %slice3A_606[0] : i32 from vector<1xi32>
    %mul3A_608 = arith.constant 32 : i32
    %mul3A_609 = arith.muli %squeeze3A_607, %mul3A_608 : i32
    %add3A_610 = vector.broadcast %mul3A_609 : i32 to vector<16xi32>
    %add3A_611 = arith.addi %add3A_610, %iota3A : vector<16xi32>
    %swap3A_612 = arith.constant 28 : i32
    %swap3A_613 = arith.index_cast %swap3A_612 : i32 to index
    %swap3A_614 = arith.constant 0 : index
    %swap3A_615 = tpu.vector_load %arg8[%swap3A_613, %swap3A_614] {strides = array<i32>} : memref<128x32xi32, #tpu.memory_space<vmem>>, vector<1x16xi32>,
    %swap3A_616 = vector.shape_cast %swap3A_615 : vector<1x16xi32> to vector<16xi32>
    %swap3A_617 = vector.shape_cast %add3A_611 : vector<16xi32> to vector<1x16xi32>
    tpu.vector_store %arg8[%swap3A_613, %swap3A_614], %swap3A_617 {strides = array<i32>} : memref<128x32xi32, #tpu.memory_space<vmem>>, vector<1x16xi32>,
    %add3A_618 = arith.constant 16 : i32
    %add3A_619 = vector.broadcast %add3A_618 : i32 to vector<16xi32>
    %add3A_620 = arith.addi %add3A_611, %add3A_619 : vector<16xi32>
    %swap3A_621 = arith.constant 28 : i32
    %swap3A_622 = arith.index_cast %swap3A_621 : i32 to index
    %swap3A_623 = arith.constant 16 : index
    %swap3A_624 = tpu.vector_load %arg8[%swap3A_622, %swap3A_623] {strides = array<i32>} : memref<128x32xi32, #tpu.memory_space<vmem>>, vector<1x16xi32>,
    %swap3A_625 = vector.shape_cast %swap3A_624 : vector<1x16xi32> to vector<16xi32>
    %swap3A_626 = vector.shape_cast %add3A_620 : vector<16xi32> to vector<1x16xi32>
    tpu.vector_store %arg8[%swap3A_622, %swap3A_623], %swap3A_626 {strides = array<i32>} : memref<128x32xi32, #tpu.memory_space<vmem>>, vector<1x16xi32>,
    %slice3A_627 = vector.extract_strided_slice %get3A_353 {offsets = [13], sizes = [1], strides = [1]} : vector<16xi32> to vector<1xi32>
    %squeeze3A_628 = vector.extract %slice3A_627[0] : i32 from vector<1xi32>
    %mul3A_629 = arith.constant 32 : i32
    %mul3A_630 = arith.muli %squeeze3A_628, %mul3A_629 : i32
    %add3A_631 = vector.broadcast %mul3A_630 : i32 to vector<16xi32>
    %add3A_632 = arith.addi %add3A_631, %iota3A : vector<16xi32>
    %swap3A_633 = arith.constant 29 : i32
    %swap3A_634 = arith.index_cast %swap3A_633 : i32 to index
    %swap3A_635 = arith.constant 0 : index
    %swap3A_636 = tpu.vector_load %arg8[%swap3A_634, %swap3A_635] {strides = array<i32>} : memref<128x32xi32, #tpu.memory_space<vmem>>, vector<1x16xi32>,
    %swap3A_637 = vector.shape_cast %swap3A_636 : vector<1x16xi32> to vector<16xi32>
    %swap3A_638 = vector.shape_cast %add3A_632 : vector<16xi32> to vector<1x16xi32>
    tpu.vector_store %arg8[%swap3A_634, %swap3A_635], %swap3A_638 {strides = array<i32>} : memref<128x32xi32, #tpu.memory_space<vmem>>, vector<1x16xi32>,
    %add3A_639 = arith.constant 16 : i32
    %add3A_640 = vector.broadcast %add3A_639 : i32 to vector<16xi32>
    %add3A_641 = arith.addi %add3A_632, %add3A_640 : vector<16xi32>
    %swap3A_642 = arith.constant 29 : i32
    %swap3A_643 = arith.index_cast %swap3A_642 : i32 to index
    %swap3A_644 = arith.constant 16 : index
    %swap3A_645 = tpu.vector_load %arg8[%swap3A_643, %swap3A_644] {strides = array<i32>} : memref<128x32xi32, #tpu.memory_space<vmem>>, vector<1x16xi32>,
    %swap3A_646 = vector.shape_cast %swap3A_645 : vector<1x16xi32> to vector<16xi32>
    %swap3A_647 = vector.shape_cast %add3A_641 : vector<16xi32> to vector<1x16xi32>
    tpu.vector_store %arg8[%swap3A_643, %swap3A_644], %swap3A_647 {strides = array<i32>} : memref<128x32xi32, #tpu.memory_space<vmem>>, vector<1x16xi32>,
    %slice3A_648 = vector.extract_strided_slice %get3A_353 {offsets = [14], sizes = [1], strides = [1]} : vector<16xi32> to vector<1xi32>
    %squeeze3A_649 = vector.extract %slice3A_648[0] : i32 from vector<1xi32>
    %mul3A_650 = arith.constant 32 : i32
    %mul3A_651 = arith.muli %squeeze3A_649, %mul3A_650 : i32
    %add3A_652 = vector.broadcast %mul3A_651 : i32 to vector<16xi32>
    %add3A_653 = arith.addi %add3A_652, %iota3A : vector<16xi32>
    %swap3A_654 = arith.constant 30 : i32
    %swap3A_655 = arith.index_cast %swap3A_654 : i32 to index
    %swap3A_656 = arith.constant 0 : index
    %swap3A_657 = tpu.vector_load %arg8[%swap3A_655, %swap3A_656] {strides = array<i32>} : memref<128x32xi32, #tpu.memory_space<vmem>>, vector<1x16xi32>,
    %swap3A_658 = vector.shape_cast %swap3A_657 : vector<1x16xi32> to vector<16xi32>
    %swap3A_659 = vector.shape_cast %add3A_653 : vector<16xi32> to vector<1x16xi32>
    tpu.vector_store %arg8[%swap3A_655, %swap3A_656], %swap3A_659 {strides = array<i32>} : memref<128x32xi32, #tpu.memory_space<vmem>>, vector<1x16xi32>,
    %add3A_660 = arith.constant 16 : i32
    %add3A_661 = vector.broadcast %add3A_660 : i32 to vector<16xi32>
    %add3A_662 = arith.addi %add3A_653, %add3A_661 : vector<16xi32>
    %swap3A_663 = arith.constant 30 : i32
    %swap3A_664 = arith.index_cast %swap3A_663 : i32 to index
    %swap3A_665 = arith.constant 16 : index
    %swap3A_666 = tpu.vector_load %arg8[%swap3A_664, %swap3A_665] {strides = array<i32>} : memref<128x32xi32, #tpu.memory_space<vmem>>, vector<1x16xi32>,
    %swap3A_667 = vector.shape_cast %swap3A_666 : vector<1x16xi32> to vector<16xi32>
    %swap3A_668 = vector.shape_cast %add3A_662 : vector<16xi32> to vector<1x16xi32>
    tpu.vector_store %arg8[%swap3A_664, %swap3A_665], %swap3A_668 {strides = array<i32>} : memref<128x32xi32, #tpu.memory_space<vmem>>, vector<1x16xi32>,
    %slice3A_669 = vector.extract_strided_slice %get3A_353 {offsets = [15], sizes = [1], strides = [1]} : vector<16xi32> to vector<1xi32>
    %squeeze3A_670 = vector.extract %slice3A_669[0] : i32 from vector<1xi32>
    %mul3A_671 = arith.constant 32 : i32
    %mul3A_672 = arith.muli %squeeze3A_670, %mul3A_671 : i32
    %add3A_673 = vector.broadcast %mul3A_672 : i32 to vector<16xi32>
    %add3A_674 = arith.addi %add3A_673, %iota3A : vector<16xi32>
    %swap3A_675 = arith.constant 31 : i32
    %swap3A_676 = arith.index_cast %swap3A_675 : i32 to index
    %swap3A_677 = arith.constant 0 : index
    %swap3A_678 = tpu.vector_load %arg8[%swap3A_676, %swap3A_677] {strides = array<i32>} : memref<128x32xi32, #tpu.memory_space<vmem>>, vector<1x16xi32>,
    %swap3A_679 = vector.shape_cast %swap3A_678 : vector<1x16xi32> to vector<16xi32>
    %swap3A_680 = vector.shape_cast %add3A_674 : vector<16xi32> to vector<1x16xi32>
    tpu.vector_store %arg8[%swap3A_676, %swap3A_677], %swap3A_680 {strides = array<i32>} : memref<128x32xi32, #tpu.memory_space<vmem>>, vector<1x16xi32>,
    %add3A_681 = arith.constant 16 : i32
    %add3A_682 = vector.broadcast %add3A_681 : i32 to vector<16xi32>
    %add3A_683 = arith.addi %add3A_674, %add3A_682 : vector<16xi32>
    %swap3A_684 = arith.constant 31 : i32
    %swap3A_685 = arith.index_cast %swap3A_684 : i32 to index
    %swap3A_686 = arith.constant 16 : index
    %swap3A_687 = tpu.vector_load %arg8[%swap3A_685, %swap3A_686] {strides = array<i32>} : memref<128x32xi32, #tpu.memory_space<vmem>>, vector<1x16xi32>,
    %swap3A_688 = vector.shape_cast %swap3A_687 : vector<1x16xi32> to vector<16xi32>
    %swap3A_689 = vector.shape_cast %add3A_683 : vector<16xi32> to vector<1x16xi32>
    tpu.vector_store %arg8[%swap3A_685, %swap3A_686], %swap3A_689 {strides = array<i32>} : memref<128x32xi32, #tpu.memory_space<vmem>>, vector<1x16xi32>,
    %mul3A_690 = arith.constant 128 : i32
    %mul3A_691 = arith.muli %arg1, %mul3A_690 : i32
    %add3A_692 = arith.constant 32 : i32
    %add3A_693 = arith.addi %mul3A_691, %add3A_692 : i32
    %get3A_694 = arith.index_cast %add3A_693 : i32 to index
    %get3A_695 = tpu.vector_load %arg7[%get3A_694] {strides = array<i32>} : memref<2048xi32, #tpu.memory_space<vmem>>, vector<16xi32>,
    %get3A_696 = vector.shape_cast %get3A_695 : vector<16xi32> to vector<16xi32>
    %slice3A_697 = vector.extract_strided_slice %get3A_696 {offsets = [0], sizes = [1], strides = [1]} : vector<16xi32> to vector<1xi32>
    %squeeze3A_698 = vector.extract %slice3A_697[0] : i32 from vector<1xi32>
    %mul3A_699 = arith.constant 32 : i32
    %mul3A_700 = arith.muli %squeeze3A_698, %mul3A_699 : i32
    %add3A_701 = vector.broadcast %mul3A_700 : i32 to vector<16xi32>
    %add3A_702 = arith.addi %add3A_701, %iota3A : vector<16xi32>
    %swap3A_703 = arith.constant 32 : i32
    %swap3A_704 = arith.index_cast %swap3A_703 : i32 to index
    %swap3A_705 = arith.constant 0 : index
    %swap3A_706 = tpu.vector_load %arg8[%swap3A_704, %swap3A_705] {strides = array<i32>} : memref<128x32xi32, #tpu.memory_space<vmem>>, vector<1x16xi32>,
    %swap3A_707 = vector.shape_cast %swap3A_706 : vector<1x16xi32> to vector<16xi32>
    %swap3A_708 = vector.shape_cast %add3A_702 : vector<16xi32> to vector<1x16xi32>
    tpu.vector_store %arg8[%swap3A_704, %swap3A_705], %swap3A_708 {strides = array<i32>} : memref<128x32xi32, #tpu.memory_space<vmem>>, vector<1x16xi32>,
    %add3A_709 = arith.constant 16 : i32
    %add3A_710 = vector.broadcast %add3A_709 : i32 to vector<16xi32>
    %add3A_711 = arith.addi %add3A_702, %add3A_710 : vector<16xi32>
    %swap3A_712 = arith.constant 32 : i32
    %swap3A_713 = arith.index_cast %swap3A_712 : i32 to index
    %swap3A_714 = arith.constant 16 : index
    %swap3A_715 = tpu.vector_load %arg8[%swap3A_713, %swap3A_714] {strides = array<i32>} : memref<128x32xi32, #tpu.memory_space<vmem>>, vector<1x16xi32>,
    %swap3A_716 = vector.shape_cast %swap3A_715 : vector<1x16xi32> to vector<16xi32>
    %swap3A_717 = vector.shape_cast %add3A_711 : vector<16xi32> to vector<1x16xi32>
    tpu.vector_store %arg8[%swap3A_713, %swap3A_714], %swap3A_717 {strides = array<i32>} : memref<128x32xi32, #tpu.memory_space<vmem>>, vector<1x16xi32>,
    %slice3A_718 = vector.extract_strided_slice %get3A_696 {offsets = [1], sizes = [1], strides = [1]} : vector<16xi32> to vector<1xi32>
    %squeeze3A_719 = vector.extract %slice3A_718[0] : i32 from vector<1xi32>
    %mul3A_720 = arith.constant 32 : i32
    %mul3A_721 = arith.muli %squeeze3A_719, %mul3A_720 : i32
    %add3A_722 = vector.broadcast %mul3A_721 : i32 to vector<16xi32>
    %add3A_723 = arith.addi %add3A_722, %iota3A : vector<16xi32>
    %swap3A_724 = arith.constant 33 : i32
    %swap3A_725 = arith.index_cast %swap3A_724 : i32 to index
    %swap3A_726 = arith.constant 0 : index
    %swap3A_727 = tpu.vector_load %arg8[%swap3A_725, %swap3A_726] {strides = array<i32>} : memref<128x32xi32, #tpu.memory_space<vmem>>, vector<1x16xi32>,
    %swap3A_728 = vector.shape_cast %swap3A_727 : vector<1x16xi32> to vector<16xi32>
    %swap3A_729 = vector.shape_cast %add3A_723 : vector<16xi32> to vector<1x16xi32>
    tpu.vector_store %arg8[%swap3A_725, %swap3A_726], %swap3A_729 {strides = array<i32>} : memref<128x32xi32, #tpu.memory_space<vmem>>, vector<1x16xi32>,
    %add3A_730 = arith.constant 16 : i32
    %add3A_731 = vector.broadcast %add3A_730 : i32 to vector<16xi32>
    %add3A_732 = arith.addi %add3A_723, %add3A_731 : vector<16xi32>
    %swap3A_733 = arith.constant 33 : i32
    %swap3A_734 = arith.index_cast %swap3A_733 : i32 to index
    %swap3A_735 = arith.constant 16 : index
    %swap3A_736 = tpu.vector_load %arg8[%swap3A_734, %swap3A_735] {strides = array<i32>} : memref<128x32xi32, #tpu.memory_space<vmem>>, vector<1x16xi32>,
    %swap3A_737 = vector.shape_cast %swap3A_736 : vector<1x16xi32> to vector<16xi32>
    %swap3A_738 = vector.shape_cast %add3A_732 : vector<16xi32> to vector<1x16xi32>
    tpu.vector_store %arg8[%swap3A_734, %swap3A_735], %swap3A_738 {strides = array<i32>} : memref<128x32xi32, #tpu.memory_space<vmem>>, vector<1x16xi32>,
    %slice3A_739 = vector.extract_strided_slice %get3A_696 {offsets = [2], sizes = [1], strides = [1]} : vector<16xi32> to vector<1xi32>
    %squeeze3A_740 = vector.extract %slice3A_739[0] : i32 from vector<1xi32>
    %mul3A_741 = arith.constant 32 : i32
    %mul3A_742 = arith.muli %squeeze3A_740, %mul3A_741 : i32
    %add3A_743 = vector.broadcast %mul3A_742 : i32 to vector<16xi32>
    %add3A_744 = arith.addi %add3A_743, %iota3A : vector<16xi32>
    %swap3A_745 = arith.constant 34 : i32
    %swap3A_746 = arith.index_cast %swap3A_745 : i32 to index
    %swap3A_747 = arith.constant 0 : index
    %swap3A_748 = tpu.vector_load %arg8[%swap3A_746, %swap3A_747] {strides = array<i32>} : memref<128x32xi32, #tpu.memory_space<vmem>>, vector<1x16xi32>,
    %swap3A_749 = vector.shape_cast %swap3A_748 : vector<1x16xi32> to vector<16xi32>
    %swap3A_750 = vector.shape_cast %add3A_744 : vector<16xi32> to vector<1x16xi32>
    tpu.vector_store %arg8[%swap3A_746, %swap3A_747], %swap3A_750 {strides = array<i32>} : memref<128x32xi32, #tpu.memory_space<vmem>>, vector<1x16xi32>,
    %add3A_751 = arith.constant 16 : i32
    %add3A_752 = vector.broadcast %add3A_751 : i32 to vector<16xi32>
    %add3A_753 = arith.addi %add3A_744, %add3A_752 : vector<16xi32>
    %swap3A_754 = arith.constant 34 : i32
    %swap3A_755 = arith.index_cast %swap3A_754 : i32 to index
    %swap3A_756 = arith.constant 16 : index
    %swap3A_757 = tpu.vector_load %arg8[%swap3A_755, %swap3A_756] {strides = array<i32>} : memref<128x32xi32, #tpu.memory_space<vmem>>, vector<1x16xi32>,
    %swap3A_758 = vector.shape_cast %swap3A_757 : vector<1x16xi32> to vector<16xi32>
    %swap3A_759 = vector.shape_cast %add3A_753 : vector<16xi32> to vector<1x16xi32>
    tpu.vector_store %arg8[%swap3A_755, %swap3A_756], %swap3A_759 {strides = array<i32>} : memref<128x32xi32, #tpu.memory_space<vmem>>, vector<1x16xi32>,
    %slice3A_760 = vector.extract_strided_slice %get3A_696 {offsets = [3], sizes = [1], strides = [1]} : vector<16xi32> to vector<1xi32>
    %squeeze3A_761 = vector.extract %slice3A_760[0] : i32 from vector<1xi32>
    %mul3A_762 = arith.constant 32 : i32
    %mul3A_763 = arith.muli %squeeze3A_761, %mul3A_762 : i32
    %add3A_764 = vector.broadcast %mul3A_763 : i32 to vector<16xi32>
    %add3A_765 = arith.addi %add3A_764, %iota3A : vector<16xi32>
    %swap3A_766 = arith.constant 35 : i32
    %swap3A_767 = arith.index_cast %swap3A_766 : i32 to index
    %swap3A_768 = arith.constant 0 : index
    %swap3A_769 = tpu.vector_load %arg8[%swap3A_767, %swap3A_768] {strides = array<i32>} : memref<128x32xi32, #tpu.memory_space<vmem>>, vector<1x16xi32>,
    %swap3A_770 = vector.shape_cast %swap3A_769 : vector<1x16xi32> to vector<16xi32>
    %swap3A_771 = vector.shape_cast %add3A_765 : vector<16xi32> to vector<1x16xi32>
    tpu.vector_store %arg8[%swap3A_767, %swap3A_768], %swap3A_771 {strides = array<i32>} : memref<128x32xi32, #tpu.memory_space<vmem>>, vector<1x16xi32>,
    %add3A_772 = arith.constant 16 : i32
    %add3A_773 = vector.broadcast %add3A_772 : i32 to vector<16xi32>
    %add3A_774 = arith.addi %add3A_765, %add3A_773 : vector<16xi32>
    %swap3A_775 = arith.constant 35 : i32
    %swap3A_776 = arith.index_cast %swap3A_775 : i32 to index
    %swap3A_777 = arith.constant 16 : index
    %swap3A_778 = tpu.vector_load %arg8[%swap3A_776, %swap3A_777] {strides = array<i32>} : memref<128x32xi32, #tpu.memory_space<vmem>>, vector<1x16xi32>,
    %swap3A_779 = vector.shape_cast %swap3A_778 : vector<1x16xi32> to vector<16xi32>
    %swap3A_780 = vector.shape_cast %add3A_774 : vector<16xi32> to vector<1x16xi32>
    tpu.vector_store %arg8[%swap3A_776, %swap3A_777], %swap3A_780 {strides = array<i32>} : memref<128x32xi32, #tpu.memory_space<vmem>>, vector<1x16xi32>,
    %slice3A_781 = vector.extract_strided_slice %get3A_696 {offsets = [4], sizes = [1], strides = [1]} : vector<16xi32> to vector<1xi32>
    %squeeze3A_782 = vector.extract %slice3A_781[0] : i32 from vector<1xi32>
    %mul3A_783 = arith.constant 32 : i32
    %mul3A_784 = arith.muli %squeeze3A_782, %mul3A_783 : i32
    %add3A_785 = vector.broadcast %mul3A_784 : i32 to vector<16xi32>
    %add3A_786 = arith.addi %add3A_785, %iota3A : vector<16xi32>
    %swap3A_787 = arith.constant 36 : i32
    %swap3A_788 = arith.index_cast %swap3A_787 : i32 to index
    %swap3A_789 = arith.constant 0 : index
    %swap3A_790 = tpu.vector_load %arg8[%swap3A_788, %swap3A_789] {strides = array<i32>} : memref<128x32xi32, #tpu.memory_space<vmem>>, vector<1x16xi32>,
    %swap3A_791 = vector.shape_cast %swap3A_790 : vector<1x16xi32> to vector<16xi32>
    %swap3A_792 = vector.shape_cast %add3A_786 : vector<16xi32> to vector<1x16xi32>
    tpu.vector_store %arg8[%swap3A_788, %swap3A_789], %swap3A_792 {strides = array<i32>} : memref<128x32xi32, #tpu.memory_space<vmem>>, vector<1x16xi32>,
    %add3A_793 = arith.constant 16 : i32
    %add3A_794 = vector.broadcast %add3A_793 : i32 to vector<16xi32>
    %add3A_795 = arith.addi %add3A_786, %add3A_794 : vector<16xi32>
    %swap3A_796 = arith.constant 36 : i32
    %swap3A_797 = arith.index_cast %swap3A_796 : i32 to index
    %swap3A_798 = arith.constant 16 : index
    %swap3A_799 = tpu.vector_load %arg8[%swap3A_797, %swap3A_798] {strides = array<i32>} : memref<128x32xi32, #tpu.memory_space<vmem>>, vector<1x16xi32>,
    %swap3A_800 = vector.shape_cast %swap3A_799 : vector<1x16xi32> to vector<16xi32>
    %swap3A_801 = vector.shape_cast %add3A_795 : vector<16xi32> to vector<1x16xi32>
    tpu.vector_store %arg8[%swap3A_797, %swap3A_798], %swap3A_801 {strides = array<i32>} : memref<128x32xi32, #tpu.memory_space<vmem>>, vector<1x16xi32>,
    %slice3A_802 = vector.extract_strided_slice %get3A_696 {offsets = [5], sizes = [1], strides = [1]} : vector<16xi32> to vector<1xi32>
    %squeeze3A_803 = vector.extract %slice3A_802[0] : i32 from vector<1xi32>
    %mul3A_804 = arith.constant 32 : i32
    %mul3A_805 = arith.muli %squeeze3A_803, %mul3A_804 : i32
    %add3A_806 = vector.broadcast %mul3A_805 : i32 to vector<16xi32>
    %add3A_807 = arith.addi %add3A_806, %iota3A : vector<16xi32>
    %swap3A_808 = arith.constant 37 : i32
    %swap3A_809 = arith.index_cast %swap3A_808 : i32 to index
    %swap3A_810 = arith.constant 0 : index
    %swap3A_811 = tpu.vector_load %arg8[%swap3A_809, %swap3A_810] {strides = array<i32>} : memref<128x32xi32, #tpu.memory_space<vmem>>, vector<1x16xi32>,
    %swap3A_812 = vector.shape_cast %swap3A_811 : vector<1x16xi32> to vector<16xi32>
    %swap3A_813 = vector.shape_cast %add3A_807 : vector<16xi32> to vector<1x16xi32>
    tpu.vector_store %arg8[%swap3A_809, %swap3A_810], %swap3A_813 {strides = array<i32>} : memref<128x32xi32, #tpu.memory_space<vmem>>, vector<1x16xi32>,
    %add3A_814 = arith.constant 16 : i32
    %add3A_815 = vector.broadcast %add3A_814 : i32 to vector<16xi32>
    %add3A_816 = arith.addi %add3A_807, %add3A_815 : vector<16xi32>
    %swap3A_817 = arith.constant 37 : i32
    %swap3A_818 = arith.index_cast %swap3A_817 : i32 to index
    %swap3A_819 = arith.constant 16 : index
    %swap3A_820 = tpu.vector_load %arg8[%swap3A_818, %swap3A_819] {strides = array<i32>} : memref<128x32xi32, #tpu.memory_space<vmem>>, vector<1x16xi32>,
    %swap3A_821 = vector.shape_cast %swap3A_820 : vector<1x16xi32> to vector<16xi32>
    %swap3A_822 = vector.shape_cast %add3A_816 : vector<16xi32> to vector<1x16xi32>
    tpu.vector_store %arg8[%swap3A_818, %swap3A_819], %swap3A_822 {strides = array<i32>} : memref<128x32xi32, #tpu.memory_space<vmem>>, vector<1x16xi32>,
    %slice3A_823 = vector.extract_strided_slice %get3A_696 {offsets = [6], sizes = [1], strides = [1]} : vector<16xi32> to vector<1xi32>
    %squeeze3A_824 = vector.extract %slice3A_823[0] : i32 from vector<1xi32>
    %mul3A_825 = arith.constant 32 : i32
    %mul3A_826 = arith.muli %squeeze3A_824, %mul3A_825 : i32
    %add3A_827 = vector.broadcast %mul3A_826 : i32 to vector<16xi32>
    %add3A_828 = arith.addi %add3A_827, %iota3A : vector<16xi32>
    %swap3A_829 = arith.constant 38 : i32
    %swap3A_830 = arith.index_cast %swap3A_829 : i32 to index
    %swap3A_831 = arith.constant 0 : index
    %swap3A_832 = tpu.vector_load %arg8[%swap3A_830, %swap3A_831] {strides = array<i32>} : memref<128x32xi32, #tpu.memory_space<vmem>>, vector<1x16xi32>,
    %swap3A_833 = vector.shape_cast %swap3A_832 : vector<1x16xi32> to vector<16xi32>
    %swap3A_834 = vector.shape_cast %add3A_828 : vector<16xi32> to vector<1x16xi32>
    tpu.vector_store %arg8[%swap3A_830, %swap3A_831], %swap3A_834 {strides = array<i32>} : memref<128x32xi32, #tpu.memory_space<vmem>>, vector<1x16xi32>,
    %add3A_835 = arith.constant 16 : i32
    %add3A_836 = vector.broadcast %add3A_835 : i32 to vector<16xi32>
    %add3A_837 = arith.addi %add3A_828, %add3A_836 : vector<16xi32>
    %swap3A_838 = arith.constant 38 : i32
    %swap3A_839 = arith.index_cast %swap3A_838 : i32 to index
    %swap3A_840 = arith.constant 16 : index
    %swap3A_841 = tpu.vector_load %arg8[%swap3A_839, %swap3A_840] {strides = array<i32>} : memref<128x32xi32, #tpu.memory_space<vmem>>, vector<1x16xi32>,
    %swap3A_842 = vector.shape_cast %swap3A_841 : vector<1x16xi32> to vector<16xi32>
    %swap3A_843 = vector.shape_cast %add3A_837 : vector<16xi32> to vector<1x16xi32>
    tpu.vector_store %arg8[%swap3A_839, %swap3A_840], %swap3A_843 {strides = array<i32>} : memref<128x32xi32, #tpu.memory_space<vmem>>, vector<1x16xi32>,
    %slice3A_844 = vector.extract_strided_slice %get3A_696 {offsets = [7], sizes = [1], strides = [1]} : vector<16xi32> to vector<1xi32>
    %squeeze3A_845 = vector.extract %slice3A_844[0] : i32 from vector<1xi32>
    %mul3A_846 = arith.constant 32 : i32
    %mul3A_847 = arith.muli %squeeze3A_845, %mul3A_846 : i32
    %add3A_848 = vector.broadcast %mul3A_847 : i32 to vector<16xi32>
    %add3A_849 = arith.addi %add3A_848, %iota3A : vector<16xi32>
    %swap3A_850 = arith.constant 39 : i32
    %swap3A_851 = arith.index_cast %swap3A_850 : i32 to index
    %swap3A_852 = arith.constant 0 : index
    %swap3A_853 = tpu.vector_load %arg8[%swap3A_851, %swap3A_852] {strides = array<i32>} : memref<128x32xi32, #tpu.memory_space<vmem>>, vector<1x16xi32>,
    %swap3A_854 = vector.shape_cast %swap3A_853 : vector<1x16xi32> to vector<16xi32>
    %swap3A_855 = vector.shape_cast %add3A_849 : vector<16xi32> to vector<1x16xi32>
    tpu.vector_store %arg8[%swap3A_851, %swap3A_852], %swap3A_855 {strides = array<i32>} : memref<128x32xi32, #tpu.memory_space<vmem>>, vector<1x16xi32>,
    %add3A_856 = arith.constant 16 : i32
    %add3A_857 = vector.broadcast %add3A_856 : i32 to vector<16xi32>
    %add3A_858 = arith.addi %add3A_849, %add3A_857 : vector<16xi32>
    %swap3A_859 = arith.constant 39 : i32
    %swap3A_860 = arith.index_cast %swap3A_859 : i32 to index
    %swap3A_861 = arith.constant 16 : index
    %swap3A_862 = tpu.vector_load %arg8[%swap3A_860, %swap3A_861] {strides = array<i32>} : memref<128x32xi32, #tpu.memory_space<vmem>>, vector<1x16xi32>,
    %swap3A_863 = vector.shape_cast %swap3A_862 : vector<1x16xi32> to vector<16xi32>
    %swap3A_864 = vector.shape_cast %add3A_858 : vector<16xi32> to vector<1x16xi32>
    tpu.vector_store %arg8[%swap3A_860, %swap3A_861], %swap3A_864 {strides = array<i32>} : memref<128x32xi32, #tpu.memory_space<vmem>>, vector<1x16xi32>,
    %slice3A_865 = vector.extract_strided_slice %get3A_696 {offsets = [8], sizes = [1], strides = [1]} : vector<16xi32> to vector<1xi32>
    %squeeze3A_866 = vector.extract %slice3A_865[0] : i32 from vector<1xi32>
    %mul3A_867 = arith.constant 32 : i32
    %mul3A_868 = arith.muli %squeeze3A_866, %mul3A_867 : i32
    %add3A_869 = vector.broadcast %mul3A_868 : i32 to vector<16xi32>
    %add3A_870 = arith.addi %add3A_869, %iota3A : vector<16xi32>
    %swap3A_871 = arith.constant 40 : i32
    %swap3A_872 = arith.index_cast %swap3A_871 : i32 to index
    %swap3A_873 = arith.constant 0 : index
    %swap3A_874 = tpu.vector_load %arg8[%swap3A_872, %swap3A_873] {strides = array<i32>} : memref<128x32xi32, #tpu.memory_space<vmem>>, vector<1x16xi32>,
    %swap3A_875 = vector.shape_cast %swap3A_874 : vector<1x16xi32> to vector<16xi32>
    %swap3A_876 = vector.shape_cast %add3A_870 : vector<16xi32> to vector<1x16xi32>
    tpu.vector_store %arg8[%swap3A_872, %swap3A_873], %swap3A_876 {strides = array<i32>} : memref<128x32xi32, #tpu.memory_space<vmem>>, vector<1x16xi32>,
    %add3A_877 = arith.constant 16 : i32
    %add3A_878 = vector.broadcast %add3A_877 : i32 to vector<16xi32>
    %add3A_879 = arith.addi %add3A_870, %add3A_878 : vector<16xi32>
    %swap3A_880 = arith.constant 40 : i32
    %swap3A_881 = arith.index_cast %swap3A_880 : i32 to index
    %swap3A_882 = arith.constant 16 : index
    %swap3A_883 = tpu.vector_load %arg8[%swap3A_881, %swap3A_882] {strides = array<i32>} : memref<128x32xi32, #tpu.memory_space<vmem>>, vector<1x16xi32>,
    %swap3A_884 = vector.shape_cast %swap3A_883 : vector<1x16xi32> to vector<16xi32>
    %swap3A_885 = vector.shape_cast %add3A_879 : vector<16xi32> to vector<1x16xi32>
    tpu.vector_store %arg8[%swap3A_881, %swap3A_882], %swap3A_885 {strides = array<i32>} : memref<128x32xi32, #tpu.memory_space<vmem>>, vector<1x16xi32>,
    %slice3A_886 = vector.extract_strided_slice %get3A_696 {offsets = [9], sizes = [1], strides = [1]} : vector<16xi32> to vector<1xi32>
    %squeeze3A_887 = vector.extract %slice3A_886[0] : i32 from vector<1xi32>
    %mul3A_888 = arith.constant 32 : i32
    %mul3A_889 = arith.muli %squeeze3A_887, %mul3A_888 : i32
    %add3A_890 = vector.broadcast %mul3A_889 : i32 to vector<16xi32>
    %add3A_891 = arith.addi %add3A_890, %iota3A : vector<16xi32>
    %swap3A_892 = arith.constant 41 : i32
    %swap3A_893 = arith.index_cast %swap3A_892 : i32 to index
    %swap3A_894 = arith.constant 0 : index
    %swap3A_895 = tpu.vector_load %arg8[%swap3A_893, %swap3A_894] {strides = array<i32>} : memref<128x32xi32, #tpu.memory_space<vmem>>, vector<1x16xi32>,
    %swap3A_896 = vector.shape_cast %swap3A_895 : vector<1x16xi32> to vector<16xi32>
    %swap3A_897 = vector.shape_cast %add3A_891 : vector<16xi32> to vector<1x16xi32>
    tpu.vector_store %arg8[%swap3A_893, %swap3A_894], %swap3A_897 {strides = array<i32>} : memref<128x32xi32, #tpu.memory_space<vmem>>, vector<1x16xi32>,
    %add3A_898 = arith.constant 16 : i32
    %add3A_899 = vector.broadcast %add3A_898 : i32 to vector<16xi32>
    %add3A_900 = arith.addi %add3A_891, %add3A_899 : vector<16xi32>
    %swap3A_901 = arith.constant 41 : i32
    %swap3A_902 = arith.index_cast %swap3A_901 : i32 to index
    %swap3A_903 = arith.constant 16 : index
    %swap3A_904 = tpu.vector_load %arg8[%swap3A_902, %swap3A_903] {strides = array<i32>} : memref<128x32xi32, #tpu.memory_space<vmem>>, vector<1x16xi32>,
    %swap3A_905 = vector.shape_cast %swap3A_904 : vector<1x16xi32> to vector<16xi32>
    %swap3A_906 = vector.shape_cast %add3A_900 : vector<16xi32> to vector<1x16xi32>
    tpu.vector_store %arg8[%swap3A_902, %swap3A_903], %swap3A_906 {strides = array<i32>} : memref<128x32xi32, #tpu.memory_space<vmem>>, vector<1x16xi32>,
    %slice3A_907 = vector.extract_strided_slice %get3A_696 {offsets = [10], sizes = [1], strides = [1]} : vector<16xi32> to vector<1xi32>
    %squeeze3A_908 = vector.extract %slice3A_907[0] : i32 from vector<1xi32>
    %mul3A_909 = arith.constant 32 : i32
    %mul3A_910 = arith.muli %squeeze3A_908, %mul3A_909 : i32
    %add3A_911 = vector.broadcast %mul3A_910 : i32 to vector<16xi32>
    %add3A_912 = arith.addi %add3A_911, %iota3A : vector<16xi32>
    %swap3A_913 = arith.constant 42 : i32
    %swap3A_914 = arith.index_cast %swap3A_913 : i32 to index
    %swap3A_915 = arith.constant 0 : index
    %swap3A_916 = tpu.vector_load %arg8[%swap3A_914, %swap3A_915] {strides = array<i32>} : memref<128x32xi32, #tpu.memory_space<vmem>>, vector<1x16xi32>,
    %swap3A_917 = vector.shape_cast %swap3A_916 : vector<1x16xi32> to vector<16xi32>
    %swap3A_918 = vector.shape_cast %add3A_912 : vector<16xi32> to vector<1x16xi32>
    tpu.vector_store %arg8[%swap3A_914, %swap3A_915], %swap3A_918 {strides = array<i32>} : memref<128x32xi32, #tpu.memory_space<vmem>>, vector<1x16xi32>,
    %add3A_919 = arith.constant 16 : i32
    %add3A_920 = vector.broadcast %add3A_919 : i32 to vector<16xi32>
    %add3A_921 = arith.addi %add3A_912, %add3A_920 : vector<16xi32>
    %swap3A_922 = arith.constant 42 : i32
    %swap3A_923 = arith.index_cast %swap3A_922 : i32 to index
    %swap3A_924 = arith.constant 16 : index
    %swap3A_925 = tpu.vector_load %arg8[%swap3A_923, %swap3A_924] {strides = array<i32>} : memref<128x32xi32, #tpu.memory_space<vmem>>, vector<1x16xi32>,
    %swap3A_926 = vector.shape_cast %swap3A_925 : vector<1x16xi32> to vector<16xi32>
    %swap3A_927 = vector.shape_cast %add3A_921 : vector<16xi32> to vector<1x16xi32>
    tpu.vector_store %arg8[%swap3A_923, %swap3A_924], %swap3A_927 {strides = array<i32>} : memref<128x32xi32, #tpu.memory_space<vmem>>, vector<1x16xi32>,
    %slice3A_928 = vector.extract_strided_slice %get3A_696 {offsets = [11], sizes = [1], strides = [1]} : vector<16xi32> to vector<1xi32>
    %squeeze3A_929 = vector.extract %slice3A_928[0] : i32 from vector<1xi32>
    %mul3A_930 = arith.constant 32 : i32
    %mul3A_931 = arith.muli %squeeze3A_929, %mul3A_930 : i32
    %add3A_932 = vector.broadcast %mul3A_931 : i32 to vector<16xi32>
    %add3A_933 = arith.addi %add3A_932, %iota3A : vector<16xi32>
    %swap3A_934 = arith.constant 43 : i32
    %swap3A_935 = arith.index_cast %swap3A_934 : i32 to index
    %swap3A_936 = arith.constant 0 : index
    %swap3A_937 = tpu.vector_load %arg8[%swap3A_935, %swap3A_936] {strides = array<i32>} : memref<128x32xi32, #tpu.memory_space<vmem>>, vector<1x16xi32>,
    %swap3A_938 = vector.shape_cast %swap3A_937 : vector<1x16xi32> to vector<16xi32>
    %swap3A_939 = vector.shape_cast %add3A_933 : vector<16xi32> to vector<1x16xi32>
    tpu.vector_store %arg8[%swap3A_935, %swap3A_936], %swap3A_939 {strides = array<i32>} : memref<128x32xi32, #tpu.memory_space<vmem>>, vector<1x16xi32>,
    %add3A_940 = arith.constant 16 : i32
    %add3A_941 = vector.broadcast %add3A_940 : i32 to vector<16xi32>
    %add3A_942 = arith.addi %add3A_933, %add3A_941 : vector<16xi32>
    %swap3A_943 = arith.constant 43 : i32
    %swap3A_944 = arith.index_cast %swap3A_943 : i32 to index
    %swap3A_945 = arith.constant 16 : index
    %swap3A_946 = tpu.vector_load %arg8[%swap3A_944, %swap3A_945] {strides = array<i32>} : memref<128x32xi32, #tpu.memory_space<vmem>>, vector<1x16xi32>,
    %swap3A_947 = vector.shape_cast %swap3A_946 : vector<1x16xi32> to vector<16xi32>
    %swap3A_948 = vector.shape_cast %add3A_942 : vector<16xi32> to vector<1x16xi32>
    tpu.vector_store %arg8[%swap3A_944, %swap3A_945], %swap3A_948 {strides = array<i32>} : memref<128x32xi32, #tpu.memory_space<vmem>>, vector<1x16xi32>,
    %slice3A_949 = vector.extract_strided_slice %get3A_696 {offsets = [12], sizes = [1], strides = [1]} : vector<16xi32> to vector<1xi32>
    %squeeze3A_950 = vector.extract %slice3A_949[0] : i32 from vector<1xi32>
    %mul3A_951 = arith.constant 32 : i32
    %mul3A_952 = arith.muli %squeeze3A_950, %mul3A_951 : i32
    %add3A_953 = vector.broadcast %mul3A_952 : i32 to vector<16xi32>
    %add3A_954 = arith.addi %add3A_953, %iota3A : vector<16xi32>
    %swap3A_955 = arith.constant 44 : i32
    %swap3A_956 = arith.index_cast %swap3A_955 : i32 to index
    %swap3A_957 = arith.constant 0 : index
    %swap3A_958 = tpu.vector_load %arg8[%swap3A_956, %swap3A_957] {strides = array<i32>} : memref<128x32xi32, #tpu.memory_space<vmem>>, vector<1x16xi32>,
    %swap3A_959 = vector.shape_cast %swap3A_958 : vector<1x16xi32> to vector<16xi32>
    %swap3A_960 = vector.shape_cast %add3A_954 : vector<16xi32> to vector<1x16xi32>
    tpu.vector_store %arg8[%swap3A_956, %swap3A_957], %swap3A_960 {strides = array<i32>} : memref<128x32xi32, #tpu.memory_space<vmem>>, vector<1x16xi32>,
    %add3A_961 = arith.constant 16 : i32
    %add3A_962 = vector.broadcast %add3A_961 : i32 to vector<16xi32>
    %add3A_963 = arith.addi %add3A_954, %add3A_962 : vector<16xi32>
    %swap3A_964 = arith.constant 44 : i32
    %swap3A_965 = arith.index_cast %swap3A_964 : i32 to index
    %swap3A_966 = arith.constant 16 : index
    %swap3A_967 = tpu.vector_load %arg8[%swap3A_965, %swap3A_966] {strides = array<i32>} : memref<128x32xi32, #tpu.memory_space<vmem>>, vector<1x16xi32>,
    %swap3A_968 = vector.shape_cast %swap3A_967 : vector<1x16xi32> to vector<16xi32>
    %swap3A_969 = vector.shape_cast %add3A_963 : vector<16xi32> to vector<1x16xi32>
    tpu.vector_store %arg8[%swap3A_965, %swap3A_966], %swap3A_969 {strides = array<i32>} : memref<128x32xi32, #tpu.memory_space<vmem>>, vector<1x16xi32>,
    %slice3A_970 = vector.extract_strided_slice %get3A_696 {offsets = [13], sizes = [1], strides = [1]} : vector<16xi32> to vector<1xi32>
    %squeeze3A_971 = vector.extract %slice3A_970[0] : i32 from vector<1xi32>
    %mul3A_972 = arith.constant 32 : i32
    %mul3A_973 = arith.muli %squeeze3A_971, %mul3A_972 : i32
    %add3A_974 = vector.broadcast %mul3A_973 : i32 to vector<16xi32>
    %add3A_975 = arith.addi %add3A_974, %iota3A : vector<16xi32>
    %swap3A_976 = arith.constant 45 : i32
    %swap3A_977 = arith.index_cast %swap3A_976 : i32 to index
    %swap3A_978 = arith.constant 0 : index
    %swap3A_979 = tpu.vector_load %arg8[%swap3A_977, %swap3A_978] {strides = array<i32>} : memref<128x32xi32, #tpu.memory_space<vmem>>, vector<1x16xi32>,
    %swap3A_980 = vector.shape_cast %swap3A_979 : vector<1x16xi32> to vector<16xi32>
    %swap3A_981 = vector.shape_cast %add3A_975 : vector<16xi32> to vector<1x16xi32>
    tpu.vector_store %arg8[%swap3A_977, %swap3A_978], %swap3A_981 {strides = array<i32>} : memref<128x32xi32, #tpu.memory_space<vmem>>, vector<1x16xi32>,
    %add3A_982 = arith.constant 16 : i32
    %add3A_983 = vector.broadcast %add3A_982 : i32 to vector<16xi32>
    %add3A_984 = arith.addi %add3A_975, %add3A_983 : vector<16xi32>
    %swap3A_985 = arith.constant 45 : i32
    %swap3A_986 = arith.index_cast %swap3A_985 : i32 to index
    %swap3A_987 = arith.constant 16 : index
    %swap3A_988 = tpu.vector_load %arg8[%swap3A_986, %swap3A_987] {strides = array<i32>} : memref<128x32xi32, #tpu.memory_space<vmem>>, vector<1x16xi32>,
    %swap3A_989 = vector.shape_cast %swap3A_988 : vector<1x16xi32> to vector<16xi32>
    %swap3A_990 = vector.shape_cast %add3A_984 : vector<16xi32> to vector<1x16xi32>
    tpu.vector_store %arg8[%swap3A_986, %swap3A_987], %swap3A_990 {strides = array<i32>} : memref<128x32xi32, #tpu.memory_space<vmem>>, vector<1x16xi32>,
    %slice3A_991 = vector.extract_strided_slice %get3A_696 {offsets = [14], sizes = [1], strides = [1]} : vector<16xi32> to vector<1xi32>
    %squeeze3A_992 = vector.extract %slice3A_991[0] : i32 from vector<1xi32>
    %mul3A_993 = arith.constant 32 : i32
    %mul3A_994 = arith.muli %squeeze3A_992, %mul3A_993 : i32
    %add3A_995 = vector.broadcast %mul3A_994 : i32 to vector<16xi32>
    %add3A_996 = arith.addi %add3A_995, %iota3A : vector<16xi32>
    %swap3A_997 = arith.constant 46 : i32
    %swap3A_998 = arith.index_cast %swap3A_997 : i32 to index
    %swap3A_999 = arith.constant 0 : index
    %swap3A_1000 = tpu.vector_load %arg8[%swap3A_998, %swap3A_999] {strides = array<i32>} : memref<128x32xi32, #tpu.memory_space<vmem>>, vector<1x16xi32>,
    %swap3A_1001 = vector.shape_cast %swap3A_1000 : vector<1x16xi32> to vector<16xi32>
    %swap3A_1002 = vector.shape_cast %add3A_996 : vector<16xi32> to vector<1x16xi32>
    tpu.vector_store %arg8[%swap3A_998, %swap3A_999], %swap3A_1002 {strides = array<i32>} : memref<128x32xi32, #tpu.memory_space<vmem>>, vector<1x16xi32>,
    %add3A_1003 = arith.constant 16 : i32
    %add3A_1004 = vector.broadcast %add3A_1003 : i32 to vector<16xi32>
    %add3A_1005 = arith.addi %add3A_996, %add3A_1004 : vector<16xi32>
    %swap3A_1006 = arith.constant 46 : i32
    %swap3A_1007 = arith.index_cast %swap3A_1006 : i32 to index
    %swap3A_1008 = arith.constant 16 : index
    %swap3A_1009 = tpu.vector_load %arg8[%swap3A_1007, %swap3A_1008] {strides = array<i32>} : memref<128x32xi32, #tpu.memory_space<vmem>>, vector<1x16xi32>,
    %swap3A_1010 = vector.shape_cast %swap3A_1009 : vector<1x16xi32> to vector<16xi32>
    %swap3A_1011 = vector.shape_cast %add3A_1005 : vector<16xi32> to vector<1x16xi32>
    tpu.vector_store %arg8[%swap3A_1007, %swap3A_1008], %swap3A_1011 {strides = array<i32>} : memref<128x32xi32, #tpu.memory_space<vmem>>, vector<1x16xi32>,
    %slice3A_1012 = vector.extract_strided_slice %get3A_696 {offsets = [15], sizes = [1], strides = [1]} : vector<16xi32> to vector<1xi32>
    %squeeze3A_1013 = vector.extract %slice3A_1012[0] : i32 from vector<1xi32>
    %mul3A_1014 = arith.constant 32 : i32
    %mul3A_1015 = arith.muli %squeeze3A_1013, %mul3A_1014 : i32
    %add3A_1016 = vector.broadcast %mul3A_1015 : i32 to vector<16xi32>
    %add3A_1017 = arith.addi %add3A_1016, %iota3A : vector<16xi32>
    %swap3A_1018 = arith.constant 47 : i32
    %swap3A_1019 = arith.index_cast %swap3A_1018 : i32 to index
    %swap3A_1020 = arith.constant 0 : index
    %swap3A_1021 = tpu.vector_load %arg8[%swap3A_1019, %swap3A_1020] {strides = array<i32>} : memref<128x32xi32, #tpu.memory_space<vmem>>, vector<1x16xi32>,
    %swap3A_1022 = vector.shape_cast %swap3A_1021 : vector<1x16xi32> to vector<16xi32>
    %swap3A_1023 = vector.shape_cast %add3A_1017 : vector<16xi32> to vector<1x16xi32>
    tpu.vector_store %arg8[%swap3A_1019, %swap3A_1020], %swap3A_1023 {strides = array<i32>} : memref<128x32xi32, #tpu.memory_space<vmem>>, vector<1x16xi32>,
    %add3A_1024 = arith.constant 16 : i32
    %add3A_1025 = vector.broadcast %add3A_1024 : i32 to vector<16xi32>
    %add3A_1026 = arith.addi %add3A_1017, %add3A_1025 : vector<16xi32>
    %swap3A_1027 = arith.constant 47 : i32
    %swap3A_1028 = arith.index_cast %swap3A_1027 : i32 to index
    %swap3A_1029 = arith.constant 16 : index
    %swap3A_1030 = tpu.vector_load %arg8[%swap3A_1028, %swap3A_1029] {strides = array<i32>} : memref<128x32xi32, #tpu.memory_space<vmem>>, vector<1x16xi32>,
    %swap3A_1031 = vector.shape_cast %swap3A_1030 : vector<1x16xi32> to vector<16xi32>
    %swap3A_1032 = vector.shape_cast %add3A_1026 : vector<16xi32> to vector<1x16xi32>
    tpu.vector_store %arg8[%swap3A_1028, %swap3A_1029], %swap3A_1032 {strides = array<i32>} : memref<128x32xi32, #tpu.memory_space<vmem>>, vector<1x16xi32>,
    %mul3A_1033 = arith.constant 128 : i32
    %mul3A_1034 = arith.muli %arg1, %mul3A_1033 : i32
    %add3A_1035 = arith.constant 48 : i32
    %add3A_1036 = arith.addi %mul3A_1034, %add3A_1035 : i32
    %get3A_1037 = arith.index_cast %add3A_1036 : i32 to index
    %get3A_1038 = tpu.vector_load %arg7[%get3A_1037] {strides = array<i32>} : memref<2048xi32, #tpu.memory_space<vmem>>, vector<16xi32>,
    %get3A_1039 = vector.shape_cast %get3A_1038 : vector<16xi32> to vector<16xi32>
    %slice3A_1040 = vector.extract_strided_slice %get3A_1039 {offsets = [0], sizes = [1], strides = [1]} : vector<16xi32> to vector<1xi32>
    %squeeze3A_1041 = vector.extract %slice3A_1040[0] : i32 from vector<1xi32>
    %mul3A_1042 = arith.constant 32 : i32
    %mul3A_1043 = arith.muli %squeeze3A_1041, %mul3A_1042 : i32
    %add3A_1044 = vector.broadcast %mul3A_1043 : i32 to vector<16xi32>
    %add3A_1045 = arith.addi %add3A_1044, %iota3A : vector<16xi32>
    %swap3A_1046 = arith.constant 48 : i32
    %swap3A_1047 = arith.index_cast %swap3A_1046 : i32 to index
    %swap3A_1048 = arith.constant 0 : index
    %swap3A_1049 = tpu.vector_load %arg8[%swap3A_1047, %swap3A_1048] {strides = array<i32>} : memref<128x32xi32, #tpu.memory_space<vmem>>, vector<1x16xi32>,
    %swap3A_1050 = vector.shape_cast %swap3A_1049 : vector<1x16xi32> to vector<16xi32>
    %swap3A_1051 = vector.shape_cast %add3A_1045 : vector<16xi32> to vector<1x16xi32>
    tpu.vector_store %arg8[%swap3A_1047, %swap3A_1048], %swap3A_1051 {strides = array<i32>} : memref<128x32xi32, #tpu.memory_space<vmem>>, vector<1x16xi32>,
    %add3A_1052 = arith.constant 16 : i32
    %add3A_1053 = vector.broadcast %add3A_1052 : i32 to vector<16xi32>
    %add3A_1054 = arith.addi %add3A_1045, %add3A_1053 : vector<16xi32>
    %swap3A_1055 = arith.constant 48 : i32
    %swap3A_1056 = arith.index_cast %swap3A_1055 : i32 to index
    %swap3A_1057 = arith.constant 16 : index
    %swap3A_1058 = tpu.vector_load %arg8[%swap3A_1056, %swap3A_1057] {strides = array<i32>} : memref<128x32xi32, #tpu.memory_space<vmem>>, vector<1x16xi32>,
    %swap3A_1059 = vector.shape_cast %swap3A_1058 : vector<1x16xi32> to vector<16xi32>
    %swap3A_1060 = vector.shape_cast %add3A_1054 : vector<16xi32> to vector<1x16xi32>
    tpu.vector_store %arg8[%swap3A_1056, %swap3A_1057], %swap3A_1060 {strides = array<i32>} : memref<128x32xi32, #tpu.memory_space<vmem>>, vector<1x16xi32>,
    %slice3A_1061 = vector.extract_strided_slice %get3A_1039 {offsets = [1], sizes = [1], strides = [1]} : vector<16xi32> to vector<1xi32>
    %squeeze3A_1062 = vector.extract %slice3A_1061[0] : i32 from vector<1xi32>
    %mul3A_1063 = arith.constant 32 : i32
    %mul3A_1064 = arith.muli %squeeze3A_1062, %mul3A_1063 : i32
    %add3A_1065 = vector.broadcast %mul3A_1064 : i32 to vector<16xi32>
    %add3A_1066 = arith.addi %add3A_1065, %iota3A : vector<16xi32>
    %swap3A_1067 = arith.constant 49 : i32
    %swap3A_1068 = arith.index_cast %swap3A_1067 : i32 to index
    %swap3A_1069 = arith.constant 0 : index
    %swap3A_1070 = tpu.vector_load %arg8[%swap3A_1068, %swap3A_1069] {strides = array<i32>} : memref<128x32xi32, #tpu.memory_space<vmem>>, vector<1x16xi32>,
    %swap3A_1071 = vector.shape_cast %swap3A_1070 : vector<1x16xi32> to vector<16xi32>
    %swap3A_1072 = vector.shape_cast %add3A_1066 : vector<16xi32> to vector<1x16xi32>
    tpu.vector_store %arg8[%swap3A_1068, %swap3A_1069], %swap3A_1072 {strides = array<i32>} : memref<128x32xi32, #tpu.memory_space<vmem>>, vector<1x16xi32>,
    %add3A_1073 = arith.constant 16 : i32
    %add3A_1074 = vector.broadcast %add3A_1073 : i32 to vector<16xi32>
    %add3A_1075 = arith.addi %add3A_1066, %add3A_1074 : vector<16xi32>
    %swap3A_1076 = arith.constant 49 : i32
    %swap3A_1077 = arith.index_cast %swap3A_1076 : i32 to index
    %swap3A_1078 = arith.constant 16 : index
    %swap3A_1079 = tpu.vector_load %arg8[%swap3A_1077, %swap3A_1078] {strides = array<i32>} : memref<128x32xi32, #tpu.memory_space<vmem>>, vector<1x16xi32>,
    %swap3A_1080 = vector.shape_cast %swap3A_1079 : vector<1x16xi32> to vector<16xi32>
    %swap3A_1081 = vector.shape_cast %add3A_1075 : vector<16xi32> to vector<1x16xi32>
    tpu.vector_store %arg8[%swap3A_1077, %swap3A_1078], %swap3A_1081 {strides = array<i32>} : memref<128x32xi32, #tpu.memory_space<vmem>>, vector<1x16xi32>,
    %slice3A_1082 = vector.extract_strided_slice %get3A_1039 {offsets = [2], sizes = [1], strides = [1]} : vector<16xi32> to vector<1xi32>
    %squeeze3A_1083 = vector.extract %slice3A_1082[0] : i32 from vector<1xi32>
    %mul3A_1084 = arith.constant 32 : i32
    %mul3A_1085 = arith.muli %squeeze3A_1083, %mul3A_1084 : i32
    %add3A_1086 = vector.broadcast %mul3A_1085 : i32 to vector<16xi32>
    %add3A_1087 = arith.addi %add3A_1086, %iota3A : vector<16xi32>
    %swap3A_1088 = arith.constant 50 : i32
    %swap3A_1089 = arith.index_cast %swap3A_1088 : i32 to index
    %swap3A_1090 = arith.constant 0 : index
    %swap3A_1091 = tpu.vector_load %arg8[%swap3A_1089, %swap3A_1090] {strides = array<i32>} : memref<128x32xi32, #tpu.memory_space<vmem>>, vector<1x16xi32>,
    %swap3A_1092 = vector.shape_cast %swap3A_1091 : vector<1x16xi32> to vector<16xi32>
    %swap3A_1093 = vector.shape_cast %add3A_1087 : vector<16xi32> to vector<1x16xi32>
    tpu.vector_store %arg8[%swap3A_1089, %swap3A_1090], %swap3A_1093 {strides = array<i32>} : memref<128x32xi32, #tpu.memory_space<vmem>>, vector<1x16xi32>,
    %add3A_1094 = arith.constant 16 : i32
    %add3A_1095 = vector.broadcast %add3A_1094 : i32 to vector<16xi32>
    %add3A_1096 = arith.addi %add3A_1087, %add3A_1095 : vector<16xi32>
    %swap3A_1097 = arith.constant 50 : i32
    %swap3A_1098 = arith.index_cast %swap3A_1097 : i32 to index
    %swap3A_1099 = arith.constant 16 : index
    %swap3A_1100 = tpu.vector_load %arg8[%swap3A_1098, %swap3A_1099] {strides = array<i32>} : memref<128x32xi32, #tpu.memory_space<vmem>>, vector<1x16xi32>,
    %swap3A_1101 = vector.shape_cast %swap3A_1100 : vector<1x16xi32> to vector<16xi32>
    %swap3A_1102 = vector.shape_cast %add3A_1096 : vector<16xi32> to vector<1x16xi32>
    tpu.vector_store %arg8[%swap3A_1098, %swap3A_1099], %swap3A_1102 {strides = array<i32>} : memref<128x32xi32, #tpu.memory_space<vmem>>, vector<1x16xi32>,
    %slice3A_1103 = vector.extract_strided_slice %get3A_1039 {offsets = [3], sizes = [1], strides = [1]} : vector<16xi32> to vector<1xi32>
    %squeeze3A_1104 = vector.extract %slice3A_1103[0] : i32 from vector<1xi32>
    %mul3A_1105 = arith.constant 32 : i32
    %mul3A_1106 = arith.muli %squeeze3A_1104, %mul3A_1105 : i32
    %add3A_1107 = vector.broadcast %mul3A_1106 : i32 to vector<16xi32>
    %add3A_1108 = arith.addi %add3A_1107, %iota3A : vector<16xi32>
    %swap3A_1109 = arith.constant 51 : i32
    %swap3A_1110 = arith.index_cast %swap3A_1109 : i32 to index
    %swap3A_1111 = arith.constant 0 : index
    %swap3A_1112 = tpu.vector_load %arg8[%swap3A_1110, %swap3A_1111] {strides = array<i32>} : memref<128x32xi32, #tpu.memory_space<vmem>>, vector<1x16xi32>,
    %swap3A_1113 = vector.shape_cast %swap3A_1112 : vector<1x16xi32> to vector<16xi32>
    %swap3A_1114 = vector.shape_cast %add3A_1108 : vector<16xi32> to vector<1x16xi32>
    tpu.vector_store %arg8[%swap3A_1110, %swap3A_1111], %swap3A_1114 {strides = array<i32>} : memref<128x32xi32, #tpu.memory_space<vmem>>, vector<1x16xi32>,
    %add3A_1115 = arith.constant 16 : i32
    %add3A_1116 = vector.broadcast %add3A_1115 : i32 to vector<16xi32>
    %add3A_1117 = arith.addi %add3A_1108, %add3A_1116 : vector<16xi32>
    %swap3A_1118 = arith.constant 51 : i32
    %swap3A_1119 = arith.index_cast %swap3A_1118 : i32 to index
    %swap3A_1120 = arith.constant 16 : index
    %swap3A_1121 = tpu.vector_load %arg8[%swap3A_1119, %swap3A_1120] {strides = array<i32>} : memref<128x32xi32, #tpu.memory_space<vmem>>, vector<1x16xi32>,
    %swap3A_1122 = vector.shape_cast %swap3A_1121 : vector<1x16xi32> to vector<16xi32>
    %swap3A_1123 = vector.shape_cast %add3A_1117 : vector<16xi32> to vector<1x16xi32>
    tpu.vector_store %arg8[%swap3A_1119, %swap3A_1120], %swap3A_1123 {strides = array<i32>} : memref<128x32xi32, #tpu.memory_space<vmem>>, vector<1x16xi32>,
    %slice3A_1124 = vector.extract_strided_slice %get3A_1039 {offsets = [4], sizes = [1], strides = [1]} : vector<16xi32> to vector<1xi32>
    %squeeze3A_1125 = vector.extract %slice3A_1124[0] : i32 from vector<1xi32>
    %mul3A_1126 = arith.constant 32 : i32
    %mul3A_1127 = arith.muli %squeeze3A_1125, %mul3A_1126 : i32
    %add3A_1128 = vector.broadcast %mul3A_1127 : i32 to vector<16xi32>
    %add3A_1129 = arith.addi %add3A_1128, %iota3A : vector<16xi32>
    %swap3A_1130 = arith.constant 52 : i32
    %swap3A_1131 = arith.index_cast %swap3A_1130 : i32 to index
    %swap3A_1132 = arith.constant 0 : index
    %swap3A_1133 = tpu.vector_load %arg8[%swap3A_1131, %swap3A_1132] {strides = array<i32>} : memref<128x32xi32, #tpu.memory_space<vmem>>, vector<1x16xi32>,
    %swap3A_1134 = vector.shape_cast %swap3A_1133 : vector<1x16xi32> to vector<16xi32>
    %swap3A_1135 = vector.shape_cast %add3A_1129 : vector<16xi32> to vector<1x16xi32>
    tpu.vector_store %arg8[%swap3A_1131, %swap3A_1132], %swap3A_1135 {strides = array<i32>} : memref<128x32xi32, #tpu.memory_space<vmem>>, vector<1x16xi32>,
    %add3A_1136 = arith.constant 16 : i32
    %add3A_1137 = vector.broadcast %add3A_1136 : i32 to vector<16xi32>
    %add3A_1138 = arith.addi %add3A_1129, %add3A_1137 : vector<16xi32>
    %swap3A_1139 = arith.constant 52 : i32
    %swap3A_1140 = arith.index_cast %swap3A_1139 : i32 to index
    %swap3A_1141 = arith.constant 16 : index
    %swap3A_1142 = tpu.vector_load %arg8[%swap3A_1140, %swap3A_1141] {strides = array<i32>} : memref<128x32xi32, #tpu.memory_space<vmem>>, vector<1x16xi32>,
    %swap3A_1143 = vector.shape_cast %swap3A_1142 : vector<1x16xi32> to vector<16xi32>
    %swap3A_1144 = vector.shape_cast %add3A_1138 : vector<16xi32> to vector<1x16xi32>
    tpu.vector_store %arg8[%swap3A_1140, %swap3A_1141], %swap3A_1144 {strides = array<i32>} : memref<128x32xi32, #tpu.memory_space<vmem>>, vector<1x16xi32>,
    %slice3A_1145 = vector.extract_strided_slice %get3A_1039 {offsets = [5], sizes = [1], strides = [1]} : vector<16xi32> to vector<1xi32>
    %squeeze3A_1146 = vector.extract %slice3A_1145[0] : i32 from vector<1xi32>
    %mul3A_1147 = arith.constant 32 : i32
    %mul3A_1148 = arith.muli %squeeze3A_1146, %mul3A_1147 : i32
    %add3A_1149 = vector.broadcast %mul3A_1148 : i32 to vector<16xi32>
    %add3A_1150 = arith.addi %add3A_1149, %iota3A : vector<16xi32>
    %swap3A_1151 = arith.constant 53 : i32
    %swap3A_1152 = arith.index_cast %swap3A_1151 : i32 to index
    %swap3A_1153 = arith.constant 0 : index
    %swap3A_1154 = tpu.vector_load %arg8[%swap3A_1152, %swap3A_1153] {strides = array<i32>} : memref<128x32xi32, #tpu.memory_space<vmem>>, vector<1x16xi32>,
    %swap3A_1155 = vector.shape_cast %swap3A_1154 : vector<1x16xi32> to vector<16xi32>
    %swap3A_1156 = vector.shape_cast %add3A_1150 : vector<16xi32> to vector<1x16xi32>
    tpu.vector_store %arg8[%swap3A_1152, %swap3A_1153], %swap3A_1156 {strides = array<i32>} : memref<128x32xi32, #tpu.memory_space<vmem>>, vector<1x16xi32>,
    %add3A_1157 = arith.constant 16 : i32
    %add3A_1158 = vector.broadcast %add3A_1157 : i32 to vector<16xi32>
    %add3A_1159 = arith.addi %add3A_1150, %add3A_1158 : vector<16xi32>
    %swap3A_1160 = arith.constant 53 : i32
    %swap3A_1161 = arith.index_cast %swap3A_1160 : i32 to index
    %swap3A_1162 = arith.constant 16 : index
    %swap3A_1163 = tpu.vector_load %arg8[%swap3A_1161, %swap3A_1162] {strides = array<i32>} : memref<128x32xi32, #tpu.memory_space<vmem>>, vector<1x16xi32>,
    %swap3A_1164 = vector.shape_cast %swap3A_1163 : vector<1x16xi32> to vector<16xi32>
    %swap3A_1165 = vector.shape_cast %add3A_1159 : vector<16xi32> to vector<1x16xi32>
    tpu.vector_store %arg8[%swap3A_1161, %swap3A_1162], %swap3A_1165 {strides = array<i32>} : memref<128x32xi32, #tpu.memory_space<vmem>>, vector<1x16xi32>,
    %slice3A_1166 = vector.extract_strided_slice %get3A_1039 {offsets = [6], sizes = [1], strides = [1]} : vector<16xi32> to vector<1xi32>
    %squeeze3A_1167 = vector.extract %slice3A_1166[0] : i32 from vector<1xi32>
    %mul3A_1168 = arith.constant 32 : i32
    %mul3A_1169 = arith.muli %squeeze3A_1167, %mul3A_1168 : i32
    %add3A_1170 = vector.broadcast %mul3A_1169 : i32 to vector<16xi32>
    %add3A_1171 = arith.addi %add3A_1170, %iota3A : vector<16xi32>
    %swap3A_1172 = arith.constant 54 : i32
    %swap3A_1173 = arith.index_cast %swap3A_1172 : i32 to index
    %swap3A_1174 = arith.constant 0 : index
    %swap3A_1175 = tpu.vector_load %arg8[%swap3A_1173, %swap3A_1174] {strides = array<i32>} : memref<128x32xi32, #tpu.memory_space<vmem>>, vector<1x16xi32>,
    %swap3A_1176 = vector.shape_cast %swap3A_1175 : vector<1x16xi32> to vector<16xi32>
    %swap3A_1177 = vector.shape_cast %add3A_1171 : vector<16xi32> to vector<1x16xi32>
    tpu.vector_store %arg8[%swap3A_1173, %swap3A_1174], %swap3A_1177 {strides = array<i32>} : memref<128x32xi32, #tpu.memory_space<vmem>>, vector<1x16xi32>,
    %add3A_1178 = arith.constant 16 : i32
    %add3A_1179 = vector.broadcast %add3A_1178 : i32 to vector<16xi32>
    %add3A_1180 = arith.addi %add3A_1171, %add3A_1179 : vector<16xi32>
    %swap3A_1181 = arith.constant 54 : i32
    %swap3A_1182 = arith.index_cast %swap3A_1181 : i32 to index
    %swap3A_1183 = arith.constant 16 : index
    %swap3A_1184 = tpu.vector_load %arg8[%swap3A_1182, %swap3A_1183] {strides = array<i32>} : memref<128x32xi32, #tpu.memory_space<vmem>>, vector<1x16xi32>,
    %swap3A_1185 = vector.shape_cast %swap3A_1184 : vector<1x16xi32> to vector<16xi32>
    %swap3A_1186 = vector.shape_cast %add3A_1180 : vector<16xi32> to vector<1x16xi32>
    tpu.vector_store %arg8[%swap3A_1182, %swap3A_1183], %swap3A_1186 {strides = array<i32>} : memref<128x32xi32, #tpu.memory_space<vmem>>, vector<1x16xi32>,
    %slice3A_1187 = vector.extract_strided_slice %get3A_1039 {offsets = [7], sizes = [1], strides = [1]} : vector<16xi32> to vector<1xi32>
    %squeeze3A_1188 = vector.extract %slice3A_1187[0] : i32 from vector<1xi32>
    %mul3A_1189 = arith.constant 32 : i32
    %mul3A_1190 = arith.muli %squeeze3A_1188, %mul3A_1189 : i32
    %add3A_1191 = vector.broadcast %mul3A_1190 : i32 to vector<16xi32>
    %add3A_1192 = arith.addi %add3A_1191, %iota3A : vector<16xi32>
    %swap3A_1193 = arith.constant 55 : i32
    %swap3A_1194 = arith.index_cast %swap3A_1193 : i32 to index
    %swap3A_1195 = arith.constant 0 : index
    %swap3A_1196 = tpu.vector_load %arg8[%swap3A_1194, %swap3A_1195] {strides = array<i32>} : memref<128x32xi32, #tpu.memory_space<vmem>>, vector<1x16xi32>,
    %swap3A_1197 = vector.shape_cast %swap3A_1196 : vector<1x16xi32> to vector<16xi32>
    %swap3A_1198 = vector.shape_cast %add3A_1192 : vector<16xi32> to vector<1x16xi32>
    tpu.vector_store %arg8[%swap3A_1194, %swap3A_1195], %swap3A_1198 {strides = array<i32>} : memref<128x32xi32, #tpu.memory_space<vmem>>, vector<1x16xi32>,
    %add3A_1199 = arith.constant 16 : i32
    %add3A_1200 = vector.broadcast %add3A_1199 : i32 to vector<16xi32>
    %add3A_1201 = arith.addi %add3A_1192, %add3A_1200 : vector<16xi32>
    %swap3A_1202 = arith.constant 55 : i32
    %swap3A_1203 = arith.index_cast %swap3A_1202 : i32 to index
    %swap3A_1204 = arith.constant 16 : index
    %swap3A_1205 = tpu.vector_load %arg8[%swap3A_1203, %swap3A_1204] {strides = array<i32>} : memref<128x32xi32, #tpu.memory_space<vmem>>, vector<1x16xi32>,
    %swap3A_1206 = vector.shape_cast %swap3A_1205 : vector<1x16xi32> to vector<16xi32>
    %swap3A_1207 = vector.shape_cast %add3A_1201 : vector<16xi32> to vector<1x16xi32>
    tpu.vector_store %arg8[%swap3A_1203, %swap3A_1204], %swap3A_1207 {strides = array<i32>} : memref<128x32xi32, #tpu.memory_space<vmem>>, vector<1x16xi32>,
    %slice3A_1208 = vector.extract_strided_slice %get3A_1039 {offsets = [8], sizes = [1], strides = [1]} : vector<16xi32> to vector<1xi32>
    %squeeze3A_1209 = vector.extract %slice3A_1208[0] : i32 from vector<1xi32>
    %mul3A_1210 = arith.constant 32 : i32
    %mul3A_1211 = arith.muli %squeeze3A_1209, %mul3A_1210 : i32
    %add3A_1212 = vector.broadcast %mul3A_1211 : i32 to vector<16xi32>
    %add3A_1213 = arith.addi %add3A_1212, %iota3A : vector<16xi32>
    %swap3A_1214 = arith.constant 56 : i32
    %swap3A_1215 = arith.index_cast %swap3A_1214 : i32 to index
    %swap3A_1216 = arith.constant 0 : index
    %swap3A_1217 = tpu.vector_load %arg8[%swap3A_1215, %swap3A_1216] {strides = array<i32>} : memref<128x32xi32, #tpu.memory_space<vmem>>, vector<1x16xi32>,
    %swap3A_1218 = vector.shape_cast %swap3A_1217 : vector<1x16xi32> to vector<16xi32>
    %swap3A_1219 = vector.shape_cast %add3A_1213 : vector<16xi32> to vector<1x16xi32>
    tpu.vector_store %arg8[%swap3A_1215, %swap3A_1216], %swap3A_1219 {strides = array<i32>} : memref<128x32xi32, #tpu.memory_space<vmem>>, vector<1x16xi32>,
    %add3A_1220 = arith.constant 16 : i32
    %add3A_1221 = vector.broadcast %add3A_1220 : i32 to vector<16xi32>
    %add3A_1222 = arith.addi %add3A_1213, %add3A_1221 : vector<16xi32>
    %swap3A_1223 = arith.constant 56 : i32
    %swap3A_1224 = arith.index_cast %swap3A_1223 : i32 to index
    %swap3A_1225 = arith.constant 16 : index
    %swap3A_1226 = tpu.vector_load %arg8[%swap3A_1224, %swap3A_1225] {strides = array<i32>} : memref<128x32xi32, #tpu.memory_space<vmem>>, vector<1x16xi32>,
    %swap3A_1227 = vector.shape_cast %swap3A_1226 : vector<1x16xi32> to vector<16xi32>
    %swap3A_1228 = vector.shape_cast %add3A_1222 : vector<16xi32> to vector<1x16xi32>
    tpu.vector_store %arg8[%swap3A_1224, %swap3A_1225], %swap3A_1228 {strides = array<i32>} : memref<128x32xi32, #tpu.memory_space<vmem>>, vector<1x16xi32>,
    %slice3A_1229 = vector.extract_strided_slice %get3A_1039 {offsets = [9], sizes = [1], strides = [1]} : vector<16xi32> to vector<1xi32>
    %squeeze3A_1230 = vector.extract %slice3A_1229[0] : i32 from vector<1xi32>
    %mul3A_1231 = arith.constant 32 : i32
    %mul3A_1232 = arith.muli %squeeze3A_1230, %mul3A_1231 : i32
    %add3A_1233 = vector.broadcast %mul3A_1232 : i32 to vector<16xi32>
    %add3A_1234 = arith.addi %add3A_1233, %iota3A : vector<16xi32>
    %swap3A_1235 = arith.constant 57 : i32
    %swap3A_1236 = arith.index_cast %swap3A_1235 : i32 to index
    %swap3A_1237 = arith.constant 0 : index
    %swap3A_1238 = tpu.vector_load %arg8[%swap3A_1236, %swap3A_1237] {strides = array<i32>} : memref<128x32xi32, #tpu.memory_space<vmem>>, vector<1x16xi32>,
    %swap3A_1239 = vector.shape_cast %swap3A_1238 : vector<1x16xi32> to vector<16xi32>
    %swap3A_1240 = vector.shape_cast %add3A_1234 : vector<16xi32> to vector<1x16xi32>
    tpu.vector_store %arg8[%swap3A_1236, %swap3A_1237], %swap3A_1240 {strides = array<i32>} : memref<128x32xi32, #tpu.memory_space<vmem>>, vector<1x16xi32>,
    %add3A_1241 = arith.constant 16 : i32
    %add3A_1242 = vector.broadcast %add3A_1241 : i32 to vector<16xi32>
    %add3A_1243 = arith.addi %add3A_1234, %add3A_1242 : vector<16xi32>
    %swap3A_1244 = arith.constant 57 : i32
    %swap3A_1245 = arith.index_cast %swap3A_1244 : i32 to index
    %swap3A_1246 = arith.constant 16 : index
    %swap3A_1247 = tpu.vector_load %arg8[%swap3A_1245, %swap3A_1246] {strides = array<i32>} : memref<128x32xi32, #tpu.memory_space<vmem>>, vector<1x16xi32>,
    %swap3A_1248 = vector.shape_cast %swap3A_1247 : vector<1x16xi32> to vector<16xi32>
    %swap3A_1249 = vector.shape_cast %add3A_1243 : vector<16xi32> to vector<1x16xi32>
    tpu.vector_store %arg8[%swap3A_1245, %swap3A_1246], %swap3A_1249 {strides = array<i32>} : memref<128x32xi32, #tpu.memory_space<vmem>>, vector<1x16xi32>,
    %slice3A_1250 = vector.extract_strided_slice %get3A_1039 {offsets = [10], sizes = [1], strides = [1]} : vector<16xi32> to vector<1xi32>
    %squeeze3A_1251 = vector.extract %slice3A_1250[0] : i32 from vector<1xi32>
    %mul3A_1252 = arith.constant 32 : i32
    %mul3A_1253 = arith.muli %squeeze3A_1251, %mul3A_1252 : i32
    %add3A_1254 = vector.broadcast %mul3A_1253 : i32 to vector<16xi32>
    %add3A_1255 = arith.addi %add3A_1254, %iota3A : vector<16xi32>
    %swap3A_1256 = arith.constant 58 : i32
    %swap3A_1257 = arith.index_cast %swap3A_1256 : i32 to index
    %swap3A_1258 = arith.constant 0 : index
    %swap3A_1259 = tpu.vector_load %arg8[%swap3A_1257, %swap3A_1258] {strides = array<i32>} : memref<128x32xi32, #tpu.memory_space<vmem>>, vector<1x16xi32>,
    %swap3A_1260 = vector.shape_cast %swap3A_1259 : vector<1x16xi32> to vector<16xi32>
    %swap3A_1261 = vector.shape_cast %add3A_1255 : vector<16xi32> to vector<1x16xi32>
    tpu.vector_store %arg8[%swap3A_1257, %swap3A_1258], %swap3A_1261 {strides = array<i32>} : memref<128x32xi32, #tpu.memory_space<vmem>>, vector<1x16xi32>,
    %add3A_1262 = arith.constant 16 : i32
    %add3A_1263 = vector.broadcast %add3A_1262 : i32 to vector<16xi32>
    %add3A_1264 = arith.addi %add3A_1255, %add3A_1263 : vector<16xi32>
    %swap3A_1265 = arith.constant 58 : i32
    %swap3A_1266 = arith.index_cast %swap3A_1265 : i32 to index
    %swap3A_1267 = arith.constant 16 : index
    %swap3A_1268 = tpu.vector_load %arg8[%swap3A_1266, %swap3A_1267] {strides = array<i32>} : memref<128x32xi32, #tpu.memory_space<vmem>>, vector<1x16xi32>,
    %swap3A_1269 = vector.shape_cast %swap3A_1268 : vector<1x16xi32> to vector<16xi32>
    %swap3A_1270 = vector.shape_cast %add3A_1264 : vector<16xi32> to vector<1x16xi32>
    tpu.vector_store %arg8[%swap3A_1266, %swap3A_1267], %swap3A_1270 {strides = array<i32>} : memref<128x32xi32, #tpu.memory_space<vmem>>, vector<1x16xi32>,
    %slice3A_1271 = vector.extract_strided_slice %get3A_1039 {offsets = [11], sizes = [1], strides = [1]} : vector<16xi32> to vector<1xi32>
    %squeeze3A_1272 = vector.extract %slice3A_1271[0] : i32 from vector<1xi32>
    %mul3A_1273 = arith.constant 32 : i32
    %mul3A_1274 = arith.muli %squeeze3A_1272, %mul3A_1273 : i32
    %add3A_1275 = vector.broadcast %mul3A_1274 : i32 to vector<16xi32>
    %add3A_1276 = arith.addi %add3A_1275, %iota3A : vector<16xi32>
    %swap3A_1277 = arith.constant 59 : i32
    %swap3A_1278 = arith.index_cast %swap3A_1277 : i32 to index
    %swap3A_1279 = arith.constant 0 : index
    %swap3A_1280 = tpu.vector_load %arg8[%swap3A_1278, %swap3A_1279] {strides = array<i32>} : memref<128x32xi32, #tpu.memory_space<vmem>>, vector<1x16xi32>,
    %swap3A_1281 = vector.shape_cast %swap3A_1280 : vector<1x16xi32> to vector<16xi32>
    %swap3A_1282 = vector.shape_cast %add3A_1276 : vector<16xi32> to vector<1x16xi32>
    tpu.vector_store %arg8[%swap3A_1278, %swap3A_1279], %swap3A_1282 {strides = array<i32>} : memref<128x32xi32, #tpu.memory_space<vmem>>, vector<1x16xi32>,
    %add3A_1283 = arith.constant 16 : i32
    %add3A_1284 = vector.broadcast %add3A_1283 : i32 to vector<16xi32>
    %add3A_1285 = arith.addi %add3A_1276, %add3A_1284 : vector<16xi32>
    %swap3A_1286 = arith.constant 59 : i32
    %swap3A_1287 = arith.index_cast %swap3A_1286 : i32 to index
    %swap3A_1288 = arith.constant 16 : index
    %swap3A_1289 = tpu.vector_load %arg8[%swap3A_1287, %swap3A_1288] {strides = array<i32>} : memref<128x32xi32, #tpu.memory_space<vmem>>, vector<1x16xi32>,
    %swap3A_1290 = vector.shape_cast %swap3A_1289 : vector<1x16xi32> to vector<16xi32>
    %swap3A_1291 = vector.shape_cast %add3A_1285 : vector<16xi32> to vector<1x16xi32>
    tpu.vector_store %arg8[%swap3A_1287, %swap3A_1288], %swap3A_1291 {strides = array<i32>} : memref<128x32xi32, #tpu.memory_space<vmem>>, vector<1x16xi32>,
    %slice3A_1292 = vector.extract_strided_slice %get3A_1039 {offsets = [12], sizes = [1], strides = [1]} : vector<16xi32> to vector<1xi32>
    %squeeze3A_1293 = vector.extract %slice3A_1292[0] : i32 from vector<1xi32>
    %mul3A_1294 = arith.constant 32 : i32
    %mul3A_1295 = arith.muli %squeeze3A_1293, %mul3A_1294 : i32
    %add3A_1296 = vector.broadcast %mul3A_1295 : i32 to vector<16xi32>
    %add3A_1297 = arith.addi %add3A_1296, %iota3A : vector<16xi32>
    %swap3A_1298 = arith.constant 60 : i32
    %swap3A_1299 = arith.index_cast %swap3A_1298 : i32 to index
    %swap3A_1300 = arith.constant 0 : index
    %swap3A_1301 = tpu.vector_load %arg8[%swap3A_1299, %swap3A_1300] {strides = array<i32>} : memref<128x32xi32, #tpu.memory_space<vmem>>, vector<1x16xi32>,
    %swap3A_1302 = vector.shape_cast %swap3A_1301 : vector<1x16xi32> to vector<16xi32>
    %swap3A_1303 = vector.shape_cast %add3A_1297 : vector<16xi32> to vector<1x16xi32>
    tpu.vector_store %arg8[%swap3A_1299, %swap3A_1300], %swap3A_1303 {strides = array<i32>} : memref<128x32xi32, #tpu.memory_space<vmem>>, vector<1x16xi32>,
    %add3A_1304 = arith.constant 16 : i32
    %add3A_1305 = vector.broadcast %add3A_1304 : i32 to vector<16xi32>
    %add3A_1306 = arith.addi %add3A_1297, %add3A_1305 : vector<16xi32>
    %swap3A_1307 = arith.constant 60 : i32
    %swap3A_1308 = arith.index_cast %swap3A_1307 : i32 to index
    %swap3A_1309 = arith.constant 16 : index
    %swap3A_1310 = tpu.vector_load %arg8[%swap3A_1308, %swap3A_1309] {strides = array<i32>} : memref<128x32xi32, #tpu.memory_space<vmem>>, vector<1x16xi32>,
    %swap3A_1311 = vector.shape_cast %swap3A_1310 : vector<1x16xi32> to vector<16xi32>
    %swap3A_1312 = vector.shape_cast %add3A_1306 : vector<16xi32> to vector<1x16xi32>
    tpu.vector_store %arg8[%swap3A_1308, %swap3A_1309], %swap3A_1312 {strides = array<i32>} : memref<128x32xi32, #tpu.memory_space<vmem>>, vector<1x16xi32>,
    %slice3A_1313 = vector.extract_strided_slice %get3A_1039 {offsets = [13], sizes = [1], strides = [1]} : vector<16xi32> to vector<1xi32>
    %squeeze3A_1314 = vector.extract %slice3A_1313[0] : i32 from vector<1xi32>
    %mul3A_1315 = arith.constant 32 : i32
    %mul3A_1316 = arith.muli %squeeze3A_1314, %mul3A_1315 : i32
    %add3A_1317 = vector.broadcast %mul3A_1316 : i32 to vector<16xi32>
    %add3A_1318 = arith.addi %add3A_1317, %iota3A : vector<16xi32>
    %swap3A_1319 = arith.constant 61 : i32
    %swap3A_1320 = arith.index_cast %swap3A_1319 : i32 to index
    %swap3A_1321 = arith.constant 0 : index
    %swap3A_1322 = tpu.vector_load %arg8[%swap3A_1320, %swap3A_1321] {strides = array<i32>} : memref<128x32xi32, #tpu.memory_space<vmem>>, vector<1x16xi32>,
    %swap3A_1323 = vector.shape_cast %swap3A_1322 : vector<1x16xi32> to vector<16xi32>
    %swap3A_1324 = vector.shape_cast %add3A_1318 : vector<16xi32> to vector<1x16xi32>
    tpu.vector_store %arg8[%swap3A_1320, %swap3A_1321], %swap3A_1324 {strides = array<i32>} : memref<128x32xi32, #tpu.memory_space<vmem>>, vector<1x16xi32>,
    %add3A_1325 = arith.constant 16 : i32
    %add3A_1326 = vector.broadcast %add3A_1325 : i32 to vector<16xi32>
    %add3A_1327 = arith.addi %add3A_1318, %add3A_1326 : vector<16xi32>
    %swap3A_1328 = arith.constant 61 : i32
    %swap3A_1329 = arith.index_cast %swap3A_1328 : i32 to index
    %swap3A_1330 = arith.constant 16 : index
    %swap3A_1331 = tpu.vector_load %arg8[%swap3A_1329, %swap3A_1330] {strides = array<i32>} : memref<128x32xi32, #tpu.memory_space<vmem>>, vector<1x16xi32>,
    %swap3A_1332 = vector.shape_cast %swap3A_1331 : vector<1x16xi32> to vector<16xi32>
    %swap3A_1333 = vector.shape_cast %add3A_1327 : vector<16xi32> to vector<1x16xi32>
    tpu.vector_store %arg8[%swap3A_1329, %swap3A_1330], %swap3A_1333 {strides = array<i32>} : memref<128x32xi32, #tpu.memory_space<vmem>>, vector<1x16xi32>,
    %slice3A_1334 = vector.extract_strided_slice %get3A_1039 {offsets = [14], sizes = [1], strides = [1]} : vector<16xi32> to vector<1xi32>
    %squeeze3A_1335 = vector.extract %slice3A_1334[0] : i32 from vector<1xi32>
    %mul3A_1336 = arith.constant 32 : i32
    %mul3A_1337 = arith.muli %squeeze3A_1335, %mul3A_1336 : i32
    %add3A_1338 = vector.broadcast %mul3A_1337 : i32 to vector<16xi32>
    %add3A_1339 = arith.addi %add3A_1338, %iota3A : vector<16xi32>
    %swap3A_1340 = arith.constant 62 : i32
    %swap3A_1341 = arith.index_cast %swap3A_1340 : i32 to index
    %swap3A_1342 = arith.constant 0 : index
    %swap3A_1343 = tpu.vector_load %arg8[%swap3A_1341, %swap3A_1342] {strides = array<i32>} : memref<128x32xi32, #tpu.memory_space<vmem>>, vector<1x16xi32>,
    %swap3A_1344 = vector.shape_cast %swap3A_1343 : vector<1x16xi32> to vector<16xi32>
    %swap3A_1345 = vector.shape_cast %add3A_1339 : vector<16xi32> to vector<1x16xi32>
    tpu.vector_store %arg8[%swap3A_1341, %swap3A_1342], %swap3A_1345 {strides = array<i32>} : memref<128x32xi32, #tpu.memory_space<vmem>>, vector<1x16xi32>,
    %add3A_1346 = arith.constant 16 : i32
    %add3A_1347 = vector.broadcast %add3A_1346 : i32 to vector<16xi32>
    %add3A_1348 = arith.addi %add3A_1339, %add3A_1347 : vector<16xi32>
    %swap3A_1349 = arith.constant 62 : i32
    %swap3A_1350 = arith.index_cast %swap3A_1349 : i32 to index
    %swap3A_1351 = arith.constant 16 : index
    %swap3A_1352 = tpu.vector_load %arg8[%swap3A_1350, %swap3A_1351] {strides = array<i32>} : memref<128x32xi32, #tpu.memory_space<vmem>>, vector<1x16xi32>,
    %swap3A_1353 = vector.shape_cast %swap3A_1352 : vector<1x16xi32> to vector<16xi32>
    %swap3A_1354 = vector.shape_cast %add3A_1348 : vector<16xi32> to vector<1x16xi32>
    tpu.vector_store %arg8[%swap3A_1350, %swap3A_1351], %swap3A_1354 {strides = array<i32>} : memref<128x32xi32, #tpu.memory_space<vmem>>, vector<1x16xi32>,
    %slice3A_1355 = vector.extract_strided_slice %get3A_1039 {offsets = [15], sizes = [1], strides = [1]} : vector<16xi32> to vector<1xi32>
    %squeeze3A_1356 = vector.extract %slice3A_1355[0] : i32 from vector<1xi32>
    %mul3A_1357 = arith.constant 32 : i32
    %mul3A_1358 = arith.muli %squeeze3A_1356, %mul3A_1357 : i32
    %add3A_1359 = vector.broadcast %mul3A_1358 : i32 to vector<16xi32>
    %add3A_1360 = arith.addi %add3A_1359, %iota3A : vector<16xi32>
    %swap3A_1361 = arith.constant 63 : i32
    %swap3A_1362 = arith.index_cast %swap3A_1361 : i32 to index
    %swap3A_1363 = arith.constant 0 : index
    %swap3A_1364 = tpu.vector_load %arg8[%swap3A_1362, %swap3A_1363] {strides = array<i32>} : memref<128x32xi32, #tpu.memory_space<vmem>>, vector<1x16xi32>,
    %swap3A_1365 = vector.shape_cast %swap3A_1364 : vector<1x16xi32> to vector<16xi32>
    %swap3A_1366 = vector.shape_cast %add3A_1360 : vector<16xi32> to vector<1x16xi32>
    tpu.vector_store %arg8[%swap3A_1362, %swap3A_1363], %swap3A_1366 {strides = array<i32>} : memref<128x32xi32, #tpu.memory_space<vmem>>, vector<1x16xi32>,
    %add3A_1367 = arith.constant 16 : i32
    %add3A_1368 = vector.broadcast %add3A_1367 : i32 to vector<16xi32>
    %add3A_1369 = arith.addi %add3A_1360, %add3A_1368 : vector<16xi32>
    %swap3A_1370 = arith.constant 63 : i32
    %swap3A_1371 = arith.index_cast %swap3A_1370 : i32 to index
    %swap3A_1372 = arith.constant 16 : index
    %swap3A_1373 = tpu.vector_load %arg8[%swap3A_1371, %swap3A_1372] {strides = array<i32>} : memref<128x32xi32, #tpu.memory_space<vmem>>, vector<1x16xi32>,
    %swap3A_1374 = vector.shape_cast %swap3A_1373 : vector<1x16xi32> to vector<16xi32>
    %swap3A_1375 = vector.shape_cast %add3A_1369 : vector<16xi32> to vector<1x16xi32>
    tpu.vector_store %arg8[%swap3A_1371, %swap3A_1372], %swap3A_1375 {strides = array<i32>} : memref<128x32xi32, #tpu.memory_space<vmem>>, vector<1x16xi32>,
    %mul3A_1376 = arith.constant 128 : i32
    %mul3A_1377 = arith.muli %arg1, %mul3A_1376 : i32
    %add3A_1378 = arith.constant 64 : i32
    %add3A_1379 = arith.addi %mul3A_1377, %add3A_1378 : i32
    %get3A_1380 = arith.index_cast %add3A_1379 : i32 to index
    %get3A_1381 = tpu.vector_load %arg7[%get3A_1380] {strides = array<i32>} : memref<2048xi32, #tpu.memory_space<vmem>>, vector<16xi32>,
    %get3A_1382 = vector.shape_cast %get3A_1381 : vector<16xi32> to vector<16xi32>
    %slice3A_1383 = vector.extract_strided_slice %get3A_1382 {offsets = [0], sizes = [1], strides = [1]} : vector<16xi32> to vector<1xi32>
    %squeeze3A_1384 = vector.extract %slice3A_1383[0] : i32 from vector<1xi32>
    %mul3A_1385 = arith.constant 32 : i32
    %mul3A_1386 = arith.muli %squeeze3A_1384, %mul3A_1385 : i32
    %add3A_1387 = vector.broadcast %mul3A_1386 : i32 to vector<16xi32>
    %add3A_1388 = arith.addi %add3A_1387, %iota3A : vector<16xi32>
    %swap3A_1389 = arith.constant 64 : i32
    %swap3A_1390 = arith.index_cast %swap3A_1389 : i32 to index
    %swap3A_1391 = arith.constant 0 : index
    %swap3A_1392 = tpu.vector_load %arg8[%swap3A_1390, %swap3A_1391] {strides = array<i32>} : memref<128x32xi32, #tpu.memory_space<vmem>>, vector<1x16xi32>,
    %swap3A_1393 = vector.shape_cast %swap3A_1392 : vector<1x16xi32> to vector<16xi32>
    %swap3A_1394 = vector.shape_cast %add3A_1388 : vector<16xi32> to vector<1x16xi32>
    tpu.vector_store %arg8[%swap3A_1390, %swap3A_1391], %swap3A_1394 {strides = array<i32>} : memref<128x32xi32, #tpu.memory_space<vmem>>, vector<1x16xi32>,
    %add3A_1395 = arith.constant 16 : i32
    %add3A_1396 = vector.broadcast %add3A_1395 : i32 to vector<16xi32>
    %add3A_1397 = arith.addi %add3A_1388, %add3A_1396 : vector<16xi32>
    %swap3A_1398 = arith.constant 64 : i32
    %swap3A_1399 = arith.index_cast %swap3A_1398 : i32 to index
    %swap3A_1400 = arith.constant 16 : index
    %swap3A_1401 = tpu.vector_load %arg8[%swap3A_1399, %swap3A_1400] {strides = array<i32>} : memref<128x32xi32, #tpu.memory_space<vmem>>, vector<1x16xi32>,
    %swap3A_1402 = vector.shape_cast %swap3A_1401 : vector<1x16xi32> to vector<16xi32>
    %swap3A_1403 = vector.shape_cast %add3A_1397 : vector<16xi32> to vector<1x16xi32>
    tpu.vector_store %arg8[%swap3A_1399, %swap3A_1400], %swap3A_1403 {strides = array<i32>} : memref<128x32xi32, #tpu.memory_space<vmem>>, vector<1x16xi32>,
    %slice3A_1404 = vector.extract_strided_slice %get3A_1382 {offsets = [1], sizes = [1], strides = [1]} : vector<16xi32> to vector<1xi32>
    %squeeze3A_1405 = vector.extract %slice3A_1404[0] : i32 from vector<1xi32>
    %mul3A_1406 = arith.constant 32 : i32
    %mul3A_1407 = arith.muli %squeeze3A_1405, %mul3A_1406 : i32
    %add3A_1408 = vector.broadcast %mul3A_1407 : i32 to vector<16xi32>
    %add3A_1409 = arith.addi %add3A_1408, %iota3A : vector<16xi32>
    %swap3A_1410 = arith.constant 65 : i32
    %swap3A_1411 = arith.index_cast %swap3A_1410 : i32 to index
    %swap3A_1412 = arith.constant 0 : index
    %swap3A_1413 = tpu.vector_load %arg8[%swap3A_1411, %swap3A_1412] {strides = array<i32>} : memref<128x32xi32, #tpu.memory_space<vmem>>, vector<1x16xi32>,
    %swap3A_1414 = vector.shape_cast %swap3A_1413 : vector<1x16xi32> to vector<16xi32>
    %swap3A_1415 = vector.shape_cast %add3A_1409 : vector<16xi32> to vector<1x16xi32>
    tpu.vector_store %arg8[%swap3A_1411, %swap3A_1412], %swap3A_1415 {strides = array<i32>} : memref<128x32xi32, #tpu.memory_space<vmem>>, vector<1x16xi32>,
    %add3A_1416 = arith.constant 16 : i32
    %add3A_1417 = vector.broadcast %add3A_1416 : i32 to vector<16xi32>
    %add3A_1418 = arith.addi %add3A_1409, %add3A_1417 : vector<16xi32>
    %swap3A_1419 = arith.constant 65 : i32
    %swap3A_1420 = arith.index_cast %swap3A_1419 : i32 to index
    %swap3A_1421 = arith.constant 16 : index
    %swap3A_1422 = tpu.vector_load %arg8[%swap3A_1420, %swap3A_1421] {strides = array<i32>} : memref<128x32xi32, #tpu.memory_space<vmem>>, vector<1x16xi32>,
    %swap3A_1423 = vector.shape_cast %swap3A_1422 : vector<1x16xi32> to vector<16xi32>
    %swap3A_1424 = vector.shape_cast %add3A_1418 : vector<16xi32> to vector<1x16xi32>
    tpu.vector_store %arg8[%swap3A_1420, %swap3A_1421], %swap3A_1424 {strides = array<i32>} : memref<128x32xi32, #tpu.memory_space<vmem>>, vector<1x16xi32>,
    %slice3A_1425 = vector.extract_strided_slice %get3A_1382 {offsets = [2], sizes = [1], strides = [1]} : vector<16xi32> to vector<1xi32>
    %squeeze3A_1426 = vector.extract %slice3A_1425[0] : i32 from vector<1xi32>
    %mul3A_1427 = arith.constant 32 : i32
    %mul3A_1428 = arith.muli %squeeze3A_1426, %mul3A_1427 : i32
    %add3A_1429 = vector.broadcast %mul3A_1428 : i32 to vector<16xi32>
    %add3A_1430 = arith.addi %add3A_1429, %iota3A : vector<16xi32>
    %swap3A_1431 = arith.constant 66 : i32
    %swap3A_1432 = arith.index_cast %swap3A_1431 : i32 to index
    %swap3A_1433 = arith.constant 0 : index
    %swap3A_1434 = tpu.vector_load %arg8[%swap3A_1432, %swap3A_1433] {strides = array<i32>} : memref<128x32xi32, #tpu.memory_space<vmem>>, vector<1x16xi32>,
    %swap3A_1435 = vector.shape_cast %swap3A_1434 : vector<1x16xi32> to vector<16xi32>
    %swap3A_1436 = vector.shape_cast %add3A_1430 : vector<16xi32> to vector<1x16xi32>
    tpu.vector_store %arg8[%swap3A_1432, %swap3A_1433], %swap3A_1436 {strides = array<i32>} : memref<128x32xi32, #tpu.memory_space<vmem>>, vector<1x16xi32>,
    %add3A_1437 = arith.constant 16 : i32
    %add3A_1438 = vector.broadcast %add3A_1437 : i32 to vector<16xi32>
    %add3A_1439 = arith.addi %add3A_1430, %add3A_1438 : vector<16xi32>
    %swap3A_1440 = arith.constant 66 : i32
    %swap3A_1441 = arith.index_cast %swap3A_1440 : i32 to index
    %swap3A_1442 = arith.constant 16 : index
    %swap3A_1443 = tpu.vector_load %arg8[%swap3A_1441, %swap3A_1442] {strides = array<i32>} : memref<128x32xi32, #tpu.memory_space<vmem>>, vector<1x16xi32>,
    %swap3A_1444 = vector.shape_cast %swap3A_1443 : vector<1x16xi32> to vector<16xi32>
    %swap3A_1445 = vector.shape_cast %add3A_1439 : vector<16xi32> to vector<1x16xi32>
    tpu.vector_store %arg8[%swap3A_1441, %swap3A_1442], %swap3A_1445 {strides = array<i32>} : memref<128x32xi32, #tpu.memory_space<vmem>>, vector<1x16xi32>,
    %slice3A_1446 = vector.extract_strided_slice %get3A_1382 {offsets = [3], sizes = [1], strides = [1]} : vector<16xi32> to vector<1xi32>
    %squeeze3A_1447 = vector.extract %slice3A_1446[0] : i32 from vector<1xi32>
    %mul3A_1448 = arith.constant 32 : i32
    %mul3A_1449 = arith.muli %squeeze3A_1447, %mul3A_1448 : i32
    %add3A_1450 = vector.broadcast %mul3A_1449 : i32 to vector<16xi32>
    %add3A_1451 = arith.addi %add3A_1450, %iota3A : vector<16xi32>
    %swap3A_1452 = arith.constant 67 : i32
    %swap3A_1453 = arith.index_cast %swap3A_1452 : i32 to index
    %swap3A_1454 = arith.constant 0 : index
    %swap3A_1455 = tpu.vector_load %arg8[%swap3A_1453, %swap3A_1454] {strides = array<i32>} : memref<128x32xi32, #tpu.memory_space<vmem>>, vector<1x16xi32>,
    %swap3A_1456 = vector.shape_cast %swap3A_1455 : vector<1x16xi32> to vector<16xi32>
    %swap3A_1457 = vector.shape_cast %add3A_1451 : vector<16xi32> to vector<1x16xi32>
    tpu.vector_store %arg8[%swap3A_1453, %swap3A_1454], %swap3A_1457 {strides = array<i32>} : memref<128x32xi32, #tpu.memory_space<vmem>>, vector<1x16xi32>,
    %add3A_1458 = arith.constant 16 : i32
    %add3A_1459 = vector.broadcast %add3A_1458 : i32 to vector<16xi32>
    %add3A_1460 = arith.addi %add3A_1451, %add3A_1459 : vector<16xi32>
    %swap3A_1461 = arith.constant 67 : i32
    %swap3A_1462 = arith.index_cast %swap3A_1461 : i32 to index
    %swap3A_1463 = arith.constant 16 : index
    %swap3A_1464 = tpu.vector_load %arg8[%swap3A_1462, %swap3A_1463] {strides = array<i32>} : memref<128x32xi32, #tpu.memory_space<vmem>>, vector<1x16xi32>,
    %swap3A_1465 = vector.shape_cast %swap3A_1464 : vector<1x16xi32> to vector<16xi32>
    %swap3A_1466 = vector.shape_cast %add3A_1460 : vector<16xi32> to vector<1x16xi32>
    tpu.vector_store %arg8[%swap3A_1462, %swap3A_1463], %swap3A_1466 {strides = array<i32>} : memref<128x32xi32, #tpu.memory_space<vmem>>, vector<1x16xi32>,
    %slice3A_1467 = vector.extract_strided_slice %get3A_1382 {offsets = [4], sizes = [1], strides = [1]} : vector<16xi32> to vector<1xi32>
    %squeeze3A_1468 = vector.extract %slice3A_1467[0] : i32 from vector<1xi32>
    %mul3A_1469 = arith.constant 32 : i32
    %mul3A_1470 = arith.muli %squeeze3A_1468, %mul3A_1469 : i32
    %add3A_1471 = vector.broadcast %mul3A_1470 : i32 to vector<16xi32>
    %add3A_1472 = arith.addi %add3A_1471, %iota3A : vector<16xi32>
    %swap3A_1473 = arith.constant 68 : i32
    %swap3A_1474 = arith.index_cast %swap3A_1473 : i32 to index
    %swap3A_1475 = arith.constant 0 : index
    %swap3A_1476 = tpu.vector_load %arg8[%swap3A_1474, %swap3A_1475] {strides = array<i32>} : memref<128x32xi32, #tpu.memory_space<vmem>>, vector<1x16xi32>,
    %swap3A_1477 = vector.shape_cast %swap3A_1476 : vector<1x16xi32> to vector<16xi32>
    %swap3A_1478 = vector.shape_cast %add3A_1472 : vector<16xi32> to vector<1x16xi32>
    tpu.vector_store %arg8[%swap3A_1474, %swap3A_1475], %swap3A_1478 {strides = array<i32>} : memref<128x32xi32, #tpu.memory_space<vmem>>, vector<1x16xi32>,
    %add3A_1479 = arith.constant 16 : i32
    %add3A_1480 = vector.broadcast %add3A_1479 : i32 to vector<16xi32>
    %add3A_1481 = arith.addi %add3A_1472, %add3A_1480 : vector<16xi32>
    %swap3A_1482 = arith.constant 68 : i32
    %swap3A_1483 = arith.index_cast %swap3A_1482 : i32 to index
    %swap3A_1484 = arith.constant 16 : index
    %swap3A_1485 = tpu.vector_load %arg8[%swap3A_1483, %swap3A_1484] {strides = array<i32>} : memref<128x32xi32, #tpu.memory_space<vmem>>, vector<1x16xi32>,
    %swap3A_1486 = vector.shape_cast %swap3A_1485 : vector<1x16xi32> to vector<16xi32>
    %swap3A_1487 = vector.shape_cast %add3A_1481 : vector<16xi32> to vector<1x16xi32>
    tpu.vector_store %arg8[%swap3A_1483, %swap3A_1484], %swap3A_1487 {strides = array<i32>} : memref<128x32xi32, #tpu.memory_space<vmem>>, vector<1x16xi32>,
    %slice3A_1488 = vector.extract_strided_slice %get3A_1382 {offsets = [5], sizes = [1], strides = [1]} : vector<16xi32> to vector<1xi32>
    %squeeze3A_1489 = vector.extract %slice3A_1488[0] : i32 from vector<1xi32>
    %mul3A_1490 = arith.constant 32 : i32
    %mul3A_1491 = arith.muli %squeeze3A_1489, %mul3A_1490 : i32
    %add3A_1492 = vector.broadcast %mul3A_1491 : i32 to vector<16xi32>
    %add3A_1493 = arith.addi %add3A_1492, %iota3A : vector<16xi32>
    %swap3A_1494 = arith.constant 69 : i32
    %swap3A_1495 = arith.index_cast %swap3A_1494 : i32 to index
    %swap3A_1496 = arith.constant 0 : index
    %swap3A_1497 = tpu.vector_load %arg8[%swap3A_1495, %swap3A_1496] {strides = array<i32>} : memref<128x32xi32, #tpu.memory_space<vmem>>, vector<1x16xi32>,
    %swap3A_1498 = vector.shape_cast %swap3A_1497 : vector<1x16xi32> to vector<16xi32>
    %swap3A_1499 = vector.shape_cast %add3A_1493 : vector<16xi32> to vector<1x16xi32>
    tpu.vector_store %arg8[%swap3A_1495, %swap3A_1496], %swap3A_1499 {strides = array<i32>} : memref<128x32xi32, #tpu.memory_space<vmem>>, vector<1x16xi32>,
    %add3A_1500 = arith.constant 16 : i32
    %add3A_1501 = vector.broadcast %add3A_1500 : i32 to vector<16xi32>
    %add3A_1502 = arith.addi %add3A_1493, %add3A_1501 : vector<16xi32>
    %swap3A_1503 = arith.constant 69 : i32
    %swap3A_1504 = arith.index_cast %swap3A_1503 : i32 to index
    %swap3A_1505 = arith.constant 16 : index
    %swap3A_1506 = tpu.vector_load %arg8[%swap3A_1504, %swap3A_1505] {strides = array<i32>} : memref<128x32xi32, #tpu.memory_space<vmem>>, vector<1x16xi32>,
    %swap3A_1507 = vector.shape_cast %swap3A_1506 : vector<1x16xi32> to vector<16xi32>
    %swap3A_1508 = vector.shape_cast %add3A_1502 : vector<16xi32> to vector<1x16xi32>
    tpu.vector_store %arg8[%swap3A_1504, %swap3A_1505], %swap3A_1508 {strides = array<i32>} : memref<128x32xi32, #tpu.memory_space<vmem>>, vector<1x16xi32>,
    %slice3A_1509 = vector.extract_strided_slice %get3A_1382 {offsets = [6], sizes = [1], strides = [1]} : vector<16xi32> to vector<1xi32>
    %squeeze3A_1510 = vector.extract %slice3A_1509[0] : i32 from vector<1xi32>
    %mul3A_1511 = arith.constant 32 : i32
    %mul3A_1512 = arith.muli %squeeze3A_1510, %mul3A_1511 : i32
    %add3A_1513 = vector.broadcast %mul3A_1512 : i32 to vector<16xi32>
    %add3A_1514 = arith.addi %add3A_1513, %iota3A : vector<16xi32>
    %swap3A_1515 = arith.constant 70 : i32
    %swap3A_1516 = arith.index_cast %swap3A_1515 : i32 to index
    %swap3A_1517 = arith.constant 0 : index
    %swap3A_1518 = tpu.vector_load %arg8[%swap3A_1516, %swap3A_1517] {strides = array<i32>} : memref<128x32xi32, #tpu.memory_space<vmem>>, vector<1x16xi32>,
    %swap3A_1519 = vector.shape_cast %swap3A_1518 : vector<1x16xi32> to vector<16xi32>
    %swap3A_1520 = vector.shape_cast %add3A_1514 : vector<16xi32> to vector<1x16xi32>
    tpu.vector_store %arg8[%swap3A_1516, %swap3A_1517], %swap3A_1520 {strides = array<i32>} : memref<128x32xi32, #tpu.memory_space<vmem>>, vector<1x16xi32>,
    %add3A_1521 = arith.constant 16 : i32
    %add3A_1522 = vector.broadcast %add3A_1521 : i32 to vector<16xi32>
    %add3A_1523 = arith.addi %add3A_1514, %add3A_1522 : vector<16xi32>
    %swap3A_1524 = arith.constant 70 : i32
    %swap3A_1525 = arith.index_cast %swap3A_1524 : i32 to index
    %swap3A_1526 = arith.constant 16 : index
    %swap3A_1527 = tpu.vector_load %arg8[%swap3A_1525, %swap3A_1526] {strides = array<i32>} : memref<128x32xi32, #tpu.memory_space<vmem>>, vector<1x16xi32>,
    %swap3A_1528 = vector.shape_cast %swap3A_1527 : vector<1x16xi32> to vector<16xi32>
    %swap3A_1529 = vector.shape_cast %add3A_1523 : vector<16xi32> to vector<1x16xi32>
    tpu.vector_store %arg8[%swap3A_1525, %swap3A_1526], %swap3A_1529 {strides = array<i32>} : memref<128x32xi32, #tpu.memory_space<vmem>>, vector<1x16xi32>,
    %slice3A_1530 = vector.extract_strided_slice %get3A_1382 {offsets = [7], sizes = [1], strides = [1]} : vector<16xi32> to vector<1xi32>
    %squeeze3A_1531 = vector.extract %slice3A_1530[0] : i32 from vector<1xi32>
    %mul3A_1532 = arith.constant 32 : i32
    %mul3A_1533 = arith.muli %squeeze3A_1531, %mul3A_1532 : i32
    %add3A_1534 = vector.broadcast %mul3A_1533 : i32 to vector<16xi32>
    %add3A_1535 = arith.addi %add3A_1534, %iota3A : vector<16xi32>
    %swap3A_1536 = arith.constant 71 : i32
    %swap3A_1537 = arith.index_cast %swap3A_1536 : i32 to index
    %swap3A_1538 = arith.constant 0 : index
    %swap3A_1539 = tpu.vector_load %arg8[%swap3A_1537, %swap3A_1538] {strides = array<i32>} : memref<128x32xi32, #tpu.memory_space<vmem>>, vector<1x16xi32>,
    %swap3A_1540 = vector.shape_cast %swap3A_1539 : vector<1x16xi32> to vector<16xi32>
    %swap3A_1541 = vector.shape_cast %add3A_1535 : vector<16xi32> to vector<1x16xi32>
    tpu.vector_store %arg8[%swap3A_1537, %swap3A_1538], %swap3A_1541 {strides = array<i32>} : memref<128x32xi32, #tpu.memory_space<vmem>>, vector<1x16xi32>,
    %add3A_1542 = arith.constant 16 : i32
    %add3A_1543 = vector.broadcast %add3A_1542 : i32 to vector<16xi32>
    %add3A_1544 = arith.addi %add3A_1535, %add3A_1543 : vector<16xi32>
    %swap3A_1545 = arith.constant 71 : i32
    %swap3A_1546 = arith.index_cast %swap3A_1545 : i32 to index
    %swap3A_1547 = arith.constant 16 : index
    %swap3A_1548 = tpu.vector_load %arg8[%swap3A_1546, %swap3A_1547] {strides = array<i32>} : memref<128x32xi32, #tpu.memory_space<vmem>>, vector<1x16xi32>,
    %swap3A_1549 = vector.shape_cast %swap3A_1548 : vector<1x16xi32> to vector<16xi32>
    %swap3A_1550 = vector.shape_cast %add3A_1544 : vector<16xi32> to vector<1x16xi32>
    tpu.vector_store %arg8[%swap3A_1546, %swap3A_1547], %swap3A_1550 {strides = array<i32>} : memref<128x32xi32, #tpu.memory_space<vmem>>, vector<1x16xi32>,
    %slice3A_1551 = vector.extract_strided_slice %get3A_1382 {offsets = [8], sizes = [1], strides = [1]} : vector<16xi32> to vector<1xi32>
    %squeeze3A_1552 = vector.extract %slice3A_1551[0] : i32 from vector<1xi32>
    %mul3A_1553 = arith.constant 32 : i32
    %mul3A_1554 = arith.muli %squeeze3A_1552, %mul3A_1553 : i32
    %add3A_1555 = vector.broadcast %mul3A_1554 : i32 to vector<16xi32>
    %add3A_1556 = arith.addi %add3A_1555, %iota3A : vector<16xi32>
    %swap3A_1557 = arith.constant 72 : i32
    %swap3A_1558 = arith.index_cast %swap3A_1557 : i32 to index
    %swap3A_1559 = arith.constant 0 : index
    %swap3A_1560 = tpu.vector_load %arg8[%swap3A_1558, %swap3A_1559] {strides = array<i32>} : memref<128x32xi32, #tpu.memory_space<vmem>>, vector<1x16xi32>,
    %swap3A_1561 = vector.shape_cast %swap3A_1560 : vector<1x16xi32> to vector<16xi32>
    %swap3A_1562 = vector.shape_cast %add3A_1556 : vector<16xi32> to vector<1x16xi32>
    tpu.vector_store %arg8[%swap3A_1558, %swap3A_1559], %swap3A_1562 {strides = array<i32>} : memref<128x32xi32, #tpu.memory_space<vmem>>, vector<1x16xi32>,
    %add3A_1563 = arith.constant 16 : i32
    %add3A_1564 = vector.broadcast %add3A_1563 : i32 to vector<16xi32>
    %add3A_1565 = arith.addi %add3A_1556, %add3A_1564 : vector<16xi32>
    %swap3A_1566 = arith.constant 72 : i32
    %swap3A_1567 = arith.index_cast %swap3A_1566 : i32 to index
    %swap3A_1568 = arith.constant 16 : index
    %swap3A_1569 = tpu.vector_load %arg8[%swap3A_1567, %swap3A_1568] {strides = array<i32>} : memref<128x32xi32, #tpu.memory_space<vmem>>, vector<1x16xi32>,
    %swap3A_1570 = vector.shape_cast %swap3A_1569 : vector<1x16xi32> to vector<16xi32>
    %swap3A_1571 = vector.shape_cast %add3A_1565 : vector<16xi32> to vector<1x16xi32>
    tpu.vector_store %arg8[%swap3A_1567, %swap3A_1568], %swap3A_1571 {strides = array<i32>} : memref<128x32xi32, #tpu.memory_space<vmem>>, vector<1x16xi32>,
    %slice3A_1572 = vector.extract_strided_slice %get3A_1382 {offsets = [9], sizes = [1], strides = [1]} : vector<16xi32> to vector<1xi32>
    %squeeze3A_1573 = vector.extract %slice3A_1572[0] : i32 from vector<1xi32>
    %mul3A_1574 = arith.constant 32 : i32
    %mul3A_1575 = arith.muli %squeeze3A_1573, %mul3A_1574 : i32
    %add3A_1576 = vector.broadcast %mul3A_1575 : i32 to vector<16xi32>
    %add3A_1577 = arith.addi %add3A_1576, %iota3A : vector<16xi32>
    %swap3A_1578 = arith.constant 73 : i32
    %swap3A_1579 = arith.index_cast %swap3A_1578 : i32 to index
    %swap3A_1580 = arith.constant 0 : index
    %swap3A_1581 = tpu.vector_load %arg8[%swap3A_1579, %swap3A_1580] {strides = array<i32>} : memref<128x32xi32, #tpu.memory_space<vmem>>, vector<1x16xi32>,
    %swap3A_1582 = vector.shape_cast %swap3A_1581 : vector<1x16xi32> to vector<16xi32>
    %swap3A_1583 = vector.shape_cast %add3A_1577 : vector<16xi32> to vector<1x16xi32>
    tpu.vector_store %arg8[%swap3A_1579, %swap3A_1580], %swap3A_1583 {strides = array<i32>} : memref<128x32xi32, #tpu.memory_space<vmem>>, vector<1x16xi32>,
    %add3A_1584 = arith.constant 16 : i32
    %add3A_1585 = vector.broadcast %add3A_1584 : i32 to vector<16xi32>
    %add3A_1586 = arith.addi %add3A_1577, %add3A_1585 : vector<16xi32>
    %swap3A_1587 = arith.constant 73 : i32
    %swap3A_1588 = arith.index_cast %swap3A_1587 : i32 to index
    %swap3A_1589 = arith.constant 16 : index
    %swap3A_1590 = tpu.vector_load %arg8[%swap3A_1588, %swap3A_1589] {strides = array<i32>} : memref<128x32xi32, #tpu.memory_space<vmem>>, vector<1x16xi32>,
    %swap3A_1591 = vector.shape_cast %swap3A_1590 : vector<1x16xi32> to vector<16xi32>
    %swap3A_1592 = vector.shape_cast %add3A_1586 : vector<16xi32> to vector<1x16xi32>
    tpu.vector_store %arg8[%swap3A_1588, %swap3A_1589], %swap3A_1592 {strides = array<i32>} : memref<128x32xi32, #tpu.memory_space<vmem>>, vector<1x16xi32>,
    %slice3A_1593 = vector.extract_strided_slice %get3A_1382 {offsets = [10], sizes = [1], strides = [1]} : vector<16xi32> to vector<1xi32>
    %squeeze3A_1594 = vector.extract %slice3A_1593[0] : i32 from vector<1xi32>
    %mul3A_1595 = arith.constant 32 : i32
    %mul3A_1596 = arith.muli %squeeze3A_1594, %mul3A_1595 : i32
    %add3A_1597 = vector.broadcast %mul3A_1596 : i32 to vector<16xi32>
    %add3A_1598 = arith.addi %add3A_1597, %iota3A : vector<16xi32>
    %swap3A_1599 = arith.constant 74 : i32
    %swap3A_1600 = arith.index_cast %swap3A_1599 : i32 to index
    %swap3A_1601 = arith.constant 0 : index
    %swap3A_1602 = tpu.vector_load %arg8[%swap3A_1600, %swap3A_1601] {strides = array<i32>} : memref<128x32xi32, #tpu.memory_space<vmem>>, vector<1x16xi32>,
    %swap3A_1603 = vector.shape_cast %swap3A_1602 : vector<1x16xi32> to vector<16xi32>
    %swap3A_1604 = vector.shape_cast %add3A_1598 : vector<16xi32> to vector<1x16xi32>
    tpu.vector_store %arg8[%swap3A_1600, %swap3A_1601], %swap3A_1604 {strides = array<i32>} : memref<128x32xi32, #tpu.memory_space<vmem>>, vector<1x16xi32>,
    %add3A_1605 = arith.constant 16 : i32
    %add3A_1606 = vector.broadcast %add3A_1605 : i32 to vector<16xi32>
    %add3A_1607 = arith.addi %add3A_1598, %add3A_1606 : vector<16xi32>
    %swap3A_1608 = arith.constant 74 : i32
    %swap3A_1609 = arith.index_cast %swap3A_1608 : i32 to index
    %swap3A_1610 = arith.constant 16 : index
    %swap3A_1611 = tpu.vector_load %arg8[%swap3A_1609, %swap3A_1610] {strides = array<i32>} : memref<128x32xi32, #tpu.memory_space<vmem>>, vector<1x16xi32>,
    %swap3A_1612 = vector.shape_cast %swap3A_1611 : vector<1x16xi32> to vector<16xi32>
    %swap3A_1613 = vector.shape_cast %add3A_1607 : vector<16xi32> to vector<1x16xi32>
    tpu.vector_store %arg8[%swap3A_1609, %swap3A_1610], %swap3A_1613 {strides = array<i32>} : memref<128x32xi32, #tpu.memory_space<vmem>>, vector<1x16xi32>,
    %slice3A_1614 = vector.extract_strided_slice %get3A_1382 {offsets = [11], sizes = [1], strides = [1]} : vector<16xi32> to vector<1xi32>
    %squeeze3A_1615 = vector.extract %slice3A_1614[0] : i32 from vector<1xi32>
    %mul3A_1616 = arith.constant 32 : i32
    %mul3A_1617 = arith.muli %squeeze3A_1615, %mul3A_1616 : i32
    %add3A_1618 = vector.broadcast %mul3A_1617 : i32 to vector<16xi32>
    %add3A_1619 = arith.addi %add3A_1618, %iota3A : vector<16xi32>
    %swap3A_1620 = arith.constant 75 : i32
    %swap3A_1621 = arith.index_cast %swap3A_1620 : i32 to index
    %swap3A_1622 = arith.constant 0 : index
    %swap3A_1623 = tpu.vector_load %arg8[%swap3A_1621, %swap3A_1622] {strides = array<i32>} : memref<128x32xi32, #tpu.memory_space<vmem>>, vector<1x16xi32>,
    %swap3A_1624 = vector.shape_cast %swap3A_1623 : vector<1x16xi32> to vector<16xi32>
    %swap3A_1625 = vector.shape_cast %add3A_1619 : vector<16xi32> to vector<1x16xi32>
    tpu.vector_store %arg8[%swap3A_1621, %swap3A_1622], %swap3A_1625 {strides = array<i32>} : memref<128x32xi32, #tpu.memory_space<vmem>>, vector<1x16xi32>,
    %add3A_1626 = arith.constant 16 : i32
    %add3A_1627 = vector.broadcast %add3A_1626 : i32 to vector<16xi32>
    %add3A_1628 = arith.addi %add3A_1619, %add3A_1627 : vector<16xi32>
    %swap3A_1629 = arith.constant 75 : i32
    %swap3A_1630 = arith.index_cast %swap3A_1629 : i32 to index
    %swap3A_1631 = arith.constant 16 : index
    %swap3A_1632 = tpu.vector_load %arg8[%swap3A_1630, %swap3A_1631] {strides = array<i32>} : memref<128x32xi32, #tpu.memory_space<vmem>>, vector<1x16xi32>,
    %swap3A_1633 = vector.shape_cast %swap3A_1632 : vector<1x16xi32> to vector<16xi32>
    %swap3A_1634 = vector.shape_cast %add3A_1628 : vector<16xi32> to vector<1x16xi32>
    tpu.vector_store %arg8[%swap3A_1630, %swap3A_1631], %swap3A_1634 {strides = array<i32>} : memref<128x32xi32, #tpu.memory_space<vmem>>, vector<1x16xi32>,
    %slice3A_1635 = vector.extract_strided_slice %get3A_1382 {offsets = [12], sizes = [1], strides = [1]} : vector<16xi32> to vector<1xi32>
    %squeeze3A_1636 = vector.extract %slice3A_1635[0] : i32 from vector<1xi32>
    %mul3A_1637 = arith.constant 32 : i32
    %mul3A_1638 = arith.muli %squeeze3A_1636, %mul3A_1637 : i32
    %add3A_1639 = vector.broadcast %mul3A_1638 : i32 to vector<16xi32>
    %add3A_1640 = arith.addi %add3A_1639, %iota3A : vector<16xi32>
    %swap3A_1641 = arith.constant 76 : i32
    %swap3A_1642 = arith.index_cast %swap3A_1641 : i32 to index
    %swap3A_1643 = arith.constant 0 : index
    %swap3A_1644 = tpu.vector_load %arg8[%swap3A_1642, %swap3A_1643] {strides = array<i32>} : memref<128x32xi32, #tpu.memory_space<vmem>>, vector<1x16xi32>,
    %swap3A_1645 = vector.shape_cast %swap3A_1644 : vector<1x16xi32> to vector<16xi32>
    %swap3A_1646 = vector.shape_cast %add3A_1640 : vector<16xi32> to vector<1x16xi32>
    tpu.vector_store %arg8[%swap3A_1642, %swap3A_1643], %swap3A_1646 {strides = array<i32>} : memref<128x32xi32, #tpu.memory_space<vmem>>, vector<1x16xi32>,
    %add3A_1647 = arith.constant 16 : i32
    %add3A_1648 = vector.broadcast %add3A_1647 : i32 to vector<16xi32>
    %add3A_1649 = arith.addi %add3A_1640, %add3A_1648 : vector<16xi32>
    %swap3A_1650 = arith.constant 76 : i32
    %swap3A_1651 = arith.index_cast %swap3A_1650 : i32 to index
    %swap3A_1652 = arith.constant 16 : index
    %swap3A_1653 = tpu.vector_load %arg8[%swap3A_1651, %swap3A_1652] {strides = array<i32>} : memref<128x32xi32, #tpu.memory_space<vmem>>, vector<1x16xi32>,
    %swap3A_1654 = vector.shape_cast %swap3A_1653 : vector<1x16xi32> to vector<16xi32>
    %swap3A_1655 = vector.shape_cast %add3A_1649 : vector<16xi32> to vector<1x16xi32>
    tpu.vector_store %arg8[%swap3A_1651, %swap3A_1652], %swap3A_1655 {strides = array<i32>} : memref<128x32xi32, #tpu.memory_space<vmem>>, vector<1x16xi32>,
    %slice3A_1656 = vector.extract_strided_slice %get3A_1382 {offsets = [13], sizes = [1], strides = [1]} : vector<16xi32> to vector<1xi32>
    %squeeze3A_1657 = vector.extract %slice3A_1656[0] : i32 from vector<1xi32>
    %mul3A_1658 = arith.constant 32 : i32
    %mul3A_1659 = arith.muli %squeeze3A_1657, %mul3A_1658 : i32
    %add3A_1660 = vector.broadcast %mul3A_1659 : i32 to vector<16xi32>
    %add3A_1661 = arith.addi %add3A_1660, %iota3A : vector<16xi32>
    %swap3A_1662 = arith.constant 77 : i32
    %swap3A_1663 = arith.index_cast %swap3A_1662 : i32 to index
    %swap3A_1664 = arith.constant 0 : index
    %swap3A_1665 = tpu.vector_load %arg8[%swap3A_1663, %swap3A_1664] {strides = array<i32>} : memref<128x32xi32, #tpu.memory_space<vmem>>, vector<1x16xi32>,
    %swap3A_1666 = vector.shape_cast %swap3A_1665 : vector<1x16xi32> to vector<16xi32>
    %swap3A_1667 = vector.shape_cast %add3A_1661 : vector<16xi32> to vector<1x16xi32>
    tpu.vector_store %arg8[%swap3A_1663, %swap3A_1664], %swap3A_1667 {strides = array<i32>} : memref<128x32xi32, #tpu.memory_space<vmem>>, vector<1x16xi32>,
    %add3A_1668 = arith.constant 16 : i32
    %add3A_1669 = vector.broadcast %add3A_1668 : i32 to vector<16xi32>
    %add3A_1670 = arith.addi %add3A_1661, %add3A_1669 : vector<16xi32>
    %swap3A_1671 = arith.constant 77 : i32
    %swap3A_1672 = arith.index_cast %swap3A_1671 : i32 to index
    %swap3A_1673 = arith.constant 16 : index
    %swap3A_1674 = tpu.vector_load %arg8[%swap3A_1672, %swap3A_1673] {strides = array<i32>} : memref<128x32xi32, #tpu.memory_space<vmem>>, vector<1x16xi32>,
    %swap3A_1675 = vector.shape_cast %swap3A_1674 : vector<1x16xi32> to vector<16xi32>
    %swap3A_1676 = vector.shape_cast %add3A_1670 : vector<16xi32> to vector<1x16xi32>
    tpu.vector_store %arg8[%swap3A_1672, %swap3A_1673], %swap3A_1676 {strides = array<i32>} : memref<128x32xi32, #tpu.memory_space<vmem>>, vector<1x16xi32>,
    %slice3A_1677 = vector.extract_strided_slice %get3A_1382 {offsets = [14], sizes = [1], strides = [1]} : vector<16xi32> to vector<1xi32>
    %squeeze3A_1678 = vector.extract %slice3A_1677[0] : i32 from vector<1xi32>
    %mul3A_1679 = arith.constant 32 : i32
    %mul3A_1680 = arith.muli %squeeze3A_1678, %mul3A_1679 : i32
    %add3A_1681 = vector.broadcast %mul3A_1680 : i32 to vector<16xi32>
    %add3A_1682 = arith.addi %add3A_1681, %iota3A : vector<16xi32>
    %swap3A_1683 = arith.constant 78 : i32
    %swap3A_1684 = arith.index_cast %swap3A_1683 : i32 to index
    %swap3A_1685 = arith.constant 0 : index
    %swap3A_1686 = tpu.vector_load %arg8[%swap3A_1684, %swap3A_1685] {strides = array<i32>} : memref<128x32xi32, #tpu.memory_space<vmem>>, vector<1x16xi32>,
    %swap3A_1687 = vector.shape_cast %swap3A_1686 : vector<1x16xi32> to vector<16xi32>
    %swap3A_1688 = vector.shape_cast %add3A_1682 : vector<16xi32> to vector<1x16xi32>
    tpu.vector_store %arg8[%swap3A_1684, %swap3A_1685], %swap3A_1688 {strides = array<i32>} : memref<128x32xi32, #tpu.memory_space<vmem>>, vector<1x16xi32>,
    %add3A_1689 = arith.constant 16 : i32
    %add3A_1690 = vector.broadcast %add3A_1689 : i32 to vector<16xi32>
    %add3A_1691 = arith.addi %add3A_1682, %add3A_1690 : vector<16xi32>
    %swap3A_1692 = arith.constant 78 : i32
    %swap3A_1693 = arith.index_cast %swap3A_1692 : i32 to index
    %swap3A_1694 = arith.constant 16 : index
    %swap3A_1695 = tpu.vector_load %arg8[%swap3A_1693, %swap3A_1694] {strides = array<i32>} : memref<128x32xi32, #tpu.memory_space<vmem>>, vector<1x16xi32>,
    %swap3A_1696 = vector.shape_cast %swap3A_1695 : vector<1x16xi32> to vector<16xi32>
    %swap3A_1697 = vector.shape_cast %add3A_1691 : vector<16xi32> to vector<1x16xi32>
    tpu.vector_store %arg8[%swap3A_1693, %swap3A_1694], %swap3A_1697 {strides = array<i32>} : memref<128x32xi32, #tpu.memory_space<vmem>>, vector<1x16xi32>,
    %slice3A_1698 = vector.extract_strided_slice %get3A_1382 {offsets = [15], sizes = [1], strides = [1]} : vector<16xi32> to vector<1xi32>
    %squeeze3A_1699 = vector.extract %slice3A_1698[0] : i32 from vector<1xi32>
    %mul3A_1700 = arith.constant 32 : i32
    %mul3A_1701 = arith.muli %squeeze3A_1699, %mul3A_1700 : i32
    %add3A_1702 = vector.broadcast %mul3A_1701 : i32 to vector<16xi32>
    %add3A_1703 = arith.addi %add3A_1702, %iota3A : vector<16xi32>
    %swap3A_1704 = arith.constant 79 : i32
    %swap3A_1705 = arith.index_cast %swap3A_1704 : i32 to index
    %swap3A_1706 = arith.constant 0 : index
    %swap3A_1707 = tpu.vector_load %arg8[%swap3A_1705, %swap3A_1706] {strides = array<i32>} : memref<128x32xi32, #tpu.memory_space<vmem>>, vector<1x16xi32>,
    %swap3A_1708 = vector.shape_cast %swap3A_1707 : vector<1x16xi32> to vector<16xi32>
    %swap3A_1709 = vector.shape_cast %add3A_1703 : vector<16xi32> to vector<1x16xi32>
    tpu.vector_store %arg8[%swap3A_1705, %swap3A_1706], %swap3A_1709 {strides = array<i32>} : memref<128x32xi32, #tpu.memory_space<vmem>>, vector<1x16xi32>,
    %add3A_1710 = arith.constant 16 : i32
    %add3A_1711 = vector.broadcast %add3A_1710 : i32 to vector<16xi32>
    %add3A_1712 = arith.addi %add3A_1703, %add3A_1711 : vector<16xi32>
    %swap3A_1713 = arith.constant 79 : i32
    %swap3A_1714 = arith.index_cast %swap3A_1713 : i32 to index
    %swap3A_1715 = arith.constant 16 : index
    %swap3A_1716 = tpu.vector_load %arg8[%swap3A_1714, %swap3A_1715] {strides = array<i32>} : memref<128x32xi32, #tpu.memory_space<vmem>>, vector<1x16xi32>,
    %swap3A_1717 = vector.shape_cast %swap3A_1716 : vector<1x16xi32> to vector<16xi32>
    %swap3A_1718 = vector.shape_cast %add3A_1712 : vector<16xi32> to vector<1x16xi32>
    tpu.vector_store %arg8[%swap3A_1714, %swap3A_1715], %swap3A_1718 {strides = array<i32>} : memref<128x32xi32, #tpu.memory_space<vmem>>, vector<1x16xi32>,
    %mul3A_1719 = arith.constant 128 : i32
    %mul3A_1720 = arith.muli %arg1, %mul3A_1719 : i32
    %add3A_1721 = arith.constant 80 : i32
    %add3A_1722 = arith.addi %mul3A_1720, %add3A_1721 : i32
    %get3A_1723 = arith.index_cast %add3A_1722 : i32 to index
    %get3A_1724 = tpu.vector_load %arg7[%get3A_1723] {strides = array<i32>} : memref<2048xi32, #tpu.memory_space<vmem>>, vector<16xi32>,
    %get3A_1725 = vector.shape_cast %get3A_1724 : vector<16xi32> to vector<16xi32>
    %slice3A_1726 = vector.extract_strided_slice %get3A_1725 {offsets = [0], sizes = [1], strides = [1]} : vector<16xi32> to vector<1xi32>
    %squeeze3A_1727 = vector.extract %slice3A_1726[0] : i32 from vector<1xi32>
    %mul3A_1728 = arith.constant 32 : i32
    %mul3A_1729 = arith.muli %squeeze3A_1727, %mul3A_1728 : i32
    %add3A_1730 = vector.broadcast %mul3A_1729 : i32 to vector<16xi32>
    %add3A_1731 = arith.addi %add3A_1730, %iota3A : vector<16xi32>
    %swap3A_1732 = arith.constant 80 : i32
    %swap3A_1733 = arith.index_cast %swap3A_1732 : i32 to index
    %swap3A_1734 = arith.constant 0 : index
    %swap3A_1735 = tpu.vector_load %arg8[%swap3A_1733, %swap3A_1734] {strides = array<i32>} : memref<128x32xi32, #tpu.memory_space<vmem>>, vector<1x16xi32>,
    %swap3A_1736 = vector.shape_cast %swap3A_1735 : vector<1x16xi32> to vector<16xi32>
    %swap3A_1737 = vector.shape_cast %add3A_1731 : vector<16xi32> to vector<1x16xi32>
    tpu.vector_store %arg8[%swap3A_1733, %swap3A_1734], %swap3A_1737 {strides = array<i32>} : memref<128x32xi32, #tpu.memory_space<vmem>>, vector<1x16xi32>,
    %add3A_1738 = arith.constant 16 : i32
    %add3A_1739 = vector.broadcast %add3A_1738 : i32 to vector<16xi32>
    %add3A_1740 = arith.addi %add3A_1731, %add3A_1739 : vector<16xi32>
    %swap3A_1741 = arith.constant 80 : i32
    %swap3A_1742 = arith.index_cast %swap3A_1741 : i32 to index
    %swap3A_1743 = arith.constant 16 : index
    %swap3A_1744 = tpu.vector_load %arg8[%swap3A_1742, %swap3A_1743] {strides = array<i32>} : memref<128x32xi32, #tpu.memory_space<vmem>>, vector<1x16xi32>,
    %swap3A_1745 = vector.shape_cast %swap3A_1744 : vector<1x16xi32> to vector<16xi32>
    %swap3A_1746 = vector.shape_cast %add3A_1740 : vector<16xi32> to vector<1x16xi32>
    tpu.vector_store %arg8[%swap3A_1742, %swap3A_1743], %swap3A_1746 {strides = array<i32>} : memref<128x32xi32, #tpu.memory_space<vmem>>, vector<1x16xi32>,
    %slice3A_1747 = vector.extract_strided_slice %get3A_1725 {offsets = [1], sizes = [1], strides = [1]} : vector<16xi32> to vector<1xi32>
    %squeeze3A_1748 = vector.extract %slice3A_1747[0] : i32 from vector<1xi32>
    %mul3A_1749 = arith.constant 32 : i32
    %mul3A_1750 = arith.muli %squeeze3A_1748, %mul3A_1749 : i32
    %add3A_1751 = vector.broadcast %mul3A_1750 : i32 to vector<16xi32>
    %add3A_1752 = arith.addi %add3A_1751, %iota3A : vector<16xi32>
    %swap3A_1753 = arith.constant 81 : i32
    %swap3A_1754 = arith.index_cast %swap3A_1753 : i32 to index
    %swap3A_1755 = arith.constant 0 : index
    %swap3A_1756 = tpu.vector_load %arg8[%swap3A_1754, %swap3A_1755] {strides = array<i32>} : memref<128x32xi32, #tpu.memory_space<vmem>>, vector<1x16xi32>,
    %swap3A_1757 = vector.shape_cast %swap3A_1756 : vector<1x16xi32> to vector<16xi32>
    %swap3A_1758 = vector.shape_cast %add3A_1752 : vector<16xi32> to vector<1x16xi32>
    tpu.vector_store %arg8[%swap3A_1754, %swap3A_1755], %swap3A_1758 {strides = array<i32>} : memref<128x32xi32, #tpu.memory_space<vmem>>, vector<1x16xi32>,
    %add3A_1759 = arith.constant 16 : i32
    %add3A_1760 = vector.broadcast %add3A_1759 : i32 to vector<16xi32>
    %add3A_1761 = arith.addi %add3A_1752, %add3A_1760 : vector<16xi32>
    %swap3A_1762 = arith.constant 81 : i32
    %swap3A_1763 = arith.index_cast %swap3A_1762 : i32 to index
    %swap3A_1764 = arith.constant 16 : index
    %swap3A_1765 = tpu.vector_load %arg8[%swap3A_1763, %swap3A_1764] {strides = array<i32>} : memref<128x32xi32, #tpu.memory_space<vmem>>, vector<1x16xi32>,
    %swap3A_1766 = vector.shape_cast %swap3A_1765 : vector<1x16xi32> to vector<16xi32>
    %swap3A_1767 = vector.shape_cast %add3A_1761 : vector<16xi32> to vector<1x16xi32>
    tpu.vector_store %arg8[%swap3A_1763, %swap3A_1764], %swap3A_1767 {strides = array<i32>} : memref<128x32xi32, #tpu.memory_space<vmem>>, vector<1x16xi32>,
    %slice3A_1768 = vector.extract_strided_slice %get3A_1725 {offsets = [2], sizes = [1], strides = [1]} : vector<16xi32> to vector<1xi32>
    %squeeze3A_1769 = vector.extract %slice3A_1768[0] : i32 from vector<1xi32>
    %mul3A_1770 = arith.constant 32 : i32
    %mul3A_1771 = arith.muli %squeeze3A_1769, %mul3A_1770 : i32
    %add3A_1772 = vector.broadcast %mul3A_1771 : i32 to vector<16xi32>
    %add3A_1773 = arith.addi %add3A_1772, %iota3A : vector<16xi32>
    %swap3A_1774 = arith.constant 82 : i32
    %swap3A_1775 = arith.index_cast %swap3A_1774 : i32 to index
    %swap3A_1776 = arith.constant 0 : index
    %swap3A_1777 = tpu.vector_load %arg8[%swap3A_1775, %swap3A_1776] {strides = array<i32>} : memref<128x32xi32, #tpu.memory_space<vmem>>, vector<1x16xi32>,
    %swap3A_1778 = vector.shape_cast %swap3A_1777 : vector<1x16xi32> to vector<16xi32>
    %swap3A_1779 = vector.shape_cast %add3A_1773 : vector<16xi32> to vector<1x16xi32>
    tpu.vector_store %arg8[%swap3A_1775, %swap3A_1776], %swap3A_1779 {strides = array<i32>} : memref<128x32xi32, #tpu.memory_space<vmem>>, vector<1x16xi32>,
    %add3A_1780 = arith.constant 16 : i32
    %add3A_1781 = vector.broadcast %add3A_1780 : i32 to vector<16xi32>
    %add3A_1782 = arith.addi %add3A_1773, %add3A_1781 : vector<16xi32>
    %swap3A_1783 = arith.constant 82 : i32
    %swap3A_1784 = arith.index_cast %swap3A_1783 : i32 to index
    %swap3A_1785 = arith.constant 16 : index
    %swap3A_1786 = tpu.vector_load %arg8[%swap3A_1784, %swap3A_1785] {strides = array<i32>} : memref<128x32xi32, #tpu.memory_space<vmem>>, vector<1x16xi32>,
    %swap3A_1787 = vector.shape_cast %swap3A_1786 : vector<1x16xi32> to vector<16xi32>
    %swap3A_1788 = vector.shape_cast %add3A_1782 : vector<16xi32> to vector<1x16xi32>
    tpu.vector_store %arg8[%swap3A_1784, %swap3A_1785], %swap3A_1788 {strides = array<i32>} : memref<128x32xi32, #tpu.memory_space<vmem>>, vector<1x16xi32>,
    %slice3A_1789 = vector.extract_strided_slice %get3A_1725 {offsets = [3], sizes = [1], strides = [1]} : vector<16xi32> to vector<1xi32>
    %squeeze3A_1790 = vector.extract %slice3A_1789[0] : i32 from vector<1xi32>
    %mul3A_1791 = arith.constant 32 : i32
    %mul3A_1792 = arith.muli %squeeze3A_1790, %mul3A_1791 : i32
    %add3A_1793 = vector.broadcast %mul3A_1792 : i32 to vector<16xi32>
    %add3A_1794 = arith.addi %add3A_1793, %iota3A : vector<16xi32>
    %swap3A_1795 = arith.constant 83 : i32
    %swap3A_1796 = arith.index_cast %swap3A_1795 : i32 to index
    %swap3A_1797 = arith.constant 0 : index
    %swap3A_1798 = tpu.vector_load %arg8[%swap3A_1796, %swap3A_1797] {strides = array<i32>} : memref<128x32xi32, #tpu.memory_space<vmem>>, vector<1x16xi32>,
    %swap3A_1799 = vector.shape_cast %swap3A_1798 : vector<1x16xi32> to vector<16xi32>
    %swap3A_1800 = vector.shape_cast %add3A_1794 : vector<16xi32> to vector<1x16xi32>
    tpu.vector_store %arg8[%swap3A_1796, %swap3A_1797], %swap3A_1800 {strides = array<i32>} : memref<128x32xi32, #tpu.memory_space<vmem>>, vector<1x16xi32>,
    %add3A_1801 = arith.constant 16 : i32
    %add3A_1802 = vector.broadcast %add3A_1801 : i32 to vector<16xi32>
    %add3A_1803 = arith.addi %add3A_1794, %add3A_1802 : vector<16xi32>
    %swap3A_1804 = arith.constant 83 : i32
    %swap3A_1805 = arith.index_cast %swap3A_1804 : i32 to index
    %swap3A_1806 = arith.constant 16 : index
    %swap3A_1807 = tpu.vector_load %arg8[%swap3A_1805, %swap3A_1806] {strides = array<i32>} : memref<128x32xi32, #tpu.memory_space<vmem>>, vector<1x16xi32>,
    %swap3A_1808 = vector.shape_cast %swap3A_1807 : vector<1x16xi32> to vector<16xi32>
    %swap3A_1809 = vector.shape_cast %add3A_1803 : vector<16xi32> to vector<1x16xi32>
    tpu.vector_store %arg8[%swap3A_1805, %swap3A_1806], %swap3A_1809 {strides = array<i32>} : memref<128x32xi32, #tpu.memory_space<vmem>>, vector<1x16xi32>,
    %slice3A_1810 = vector.extract_strided_slice %get3A_1725 {offsets = [4], sizes = [1], strides = [1]} : vector<16xi32> to vector<1xi32>
    %squeeze3A_1811 = vector.extract %slice3A_1810[0] : i32 from vector<1xi32>
    %mul3A_1812 = arith.constant 32 : i32
    %mul3A_1813 = arith.muli %squeeze3A_1811, %mul3A_1812 : i32
    %add3A_1814 = vector.broadcast %mul3A_1813 : i32 to vector<16xi32>
    %add3A_1815 = arith.addi %add3A_1814, %iota3A : vector<16xi32>
    %swap3A_1816 = arith.constant 84 : i32
    %swap3A_1817 = arith.index_cast %swap3A_1816 : i32 to index
    %swap3A_1818 = arith.constant 0 : index
    %swap3A_1819 = tpu.vector_load %arg8[%swap3A_1817, %swap3A_1818] {strides = array<i32>} : memref<128x32xi32, #tpu.memory_space<vmem>>, vector<1x16xi32>,
    %swap3A_1820 = vector.shape_cast %swap3A_1819 : vector<1x16xi32> to vector<16xi32>
    %swap3A_1821 = vector.shape_cast %add3A_1815 : vector<16xi32> to vector<1x16xi32>
    tpu.vector_store %arg8[%swap3A_1817, %swap3A_1818], %swap3A_1821 {strides = array<i32>} : memref<128x32xi32, #tpu.memory_space<vmem>>, vector<1x16xi32>,
    %add3A_1822 = arith.constant 16 : i32
    %add3A_1823 = vector.broadcast %add3A_1822 : i32 to vector<16xi32>
    %add3A_1824 = arith.addi %add3A_1815, %add3A_1823 : vector<16xi32>
    %swap3A_1825 = arith.constant 84 : i32
    %swap3A_1826 = arith.index_cast %swap3A_1825 : i32 to index
    %swap3A_1827 = arith.constant 16 : index
    %swap3A_1828 = tpu.vector_load %arg8[%swap3A_1826, %swap3A_1827] {strides = array<i32>} : memref<128x32xi32, #tpu.memory_space<vmem>>, vector<1x16xi32>,
    %swap3A_1829 = vector.shape_cast %swap3A_1828 : vector<1x16xi32> to vector<16xi32>
    %swap3A_1830 = vector.shape_cast %add3A_1824 : vector<16xi32> to vector<1x16xi32>
    tpu.vector_store %arg8[%swap3A_1826, %swap3A_1827], %swap3A_1830 {strides = array<i32>} : memref<128x32xi32, #tpu.memory_space<vmem>>, vector<1x16xi32>,
    %slice3A_1831 = vector.extract_strided_slice %get3A_1725 {offsets = [5], sizes = [1], strides = [1]} : vector<16xi32> to vector<1xi32>
    %squeeze3A_1832 = vector.extract %slice3A_1831[0] : i32 from vector<1xi32>
    %mul3A_1833 = arith.constant 32 : i32
    %mul3A_1834 = arith.muli %squeeze3A_1832, %mul3A_1833 : i32
    %add3A_1835 = vector.broadcast %mul3A_1834 : i32 to vector<16xi32>
    %add3A_1836 = arith.addi %add3A_1835, %iota3A : vector<16xi32>
    %swap3A_1837 = arith.constant 85 : i32
    %swap3A_1838 = arith.index_cast %swap3A_1837 : i32 to index
    %swap3A_1839 = arith.constant 0 : index
    %swap3A_1840 = tpu.vector_load %arg8[%swap3A_1838, %swap3A_1839] {strides = array<i32>} : memref<128x32xi32, #tpu.memory_space<vmem>>, vector<1x16xi32>,
    %swap3A_1841 = vector.shape_cast %swap3A_1840 : vector<1x16xi32> to vector<16xi32>
    %swap3A_1842 = vector.shape_cast %add3A_1836 : vector<16xi32> to vector<1x16xi32>
    tpu.vector_store %arg8[%swap3A_1838, %swap3A_1839], %swap3A_1842 {strides = array<i32>} : memref<128x32xi32, #tpu.memory_space<vmem>>, vector<1x16xi32>,
    %add3A_1843 = arith.constant 16 : i32
    %add3A_1844 = vector.broadcast %add3A_1843 : i32 to vector<16xi32>
    %add3A_1845 = arith.addi %add3A_1836, %add3A_1844 : vector<16xi32>
    %swap3A_1846 = arith.constant 85 : i32
    %swap3A_1847 = arith.index_cast %swap3A_1846 : i32 to index
    %swap3A_1848 = arith.constant 16 : index
    %swap3A_1849 = tpu.vector_load %arg8[%swap3A_1847, %swap3A_1848] {strides = array<i32>} : memref<128x32xi32, #tpu.memory_space<vmem>>, vector<1x16xi32>,
    %swap3A_1850 = vector.shape_cast %swap3A_1849 : vector<1x16xi32> to vector<16xi32>
    %swap3A_1851 = vector.shape_cast %add3A_1845 : vector<16xi32> to vector<1x16xi32>
    tpu.vector_store %arg8[%swap3A_1847, %swap3A_1848], %swap3A_1851 {strides = array<i32>} : memref<128x32xi32, #tpu.memory_space<vmem>>, vector<1x16xi32>,
    %slice3A_1852 = vector.extract_strided_slice %get3A_1725 {offsets = [6], sizes = [1], strides = [1]} : vector<16xi32> to vector<1xi32>
    %squeeze3A_1853 = vector.extract %slice3A_1852[0] : i32 from vector<1xi32>
    %mul3A_1854 = arith.constant 32 : i32
    %mul3A_1855 = arith.muli %squeeze3A_1853, %mul3A_1854 : i32
    %add3A_1856 = vector.broadcast %mul3A_1855 : i32 to vector<16xi32>
    %add3A_1857 = arith.addi %add3A_1856, %iota3A : vector<16xi32>
    %swap3A_1858 = arith.constant 86 : i32
    %swap3A_1859 = arith.index_cast %swap3A_1858 : i32 to index
    %swap3A_1860 = arith.constant 0 : index
    %swap3A_1861 = tpu.vector_load %arg8[%swap3A_1859, %swap3A_1860] {strides = array<i32>} : memref<128x32xi32, #tpu.memory_space<vmem>>, vector<1x16xi32>,
    %swap3A_1862 = vector.shape_cast %swap3A_1861 : vector<1x16xi32> to vector<16xi32>
    %swap3A_1863 = vector.shape_cast %add3A_1857 : vector<16xi32> to vector<1x16xi32>
    tpu.vector_store %arg8[%swap3A_1859, %swap3A_1860], %swap3A_1863 {strides = array<i32>} : memref<128x32xi32, #tpu.memory_space<vmem>>, vector<1x16xi32>,
    %add3A_1864 = arith.constant 16 : i32
    %add3A_1865 = vector.broadcast %add3A_1864 : i32 to vector<16xi32>
    %add3A_1866 = arith.addi %add3A_1857, %add3A_1865 : vector<16xi32>
    %swap3A_1867 = arith.constant 86 : i32
    %swap3A_1868 = arith.index_cast %swap3A_1867 : i32 to index
    %swap3A_1869 = arith.constant 16 : index
    %swap3A_1870 = tpu.vector_load %arg8[%swap3A_1868, %swap3A_1869] {strides = array<i32>} : memref<128x32xi32, #tpu.memory_space<vmem>>, vector<1x16xi32>,
    %swap3A_1871 = vector.shape_cast %swap3A_1870 : vector<1x16xi32> to vector<16xi32>
    %swap3A_1872 = vector.shape_cast %add3A_1866 : vector<16xi32> to vector<1x16xi32>
    tpu.vector_store %arg8[%swap3A_1868, %swap3A_1869], %swap3A_1872 {strides = array<i32>} : memref<128x32xi32, #tpu.memory_space<vmem>>, vector<1x16xi32>,
    %slice3A_1873 = vector.extract_strided_slice %get3A_1725 {offsets = [7], sizes = [1], strides = [1]} : vector<16xi32> to vector<1xi32>
    %squeeze3A_1874 = vector.extract %slice3A_1873[0] : i32 from vector<1xi32>
    %mul3A_1875 = arith.constant 32 : i32
    %mul3A_1876 = arith.muli %squeeze3A_1874, %mul3A_1875 : i32
    %add3A_1877 = vector.broadcast %mul3A_1876 : i32 to vector<16xi32>
    %add3A_1878 = arith.addi %add3A_1877, %iota3A : vector<16xi32>
    %swap3A_1879 = arith.constant 87 : i32
    %swap3A_1880 = arith.index_cast %swap3A_1879 : i32 to index
    %swap3A_1881 = arith.constant 0 : index
    %swap3A_1882 = tpu.vector_load %arg8[%swap3A_1880, %swap3A_1881] {strides = array<i32>} : memref<128x32xi32, #tpu.memory_space<vmem>>, vector<1x16xi32>,
    %swap3A_1883 = vector.shape_cast %swap3A_1882 : vector<1x16xi32> to vector<16xi32>
    %swap3A_1884 = vector.shape_cast %add3A_1878 : vector<16xi32> to vector<1x16xi32>
    tpu.vector_store %arg8[%swap3A_1880, %swap3A_1881], %swap3A_1884 {strides = array<i32>} : memref<128x32xi32, #tpu.memory_space<vmem>>, vector<1x16xi32>,
    %add3A_1885 = arith.constant 16 : i32
    %add3A_1886 = vector.broadcast %add3A_1885 : i32 to vector<16xi32>
    %add3A_1887 = arith.addi %add3A_1878, %add3A_1886 : vector<16xi32>
    %swap3A_1888 = arith.constant 87 : i32
    %swap3A_1889 = arith.index_cast %swap3A_1888 : i32 to index
    %swap3A_1890 = arith.constant 16 : index
    %swap3A_1891 = tpu.vector_load %arg8[%swap3A_1889, %swap3A_1890] {strides = array<i32>} : memref<128x32xi32, #tpu.memory_space<vmem>>, vector<1x16xi32>,
    %swap3A_1892 = vector.shape_cast %swap3A_1891 : vector<1x16xi32> to vector<16xi32>
    %swap3A_1893 = vector.shape_cast %add3A_1887 : vector<16xi32> to vector<1x16xi32>
    tpu.vector_store %arg8[%swap3A_1889, %swap3A_1890], %swap3A_1893 {strides = array<i32>} : memref<128x32xi32, #tpu.memory_space<vmem>>, vector<1x16xi32>,
    %slice3A_1894 = vector.extract_strided_slice %get3A_1725 {offsets = [8], sizes = [1], strides = [1]} : vector<16xi32> to vector<1xi32>
    %squeeze3A_1895 = vector.extract %slice3A_1894[0] : i32 from vector<1xi32>
    %mul3A_1896 = arith.constant 32 : i32
    %mul3A_1897 = arith.muli %squeeze3A_1895, %mul3A_1896 : i32
    %add3A_1898 = vector.broadcast %mul3A_1897 : i32 to vector<16xi32>
    %add3A_1899 = arith.addi %add3A_1898, %iota3A : vector<16xi32>
    %swap3A_1900 = arith.constant 88 : i32
    %swap3A_1901 = arith.index_cast %swap3A_1900 : i32 to index
    %swap3A_1902 = arith.constant 0 : index
    %swap3A_1903 = tpu.vector_load %arg8[%swap3A_1901, %swap3A_1902] {strides = array<i32>} : memref<128x32xi32, #tpu.memory_space<vmem>>, vector<1x16xi32>,
    %swap3A_1904 = vector.shape_cast %swap3A_1903 : vector<1x16xi32> to vector<16xi32>
    %swap3A_1905 = vector.shape_cast %add3A_1899 : vector<16xi32> to vector<1x16xi32>
    tpu.vector_store %arg8[%swap3A_1901, %swap3A_1902], %swap3A_1905 {strides = array<i32>} : memref<128x32xi32, #tpu.memory_space<vmem>>, vector<1x16xi32>,
    %add3A_1906 = arith.constant 16 : i32
    %add3A_1907 = vector.broadcast %add3A_1906 : i32 to vector<16xi32>
    %add3A_1908 = arith.addi %add3A_1899, %add3A_1907 : vector<16xi32>
    %swap3A_1909 = arith.constant 88 : i32
    %swap3A_1910 = arith.index_cast %swap3A_1909 : i32 to index
    %swap3A_1911 = arith.constant 16 : index
    %swap3A_1912 = tpu.vector_load %arg8[%swap3A_1910, %swap3A_1911] {strides = array<i32>} : memref<128x32xi32, #tpu.memory_space<vmem>>, vector<1x16xi32>,
    %swap3A_1913 = vector.shape_cast %swap3A_1912 : vector<1x16xi32> to vector<16xi32>
    %swap3A_1914 = vector.shape_cast %add3A_1908 : vector<16xi32> to vector<1x16xi32>
    tpu.vector_store %arg8[%swap3A_1910, %swap3A_1911], %swap3A_1914 {strides = array<i32>} : memref<128x32xi32, #tpu.memory_space<vmem>>, vector<1x16xi32>,
    %slice3A_1915 = vector.extract_strided_slice %get3A_1725 {offsets = [9], sizes = [1], strides = [1]} : vector<16xi32> to vector<1xi32>
    %squeeze3A_1916 = vector.extract %slice3A_1915[0] : i32 from vector<1xi32>
    %mul3A_1917 = arith.constant 32 : i32
    %mul3A_1918 = arith.muli %squeeze3A_1916, %mul3A_1917 : i32
    %add3A_1919 = vector.broadcast %mul3A_1918 : i32 to vector<16xi32>
    %add3A_1920 = arith.addi %add3A_1919, %iota3A : vector<16xi32>
    %swap3A_1921 = arith.constant 89 : i32
    %swap3A_1922 = arith.index_cast %swap3A_1921 : i32 to index
    %swap3A_1923 = arith.constant 0 : index
    %swap3A_1924 = tpu.vector_load %arg8[%swap3A_1922, %swap3A_1923] {strides = array<i32>} : memref<128x32xi32, #tpu.memory_space<vmem>>, vector<1x16xi32>,
    %swap3A_1925 = vector.shape_cast %swap3A_1924 : vector<1x16xi32> to vector<16xi32>
    %swap3A_1926 = vector.shape_cast %add3A_1920 : vector<16xi32> to vector<1x16xi32>
    tpu.vector_store %arg8[%swap3A_1922, %swap3A_1923], %swap3A_1926 {strides = array<i32>} : memref<128x32xi32, #tpu.memory_space<vmem>>, vector<1x16xi32>,
    %add3A_1927 = arith.constant 16 : i32
    %add3A_1928 = vector.broadcast %add3A_1927 : i32 to vector<16xi32>
    %add3A_1929 = arith.addi %add3A_1920, %add3A_1928 : vector<16xi32>
    %swap3A_1930 = arith.constant 89 : i32
    %swap3A_1931 = arith.index_cast %swap3A_1930 : i32 to index
    %swap3A_1932 = arith.constant 16 : index
    %swap3A_1933 = tpu.vector_load %arg8[%swap3A_1931, %swap3A_1932] {strides = array<i32>} : memref<128x32xi32, #tpu.memory_space<vmem>>, vector<1x16xi32>,
    %swap3A_1934 = vector.shape_cast %swap3A_1933 : vector<1x16xi32> to vector<16xi32>
    %swap3A_1935 = vector.shape_cast %add3A_1929 : vector<16xi32> to vector<1x16xi32>
    tpu.vector_store %arg8[%swap3A_1931, %swap3A_1932], %swap3A_1935 {strides = array<i32>} : memref<128x32xi32, #tpu.memory_space<vmem>>, vector<1x16xi32>,
    %slice3A_1936 = vector.extract_strided_slice %get3A_1725 {offsets = [10], sizes = [1], strides = [1]} : vector<16xi32> to vector<1xi32>
    %squeeze3A_1937 = vector.extract %slice3A_1936[0] : i32 from vector<1xi32>
    %mul3A_1938 = arith.constant 32 : i32
    %mul3A_1939 = arith.muli %squeeze3A_1937, %mul3A_1938 : i32
    %add3A_1940 = vector.broadcast %mul3A_1939 : i32 to vector<16xi32>
    %add3A_1941 = arith.addi %add3A_1940, %iota3A : vector<16xi32>
    %swap3A_1942 = arith.constant 90 : i32
    %swap3A_1943 = arith.index_cast %swap3A_1942 : i32 to index
    %swap3A_1944 = arith.constant 0 : index
    %swap3A_1945 = tpu.vector_load %arg8[%swap3A_1943, %swap3A_1944] {strides = array<i32>} : memref<128x32xi32, #tpu.memory_space<vmem>>, vector<1x16xi32>,
    %swap3A_1946 = vector.shape_cast %swap3A_1945 : vector<1x16xi32> to vector<16xi32>
    %swap3A_1947 = vector.shape_cast %add3A_1941 : vector<16xi32> to vector<1x16xi32>
    tpu.vector_store %arg8[%swap3A_1943, %swap3A_1944], %swap3A_1947 {strides = array<i32>} : memref<128x32xi32, #tpu.memory_space<vmem>>, vector<1x16xi32>,
    %add3A_1948 = arith.constant 16 : i32
    %add3A_1949 = vector.broadcast %add3A_1948 : i32 to vector<16xi32>
    %add3A_1950 = arith.addi %add3A_1941, %add3A_1949 : vector<16xi32>
    %swap3A_1951 = arith.constant 90 : i32
    %swap3A_1952 = arith.index_cast %swap3A_1951 : i32 to index
    %swap3A_1953 = arith.constant 16 : index
    %swap3A_1954 = tpu.vector_load %arg8[%swap3A_1952, %swap3A_1953] {strides = array<i32>} : memref<128x32xi32, #tpu.memory_space<vmem>>, vector<1x16xi32>,
    %swap3A_1955 = vector.shape_cast %swap3A_1954 : vector<1x16xi32> to vector<16xi32>
    %swap3A_1956 = vector.shape_cast %add3A_1950 : vector<16xi32> to vector<1x16xi32>
    tpu.vector_store %arg8[%swap3A_1952, %swap3A_1953], %swap3A_1956 {strides = array<i32>} : memref<128x32xi32, #tpu.memory_space<vmem>>, vector<1x16xi32>,
    %slice3A_1957 = vector.extract_strided_slice %get3A_1725 {offsets = [11], sizes = [1], strides = [1]} : vector<16xi32> to vector<1xi32>
    %squeeze3A_1958 = vector.extract %slice3A_1957[0] : i32 from vector<1xi32>
    %mul3A_1959 = arith.constant 32 : i32
    %mul3A_1960 = arith.muli %squeeze3A_1958, %mul3A_1959 : i32
    %add3A_1961 = vector.broadcast %mul3A_1960 : i32 to vector<16xi32>
    %add3A_1962 = arith.addi %add3A_1961, %iota3A : vector<16xi32>
    %swap3A_1963 = arith.constant 91 : i32
    %swap3A_1964 = arith.index_cast %swap3A_1963 : i32 to index
    %swap3A_1965 = arith.constant 0 : index
    %swap3A_1966 = tpu.vector_load %arg8[%swap3A_1964, %swap3A_1965] {strides = array<i32>} : memref<128x32xi32, #tpu.memory_space<vmem>>, vector<1x16xi32>,
    %swap3A_1967 = vector.shape_cast %swap3A_1966 : vector<1x16xi32> to vector<16xi32>
    %swap3A_1968 = vector.shape_cast %add3A_1962 : vector<16xi32> to vector<1x16xi32>
    tpu.vector_store %arg8[%swap3A_1964, %swap3A_1965], %swap3A_1968 {strides = array<i32>} : memref<128x32xi32, #tpu.memory_space<vmem>>, vector<1x16xi32>,
    %add3A_1969 = arith.constant 16 : i32
    %add3A_1970 = vector.broadcast %add3A_1969 : i32 to vector<16xi32>
    %add3A_1971 = arith.addi %add3A_1962, %add3A_1970 : vector<16xi32>
    %swap3A_1972 = arith.constant 91 : i32
    %swap3A_1973 = arith.index_cast %swap3A_1972 : i32 to index
    %swap3A_1974 = arith.constant 16 : index
    %swap3A_1975 = tpu.vector_load %arg8[%swap3A_1973, %swap3A_1974] {strides = array<i32>} : memref<128x32xi32, #tpu.memory_space<vmem>>, vector<1x16xi32>,
    %swap3A_1976 = vector.shape_cast %swap3A_1975 : vector<1x16xi32> to vector<16xi32>
    %swap3A_1977 = vector.shape_cast %add3A_1971 : vector<16xi32> to vector<1x16xi32>
    tpu.vector_store %arg8[%swap3A_1973, %swap3A_1974], %swap3A_1977 {strides = array<i32>} : memref<128x32xi32, #tpu.memory_space<vmem>>, vector<1x16xi32>,
    %slice3A_1978 = vector.extract_strided_slice %get3A_1725 {offsets = [12], sizes = [1], strides = [1]} : vector<16xi32> to vector<1xi32>
    %squeeze3A_1979 = vector.extract %slice3A_1978[0] : i32 from vector<1xi32>
    %mul3A_1980 = arith.constant 32 : i32
    %mul3A_1981 = arith.muli %squeeze3A_1979, %mul3A_1980 : i32
    %add3A_1982 = vector.broadcast %mul3A_1981 : i32 to vector<16xi32>
    %add3A_1983 = arith.addi %add3A_1982, %iota3A : vector<16xi32>
    %swap3A_1984 = arith.constant 92 : i32
    %swap3A_1985 = arith.index_cast %swap3A_1984 : i32 to index
    %swap3A_1986 = arith.constant 0 : index
    %swap3A_1987 = tpu.vector_load %arg8[%swap3A_1985, %swap3A_1986] {strides = array<i32>} : memref<128x32xi32, #tpu.memory_space<vmem>>, vector<1x16xi32>,
    %swap3A_1988 = vector.shape_cast %swap3A_1987 : vector<1x16xi32> to vector<16xi32>
    %swap3A_1989 = vector.shape_cast %add3A_1983 : vector<16xi32> to vector<1x16xi32>
    tpu.vector_store %arg8[%swap3A_1985, %swap3A_1986], %swap3A_1989 {strides = array<i32>} : memref<128x32xi32, #tpu.memory_space<vmem>>, vector<1x16xi32>,
    %add3A_1990 = arith.constant 16 : i32
    %add3A_1991 = vector.broadcast %add3A_1990 : i32 to vector<16xi32>
    %add3A_1992 = arith.addi %add3A_1983, %add3A_1991 : vector<16xi32>
    %swap3A_1993 = arith.constant 92 : i32
    %swap3A_1994 = arith.index_cast %swap3A_1993 : i32 to index
    %swap3A_1995 = arith.constant 16 : index
    %swap3A_1996 = tpu.vector_load %arg8[%swap3A_1994, %swap3A_1995] {strides = array<i32>} : memref<128x32xi32, #tpu.memory_space<vmem>>, vector<1x16xi32>,
    %swap3A_1997 = vector.shape_cast %swap3A_1996 : vector<1x16xi32> to vector<16xi32>
    %swap3A_1998 = vector.shape_cast %add3A_1992 : vector<16xi32> to vector<1x16xi32>
    tpu.vector_store %arg8[%swap3A_1994, %swap3A_1995], %swap3A_1998 {strides = array<i32>} : memref<128x32xi32, #tpu.memory_space<vmem>>, vector<1x16xi32>,
    %slice3A_1999 = vector.extract_strided_slice %get3A_1725 {offsets = [13], sizes = [1], strides = [1]} : vector<16xi32> to vector<1xi32>
    %squeeze3A_2000 = vector.extract %slice3A_1999[0] : i32 from vector<1xi32>
    %mul3A_2001 = arith.constant 32 : i32
    %mul3A_2002 = arith.muli %squeeze3A_2000, %mul3A_2001 : i32
    %add3A_2003 = vector.broadcast %mul3A_2002 : i32 to vector<16xi32>
    %add3A_2004 = arith.addi %add3A_2003, %iota3A : vector<16xi32>
    %swap3A_2005 = arith.constant 93 : i32
    %swap3A_2006 = arith.index_cast %swap3A_2005 : i32 to index
    %swap3A_2007 = arith.constant 0 : index
    %swap3A_2008 = tpu.vector_load %arg8[%swap3A_2006, %swap3A_2007] {strides = array<i32>} : memref<128x32xi32, #tpu.memory_space<vmem>>, vector<1x16xi32>,
    %swap3A_2009 = vector.shape_cast %swap3A_2008 : vector<1x16xi32> to vector<16xi32>
    %swap3A_2010 = vector.shape_cast %add3A_2004 : vector<16xi32> to vector<1x16xi32>
    tpu.vector_store %arg8[%swap3A_2006, %swap3A_2007], %swap3A_2010 {strides = array<i32>} : memref<128x32xi32, #tpu.memory_space<vmem>>, vector<1x16xi32>,
    %add3A_2011 = arith.constant 16 : i32
    %add3A_2012 = vector.broadcast %add3A_2011 : i32 to vector<16xi32>
    %add3A_2013 = arith.addi %add3A_2004, %add3A_2012 : vector<16xi32>
    %swap3A_2014 = arith.constant 93 : i32
    %swap3A_2015 = arith.index_cast %swap3A_2014 : i32 to index
    %swap3A_2016 = arith.constant 16 : index
    %swap3A_2017 = tpu.vector_load %arg8[%swap3A_2015, %swap3A_2016] {strides = array<i32>} : memref<128x32xi32, #tpu.memory_space<vmem>>, vector<1x16xi32>,
    %swap3A_2018 = vector.shape_cast %swap3A_2017 : vector<1x16xi32> to vector<16xi32>
    %swap3A_2019 = vector.shape_cast %add3A_2013 : vector<16xi32> to vector<1x16xi32>
    tpu.vector_store %arg8[%swap3A_2015, %swap3A_2016], %swap3A_2019 {strides = array<i32>} : memref<128x32xi32, #tpu.memory_space<vmem>>, vector<1x16xi32>,
    %slice3A_2020 = vector.extract_strided_slice %get3A_1725 {offsets = [14], sizes = [1], strides = [1]} : vector<16xi32> to vector<1xi32>
    %squeeze3A_2021 = vector.extract %slice3A_2020[0] : i32 from vector<1xi32>
    %mul3A_2022 = arith.constant 32 : i32
    %mul3A_2023 = arith.muli %squeeze3A_2021, %mul3A_2022 : i32
    %add3A_2024 = vector.broadcast %mul3A_2023 : i32 to vector<16xi32>
    %add3A_2025 = arith.addi %add3A_2024, %iota3A : vector<16xi32>
    %swap3A_2026 = arith.constant 94 : i32
    %swap3A_2027 = arith.index_cast %swap3A_2026 : i32 to index
    %swap3A_2028 = arith.constant 0 : index
    %swap3A_2029 = tpu.vector_load %arg8[%swap3A_2027, %swap3A_2028] {strides = array<i32>} : memref<128x32xi32, #tpu.memory_space<vmem>>, vector<1x16xi32>,
    %swap3A_2030 = vector.shape_cast %swap3A_2029 : vector<1x16xi32> to vector<16xi32>
    %swap3A_2031 = vector.shape_cast %add3A_2025 : vector<16xi32> to vector<1x16xi32>
    tpu.vector_store %arg8[%swap3A_2027, %swap3A_2028], %swap3A_2031 {strides = array<i32>} : memref<128x32xi32, #tpu.memory_space<vmem>>, vector<1x16xi32>,
    %add3A_2032 = arith.constant 16 : i32
    %add3A_2033 = vector.broadcast %add3A_2032 : i32 to vector<16xi32>
    %add3A_2034 = arith.addi %add3A_2025, %add3A_2033 : vector<16xi32>
    %swap3A_2035 = arith.constant 94 : i32
    %swap3A_2036 = arith.index_cast %swap3A_2035 : i32 to index
    %swap3A_2037 = arith.constant 16 : index
    %swap3A_2038 = tpu.vector_load %arg8[%swap3A_2036, %swap3A_2037] {strides = array<i32>} : memref<128x32xi32, #tpu.memory_space<vmem>>, vector<1x16xi32>,
    %swap3A_2039 = vector.shape_cast %swap3A_2038 : vector<1x16xi32> to vector<16xi32>
    %swap3A_2040 = vector.shape_cast %add3A_2034 : vector<16xi32> to vector<1x16xi32>
    tpu.vector_store %arg8[%swap3A_2036, %swap3A_2037], %swap3A_2040 {strides = array<i32>} : memref<128x32xi32, #tpu.memory_space<vmem>>, vector<1x16xi32>,
    %slice3A_2041 = vector.extract_strided_slice %get3A_1725 {offsets = [15], sizes = [1], strides = [1]} : vector<16xi32> to vector<1xi32>
    %squeeze3A_2042 = vector.extract %slice3A_2041[0] : i32 from vector<1xi32>
    %mul3A_2043 = arith.constant 32 : i32
    %mul3A_2044 = arith.muli %squeeze3A_2042, %mul3A_2043 : i32
    %add3A_2045 = vector.broadcast %mul3A_2044 : i32 to vector<16xi32>
    %add3A_2046 = arith.addi %add3A_2045, %iota3A : vector<16xi32>
    %swap3A_2047 = arith.constant 95 : i32
    %swap3A_2048 = arith.index_cast %swap3A_2047 : i32 to index
    %swap3A_2049 = arith.constant 0 : index
    %swap3A_2050 = tpu.vector_load %arg8[%swap3A_2048, %swap3A_2049] {strides = array<i32>} : memref<128x32xi32, #tpu.memory_space<vmem>>, vector<1x16xi32>,
    %swap3A_2051 = vector.shape_cast %swap3A_2050 : vector<1x16xi32> to vector<16xi32>
    %swap3A_2052 = vector.shape_cast %add3A_2046 : vector<16xi32> to vector<1x16xi32>
    tpu.vector_store %arg8[%swap3A_2048, %swap3A_2049], %swap3A_2052 {strides = array<i32>} : memref<128x32xi32, #tpu.memory_space<vmem>>, vector<1x16xi32>,
    %add3A_2053 = arith.constant 16 : i32
    %add3A_2054 = vector.broadcast %add3A_2053 : i32 to vector<16xi32>
    %add3A_2055 = arith.addi %add3A_2046, %add3A_2054 : vector<16xi32>
    %swap3A_2056 = arith.constant 95 : i32
    %swap3A_2057 = arith.index_cast %swap3A_2056 : i32 to index
    %swap3A_2058 = arith.constant 16 : index
    %swap3A_2059 = tpu.vector_load %arg8[%swap3A_2057, %swap3A_2058] {strides = array<i32>} : memref<128x32xi32, #tpu.memory_space<vmem>>, vector<1x16xi32>,
    %swap3A_2060 = vector.shape_cast %swap3A_2059 : vector<1x16xi32> to vector<16xi32>
    %swap3A_2061 = vector.shape_cast %add3A_2055 : vector<16xi32> to vector<1x16xi32>
    tpu.vector_store %arg8[%swap3A_2057, %swap3A_2058], %swap3A_2061 {strides = array<i32>} : memref<128x32xi32, #tpu.memory_space<vmem>>, vector<1x16xi32>,
    %mul3A_2062 = arith.constant 128 : i32
    %mul3A_2063 = arith.muli %arg1, %mul3A_2062 : i32
    %add3A_2064 = arith.constant 96 : i32
    %add3A_2065 = arith.addi %mul3A_2063, %add3A_2064 : i32
    %get3A_2066 = arith.index_cast %add3A_2065 : i32 to index
    %get3A_2067 = tpu.vector_load %arg7[%get3A_2066] {strides = array<i32>} : memref<2048xi32, #tpu.memory_space<vmem>>, vector<16xi32>,
    %get3A_2068 = vector.shape_cast %get3A_2067 : vector<16xi32> to vector<16xi32>
    %slice3A_2069 = vector.extract_strided_slice %get3A_2068 {offsets = [0], sizes = [1], strides = [1]} : vector<16xi32> to vector<1xi32>
    %squeeze3A_2070 = vector.extract %slice3A_2069[0] : i32 from vector<1xi32>
    %mul3A_2071 = arith.constant 32 : i32
    %mul3A_2072 = arith.muli %squeeze3A_2070, %mul3A_2071 : i32
    %add3A_2073 = vector.broadcast %mul3A_2072 : i32 to vector<16xi32>
    %add3A_2074 = arith.addi %add3A_2073, %iota3A : vector<16xi32>
    %swap3A_2075 = arith.constant 96 : i32
    %swap3A_2076 = arith.index_cast %swap3A_2075 : i32 to index
    %swap3A_2077 = arith.constant 0 : index
    %swap3A_2078 = tpu.vector_load %arg8[%swap3A_2076, %swap3A_2077] {strides = array<i32>} : memref<128x32xi32, #tpu.memory_space<vmem>>, vector<1x16xi32>,
    %swap3A_2079 = vector.shape_cast %swap3A_2078 : vector<1x16xi32> to vector<16xi32>
    %swap3A_2080 = vector.shape_cast %add3A_2074 : vector<16xi32> to vector<1x16xi32>
    tpu.vector_store %arg8[%swap3A_2076, %swap3A_2077], %swap3A_2080 {strides = array<i32>} : memref<128x32xi32, #tpu.memory_space<vmem>>, vector<1x16xi32>,
    %add3A_2081 = arith.constant 16 : i32
    %add3A_2082 = vector.broadcast %add3A_2081 : i32 to vector<16xi32>
    %add3A_2083 = arith.addi %add3A_2074, %add3A_2082 : vector<16xi32>
    %swap3A_2084 = arith.constant 96 : i32
    %swap3A_2085 = arith.index_cast %swap3A_2084 : i32 to index
    %swap3A_2086 = arith.constant 16 : index
    %swap3A_2087 = tpu.vector_load %arg8[%swap3A_2085, %swap3A_2086] {strides = array<i32>} : memref<128x32xi32, #tpu.memory_space<vmem>>, vector<1x16xi32>,
    %swap3A_2088 = vector.shape_cast %swap3A_2087 : vector<1x16xi32> to vector<16xi32>
    %swap3A_2089 = vector.shape_cast %add3A_2083 : vector<16xi32> to vector<1x16xi32>
    tpu.vector_store %arg8[%swap3A_2085, %swap3A_2086], %swap3A_2089 {strides = array<i32>} : memref<128x32xi32, #tpu.memory_space<vmem>>, vector<1x16xi32>,
    %slice3A_2090 = vector.extract_strided_slice %get3A_2068 {offsets = [1], sizes = [1], strides = [1]} : vector<16xi32> to vector<1xi32>
    %squeeze3A_2091 = vector.extract %slice3A_2090[0] : i32 from vector<1xi32>
    %mul3A_2092 = arith.constant 32 : i32
    %mul3A_2093 = arith.muli %squeeze3A_2091, %mul3A_2092 : i32
    %add3A_2094 = vector.broadcast %mul3A_2093 : i32 to vector<16xi32>
    %add3A_2095 = arith.addi %add3A_2094, %iota3A : vector<16xi32>
    %swap3A_2096 = arith.constant 97 : i32
    %swap3A_2097 = arith.index_cast %swap3A_2096 : i32 to index
    %swap3A_2098 = arith.constant 0 : index
    %swap3A_2099 = tpu.vector_load %arg8[%swap3A_2097, %swap3A_2098] {strides = array<i32>} : memref<128x32xi32, #tpu.memory_space<vmem>>, vector<1x16xi32>,
    %swap3A_2100 = vector.shape_cast %swap3A_2099 : vector<1x16xi32> to vector<16xi32>
    %swap3A_2101 = vector.shape_cast %add3A_2095 : vector<16xi32> to vector<1x16xi32>
    tpu.vector_store %arg8[%swap3A_2097, %swap3A_2098], %swap3A_2101 {strides = array<i32>} : memref<128x32xi32, #tpu.memory_space<vmem>>, vector<1x16xi32>,
    %add3A_2102 = arith.constant 16 : i32
    %add3A_2103 = vector.broadcast %add3A_2102 : i32 to vector<16xi32>
    %add3A_2104 = arith.addi %add3A_2095, %add3A_2103 : vector<16xi32>
    %swap3A_2105 = arith.constant 97 : i32
    %swap3A_2106 = arith.index_cast %swap3A_2105 : i32 to index
    %swap3A_2107 = arith.constant 16 : index
    %swap3A_2108 = tpu.vector_load %arg8[%swap3A_2106, %swap3A_2107] {strides = array<i32>} : memref<128x32xi32, #tpu.memory_space<vmem>>, vector<1x16xi32>,
    %swap3A_2109 = vector.shape_cast %swap3A_2108 : vector<1x16xi32> to vector<16xi32>
    %swap3A_2110 = vector.shape_cast %add3A_2104 : vector<16xi32> to vector<1x16xi32>
    tpu.vector_store %arg8[%swap3A_2106, %swap3A_2107], %swap3A_2110 {strides = array<i32>} : memref<128x32xi32, #tpu.memory_space<vmem>>, vector<1x16xi32>,
    %slice3A_2111 = vector.extract_strided_slice %get3A_2068 {offsets = [2], sizes = [1], strides = [1]} : vector<16xi32> to vector<1xi32>
    %squeeze3A_2112 = vector.extract %slice3A_2111[0] : i32 from vector<1xi32>
    %mul3A_2113 = arith.constant 32 : i32
    %mul3A_2114 = arith.muli %squeeze3A_2112, %mul3A_2113 : i32
    %add3A_2115 = vector.broadcast %mul3A_2114 : i32 to vector<16xi32>
    %add3A_2116 = arith.addi %add3A_2115, %iota3A : vector<16xi32>
    %swap3A_2117 = arith.constant 98 : i32
    %swap3A_2118 = arith.index_cast %swap3A_2117 : i32 to index
    %swap3A_2119 = arith.constant 0 : index
    %swap3A_2120 = tpu.vector_load %arg8[%swap3A_2118, %swap3A_2119] {strides = array<i32>} : memref<128x32xi32, #tpu.memory_space<vmem>>, vector<1x16xi32>,
    %swap3A_2121 = vector.shape_cast %swap3A_2120 : vector<1x16xi32> to vector<16xi32>
    %swap3A_2122 = vector.shape_cast %add3A_2116 : vector<16xi32> to vector<1x16xi32>
    tpu.vector_store %arg8[%swap3A_2118, %swap3A_2119], %swap3A_2122 {strides = array<i32>} : memref<128x32xi32, #tpu.memory_space<vmem>>, vector<1x16xi32>,
    %add3A_2123 = arith.constant 16 : i32
    %add3A_2124 = vector.broadcast %add3A_2123 : i32 to vector<16xi32>
    %add3A_2125 = arith.addi %add3A_2116, %add3A_2124 : vector<16xi32>
    %swap3A_2126 = arith.constant 98 : i32
    %swap3A_2127 = arith.index_cast %swap3A_2126 : i32 to index
    %swap3A_2128 = arith.constant 16 : index
    %swap3A_2129 = tpu.vector_load %arg8[%swap3A_2127, %swap3A_2128] {strides = array<i32>} : memref<128x32xi32, #tpu.memory_space<vmem>>, vector<1x16xi32>,
    %swap3A_2130 = vector.shape_cast %swap3A_2129 : vector<1x16xi32> to vector<16xi32>
    %swap3A_2131 = vector.shape_cast %add3A_2125 : vector<16xi32> to vector<1x16xi32>
    tpu.vector_store %arg8[%swap3A_2127, %swap3A_2128], %swap3A_2131 {strides = array<i32>} : memref<128x32xi32, #tpu.memory_space<vmem>>, vector<1x16xi32>,
    %slice3A_2132 = vector.extract_strided_slice %get3A_2068 {offsets = [3], sizes = [1], strides = [1]} : vector<16xi32> to vector<1xi32>
    %squeeze3A_2133 = vector.extract %slice3A_2132[0] : i32 from vector<1xi32>
    %mul3A_2134 = arith.constant 32 : i32
    %mul3A_2135 = arith.muli %squeeze3A_2133, %mul3A_2134 : i32
    %add3A_2136 = vector.broadcast %mul3A_2135 : i32 to vector<16xi32>
    %add3A_2137 = arith.addi %add3A_2136, %iota3A : vector<16xi32>
    %swap3A_2138 = arith.constant 99 : i32
    %swap3A_2139 = arith.index_cast %swap3A_2138 : i32 to index
    %swap3A_2140 = arith.constant 0 : index
    %swap3A_2141 = tpu.vector_load %arg8[%swap3A_2139, %swap3A_2140] {strides = array<i32>} : memref<128x32xi32, #tpu.memory_space<vmem>>, vector<1x16xi32>,
    %swap3A_2142 = vector.shape_cast %swap3A_2141 : vector<1x16xi32> to vector<16xi32>
    %swap3A_2143 = vector.shape_cast %add3A_2137 : vector<16xi32> to vector<1x16xi32>
    tpu.vector_store %arg8[%swap3A_2139, %swap3A_2140], %swap3A_2143 {strides = array<i32>} : memref<128x32xi32, #tpu.memory_space<vmem>>, vector<1x16xi32>,
    %add3A_2144 = arith.constant 16 : i32
    %add3A_2145 = vector.broadcast %add3A_2144 : i32 to vector<16xi32>
    %add3A_2146 = arith.addi %add3A_2137, %add3A_2145 : vector<16xi32>
    %swap3A_2147 = arith.constant 99 : i32
    %swap3A_2148 = arith.index_cast %swap3A_2147 : i32 to index
    %swap3A_2149 = arith.constant 16 : index
    %swap3A_2150 = tpu.vector_load %arg8[%swap3A_2148, %swap3A_2149] {strides = array<i32>} : memref<128x32xi32, #tpu.memory_space<vmem>>, vector<1x16xi32>,
    %swap3A_2151 = vector.shape_cast %swap3A_2150 : vector<1x16xi32> to vector<16xi32>
    %swap3A_2152 = vector.shape_cast %add3A_2146 : vector<16xi32> to vector<1x16xi32>
    tpu.vector_store %arg8[%swap3A_2148, %swap3A_2149], %swap3A_2152 {strides = array<i32>} : memref<128x32xi32, #tpu.memory_space<vmem>>, vector<1x16xi32>,
    %slice3A_2153 = vector.extract_strided_slice %get3A_2068 {offsets = [4], sizes = [1], strides = [1]} : vector<16xi32> to vector<1xi32>
    %squeeze3A_2154 = vector.extract %slice3A_2153[0] : i32 from vector<1xi32>
    %mul3A_2155 = arith.constant 32 : i32
    %mul3A_2156 = arith.muli %squeeze3A_2154, %mul3A_2155 : i32
    %add3A_2157 = vector.broadcast %mul3A_2156 : i32 to vector<16xi32>
    %add3A_2158 = arith.addi %add3A_2157, %iota3A : vector<16xi32>
    %swap3A_2159 = arith.constant 100 : i32
    %swap3A_2160 = arith.index_cast %swap3A_2159 : i32 to index
    %swap3A_2161 = arith.constant 0 : index
    %swap3A_2162 = tpu.vector_load %arg8[%swap3A_2160, %swap3A_2161] {strides = array<i32>} : memref<128x32xi32, #tpu.memory_space<vmem>>, vector<1x16xi32>,
    %swap3A_2163 = vector.shape_cast %swap3A_2162 : vector<1x16xi32> to vector<16xi32>
    %swap3A_2164 = vector.shape_cast %add3A_2158 : vector<16xi32> to vector<1x16xi32>
    tpu.vector_store %arg8[%swap3A_2160, %swap3A_2161], %swap3A_2164 {strides = array<i32>} : memref<128x32xi32, #tpu.memory_space<vmem>>, vector<1x16xi32>,
    %add3A_2165 = arith.constant 16 : i32
    %add3A_2166 = vector.broadcast %add3A_2165 : i32 to vector<16xi32>
    %add3A_2167 = arith.addi %add3A_2158, %add3A_2166 : vector<16xi32>
    %swap3A_2168 = arith.constant 100 : i32
    %swap3A_2169 = arith.index_cast %swap3A_2168 : i32 to index
    %swap3A_2170 = arith.constant 16 : index
    %swap3A_2171 = tpu.vector_load %arg8[%swap3A_2169, %swap3A_2170] {strides = array<i32>} : memref<128x32xi32, #tpu.memory_space<vmem>>, vector<1x16xi32>,
    %swap3A_2172 = vector.shape_cast %swap3A_2171 : vector<1x16xi32> to vector<16xi32>
    %swap3A_2173 = vector.shape_cast %add3A_2167 : vector<16xi32> to vector<1x16xi32>
    tpu.vector_store %arg8[%swap3A_2169, %swap3A_2170], %swap3A_2173 {strides = array<i32>} : memref<128x32xi32, #tpu.memory_space<vmem>>, vector<1x16xi32>,
    %slice3A_2174 = vector.extract_strided_slice %get3A_2068 {offsets = [5], sizes = [1], strides = [1]} : vector<16xi32> to vector<1xi32>
    %squeeze3A_2175 = vector.extract %slice3A_2174[0] : i32 from vector<1xi32>
    %mul3A_2176 = arith.constant 32 : i32
    %mul3A_2177 = arith.muli %squeeze3A_2175, %mul3A_2176 : i32
    %add3A_2178 = vector.broadcast %mul3A_2177 : i32 to vector<16xi32>
    %add3A_2179 = arith.addi %add3A_2178, %iota3A : vector<16xi32>
    %swap3A_2180 = arith.constant 101 : i32
    %swap3A_2181 = arith.index_cast %swap3A_2180 : i32 to index
    %swap3A_2182 = arith.constant 0 : index
    %swap3A_2183 = tpu.vector_load %arg8[%swap3A_2181, %swap3A_2182] {strides = array<i32>} : memref<128x32xi32, #tpu.memory_space<vmem>>, vector<1x16xi32>,
    %swap3A_2184 = vector.shape_cast %swap3A_2183 : vector<1x16xi32> to vector<16xi32>
    %swap3A_2185 = vector.shape_cast %add3A_2179 : vector<16xi32> to vector<1x16xi32>
    tpu.vector_store %arg8[%swap3A_2181, %swap3A_2182], %swap3A_2185 {strides = array<i32>} : memref<128x32xi32, #tpu.memory_space<vmem>>, vector<1x16xi32>,
    %add3A_2186 = arith.constant 16 : i32
    %add3A_2187 = vector.broadcast %add3A_2186 : i32 to vector<16xi32>
    %add3A_2188 = arith.addi %add3A_2179, %add3A_2187 : vector<16xi32>
    %swap3A_2189 = arith.constant 101 : i32
    %swap3A_2190 = arith.index_cast %swap3A_2189 : i32 to index
    %swap3A_2191 = arith.constant 16 : index
    %swap3A_2192 = tpu.vector_load %arg8[%swap3A_2190, %swap3A_2191] {strides = array<i32>} : memref<128x32xi32, #tpu.memory_space<vmem>>, vector<1x16xi32>,
    %swap3A_2193 = vector.shape_cast %swap3A_2192 : vector<1x16xi32> to vector<16xi32>
    %swap3A_2194 = vector.shape_cast %add3A_2188 : vector<16xi32> to vector<1x16xi32>
    tpu.vector_store %arg8[%swap3A_2190, %swap3A_2191], %swap3A_2194 {strides = array<i32>} : memref<128x32xi32, #tpu.memory_space<vmem>>, vector<1x16xi32>,
    %slice3A_2195 = vector.extract_strided_slice %get3A_2068 {offsets = [6], sizes = [1], strides = [1]} : vector<16xi32> to vector<1xi32>
    %squeeze3A_2196 = vector.extract %slice3A_2195[0] : i32 from vector<1xi32>
    %mul3A_2197 = arith.constant 32 : i32
    %mul3A_2198 = arith.muli %squeeze3A_2196, %mul3A_2197 : i32
    %add3A_2199 = vector.broadcast %mul3A_2198 : i32 to vector<16xi32>
    %add3A_2200 = arith.addi %add3A_2199, %iota3A : vector<16xi32>
    %swap3A_2201 = arith.constant 102 : i32
    %swap3A_2202 = arith.index_cast %swap3A_2201 : i32 to index
    %swap3A_2203 = arith.constant 0 : index
    %swap3A_2204 = tpu.vector_load %arg8[%swap3A_2202, %swap3A_2203] {strides = array<i32>} : memref<128x32xi32, #tpu.memory_space<vmem>>, vector<1x16xi32>,
    %swap3A_2205 = vector.shape_cast %swap3A_2204 : vector<1x16xi32> to vector<16xi32>
    %swap3A_2206 = vector.shape_cast %add3A_2200 : vector<16xi32> to vector<1x16xi32>
    tpu.vector_store %arg8[%swap3A_2202, %swap3A_2203], %swap3A_2206 {strides = array<i32>} : memref<128x32xi32, #tpu.memory_space<vmem>>, vector<1x16xi32>,
    %add3A_2207 = arith.constant 16 : i32
    %add3A_2208 = vector.broadcast %add3A_2207 : i32 to vector<16xi32>
    %add3A_2209 = arith.addi %add3A_2200, %add3A_2208 : vector<16xi32>
    %swap3A_2210 = arith.constant 102 : i32
    %swap3A_2211 = arith.index_cast %swap3A_2210 : i32 to index
    %swap3A_2212 = arith.constant 16 : index
    %swap3A_2213 = tpu.vector_load %arg8[%swap3A_2211, %swap3A_2212] {strides = array<i32>} : memref<128x32xi32, #tpu.memory_space<vmem>>, vector<1x16xi32>,
    %swap3A_2214 = vector.shape_cast %swap3A_2213 : vector<1x16xi32> to vector<16xi32>
    %swap3A_2215 = vector.shape_cast %add3A_2209 : vector<16xi32> to vector<1x16xi32>
    tpu.vector_store %arg8[%swap3A_2211, %swap3A_2212], %swap3A_2215 {strides = array<i32>} : memref<128x32xi32, #tpu.memory_space<vmem>>, vector<1x16xi32>,
    %slice3A_2216 = vector.extract_strided_slice %get3A_2068 {offsets = [7], sizes = [1], strides = [1]} : vector<16xi32> to vector<1xi32>
    %squeeze3A_2217 = vector.extract %slice3A_2216[0] : i32 from vector<1xi32>
    %mul3A_2218 = arith.constant 32 : i32
    %mul3A_2219 = arith.muli %squeeze3A_2217, %mul3A_2218 : i32
    %add3A_2220 = vector.broadcast %mul3A_2219 : i32 to vector<16xi32>
    %add3A_2221 = arith.addi %add3A_2220, %iota3A : vector<16xi32>
    %swap3A_2222 = arith.constant 103 : i32
    %swap3A_2223 = arith.index_cast %swap3A_2222 : i32 to index
    %swap3A_2224 = arith.constant 0 : index
    %swap3A_2225 = tpu.vector_load %arg8[%swap3A_2223, %swap3A_2224] {strides = array<i32>} : memref<128x32xi32, #tpu.memory_space<vmem>>, vector<1x16xi32>,
    %swap3A_2226 = vector.shape_cast %swap3A_2225 : vector<1x16xi32> to vector<16xi32>
    %swap3A_2227 = vector.shape_cast %add3A_2221 : vector<16xi32> to vector<1x16xi32>
    tpu.vector_store %arg8[%swap3A_2223, %swap3A_2224], %swap3A_2227 {strides = array<i32>} : memref<128x32xi32, #tpu.memory_space<vmem>>, vector<1x16xi32>,
    %add3A_2228 = arith.constant 16 : i32
    %add3A_2229 = vector.broadcast %add3A_2228 : i32 to vector<16xi32>
    %add3A_2230 = arith.addi %add3A_2221, %add3A_2229 : vector<16xi32>
    %swap3A_2231 = arith.constant 103 : i32
    %swap3A_2232 = arith.index_cast %swap3A_2231 : i32 to index
    %swap3A_2233 = arith.constant 16 : index
    %swap3A_2234 = tpu.vector_load %arg8[%swap3A_2232, %swap3A_2233] {strides = array<i32>} : memref<128x32xi32, #tpu.memory_space<vmem>>, vector<1x16xi32>,
    %swap3A_2235 = vector.shape_cast %swap3A_2234 : vector<1x16xi32> to vector<16xi32>
    %swap3A_2236 = vector.shape_cast %add3A_2230 : vector<16xi32> to vector<1x16xi32>
    tpu.vector_store %arg8[%swap3A_2232, %swap3A_2233], %swap3A_2236 {strides = array<i32>} : memref<128x32xi32, #tpu.memory_space<vmem>>, vector<1x16xi32>,
    %slice3A_2237 = vector.extract_strided_slice %get3A_2068 {offsets = [8], sizes = [1], strides = [1]} : vector<16xi32> to vector<1xi32>
    %squeeze3A_2238 = vector.extract %slice3A_2237[0] : i32 from vector<1xi32>
    %mul3A_2239 = arith.constant 32 : i32
    %mul3A_2240 = arith.muli %squeeze3A_2238, %mul3A_2239 : i32
    %add3A_2241 = vector.broadcast %mul3A_2240 : i32 to vector<16xi32>
    %add3A_2242 = arith.addi %add3A_2241, %iota3A : vector<16xi32>
    %swap3A_2243 = arith.constant 104 : i32
    %swap3A_2244 = arith.index_cast %swap3A_2243 : i32 to index
    %swap3A_2245 = arith.constant 0 : index
    %swap3A_2246 = tpu.vector_load %arg8[%swap3A_2244, %swap3A_2245] {strides = array<i32>} : memref<128x32xi32, #tpu.memory_space<vmem>>, vector<1x16xi32>,
    %swap3A_2247 = vector.shape_cast %swap3A_2246 : vector<1x16xi32> to vector<16xi32>
    %swap3A_2248 = vector.shape_cast %add3A_2242 : vector<16xi32> to vector<1x16xi32>
    tpu.vector_store %arg8[%swap3A_2244, %swap3A_2245], %swap3A_2248 {strides = array<i32>} : memref<128x32xi32, #tpu.memory_space<vmem>>, vector<1x16xi32>,
    %add3A_2249 = arith.constant 16 : i32
    %add3A_2250 = vector.broadcast %add3A_2249 : i32 to vector<16xi32>
    %add3A_2251 = arith.addi %add3A_2242, %add3A_2250 : vector<16xi32>
    %swap3A_2252 = arith.constant 104 : i32
    %swap3A_2253 = arith.index_cast %swap3A_2252 : i32 to index
    %swap3A_2254 = arith.constant 16 : index
    %swap3A_2255 = tpu.vector_load %arg8[%swap3A_2253, %swap3A_2254] {strides = array<i32>} : memref<128x32xi32, #tpu.memory_space<vmem>>, vector<1x16xi32>,
    %swap3A_2256 = vector.shape_cast %swap3A_2255 : vector<1x16xi32> to vector<16xi32>
    %swap3A_2257 = vector.shape_cast %add3A_2251 : vector<16xi32> to vector<1x16xi32>
    tpu.vector_store %arg8[%swap3A_2253, %swap3A_2254], %swap3A_2257 {strides = array<i32>} : memref<128x32xi32, #tpu.memory_space<vmem>>, vector<1x16xi32>,
    %slice3A_2258 = vector.extract_strided_slice %get3A_2068 {offsets = [9], sizes = [1], strides = [1]} : vector<16xi32> to vector<1xi32>
    %squeeze3A_2259 = vector.extract %slice3A_2258[0] : i32 from vector<1xi32>
    %mul3A_2260 = arith.constant 32 : i32
    %mul3A_2261 = arith.muli %squeeze3A_2259, %mul3A_2260 : i32
    %add3A_2262 = vector.broadcast %mul3A_2261 : i32 to vector<16xi32>
    %add3A_2263 = arith.addi %add3A_2262, %iota3A : vector<16xi32>
    %swap3A_2264 = arith.constant 105 : i32
    %swap3A_2265 = arith.index_cast %swap3A_2264 : i32 to index
    %swap3A_2266 = arith.constant 0 : index
    %swap3A_2267 = tpu.vector_load %arg8[%swap3A_2265, %swap3A_2266] {strides = array<i32>} : memref<128x32xi32, #tpu.memory_space<vmem>>, vector<1x16xi32>,
    %swap3A_2268 = vector.shape_cast %swap3A_2267 : vector<1x16xi32> to vector<16xi32>
    %swap3A_2269 = vector.shape_cast %add3A_2263 : vector<16xi32> to vector<1x16xi32>
    tpu.vector_store %arg8[%swap3A_2265, %swap3A_2266], %swap3A_2269 {strides = array<i32>} : memref<128x32xi32, #tpu.memory_space<vmem>>, vector<1x16xi32>,
    %add3A_2270 = arith.constant 16 : i32
    %add3A_2271 = vector.broadcast %add3A_2270 : i32 to vector<16xi32>
    %add3A_2272 = arith.addi %add3A_2263, %add3A_2271 : vector<16xi32>
    %swap3A_2273 = arith.constant 105 : i32
    %swap3A_2274 = arith.index_cast %swap3A_2273 : i32 to index
    %swap3A_2275 = arith.constant 16 : index
    %swap3A_2276 = tpu.vector_load %arg8[%swap3A_2274, %swap3A_2275] {strides = array<i32>} : memref<128x32xi32, #tpu.memory_space<vmem>>, vector<1x16xi32>,
    %swap3A_2277 = vector.shape_cast %swap3A_2276 : vector<1x16xi32> to vector<16xi32>
    %swap3A_2278 = vector.shape_cast %add3A_2272 : vector<16xi32> to vector<1x16xi32>
    tpu.vector_store %arg8[%swap3A_2274, %swap3A_2275], %swap3A_2278 {strides = array<i32>} : memref<128x32xi32, #tpu.memory_space<vmem>>, vector<1x16xi32>,
    %slice3A_2279 = vector.extract_strided_slice %get3A_2068 {offsets = [10], sizes = [1], strides = [1]} : vector<16xi32> to vector<1xi32>
    %squeeze3A_2280 = vector.extract %slice3A_2279[0] : i32 from vector<1xi32>
    %mul3A_2281 = arith.constant 32 : i32
    %mul3A_2282 = arith.muli %squeeze3A_2280, %mul3A_2281 : i32
    %add3A_2283 = vector.broadcast %mul3A_2282 : i32 to vector<16xi32>
    %add3A_2284 = arith.addi %add3A_2283, %iota3A : vector<16xi32>
    %swap3A_2285 = arith.constant 106 : i32
    %swap3A_2286 = arith.index_cast %swap3A_2285 : i32 to index
    %swap3A_2287 = arith.constant 0 : index
    %swap3A_2288 = tpu.vector_load %arg8[%swap3A_2286, %swap3A_2287] {strides = array<i32>} : memref<128x32xi32, #tpu.memory_space<vmem>>, vector<1x16xi32>,
    %swap3A_2289 = vector.shape_cast %swap3A_2288 : vector<1x16xi32> to vector<16xi32>
    %swap3A_2290 = vector.shape_cast %add3A_2284 : vector<16xi32> to vector<1x16xi32>
    tpu.vector_store %arg8[%swap3A_2286, %swap3A_2287], %swap3A_2290 {strides = array<i32>} : memref<128x32xi32, #tpu.memory_space<vmem>>, vector<1x16xi32>,
    %add3A_2291 = arith.constant 16 : i32
    %add3A_2292 = vector.broadcast %add3A_2291 : i32 to vector<16xi32>
    %add3A_2293 = arith.addi %add3A_2284, %add3A_2292 : vector<16xi32>
    %swap3A_2294 = arith.constant 106 : i32
    %swap3A_2295 = arith.index_cast %swap3A_2294 : i32 to index
    %swap3A_2296 = arith.constant 16 : index
    %swap3A_2297 = tpu.vector_load %arg8[%swap3A_2295, %swap3A_2296] {strides = array<i32>} : memref<128x32xi32, #tpu.memory_space<vmem>>, vector<1x16xi32>,
    %swap3A_2298 = vector.shape_cast %swap3A_2297 : vector<1x16xi32> to vector<16xi32>
    %swap3A_2299 = vector.shape_cast %add3A_2293 : vector<16xi32> to vector<1x16xi32>
    tpu.vector_store %arg8[%swap3A_2295, %swap3A_2296], %swap3A_2299 {strides = array<i32>} : memref<128x32xi32, #tpu.memory_space<vmem>>, vector<1x16xi32>,
    %slice3A_2300 = vector.extract_strided_slice %get3A_2068 {offsets = [11], sizes = [1], strides = [1]} : vector<16xi32> to vector<1xi32>
    %squeeze3A_2301 = vector.extract %slice3A_2300[0] : i32 from vector<1xi32>
    %mul3A_2302 = arith.constant 32 : i32
    %mul3A_2303 = arith.muli %squeeze3A_2301, %mul3A_2302 : i32
    %add3A_2304 = vector.broadcast %mul3A_2303 : i32 to vector<16xi32>
    %add3A_2305 = arith.addi %add3A_2304, %iota3A : vector<16xi32>
    %swap3A_2306 = arith.constant 107 : i32
    %swap3A_2307 = arith.index_cast %swap3A_2306 : i32 to index
    %swap3A_2308 = arith.constant 0 : index
    %swap3A_2309 = tpu.vector_load %arg8[%swap3A_2307, %swap3A_2308] {strides = array<i32>} : memref<128x32xi32, #tpu.memory_space<vmem>>, vector<1x16xi32>,
    %swap3A_2310 = vector.shape_cast %swap3A_2309 : vector<1x16xi32> to vector<16xi32>
    %swap3A_2311 = vector.shape_cast %add3A_2305 : vector<16xi32> to vector<1x16xi32>
    tpu.vector_store %arg8[%swap3A_2307, %swap3A_2308], %swap3A_2311 {strides = array<i32>} : memref<128x32xi32, #tpu.memory_space<vmem>>, vector<1x16xi32>,
    %add3A_2312 = arith.constant 16 : i32
    %add3A_2313 = vector.broadcast %add3A_2312 : i32 to vector<16xi32>
    %add3A_2314 = arith.addi %add3A_2305, %add3A_2313 : vector<16xi32>
    %swap3A_2315 = arith.constant 107 : i32
    %swap3A_2316 = arith.index_cast %swap3A_2315 : i32 to index
    %swap3A_2317 = arith.constant 16 : index
    %swap3A_2318 = tpu.vector_load %arg8[%swap3A_2316, %swap3A_2317] {strides = array<i32>} : memref<128x32xi32, #tpu.memory_space<vmem>>, vector<1x16xi32>,
    %swap3A_2319 = vector.shape_cast %swap3A_2318 : vector<1x16xi32> to vector<16xi32>
    %swap3A_2320 = vector.shape_cast %add3A_2314 : vector<16xi32> to vector<1x16xi32>
    tpu.vector_store %arg8[%swap3A_2316, %swap3A_2317], %swap3A_2320 {strides = array<i32>} : memref<128x32xi32, #tpu.memory_space<vmem>>, vector<1x16xi32>,
    %slice3A_2321 = vector.extract_strided_slice %get3A_2068 {offsets = [12], sizes = [1], strides = [1]} : vector<16xi32> to vector<1xi32>
    %squeeze3A_2322 = vector.extract %slice3A_2321[0] : i32 from vector<1xi32>
    %mul3A_2323 = arith.constant 32 : i32
    %mul3A_2324 = arith.muli %squeeze3A_2322, %mul3A_2323 : i32
    %add3A_2325 = vector.broadcast %mul3A_2324 : i32 to vector<16xi32>
    %add3A_2326 = arith.addi %add3A_2325, %iota3A : vector<16xi32>
    %swap3A_2327 = arith.constant 108 : i32
    %swap3A_2328 = arith.index_cast %swap3A_2327 : i32 to index
    %swap3A_2329 = arith.constant 0 : index
    %swap3A_2330 = tpu.vector_load %arg8[%swap3A_2328, %swap3A_2329] {strides = array<i32>} : memref<128x32xi32, #tpu.memory_space<vmem>>, vector<1x16xi32>,
    %swap3A_2331 = vector.shape_cast %swap3A_2330 : vector<1x16xi32> to vector<16xi32>
    %swap3A_2332 = vector.shape_cast %add3A_2326 : vector<16xi32> to vector<1x16xi32>
    tpu.vector_store %arg8[%swap3A_2328, %swap3A_2329], %swap3A_2332 {strides = array<i32>} : memref<128x32xi32, #tpu.memory_space<vmem>>, vector<1x16xi32>,
    %add3A_2333 = arith.constant 16 : i32
    %add3A_2334 = vector.broadcast %add3A_2333 : i32 to vector<16xi32>
    %add3A_2335 = arith.addi %add3A_2326, %add3A_2334 : vector<16xi32>
    %swap3A_2336 = arith.constant 108 : i32
    %swap3A_2337 = arith.index_cast %swap3A_2336 : i32 to index
    %swap3A_2338 = arith.constant 16 : index
    %swap3A_2339 = tpu.vector_load %arg8[%swap3A_2337, %swap3A_2338] {strides = array<i32>} : memref<128x32xi32, #tpu.memory_space<vmem>>, vector<1x16xi32>,
    %swap3A_2340 = vector.shape_cast %swap3A_2339 : vector<1x16xi32> to vector<16xi32>
    %swap3A_2341 = vector.shape_cast %add3A_2335 : vector<16xi32> to vector<1x16xi32>
    tpu.vector_store %arg8[%swap3A_2337, %swap3A_2338], %swap3A_2341 {strides = array<i32>} : memref<128x32xi32, #tpu.memory_space<vmem>>, vector<1x16xi32>,
    %slice3A_2342 = vector.extract_strided_slice %get3A_2068 {offsets = [13], sizes = [1], strides = [1]} : vector<16xi32> to vector<1xi32>
    %squeeze3A_2343 = vector.extract %slice3A_2342[0] : i32 from vector<1xi32>
    %mul3A_2344 = arith.constant 32 : i32
    %mul3A_2345 = arith.muli %squeeze3A_2343, %mul3A_2344 : i32
    %add3A_2346 = vector.broadcast %mul3A_2345 : i32 to vector<16xi32>
    %add3A_2347 = arith.addi %add3A_2346, %iota3A : vector<16xi32>
    %swap3A_2348 = arith.constant 109 : i32
    %swap3A_2349 = arith.index_cast %swap3A_2348 : i32 to index
    %swap3A_2350 = arith.constant 0 : index
    %swap3A_2351 = tpu.vector_load %arg8[%swap3A_2349, %swap3A_2350] {strides = array<i32>} : memref<128x32xi32, #tpu.memory_space<vmem>>, vector<1x16xi32>,
    %swap3A_2352 = vector.shape_cast %swap3A_2351 : vector<1x16xi32> to vector<16xi32>
    %swap3A_2353 = vector.shape_cast %add3A_2347 : vector<16xi32> to vector<1x16xi32>
    tpu.vector_store %arg8[%swap3A_2349, %swap3A_2350], %swap3A_2353 {strides = array<i32>} : memref<128x32xi32, #tpu.memory_space<vmem>>, vector<1x16xi32>,
    %add3A_2354 = arith.constant 16 : i32
    %add3A_2355 = vector.broadcast %add3A_2354 : i32 to vector<16xi32>
    %add3A_2356 = arith.addi %add3A_2347, %add3A_2355 : vector<16xi32>
    %swap3A_2357 = arith.constant 109 : i32
    %swap3A_2358 = arith.index_cast %swap3A_2357 : i32 to index
    %swap3A_2359 = arith.constant 16 : index
    %swap3A_2360 = tpu.vector_load %arg8[%swap3A_2358, %swap3A_2359] {strides = array<i32>} : memref<128x32xi32, #tpu.memory_space<vmem>>, vector<1x16xi32>,
    %swap3A_2361 = vector.shape_cast %swap3A_2360 : vector<1x16xi32> to vector<16xi32>
    %swap3A_2362 = vector.shape_cast %add3A_2356 : vector<16xi32> to vector<1x16xi32>
    tpu.vector_store %arg8[%swap3A_2358, %swap3A_2359], %swap3A_2362 {strides = array<i32>} : memref<128x32xi32, #tpu.memory_space<vmem>>, vector<1x16xi32>,
    %slice3A_2363 = vector.extract_strided_slice %get3A_2068 {offsets = [14], sizes = [1], strides = [1]} : vector<16xi32> to vector<1xi32>
    %squeeze3A_2364 = vector.extract %slice3A_2363[0] : i32 from vector<1xi32>
    %mul3A_2365 = arith.constant 32 : i32
    %mul3A_2366 = arith.muli %squeeze3A_2364, %mul3A_2365 : i32
    %add3A_2367 = vector.broadcast %mul3A_2366 : i32 to vector<16xi32>
    %add3A_2368 = arith.addi %add3A_2367, %iota3A : vector<16xi32>
    %swap3A_2369 = arith.constant 110 : i32
    %swap3A_2370 = arith.index_cast %swap3A_2369 : i32 to index
    %swap3A_2371 = arith.constant 0 : index
    %swap3A_2372 = tpu.vector_load %arg8[%swap3A_2370, %swap3A_2371] {strides = array<i32>} : memref<128x32xi32, #tpu.memory_space<vmem>>, vector<1x16xi32>,
    %swap3A_2373 = vector.shape_cast %swap3A_2372 : vector<1x16xi32> to vector<16xi32>
    %swap3A_2374 = vector.shape_cast %add3A_2368 : vector<16xi32> to vector<1x16xi32>
    tpu.vector_store %arg8[%swap3A_2370, %swap3A_2371], %swap3A_2374 {strides = array<i32>} : memref<128x32xi32, #tpu.memory_space<vmem>>, vector<1x16xi32>,
    %add3A_2375 = arith.constant 16 : i32
    %add3A_2376 = vector.broadcast %add3A_2375 : i32 to vector<16xi32>
    %add3A_2377 = arith.addi %add3A_2368, %add3A_2376 : vector<16xi32>
    %swap3A_2378 = arith.constant 110 : i32
    %swap3A_2379 = arith.index_cast %swap3A_2378 : i32 to index
    %swap3A_2380 = arith.constant 16 : index
    %swap3A_2381 = tpu.vector_load %arg8[%swap3A_2379, %swap3A_2380] {strides = array<i32>} : memref<128x32xi32, #tpu.memory_space<vmem>>, vector<1x16xi32>,
    %swap3A_2382 = vector.shape_cast %swap3A_2381 : vector<1x16xi32> to vector<16xi32>
    %swap3A_2383 = vector.shape_cast %add3A_2377 : vector<16xi32> to vector<1x16xi32>
    tpu.vector_store %arg8[%swap3A_2379, %swap3A_2380], %swap3A_2383 {strides = array<i32>} : memref<128x32xi32, #tpu.memory_space<vmem>>, vector<1x16xi32>,
    %slice3A_2384 = vector.extract_strided_slice %get3A_2068 {offsets = [15], sizes = [1], strides = [1]} : vector<16xi32> to vector<1xi32>
    %squeeze3A_2385 = vector.extract %slice3A_2384[0] : i32 from vector<1xi32>
    %mul3A_2386 = arith.constant 32 : i32
    %mul3A_2387 = arith.muli %squeeze3A_2385, %mul3A_2386 : i32
    %add3A_2388 = vector.broadcast %mul3A_2387 : i32 to vector<16xi32>
    %add3A_2389 = arith.addi %add3A_2388, %iota3A : vector<16xi32>
    %swap3A_2390 = arith.constant 111 : i32
    %swap3A_2391 = arith.index_cast %swap3A_2390 : i32 to index
    %swap3A_2392 = arith.constant 0 : index
    %swap3A_2393 = tpu.vector_load %arg8[%swap3A_2391, %swap3A_2392] {strides = array<i32>} : memref<128x32xi32, #tpu.memory_space<vmem>>, vector<1x16xi32>,
    %swap3A_2394 = vector.shape_cast %swap3A_2393 : vector<1x16xi32> to vector<16xi32>
    %swap3A_2395 = vector.shape_cast %add3A_2389 : vector<16xi32> to vector<1x16xi32>
    tpu.vector_store %arg8[%swap3A_2391, %swap3A_2392], %swap3A_2395 {strides = array<i32>} : memref<128x32xi32, #tpu.memory_space<vmem>>, vector<1x16xi32>,
    %add3A_2396 = arith.constant 16 : i32
    %add3A_2397 = vector.broadcast %add3A_2396 : i32 to vector<16xi32>
    %add3A_2398 = arith.addi %add3A_2389, %add3A_2397 : vector<16xi32>
    %swap3A_2399 = arith.constant 111 : i32
    %swap3A_2400 = arith.index_cast %swap3A_2399 : i32 to index
    %swap3A_2401 = arith.constant 16 : index
    %swap3A_2402 = tpu.vector_load %arg8[%swap3A_2400, %swap3A_2401] {strides = array<i32>} : memref<128x32xi32, #tpu.memory_space<vmem>>, vector<1x16xi32>,
    %swap3A_2403 = vector.shape_cast %swap3A_2402 : vector<1x16xi32> to vector<16xi32>
    %swap3A_2404 = vector.shape_cast %add3A_2398 : vector<16xi32> to vector<1x16xi32>
    tpu.vector_store %arg8[%swap3A_2400, %swap3A_2401], %swap3A_2404 {strides = array<i32>} : memref<128x32xi32, #tpu.memory_space<vmem>>, vector<1x16xi32>,
    %mul3A_2405 = arith.constant 128 : i32
    %mul3A_2406 = arith.muli %arg1, %mul3A_2405 : i32
    %add3A_2407 = arith.constant 112 : i32
    %add3A_2408 = arith.addi %mul3A_2406, %add3A_2407 : i32
    %get3A_2409 = arith.index_cast %add3A_2408 : i32 to index
    %get3A_2410 = tpu.vector_load %arg7[%get3A_2409] {strides = array<i32>} : memref<2048xi32, #tpu.memory_space<vmem>>, vector<16xi32>,
    %get3A_2411 = vector.shape_cast %get3A_2410 : vector<16xi32> to vector<16xi32>
    %slice3A_2412 = vector.extract_strided_slice %get3A_2411 {offsets = [0], sizes = [1], strides = [1]} : vector<16xi32> to vector<1xi32>
    %squeeze3A_2413 = vector.extract %slice3A_2412[0] : i32 from vector<1xi32>
    %mul3A_2414 = arith.constant 32 : i32
    %mul3A_2415 = arith.muli %squeeze3A_2413, %mul3A_2414 : i32
    %add3A_2416 = vector.broadcast %mul3A_2415 : i32 to vector<16xi32>
    %add3A_2417 = arith.addi %add3A_2416, %iota3A : vector<16xi32>
    %swap3A_2418 = arith.constant 112 : i32
    %swap3A_2419 = arith.index_cast %swap3A_2418 : i32 to index
    %swap3A_2420 = arith.constant 0 : index
    %swap3A_2421 = tpu.vector_load %arg8[%swap3A_2419, %swap3A_2420] {strides = array<i32>} : memref<128x32xi32, #tpu.memory_space<vmem>>, vector<1x16xi32>,
    %swap3A_2422 = vector.shape_cast %swap3A_2421 : vector<1x16xi32> to vector<16xi32>
    %swap3A_2423 = vector.shape_cast %add3A_2417 : vector<16xi32> to vector<1x16xi32>
    tpu.vector_store %arg8[%swap3A_2419, %swap3A_2420], %swap3A_2423 {strides = array<i32>} : memref<128x32xi32, #tpu.memory_space<vmem>>, vector<1x16xi32>,
    %add3A_2424 = arith.constant 16 : i32
    %add3A_2425 = vector.broadcast %add3A_2424 : i32 to vector<16xi32>
    %add3A_2426 = arith.addi %add3A_2417, %add3A_2425 : vector<16xi32>
    %swap3A_2427 = arith.constant 112 : i32
    %swap3A_2428 = arith.index_cast %swap3A_2427 : i32 to index
    %swap3A_2429 = arith.constant 16 : index
    %swap3A_2430 = tpu.vector_load %arg8[%swap3A_2428, %swap3A_2429] {strides = array<i32>} : memref<128x32xi32, #tpu.memory_space<vmem>>, vector<1x16xi32>,
    %swap3A_2431 = vector.shape_cast %swap3A_2430 : vector<1x16xi32> to vector<16xi32>
    %swap3A_2432 = vector.shape_cast %add3A_2426 : vector<16xi32> to vector<1x16xi32>
    tpu.vector_store %arg8[%swap3A_2428, %swap3A_2429], %swap3A_2432 {strides = array<i32>} : memref<128x32xi32, #tpu.memory_space<vmem>>, vector<1x16xi32>,
    %slice3A_2433 = vector.extract_strided_slice %get3A_2411 {offsets = [1], sizes = [1], strides = [1]} : vector<16xi32> to vector<1xi32>
    %squeeze3A_2434 = vector.extract %slice3A_2433[0] : i32 from vector<1xi32>
    %mul3A_2435 = arith.constant 32 : i32
    %mul3A_2436 = arith.muli %squeeze3A_2434, %mul3A_2435 : i32
    %add3A_2437 = vector.broadcast %mul3A_2436 : i32 to vector<16xi32>
    %add3A_2438 = arith.addi %add3A_2437, %iota3A : vector<16xi32>
    %swap3A_2439 = arith.constant 113 : i32
    %swap3A_2440 = arith.index_cast %swap3A_2439 : i32 to index
    %swap3A_2441 = arith.constant 0 : index
    %swap3A_2442 = tpu.vector_load %arg8[%swap3A_2440, %swap3A_2441] {strides = array<i32>} : memref<128x32xi32, #tpu.memory_space<vmem>>, vector<1x16xi32>,
    %swap3A_2443 = vector.shape_cast %swap3A_2442 : vector<1x16xi32> to vector<16xi32>
    %swap3A_2444 = vector.shape_cast %add3A_2438 : vector<16xi32> to vector<1x16xi32>
    tpu.vector_store %arg8[%swap3A_2440, %swap3A_2441], %swap3A_2444 {strides = array<i32>} : memref<128x32xi32, #tpu.memory_space<vmem>>, vector<1x16xi32>,
    %add3A_2445 = arith.constant 16 : i32
    %add3A_2446 = vector.broadcast %add3A_2445 : i32 to vector<16xi32>
    %add3A_2447 = arith.addi %add3A_2438, %add3A_2446 : vector<16xi32>
    %swap3A_2448 = arith.constant 113 : i32
    %swap3A_2449 = arith.index_cast %swap3A_2448 : i32 to index
    %swap3A_2450 = arith.constant 16 : index
    %swap3A_2451 = tpu.vector_load %arg8[%swap3A_2449, %swap3A_2450] {strides = array<i32>} : memref<128x32xi32, #tpu.memory_space<vmem>>, vector<1x16xi32>,
    %swap3A_2452 = vector.shape_cast %swap3A_2451 : vector<1x16xi32> to vector<16xi32>
    %swap3A_2453 = vector.shape_cast %add3A_2447 : vector<16xi32> to vector<1x16xi32>
    tpu.vector_store %arg8[%swap3A_2449, %swap3A_2450], %swap3A_2453 {strides = array<i32>} : memref<128x32xi32, #tpu.memory_space<vmem>>, vector<1x16xi32>,
    %slice3A_2454 = vector.extract_strided_slice %get3A_2411 {offsets = [2], sizes = [1], strides = [1]} : vector<16xi32> to vector<1xi32>
    %squeeze3A_2455 = vector.extract %slice3A_2454[0] : i32 from vector<1xi32>
    %mul3A_2456 = arith.constant 32 : i32
    %mul3A_2457 = arith.muli %squeeze3A_2455, %mul3A_2456 : i32
    %add3A_2458 = vector.broadcast %mul3A_2457 : i32 to vector<16xi32>
    %add3A_2459 = arith.addi %add3A_2458, %iota3A : vector<16xi32>
    %swap3A_2460 = arith.constant 114 : i32
    %swap3A_2461 = arith.index_cast %swap3A_2460 : i32 to index
    %swap3A_2462 = arith.constant 0 : index
    %swap3A_2463 = tpu.vector_load %arg8[%swap3A_2461, %swap3A_2462] {strides = array<i32>} : memref<128x32xi32, #tpu.memory_space<vmem>>, vector<1x16xi32>,
    %swap3A_2464 = vector.shape_cast %swap3A_2463 : vector<1x16xi32> to vector<16xi32>
    %swap3A_2465 = vector.shape_cast %add3A_2459 : vector<16xi32> to vector<1x16xi32>
    tpu.vector_store %arg8[%swap3A_2461, %swap3A_2462], %swap3A_2465 {strides = array<i32>} : memref<128x32xi32, #tpu.memory_space<vmem>>, vector<1x16xi32>,
    %add3A_2466 = arith.constant 16 : i32
    %add3A_2467 = vector.broadcast %add3A_2466 : i32 to vector<16xi32>
    %add3A_2468 = arith.addi %add3A_2459, %add3A_2467 : vector<16xi32>
    %swap3A_2469 = arith.constant 114 : i32
    %swap3A_2470 = arith.index_cast %swap3A_2469 : i32 to index
    %swap3A_2471 = arith.constant 16 : index
    %swap3A_2472 = tpu.vector_load %arg8[%swap3A_2470, %swap3A_2471] {strides = array<i32>} : memref<128x32xi32, #tpu.memory_space<vmem>>, vector<1x16xi32>,
    %swap3A_2473 = vector.shape_cast %swap3A_2472 : vector<1x16xi32> to vector<16xi32>
    %swap3A_2474 = vector.shape_cast %add3A_2468 : vector<16xi32> to vector<1x16xi32>
    tpu.vector_store %arg8[%swap3A_2470, %swap3A_2471], %swap3A_2474 {strides = array<i32>} : memref<128x32xi32, #tpu.memory_space<vmem>>, vector<1x16xi32>,
    %slice3A_2475 = vector.extract_strided_slice %get3A_2411 {offsets = [3], sizes = [1], strides = [1]} : vector<16xi32> to vector<1xi32>
    %squeeze3A_2476 = vector.extract %slice3A_2475[0] : i32 from vector<1xi32>
    %mul3A_2477 = arith.constant 32 : i32
    %mul3A_2478 = arith.muli %squeeze3A_2476, %mul3A_2477 : i32
    %add3A_2479 = vector.broadcast %mul3A_2478 : i32 to vector<16xi32>
    %add3A_2480 = arith.addi %add3A_2479, %iota3A : vector<16xi32>
    %swap3A_2481 = arith.constant 115 : i32
    %swap3A_2482 = arith.index_cast %swap3A_2481 : i32 to index
    %swap3A_2483 = arith.constant 0 : index
    %swap3A_2484 = tpu.vector_load %arg8[%swap3A_2482, %swap3A_2483] {strides = array<i32>} : memref<128x32xi32, #tpu.memory_space<vmem>>, vector<1x16xi32>,
    %swap3A_2485 = vector.shape_cast %swap3A_2484 : vector<1x16xi32> to vector<16xi32>
    %swap3A_2486 = vector.shape_cast %add3A_2480 : vector<16xi32> to vector<1x16xi32>
    tpu.vector_store %arg8[%swap3A_2482, %swap3A_2483], %swap3A_2486 {strides = array<i32>} : memref<128x32xi32, #tpu.memory_space<vmem>>, vector<1x16xi32>,
    %add3A_2487 = arith.constant 16 : i32
    %add3A_2488 = vector.broadcast %add3A_2487 : i32 to vector<16xi32>
    %add3A_2489 = arith.addi %add3A_2480, %add3A_2488 : vector<16xi32>
    %swap3A_2490 = arith.constant 115 : i32
    %swap3A_2491 = arith.index_cast %swap3A_2490 : i32 to index
    %swap3A_2492 = arith.constant 16 : index
    %swap3A_2493 = tpu.vector_load %arg8[%swap3A_2491, %swap3A_2492] {strides = array<i32>} : memref<128x32xi32, #tpu.memory_space<vmem>>, vector<1x16xi32>,
    %swap3A_2494 = vector.shape_cast %swap3A_2493 : vector<1x16xi32> to vector<16xi32>
    %swap3A_2495 = vector.shape_cast %add3A_2489 : vector<16xi32> to vector<1x16xi32>
    tpu.vector_store %arg8[%swap3A_2491, %swap3A_2492], %swap3A_2495 {strides = array<i32>} : memref<128x32xi32, #tpu.memory_space<vmem>>, vector<1x16xi32>,
    %slice3A_2496 = vector.extract_strided_slice %get3A_2411 {offsets = [4], sizes = [1], strides = [1]} : vector<16xi32> to vector<1xi32>
    %squeeze3A_2497 = vector.extract %slice3A_2496[0] : i32 from vector<1xi32>
    %mul3A_2498 = arith.constant 32 : i32
    %mul3A_2499 = arith.muli %squeeze3A_2497, %mul3A_2498 : i32
    %add3A_2500 = vector.broadcast %mul3A_2499 : i32 to vector<16xi32>
    %add3A_2501 = arith.addi %add3A_2500, %iota3A : vector<16xi32>
    %swap3A_2502 = arith.constant 116 : i32
    %swap3A_2503 = arith.index_cast %swap3A_2502 : i32 to index
    %swap3A_2504 = arith.constant 0 : index
    %swap3A_2505 = tpu.vector_load %arg8[%swap3A_2503, %swap3A_2504] {strides = array<i32>} : memref<128x32xi32, #tpu.memory_space<vmem>>, vector<1x16xi32>,
    %swap3A_2506 = vector.shape_cast %swap3A_2505 : vector<1x16xi32> to vector<16xi32>
    %swap3A_2507 = vector.shape_cast %add3A_2501 : vector<16xi32> to vector<1x16xi32>
    tpu.vector_store %arg8[%swap3A_2503, %swap3A_2504], %swap3A_2507 {strides = array<i32>} : memref<128x32xi32, #tpu.memory_space<vmem>>, vector<1x16xi32>,
    %add3A_2508 = arith.constant 16 : i32
    %add3A_2509 = vector.broadcast %add3A_2508 : i32 to vector<16xi32>
    %add3A_2510 = arith.addi %add3A_2501, %add3A_2509 : vector<16xi32>
    %swap3A_2511 = arith.constant 116 : i32
    %swap3A_2512 = arith.index_cast %swap3A_2511 : i32 to index
    %swap3A_2513 = arith.constant 16 : index
    %swap3A_2514 = tpu.vector_load %arg8[%swap3A_2512, %swap3A_2513] {strides = array<i32>} : memref<128x32xi32, #tpu.memory_space<vmem>>, vector<1x16xi32>,
    %swap3A_2515 = vector.shape_cast %swap3A_2514 : vector<1x16xi32> to vector<16xi32>
    %swap3A_2516 = vector.shape_cast %add3A_2510 : vector<16xi32> to vector<1x16xi32>
    tpu.vector_store %arg8[%swap3A_2512, %swap3A_2513], %swap3A_2516 {strides = array<i32>} : memref<128x32xi32, #tpu.memory_space<vmem>>, vector<1x16xi32>,
    %slice3A_2517 = vector.extract_strided_slice %get3A_2411 {offsets = [5], sizes = [1], strides = [1]} : vector<16xi32> to vector<1xi32>
    %squeeze3A_2518 = vector.extract %slice3A_2517[0] : i32 from vector<1xi32>
    %mul3A_2519 = arith.constant 32 : i32
    %mul3A_2520 = arith.muli %squeeze3A_2518, %mul3A_2519 : i32
    %add3A_2521 = vector.broadcast %mul3A_2520 : i32 to vector<16xi32>
    %add3A_2522 = arith.addi %add3A_2521, %iota3A : vector<16xi32>
    %swap3A_2523 = arith.constant 117 : i32
    %swap3A_2524 = arith.index_cast %swap3A_2523 : i32 to index
    %swap3A_2525 = arith.constant 0 : index
    %swap3A_2526 = tpu.vector_load %arg8[%swap3A_2524, %swap3A_2525] {strides = array<i32>} : memref<128x32xi32, #tpu.memory_space<vmem>>, vector<1x16xi32>,
    %swap3A_2527 = vector.shape_cast %swap3A_2526 : vector<1x16xi32> to vector<16xi32>
    %swap3A_2528 = vector.shape_cast %add3A_2522 : vector<16xi32> to vector<1x16xi32>
    tpu.vector_store %arg8[%swap3A_2524, %swap3A_2525], %swap3A_2528 {strides = array<i32>} : memref<128x32xi32, #tpu.memory_space<vmem>>, vector<1x16xi32>,
    %add3A_2529 = arith.constant 16 : i32
    %add3A_2530 = vector.broadcast %add3A_2529 : i32 to vector<16xi32>
    %add3A_2531 = arith.addi %add3A_2522, %add3A_2530 : vector<16xi32>
    %swap3A_2532 = arith.constant 117 : i32
    %swap3A_2533 = arith.index_cast %swap3A_2532 : i32 to index
    %swap3A_2534 = arith.constant 16 : index
    %swap3A_2535 = tpu.vector_load %arg8[%swap3A_2533, %swap3A_2534] {strides = array<i32>} : memref<128x32xi32, #tpu.memory_space<vmem>>, vector<1x16xi32>,
    %swap3A_2536 = vector.shape_cast %swap3A_2535 : vector<1x16xi32> to vector<16xi32>
    %swap3A_2537 = vector.shape_cast %add3A_2531 : vector<16xi32> to vector<1x16xi32>
    tpu.vector_store %arg8[%swap3A_2533, %swap3A_2534], %swap3A_2537 {strides = array<i32>} : memref<128x32xi32, #tpu.memory_space<vmem>>, vector<1x16xi32>,
    %slice3A_2538 = vector.extract_strided_slice %get3A_2411 {offsets = [6], sizes = [1], strides = [1]} : vector<16xi32> to vector<1xi32>
    %squeeze3A_2539 = vector.extract %slice3A_2538[0] : i32 from vector<1xi32>
    %mul3A_2540 = arith.constant 32 : i32
    %mul3A_2541 = arith.muli %squeeze3A_2539, %mul3A_2540 : i32
    %add3A_2542 = vector.broadcast %mul3A_2541 : i32 to vector<16xi32>
    %add3A_2543 = arith.addi %add3A_2542, %iota3A : vector<16xi32>
    %swap3A_2544 = arith.constant 118 : i32
    %swap3A_2545 = arith.index_cast %swap3A_2544 : i32 to index
    %swap3A_2546 = arith.constant 0 : index
    %swap3A_2547 = tpu.vector_load %arg8[%swap3A_2545, %swap3A_2546] {strides = array<i32>} : memref<128x32xi32, #tpu.memory_space<vmem>>, vector<1x16xi32>,
    %swap3A_2548 = vector.shape_cast %swap3A_2547 : vector<1x16xi32> to vector<16xi32>
    %swap3A_2549 = vector.shape_cast %add3A_2543 : vector<16xi32> to vector<1x16xi32>
    tpu.vector_store %arg8[%swap3A_2545, %swap3A_2546], %swap3A_2549 {strides = array<i32>} : memref<128x32xi32, #tpu.memory_space<vmem>>, vector<1x16xi32>,
    %add3A_2550 = arith.constant 16 : i32
    %add3A_2551 = vector.broadcast %add3A_2550 : i32 to vector<16xi32>
    %add3A_2552 = arith.addi %add3A_2543, %add3A_2551 : vector<16xi32>
    %swap3A_2553 = arith.constant 118 : i32
    %swap3A_2554 = arith.index_cast %swap3A_2553 : i32 to index
    %swap3A_2555 = arith.constant 16 : index
    %swap3A_2556 = tpu.vector_load %arg8[%swap3A_2554, %swap3A_2555] {strides = array<i32>} : memref<128x32xi32, #tpu.memory_space<vmem>>, vector<1x16xi32>,
    %swap3A_2557 = vector.shape_cast %swap3A_2556 : vector<1x16xi32> to vector<16xi32>
    %swap3A_2558 = vector.shape_cast %add3A_2552 : vector<16xi32> to vector<1x16xi32>
    tpu.vector_store %arg8[%swap3A_2554, %swap3A_2555], %swap3A_2558 {strides = array<i32>} : memref<128x32xi32, #tpu.memory_space<vmem>>, vector<1x16xi32>,
    %slice3A_2559 = vector.extract_strided_slice %get3A_2411 {offsets = [7], sizes = [1], strides = [1]} : vector<16xi32> to vector<1xi32>
    %squeeze3A_2560 = vector.extract %slice3A_2559[0] : i32 from vector<1xi32>
    %mul3A_2561 = arith.constant 32 : i32
    %mul3A_2562 = arith.muli %squeeze3A_2560, %mul3A_2561 : i32
    %add3A_2563 = vector.broadcast %mul3A_2562 : i32 to vector<16xi32>
    %add3A_2564 = arith.addi %add3A_2563, %iota3A : vector<16xi32>
    %swap3A_2565 = arith.constant 119 : i32
    %swap3A_2566 = arith.index_cast %swap3A_2565 : i32 to index
    %swap3A_2567 = arith.constant 0 : index
    %swap3A_2568 = tpu.vector_load %arg8[%swap3A_2566, %swap3A_2567] {strides = array<i32>} : memref<128x32xi32, #tpu.memory_space<vmem>>, vector<1x16xi32>,
    %swap3A_2569 = vector.shape_cast %swap3A_2568 : vector<1x16xi32> to vector<16xi32>
    %swap3A_2570 = vector.shape_cast %add3A_2564 : vector<16xi32> to vector<1x16xi32>
    tpu.vector_store %arg8[%swap3A_2566, %swap3A_2567], %swap3A_2570 {strides = array<i32>} : memref<128x32xi32, #tpu.memory_space<vmem>>, vector<1x16xi32>,
    %add3A_2571 = arith.constant 16 : i32
    %add3A_2572 = vector.broadcast %add3A_2571 : i32 to vector<16xi32>
    %add3A_2573 = arith.addi %add3A_2564, %add3A_2572 : vector<16xi32>
    %swap3A_2574 = arith.constant 119 : i32
    %swap3A_2575 = arith.index_cast %swap3A_2574 : i32 to index
    %swap3A_2576 = arith.constant 16 : index
    %swap3A_2577 = tpu.vector_load %arg8[%swap3A_2575, %swap3A_2576] {strides = array<i32>} : memref<128x32xi32, #tpu.memory_space<vmem>>, vector<1x16xi32>,
    %swap3A_2578 = vector.shape_cast %swap3A_2577 : vector<1x16xi32> to vector<16xi32>
    %swap3A_2579 = vector.shape_cast %add3A_2573 : vector<16xi32> to vector<1x16xi32>
    tpu.vector_store %arg8[%swap3A_2575, %swap3A_2576], %swap3A_2579 {strides = array<i32>} : memref<128x32xi32, #tpu.memory_space<vmem>>, vector<1x16xi32>,
    %slice3A_2580 = vector.extract_strided_slice %get3A_2411 {offsets = [8], sizes = [1], strides = [1]} : vector<16xi32> to vector<1xi32>
    %squeeze3A_2581 = vector.extract %slice3A_2580[0] : i32 from vector<1xi32>
    %mul3A_2582 = arith.constant 32 : i32
    %mul3A_2583 = arith.muli %squeeze3A_2581, %mul3A_2582 : i32
    %add3A_2584 = vector.broadcast %mul3A_2583 : i32 to vector<16xi32>
    %add3A_2585 = arith.addi %add3A_2584, %iota3A : vector<16xi32>
    %swap3A_2586 = arith.constant 120 : i32
    %swap3A_2587 = arith.index_cast %swap3A_2586 : i32 to index
    %swap3A_2588 = arith.constant 0 : index
    %swap3A_2589 = tpu.vector_load %arg8[%swap3A_2587, %swap3A_2588] {strides = array<i32>} : memref<128x32xi32, #tpu.memory_space<vmem>>, vector<1x16xi32>,
    %swap3A_2590 = vector.shape_cast %swap3A_2589 : vector<1x16xi32> to vector<16xi32>
    %swap3A_2591 = vector.shape_cast %add3A_2585 : vector<16xi32> to vector<1x16xi32>
    tpu.vector_store %arg8[%swap3A_2587, %swap3A_2588], %swap3A_2591 {strides = array<i32>} : memref<128x32xi32, #tpu.memory_space<vmem>>, vector<1x16xi32>,
    %add3A_2592 = arith.constant 16 : i32
    %add3A_2593 = vector.broadcast %add3A_2592 : i32 to vector<16xi32>
    %add3A_2594 = arith.addi %add3A_2585, %add3A_2593 : vector<16xi32>
    %swap3A_2595 = arith.constant 120 : i32
    %swap3A_2596 = arith.index_cast %swap3A_2595 : i32 to index
    %swap3A_2597 = arith.constant 16 : index
    %swap3A_2598 = tpu.vector_load %arg8[%swap3A_2596, %swap3A_2597] {strides = array<i32>} : memref<128x32xi32, #tpu.memory_space<vmem>>, vector<1x16xi32>,
    %swap3A_2599 = vector.shape_cast %swap3A_2598 : vector<1x16xi32> to vector<16xi32>
    %swap3A_2600 = vector.shape_cast %add3A_2594 : vector<16xi32> to vector<1x16xi32>
    tpu.vector_store %arg8[%swap3A_2596, %swap3A_2597], %swap3A_2600 {strides = array<i32>} : memref<128x32xi32, #tpu.memory_space<vmem>>, vector<1x16xi32>,
    %slice3A_2601 = vector.extract_strided_slice %get3A_2411 {offsets = [9], sizes = [1], strides = [1]} : vector<16xi32> to vector<1xi32>
    %squeeze3A_2602 = vector.extract %slice3A_2601[0] : i32 from vector<1xi32>
    %mul3A_2603 = arith.constant 32 : i32
    %mul3A_2604 = arith.muli %squeeze3A_2602, %mul3A_2603 : i32
    %add3A_2605 = vector.broadcast %mul3A_2604 : i32 to vector<16xi32>
    %add3A_2606 = arith.addi %add3A_2605, %iota3A : vector<16xi32>
    %swap3A_2607 = arith.constant 121 : i32
    %swap3A_2608 = arith.index_cast %swap3A_2607 : i32 to index
    %swap3A_2609 = arith.constant 0 : index
    %swap3A_2610 = tpu.vector_load %arg8[%swap3A_2608, %swap3A_2609] {strides = array<i32>} : memref<128x32xi32, #tpu.memory_space<vmem>>, vector<1x16xi32>,
    %swap3A_2611 = vector.shape_cast %swap3A_2610 : vector<1x16xi32> to vector<16xi32>
    %swap3A_2612 = vector.shape_cast %add3A_2606 : vector<16xi32> to vector<1x16xi32>
    tpu.vector_store %arg8[%swap3A_2608, %swap3A_2609], %swap3A_2612 {strides = array<i32>} : memref<128x32xi32, #tpu.memory_space<vmem>>, vector<1x16xi32>,
    %add3A_2613 = arith.constant 16 : i32
    %add3A_2614 = vector.broadcast %add3A_2613 : i32 to vector<16xi32>
    %add3A_2615 = arith.addi %add3A_2606, %add3A_2614 : vector<16xi32>
    %swap3A_2616 = arith.constant 121 : i32
    %swap3A_2617 = arith.index_cast %swap3A_2616 : i32 to index
    %swap3A_2618 = arith.constant 16 : index
    %swap3A_2619 = tpu.vector_load %arg8[%swap3A_2617, %swap3A_2618] {strides = array<i32>} : memref<128x32xi32, #tpu.memory_space<vmem>>, vector<1x16xi32>,
    %swap3A_2620 = vector.shape_cast %swap3A_2619 : vector<1x16xi32> to vector<16xi32>
    %swap3A_2621 = vector.shape_cast %add3A_2615 : vector<16xi32> to vector<1x16xi32>
    tpu.vector_store %arg8[%swap3A_2617, %swap3A_2618], %swap3A_2621 {strides = array<i32>} : memref<128x32xi32, #tpu.memory_space<vmem>>, vector<1x16xi32>,
    %slice3A_2622 = vector.extract_strided_slice %get3A_2411 {offsets = [10], sizes = [1], strides = [1]} : vector<16xi32> to vector<1xi32>
    %squeeze3A_2623 = vector.extract %slice3A_2622[0] : i32 from vector<1xi32>
    %mul3A_2624 = arith.constant 32 : i32
    %mul3A_2625 = arith.muli %squeeze3A_2623, %mul3A_2624 : i32
    %add3A_2626 = vector.broadcast %mul3A_2625 : i32 to vector<16xi32>
    %add3A_2627 = arith.addi %add3A_2626, %iota3A : vector<16xi32>
    %swap3A_2628 = arith.constant 122 : i32
    %swap3A_2629 = arith.index_cast %swap3A_2628 : i32 to index
    %swap3A_2630 = arith.constant 0 : index
    %swap3A_2631 = tpu.vector_load %arg8[%swap3A_2629, %swap3A_2630] {strides = array<i32>} : memref<128x32xi32, #tpu.memory_space<vmem>>, vector<1x16xi32>,
    %swap3A_2632 = vector.shape_cast %swap3A_2631 : vector<1x16xi32> to vector<16xi32>
    %swap3A_2633 = vector.shape_cast %add3A_2627 : vector<16xi32> to vector<1x16xi32>
    tpu.vector_store %arg8[%swap3A_2629, %swap3A_2630], %swap3A_2633 {strides = array<i32>} : memref<128x32xi32, #tpu.memory_space<vmem>>, vector<1x16xi32>,
    %add3A_2634 = arith.constant 16 : i32
    %add3A_2635 = vector.broadcast %add3A_2634 : i32 to vector<16xi32>
    %add3A_2636 = arith.addi %add3A_2627, %add3A_2635 : vector<16xi32>
    %swap3A_2637 = arith.constant 122 : i32
    %swap3A_2638 = arith.index_cast %swap3A_2637 : i32 to index
    %swap3A_2639 = arith.constant 16 : index
    %swap3A_2640 = tpu.vector_load %arg8[%swap3A_2638, %swap3A_2639] {strides = array<i32>} : memref<128x32xi32, #tpu.memory_space<vmem>>, vector<1x16xi32>,
    %swap3A_2641 = vector.shape_cast %swap3A_2640 : vector<1x16xi32> to vector<16xi32>
    %swap3A_2642 = vector.shape_cast %add3A_2636 : vector<16xi32> to vector<1x16xi32>
    tpu.vector_store %arg8[%swap3A_2638, %swap3A_2639], %swap3A_2642 {strides = array<i32>} : memref<128x32xi32, #tpu.memory_space<vmem>>, vector<1x16xi32>,
    %slice3A_2643 = vector.extract_strided_slice %get3A_2411 {offsets = [11], sizes = [1], strides = [1]} : vector<16xi32> to vector<1xi32>
    %squeeze3A_2644 = vector.extract %slice3A_2643[0] : i32 from vector<1xi32>
    %mul3A_2645 = arith.constant 32 : i32
    %mul3A_2646 = arith.muli %squeeze3A_2644, %mul3A_2645 : i32
    %add3A_2647 = vector.broadcast %mul3A_2646 : i32 to vector<16xi32>
    %add3A_2648 = arith.addi %add3A_2647, %iota3A : vector<16xi32>
    %swap3A_2649 = arith.constant 123 : i32
    %swap3A_2650 = arith.index_cast %swap3A_2649 : i32 to index
    %swap3A_2651 = arith.constant 0 : index
    %swap3A_2652 = tpu.vector_load %arg8[%swap3A_2650, %swap3A_2651] {strides = array<i32>} : memref<128x32xi32, #tpu.memory_space<vmem>>, vector<1x16xi32>,
    %swap3A_2653 = vector.shape_cast %swap3A_2652 : vector<1x16xi32> to vector<16xi32>
    %swap3A_2654 = vector.shape_cast %add3A_2648 : vector<16xi32> to vector<1x16xi32>
    tpu.vector_store %arg8[%swap3A_2650, %swap3A_2651], %swap3A_2654 {strides = array<i32>} : memref<128x32xi32, #tpu.memory_space<vmem>>, vector<1x16xi32>,
    %add3A_2655 = arith.constant 16 : i32
    %add3A_2656 = vector.broadcast %add3A_2655 : i32 to vector<16xi32>
    %add3A_2657 = arith.addi %add3A_2648, %add3A_2656 : vector<16xi32>
    %swap3A_2658 = arith.constant 123 : i32
    %swap3A_2659 = arith.index_cast %swap3A_2658 : i32 to index
    %swap3A_2660 = arith.constant 16 : index
    %swap3A_2661 = tpu.vector_load %arg8[%swap3A_2659, %swap3A_2660] {strides = array<i32>} : memref<128x32xi32, #tpu.memory_space<vmem>>, vector<1x16xi32>,
    %swap3A_2662 = vector.shape_cast %swap3A_2661 : vector<1x16xi32> to vector<16xi32>
    %swap3A_2663 = vector.shape_cast %add3A_2657 : vector<16xi32> to vector<1x16xi32>
    tpu.vector_store %arg8[%swap3A_2659, %swap3A_2660], %swap3A_2663 {strides = array<i32>} : memref<128x32xi32, #tpu.memory_space<vmem>>, vector<1x16xi32>,
    %slice3A_2664 = vector.extract_strided_slice %get3A_2411 {offsets = [12], sizes = [1], strides = [1]} : vector<16xi32> to vector<1xi32>
    %squeeze3A_2665 = vector.extract %slice3A_2664[0] : i32 from vector<1xi32>
    %mul3A_2666 = arith.constant 32 : i32
    %mul3A_2667 = arith.muli %squeeze3A_2665, %mul3A_2666 : i32
    %add3A_2668 = vector.broadcast %mul3A_2667 : i32 to vector<16xi32>
    %add3A_2669 = arith.addi %add3A_2668, %iota3A : vector<16xi32>
    %swap3A_2670 = arith.constant 124 : i32
    %swap3A_2671 = arith.index_cast %swap3A_2670 : i32 to index
    %swap3A_2672 = arith.constant 0 : index
    %swap3A_2673 = tpu.vector_load %arg8[%swap3A_2671, %swap3A_2672] {strides = array<i32>} : memref<128x32xi32, #tpu.memory_space<vmem>>, vector<1x16xi32>,
    %swap3A_2674 = vector.shape_cast %swap3A_2673 : vector<1x16xi32> to vector<16xi32>
    %swap3A_2675 = vector.shape_cast %add3A_2669 : vector<16xi32> to vector<1x16xi32>
    tpu.vector_store %arg8[%swap3A_2671, %swap3A_2672], %swap3A_2675 {strides = array<i32>} : memref<128x32xi32, #tpu.memory_space<vmem>>, vector<1x16xi32>,
    %add3A_2676 = arith.constant 16 : i32
    %add3A_2677 = vector.broadcast %add3A_2676 : i32 to vector<16xi32>
    %add3A_2678 = arith.addi %add3A_2669, %add3A_2677 : vector<16xi32>
    %swap3A_2679 = arith.constant 124 : i32
    %swap3A_2680 = arith.index_cast %swap3A_2679 : i32 to index
    %swap3A_2681 = arith.constant 16 : index
    %swap3A_2682 = tpu.vector_load %arg8[%swap3A_2680, %swap3A_2681] {strides = array<i32>} : memref<128x32xi32, #tpu.memory_space<vmem>>, vector<1x16xi32>,
    %swap3A_2683 = vector.shape_cast %swap3A_2682 : vector<1x16xi32> to vector<16xi32>
    %swap3A_2684 = vector.shape_cast %add3A_2678 : vector<16xi32> to vector<1x16xi32>
    tpu.vector_store %arg8[%swap3A_2680, %swap3A_2681], %swap3A_2684 {strides = array<i32>} : memref<128x32xi32, #tpu.memory_space<vmem>>, vector<1x16xi32>,
    %slice3A_2685 = vector.extract_strided_slice %get3A_2411 {offsets = [13], sizes = [1], strides = [1]} : vector<16xi32> to vector<1xi32>
    %squeeze3A_2686 = vector.extract %slice3A_2685[0] : i32 from vector<1xi32>
    %mul3A_2687 = arith.constant 32 : i32
    %mul3A_2688 = arith.muli %squeeze3A_2686, %mul3A_2687 : i32
    %add3A_2689 = vector.broadcast %mul3A_2688 : i32 to vector<16xi32>
    %add3A_2690 = arith.addi %add3A_2689, %iota3A : vector<16xi32>
    %swap3A_2691 = arith.constant 125 : i32
    %swap3A_2692 = arith.index_cast %swap3A_2691 : i32 to index
    %swap3A_2693 = arith.constant 0 : index
    %swap3A_2694 = tpu.vector_load %arg8[%swap3A_2692, %swap3A_2693] {strides = array<i32>} : memref<128x32xi32, #tpu.memory_space<vmem>>, vector<1x16xi32>,
    %swap3A_2695 = vector.shape_cast %swap3A_2694 : vector<1x16xi32> to vector<16xi32>
    %swap3A_2696 = vector.shape_cast %add3A_2690 : vector<16xi32> to vector<1x16xi32>
    tpu.vector_store %arg8[%swap3A_2692, %swap3A_2693], %swap3A_2696 {strides = array<i32>} : memref<128x32xi32, #tpu.memory_space<vmem>>, vector<1x16xi32>,
    %add3A_2697 = arith.constant 16 : i32
    %add3A_2698 = vector.broadcast %add3A_2697 : i32 to vector<16xi32>
    %add3A_2699 = arith.addi %add3A_2690, %add3A_2698 : vector<16xi32>
    %swap3A_2700 = arith.constant 125 : i32
    %swap3A_2701 = arith.index_cast %swap3A_2700 : i32 to index
    %swap3A_2702 = arith.constant 16 : index
    %swap3A_2703 = tpu.vector_load %arg8[%swap3A_2701, %swap3A_2702] {strides = array<i32>} : memref<128x32xi32, #tpu.memory_space<vmem>>, vector<1x16xi32>,
    %swap3A_2704 = vector.shape_cast %swap3A_2703 : vector<1x16xi32> to vector<16xi32>
    %swap3A_2705 = vector.shape_cast %add3A_2699 : vector<16xi32> to vector<1x16xi32>
    tpu.vector_store %arg8[%swap3A_2701, %swap3A_2702], %swap3A_2705 {strides = array<i32>} : memref<128x32xi32, #tpu.memory_space<vmem>>, vector<1x16xi32>,
    %slice3A_2706 = vector.extract_strided_slice %get3A_2411 {offsets = [14], sizes = [1], strides = [1]} : vector<16xi32> to vector<1xi32>
    %squeeze3A_2707 = vector.extract %slice3A_2706[0] : i32 from vector<1xi32>
    %mul3A_2708 = arith.constant 32 : i32
    %mul3A_2709 = arith.muli %squeeze3A_2707, %mul3A_2708 : i32
    %add3A_2710 = vector.broadcast %mul3A_2709 : i32 to vector<16xi32>
    %add3A_2711 = arith.addi %add3A_2710, %iota3A : vector<16xi32>
    %swap3A_2712 = arith.constant 126 : i32
    %swap3A_2713 = arith.index_cast %swap3A_2712 : i32 to index
    %swap3A_2714 = arith.constant 0 : index
    %swap3A_2715 = tpu.vector_load %arg8[%swap3A_2713, %swap3A_2714] {strides = array<i32>} : memref<128x32xi32, #tpu.memory_space<vmem>>, vector<1x16xi32>,
    %swap3A_2716 = vector.shape_cast %swap3A_2715 : vector<1x16xi32> to vector<16xi32>
    %swap3A_2717 = vector.shape_cast %add3A_2711 : vector<16xi32> to vector<1x16xi32>
    tpu.vector_store %arg8[%swap3A_2713, %swap3A_2714], %swap3A_2717 {strides = array<i32>} : memref<128x32xi32, #tpu.memory_space<vmem>>, vector<1x16xi32>,
    %add3A_2718 = arith.constant 16 : i32
    %add3A_2719 = vector.broadcast %add3A_2718 : i32 to vector<16xi32>
    %add3A_2720 = arith.addi %add3A_2711, %add3A_2719 : vector<16xi32>
    %swap3A_2721 = arith.constant 126 : i32
    %swap3A_2722 = arith.index_cast %swap3A_2721 : i32 to index
    %swap3A_2723 = arith.constant 16 : index
    %swap3A_2724 = tpu.vector_load %arg8[%swap3A_2722, %swap3A_2723] {strides = array<i32>} : memref<128x32xi32, #tpu.memory_space<vmem>>, vector<1x16xi32>,
    %swap3A_2725 = vector.shape_cast %swap3A_2724 : vector<1x16xi32> to vector<16xi32>
    %swap3A_2726 = vector.shape_cast %add3A_2720 : vector<16xi32> to vector<1x16xi32>
    tpu.vector_store %arg8[%swap3A_2722, %swap3A_2723], %swap3A_2726 {strides = array<i32>} : memref<128x32xi32, #tpu.memory_space<vmem>>, vector<1x16xi32>,
    %slice3A_2727 = vector.extract_strided_slice %get3A_2411 {offsets = [15], sizes = [1], strides = [1]} : vector<16xi32> to vector<1xi32>
    %squeeze3A_2728 = vector.extract %slice3A_2727[0] : i32 from vector<1xi32>
    %mul3A_2729 = arith.constant 32 : i32
    %mul3A_2730 = arith.muli %squeeze3A_2728, %mul3A_2729 : i32
    %add3A_2731 = vector.broadcast %mul3A_2730 : i32 to vector<16xi32>
    %add3A_2732 = arith.addi %add3A_2731, %iota3A : vector<16xi32>
    %swap3A_2733 = arith.constant 127 : i32
    %swap3A_2734 = arith.index_cast %swap3A_2733 : i32 to index
    %swap3A_2735 = arith.constant 0 : index
    %swap3A_2736 = tpu.vector_load %arg8[%swap3A_2734, %swap3A_2735] {strides = array<i32>} : memref<128x32xi32, #tpu.memory_space<vmem>>, vector<1x16xi32>,
    %swap3A_2737 = vector.shape_cast %swap3A_2736 : vector<1x16xi32> to vector<16xi32>
    %swap3A_2738 = vector.shape_cast %add3A_2732 : vector<16xi32> to vector<1x16xi32>
    tpu.vector_store %arg8[%swap3A_2734, %swap3A_2735], %swap3A_2738 {strides = array<i32>} : memref<128x32xi32, #tpu.memory_space<vmem>>, vector<1x16xi32>,
    %add3A_2739 = arith.constant 16 : i32
    %add3A_2740 = vector.broadcast %add3A_2739 : i32 to vector<16xi32>
    %add3A_2741 = arith.addi %add3A_2732, %add3A_2740 : vector<16xi32>
    %swap3A_2742 = arith.constant 127 : i32
    %swap3A_2743 = arith.index_cast %swap3A_2742 : i32 to index
    %swap3A_2744 = arith.constant 16 : index
    %swap3A_2745 = tpu.vector_load %arg8[%swap3A_2743, %swap3A_2744] {strides = array<i32>} : memref<128x32xi32, #tpu.memory_space<vmem>>, vector<1x16xi32>,
    %swap3A_2746 = vector.shape_cast %swap3A_2745 : vector<1x16xi32> to vector<16xi32>
    %swap3A_2747 = vector.shape_cast %add3A_2741 : vector<16xi32> to vector<1x16xi32>
    tpu.vector_store %arg8[%swap3A_2743, %swap3A_2744], %swap3A_2747 {strides = array<i32>} : memref<128x32xi32, #tpu.memory_space<vmem>>, vector<1x16xi32>,
    %mul3A_2748 = arith.constant 128 : i32
    %mul3A_2749 = arith.muli %arg1, %mul3A_2748 : i32
    %add3A_2750 = arith.addi %mul3A_0, %mul3A_2749 : i32
    "tpu.region"() ({
      %run_scoped3A = tpu.sem_alloc : memref<!tpu.dma_semaphore, #tpu.memory_space<semaphore_mem>>
      %dma_start3A_2772 = arith.constant 0 : i32
      %dma_start3A_2773 = tpu.memref_slice %arg5[%add3A_2750, %dma_start3A_2772] : memref<4096x32xi32, #tpu.memory_space<hbm>> -> memref<128x32xi32, #tpu.memory_space<hbm>>
      %dma_start3A_2774 = arith.constant 0 : i32
      %dma_start3A_2775 = tpu.memref_slice %arg5[%add3A_2750, %dma_start3A_2774] : memref<4096x32xi32, #tpu.memory_space<hbm>> -> memref<128x32xi32, #tpu.memory_space<hbm>>
      tpu.enqueue_dma source(%arg8 : memref<128x32xi32, #tpu.memory_space<vmem>>) target(%dma_start3A_2775 : memref<128x32xi32, #tpu.memory_space<hbm>>) target_semaphore(%run_scoped3A : memref<!tpu.dma_semaphore, #tpu.memory_space<semaphore_mem>>)
      %dma_wait3A_2776 = arith.constant 0 : i32
      %dma_wait3A_2777 = tpu.memref_slice %arg5[%add3A_2750, %dma_wait3A_2776] : memref<4096x32xi32, #tpu.memory_space<hbm>> -> memref<128x32xi32, #tpu.memory_space<hbm>>
      %dma_wait3A_2778 = arith.constant 0 : i32
      %dma_wait3A_2779 = tpu.memref_slice %arg5[%add3A_2750, %dma_wait3A_2778] : memref<4096x32xi32, #tpu.memory_space<hbm>> -> memref<128x32xi32, #tpu.memory_space<hbm>>
      tpu.wait_dma2 semaphore(%run_scoped3A : memref<!tpu.dma_semaphore, #tpu.memory_space<semaphore_mem>>) src(%arg8 : memref<128x32xi32, #tpu.memory_space<vmem>>) dst(%dma_wait3A_2779 : memref<128x32xi32, #tpu.memory_space<hbm>>)
      tpu.yield
    }) : () -> ()
    %mul3A_2751 = arith.constant 32 : i32
    %mul3A_2752 = arith.muli %arg1, %mul3A_2751 : i32
    %dma_wait3A_2753 = arith.constant 0 : i32
    %dma_wait3A_2754 = tpu.memref_slice %arg2[%mul3A_2752, %dma_wait3A_2753] : memref<512x1024xf32, #tpu.memory_space<hbm>> -> memref<32x1024xf32, #tpu.memory_space<hbm>>
    %dma_wait3A_2755 = arith.constant 0 : i32
    %dma_wait3A_2756 = tpu.memref_slice %arg2[%mul3A_2752, %dma_wait3A_2755] : memref<512x1024xf32, #tpu.memory_space<hbm>> -> memref<32x1024xf32, #tpu.memory_space<hbm>>
    tpu.wait_dma2 semaphore(%arg11 : memref<!tpu.dma_semaphore, #tpu.memory_space<semaphore_mem>>) src(%dma_wait3A_2756 : memref<32x1024xf32, #tpu.memory_space<hbm>>) dst(%arg6 : memref<32x1024xf32, #tpu.memory_space<vmem>>)
    %scan3A = arith.constant 0 : i32
    %scan3A_2757 = arith.constant 0 : i32
    %scan3A_2758 = arith.constant 128 : i32
    %scan3A_2759 = arith.addi %scan3A_2757, %scan3A_2758 : i32
    %scan3A_2760 = arith.constant 1 : i32
    %scan3A_2761 = scf.for %scan3A_2772 = %scan3A_2757 to %scan3A_2759 step %scan3A_2760 iter_args(%scan3A_2773 = %scan3A) -> (i32)  : i32 {
      %mul3A_2774 = arith.constant 16 : i32
      %mul3A_2775 = arith.muli %scan3A_2772, %mul3A_2774 : i32
      %get3A_2776 = arith.index_cast %mul3A_2775 : i32 to index
      %get3A_2777 = tpu.vector_load %arg7[%get3A_2776] {strides = array<i32>} : memref<2048xi32, #tpu.memory_space<vmem>>, vector<16xi32>,
      %get3A_2778 = vector.shape_cast %get3A_2777 : vector<16xi32> to vector<16xi32>
      %slice3A_2779 = vector.extract_strided_slice %get3A_2778 {offsets = [0], sizes = [1], strides = [1]} : vector<16xi32> to vector<1xi32>
      %squeeze3A_2780 = vector.extract %slice3A_2779[0] : i32 from vector<1xi32>
      %eq3A = arith.cmpi eq, %squeeze3A_2780, %arg1 : i32
      %convert_element_type3A = arith.extui %eq3A : i1 to i32
      %cond3A = arith.constant 0 : i32
      %cond3A_2781 = arith.cmpi ne, %convert_element_type3A, %cond3A : i32
      scf.if %cond3A_2781 {
        %mul3A_2919 = arith.constant 16 : i32
        %mul3A_2920 = arith.muli %scan3A_2772, %mul3A_2919 : i32
        %add3A_2921 = arith.addi %mul3A_0, %mul3A_2920 : i32
        %add3A_2922 = arith.constant 0 : i32
        %add3A_2923 = arith.addi %add3A_2921, %add3A_2922 : i32
        %dma_start3A_2924 = arith.constant 0 : i32
        %dma_start3A_2925 = arith.constant 0 : i32
        %dma_start3A_2926 = tpu.memref_slice %arg4[%add3A_2923, %dma_start3A_2924, %dma_start3A_2925] : memref<4096x32x1024xf32, #tpu.memory_space<hbm>> -> memref<1x32x1024xf32, #tpu.memory_space<hbm>>
        %dma_start3A_2927 = tpu.memref_squeeze %dma_start3A_2926 : memref<1x32x1024xf32, #tpu.memory_space<hbm>> -> memref<32x1024xf32, #tpu.memory_space<hbm>>
        %dma_start3A_2928 = arith.constant 0 : i32
        %dma_start3A_2929 = arith.constant 0 : i32
        %dma_start3A_2930 = tpu.memref_slice %arg4[%add3A_2923, %dma_start3A_2928, %dma_start3A_2929] : memref<4096x32x1024xf32, #tpu.memory_space<hbm>> -> memref<1x32x1024xf32, #tpu.memory_space<hbm>>
        %dma_start3A_2931 = tpu.memref_squeeze %dma_start3A_2930 : memref<1x32x1024xf32, #tpu.memory_space<hbm>> -> memref<32x1024xf32, #tpu.memory_space<hbm>>
        tpu.enqueue_dma source(%arg6 : memref<32x1024xf32, #tpu.memory_space<vmem>>) target(%dma_start3A_2931 : memref<32x1024xf32, #tpu.memory_space<hbm>>) target_semaphore(%arg9 : memref<!tpu.dma_semaphore, #tpu.memory_space<semaphore_mem>>)
      } else {
      }
      %add3A_2782 = arith.constant 1 : i32
      %add3A_2783 = arith.addi %scan3A_2773, %add3A_2782 : i32
      %select_n3A = arith.select %eq3A, %add3A_2783, %scan3A_2773 : i32
      %slice3A_2784 = vector.extract_strided_slice %get3A_2778 {offsets = [1], sizes = [1], strides = [1]} : vector<16xi32> to vector<1xi32>
      %squeeze3A_2785 = vector.extract %slice3A_2784[0] : i32 from vector<1xi32>
      %eq3A_2786 = arith.cmpi eq, %squeeze3A_2785, %arg1 : i32
      %convert_element_type3A_2787 = arith.extui %eq3A_2786 : i1 to i32
      %cond3A_2788 = arith.constant 0 : i32
      %cond3A_2789 = arith.cmpi ne, %convert_element_type3A_2787, %cond3A_2788 : i32
      scf.if %cond3A_2789 {
        %mul3A_2919 = arith.constant 16 : i32
        %mul3A_2920 = arith.muli %scan3A_2772, %mul3A_2919 : i32
        %add3A_2921 = arith.addi %mul3A_0, %mul3A_2920 : i32
        %add3A_2922 = arith.constant 1 : i32
        %add3A_2923 = arith.addi %add3A_2921, %add3A_2922 : i32
        %dma_start3A_2924 = arith.constant 0 : i32
        %dma_start3A_2925 = arith.constant 0 : i32
        %dma_start3A_2926 = tpu.memref_slice %arg4[%add3A_2923, %dma_start3A_2924, %dma_start3A_2925] : memref<4096x32x1024xf32, #tpu.memory_space<hbm>> -> memref<1x32x1024xf32, #tpu.memory_space<hbm>>
        %dma_start3A_2927 = tpu.memref_squeeze %dma_start3A_2926 : memref<1x32x1024xf32, #tpu.memory_space<hbm>> -> memref<32x1024xf32, #tpu.memory_space<hbm>>
        %dma_start3A_2928 = arith.constant 0 : i32
        %dma_start3A_2929 = arith.constant 0 : i32
        %dma_start3A_2930 = tpu.memref_slice %arg4[%add3A_2923, %dma_start3A_2928, %dma_start3A_2929] : memref<4096x32x1024xf32, #tpu.memory_space<hbm>> -> memref<1x32x1024xf32, #tpu.memory_space<hbm>>
        %dma_start3A_2931 = tpu.memref_squeeze %dma_start3A_2930 : memref<1x32x1024xf32, #tpu.memory_space<hbm>> -> memref<32x1024xf32, #tpu.memory_space<hbm>>
        tpu.enqueue_dma source(%arg6 : memref<32x1024xf32, #tpu.memory_space<vmem>>) target(%dma_start3A_2931 : memref<32x1024xf32, #tpu.memory_space<hbm>>) target_semaphore(%arg9 : memref<!tpu.dma_semaphore, #tpu.memory_space<semaphore_mem>>)
      } else {
      }
      %add3A_2790 = arith.constant 1 : i32
      %add3A_2791 = arith.addi %select_n3A, %add3A_2790 : i32
      %select_n3A_2792 = arith.select %eq3A_2786, %add3A_2791, %select_n3A : i32
      %slice3A_2793 = vector.extract_strided_slice %get3A_2778 {offsets = [2], sizes = [1], strides = [1]} : vector<16xi32> to vector<1xi32>
      %squeeze3A_2794 = vector.extract %slice3A_2793[0] : i32 from vector<1xi32>
      %eq3A_2795 = arith.cmpi eq, %squeeze3A_2794, %arg1 : i32
      %convert_element_type3A_2796 = arith.extui %eq3A_2795 : i1 to i32
      %cond3A_2797 = arith.constant 0 : i32
      %cond3A_2798 = arith.cmpi ne, %convert_element_type3A_2796, %cond3A_2797 : i32
      scf.if %cond3A_2798 {
        %mul3A_2919 = arith.constant 16 : i32
        %mul3A_2920 = arith.muli %scan3A_2772, %mul3A_2919 : i32
        %add3A_2921 = arith.addi %mul3A_0, %mul3A_2920 : i32
        %add3A_2922 = arith.constant 2 : i32
        %add3A_2923 = arith.addi %add3A_2921, %add3A_2922 : i32
        %dma_start3A_2924 = arith.constant 0 : i32
        %dma_start3A_2925 = arith.constant 0 : i32
        %dma_start3A_2926 = tpu.memref_slice %arg4[%add3A_2923, %dma_start3A_2924, %dma_start3A_2925] : memref<4096x32x1024xf32, #tpu.memory_space<hbm>> -> memref<1x32x1024xf32, #tpu.memory_space<hbm>>
        %dma_start3A_2927 = tpu.memref_squeeze %dma_start3A_2926 : memref<1x32x1024xf32, #tpu.memory_space<hbm>> -> memref<32x1024xf32, #tpu.memory_space<hbm>>
        %dma_start3A_2928 = arith.constant 0 : i32
        %dma_start3A_2929 = arith.constant 0 : i32
        %dma_start3A_2930 = tpu.memref_slice %arg4[%add3A_2923, %dma_start3A_2928, %dma_start3A_2929] : memref<4096x32x1024xf32, #tpu.memory_space<hbm>> -> memref<1x32x1024xf32, #tpu.memory_space<hbm>>
        %dma_start3A_2931 = tpu.memref_squeeze %dma_start3A_2930 : memref<1x32x1024xf32, #tpu.memory_space<hbm>> -> memref<32x1024xf32, #tpu.memory_space<hbm>>
        tpu.enqueue_dma source(%arg6 : memref<32x1024xf32, #tpu.memory_space<vmem>>) target(%dma_start3A_2931 : memref<32x1024xf32, #tpu.memory_space<hbm>>) target_semaphore(%arg9 : memref<!tpu.dma_semaphore, #tpu.memory_space<semaphore_mem>>)
      } else {
      }
      %add3A_2799 = arith.constant 1 : i32
      %add3A_2800 = arith.addi %select_n3A_2792, %add3A_2799 : i32
      %select_n3A_2801 = arith.select %eq3A_2795, %add3A_2800, %select_n3A_2792 : i32
      %slice3A_2802 = vector.extract_strided_slice %get3A_2778 {offsets = [3], sizes = [1], strides = [1]} : vector<16xi32> to vector<1xi32>
      %squeeze3A_2803 = vector.extract %slice3A_2802[0] : i32 from vector<1xi32>
      %eq3A_2804 = arith.cmpi eq, %squeeze3A_2803, %arg1 : i32
      %convert_element_type3A_2805 = arith.extui %eq3A_2804 : i1 to i32
      %cond3A_2806 = arith.constant 0 : i32
      %cond3A_2807 = arith.cmpi ne, %convert_element_type3A_2805, %cond3A_2806 : i32
      scf.if %cond3A_2807 {
        %mul3A_2919 = arith.constant 16 : i32
        %mul3A_2920 = arith.muli %scan3A_2772, %mul3A_2919 : i32
        %add3A_2921 = arith.addi %mul3A_0, %mul3A_2920 : i32
        %add3A_2922 = arith.constant 3 : i32
        %add3A_2923 = arith.addi %add3A_2921, %add3A_2922 : i32
        %dma_start3A_2924 = arith.constant 0 : i32
        %dma_start3A_2925 = arith.constant 0 : i32
        %dma_start3A_2926 = tpu.memref_slice %arg4[%add3A_2923, %dma_start3A_2924, %dma_start3A_2925] : memref<4096x32x1024xf32, #tpu.memory_space<hbm>> -> memref<1x32x1024xf32, #tpu.memory_space<hbm>>
        %dma_start3A_2927 = tpu.memref_squeeze %dma_start3A_2926 : memref<1x32x1024xf32, #tpu.memory_space<hbm>> -> memref<32x1024xf32, #tpu.memory_space<hbm>>
        %dma_start3A_2928 = arith.constant 0 : i32
        %dma_start3A_2929 = arith.constant 0 : i32
        %dma_start3A_2930 = tpu.memref_slice %arg4[%add3A_2923, %dma_start3A_2928, %dma_start3A_2929] : memref<4096x32x1024xf32, #tpu.memory_space<hbm>> -> memref<1x32x1024xf32, #tpu.memory_space<hbm>>
        %dma_start3A_2931 = tpu.memref_squeeze %dma_start3A_2930 : memref<1x32x1024xf32, #tpu.memory_space<hbm>> -> memref<32x1024xf32, #tpu.memory_space<hbm>>
        tpu.enqueue_dma source(%arg6 : memref<32x1024xf32, #tpu.memory_space<vmem>>) target(%dma_start3A_2931 : memref<32x1024xf32, #tpu.memory_space<hbm>>) target_semaphore(%arg9 : memref<!tpu.dma_semaphore, #tpu.memory_space<semaphore_mem>>)
      } else {
      }
      %add3A_2808 = arith.constant 1 : i32
      %add3A_2809 = arith.addi %select_n3A_2801, %add3A_2808 : i32
      %select_n3A_2810 = arith.select %eq3A_2804, %add3A_2809, %select_n3A_2801 : i32
      %slice3A_2811 = vector.extract_strided_slice %get3A_2778 {offsets = [4], sizes = [1], strides = [1]} : vector<16xi32> to vector<1xi32>
      %squeeze3A_2812 = vector.extract %slice3A_2811[0] : i32 from vector<1xi32>
      %eq3A_2813 = arith.cmpi eq, %squeeze3A_2812, %arg1 : i32
      %convert_element_type3A_2814 = arith.extui %eq3A_2813 : i1 to i32
      %cond3A_2815 = arith.constant 0 : i32
      %cond3A_2816 = arith.cmpi ne, %convert_element_type3A_2814, %cond3A_2815 : i32
      scf.if %cond3A_2816 {
        %mul3A_2919 = arith.constant 16 : i32
        %mul3A_2920 = arith.muli %scan3A_2772, %mul3A_2919 : i32
        %add3A_2921 = arith.addi %mul3A_0, %mul3A_2920 : i32
        %add3A_2922 = arith.constant 4 : i32
        %add3A_2923 = arith.addi %add3A_2921, %add3A_2922 : i32
        %dma_start3A_2924 = arith.constant 0 : i32
        %dma_start3A_2925 = arith.constant 0 : i32
        %dma_start3A_2926 = tpu.memref_slice %arg4[%add3A_2923, %dma_start3A_2924, %dma_start3A_2925] : memref<4096x32x1024xf32, #tpu.memory_space<hbm>> -> memref<1x32x1024xf32, #tpu.memory_space<hbm>>
        %dma_start3A_2927 = tpu.memref_squeeze %dma_start3A_2926 : memref<1x32x1024xf32, #tpu.memory_space<hbm>> -> memref<32x1024xf32, #tpu.memory_space<hbm>>
        %dma_start3A_2928 = arith.constant 0 : i32
        %dma_start3A_2929 = arith.constant 0 : i32
        %dma_start3A_2930 = tpu.memref_slice %arg4[%add3A_2923, %dma_start3A_2928, %dma_start3A_2929] : memref<4096x32x1024xf32, #tpu.memory_space<hbm>> -> memref<1x32x1024xf32, #tpu.memory_space<hbm>>
        %dma_start3A_2931 = tpu.memref_squeeze %dma_start3A_2930 : memref<1x32x1024xf32, #tpu.memory_space<hbm>> -> memref<32x1024xf32, #tpu.memory_space<hbm>>
        tpu.enqueue_dma source(%arg6 : memref<32x1024xf32, #tpu.memory_space<vmem>>) target(%dma_start3A_2931 : memref<32x1024xf32, #tpu.memory_space<hbm>>) target_semaphore(%arg9 : memref<!tpu.dma_semaphore, #tpu.memory_space<semaphore_mem>>)
      } else {
      }
      %add3A_2817 = arith.constant 1 : i32
      %add3A_2818 = arith.addi %select_n3A_2810, %add3A_2817 : i32
      %select_n3A_2819 = arith.select %eq3A_2813, %add3A_2818, %select_n3A_2810 : i32
      %slice3A_2820 = vector.extract_strided_slice %get3A_2778 {offsets = [5], sizes = [1], strides = [1]} : vector<16xi32> to vector<1xi32>
      %squeeze3A_2821 = vector.extract %slice3A_2820[0] : i32 from vector<1xi32>
      %eq3A_2822 = arith.cmpi eq, %squeeze3A_2821, %arg1 : i32
      %convert_element_type3A_2823 = arith.extui %eq3A_2822 : i1 to i32
      %cond3A_2824 = arith.constant 0 : i32
      %cond3A_2825 = arith.cmpi ne, %convert_element_type3A_2823, %cond3A_2824 : i32
      scf.if %cond3A_2825 {
        %mul3A_2919 = arith.constant 16 : i32
        %mul3A_2920 = arith.muli %scan3A_2772, %mul3A_2919 : i32
        %add3A_2921 = arith.addi %mul3A_0, %mul3A_2920 : i32
        %add3A_2922 = arith.constant 5 : i32
        %add3A_2923 = arith.addi %add3A_2921, %add3A_2922 : i32
        %dma_start3A_2924 = arith.constant 0 : i32
        %dma_start3A_2925 = arith.constant 0 : i32
        %dma_start3A_2926 = tpu.memref_slice %arg4[%add3A_2923, %dma_start3A_2924, %dma_start3A_2925] : memref<4096x32x1024xf32, #tpu.memory_space<hbm>> -> memref<1x32x1024xf32, #tpu.memory_space<hbm>>
        %dma_start3A_2927 = tpu.memref_squeeze %dma_start3A_2926 : memref<1x32x1024xf32, #tpu.memory_space<hbm>> -> memref<32x1024xf32, #tpu.memory_space<hbm>>
        %dma_start3A_2928 = arith.constant 0 : i32
        %dma_start3A_2929 = arith.constant 0 : i32
        %dma_start3A_2930 = tpu.memref_slice %arg4[%add3A_2923, %dma_start3A_2928, %dma_start3A_2929] : memref<4096x32x1024xf32, #tpu.memory_space<hbm>> -> memref<1x32x1024xf32, #tpu.memory_space<hbm>>
        %dma_start3A_2931 = tpu.memref_squeeze %dma_start3A_2930 : memref<1x32x1024xf32, #tpu.memory_space<hbm>> -> memref<32x1024xf32, #tpu.memory_space<hbm>>
        tpu.enqueue_dma source(%arg6 : memref<32x1024xf32, #tpu.memory_space<vmem>>) target(%dma_start3A_2931 : memref<32x1024xf32, #tpu.memory_space<hbm>>) target_semaphore(%arg9 : memref<!tpu.dma_semaphore, #tpu.memory_space<semaphore_mem>>)
      } else {
      }
      %add3A_2826 = arith.constant 1 : i32
      %add3A_2827 = arith.addi %select_n3A_2819, %add3A_2826 : i32
      %select_n3A_2828 = arith.select %eq3A_2822, %add3A_2827, %select_n3A_2819 : i32
      %slice3A_2829 = vector.extract_strided_slice %get3A_2778 {offsets = [6], sizes = [1], strides = [1]} : vector<16xi32> to vector<1xi32>
      %squeeze3A_2830 = vector.extract %slice3A_2829[0] : i32 from vector<1xi32>
      %eq3A_2831 = arith.cmpi eq, %squeeze3A_2830, %arg1 : i32
      %convert_element_type3A_2832 = arith.extui %eq3A_2831 : i1 to i32
      %cond3A_2833 = arith.constant 0 : i32
      %cond3A_2834 = arith.cmpi ne, %convert_element_type3A_2832, %cond3A_2833 : i32
      scf.if %cond3A_2834 {
        %mul3A_2919 = arith.constant 16 : i32
        %mul3A_2920 = arith.muli %scan3A_2772, %mul3A_2919 : i32
        %add3A_2921 = arith.addi %mul3A_0, %mul3A_2920 : i32
        %add3A_2922 = arith.constant 6 : i32
        %add3A_2923 = arith.addi %add3A_2921, %add3A_2922 : i32
        %dma_start3A_2924 = arith.constant 0 : i32
        %dma_start3A_2925 = arith.constant 0 : i32
        %dma_start3A_2926 = tpu.memref_slice %arg4[%add3A_2923, %dma_start3A_2924, %dma_start3A_2925] : memref<4096x32x1024xf32, #tpu.memory_space<hbm>> -> memref<1x32x1024xf32, #tpu.memory_space<hbm>>
        %dma_start3A_2927 = tpu.memref_squeeze %dma_start3A_2926 : memref<1x32x1024xf32, #tpu.memory_space<hbm>> -> memref<32x1024xf32, #tpu.memory_space<hbm>>
        %dma_start3A_2928 = arith.constant 0 : i32
        %dma_start3A_2929 = arith.constant 0 : i32
        %dma_start3A_2930 = tpu.memref_slice %arg4[%add3A_2923, %dma_start3A_2928, %dma_start3A_2929] : memref<4096x32x1024xf32, #tpu.memory_space<hbm>> -> memref<1x32x1024xf32, #tpu.memory_space<hbm>>
        %dma_start3A_2931 = tpu.memref_squeeze %dma_start3A_2930 : memref<1x32x1024xf32, #tpu.memory_space<hbm>> -> memref<32x1024xf32, #tpu.memory_space<hbm>>
        tpu.enqueue_dma source(%arg6 : memref<32x1024xf32, #tpu.memory_space<vmem>>) target(%dma_start3A_2931 : memref<32x1024xf32, #tpu.memory_space<hbm>>) target_semaphore(%arg9 : memref<!tpu.dma_semaphore, #tpu.memory_space<semaphore_mem>>)
      } else {
      }
      %add3A_2835 = arith.constant 1 : i32
      %add3A_2836 = arith.addi %select_n3A_2828, %add3A_2835 : i32
      %select_n3A_2837 = arith.select %eq3A_2831, %add3A_2836, %select_n3A_2828 : i32
      %slice3A_2838 = vector.extract_strided_slice %get3A_2778 {offsets = [7], sizes = [1], strides = [1]} : vector<16xi32> to vector<1xi32>
      %squeeze3A_2839 = vector.extract %slice3A_2838[0] : i32 from vector<1xi32>
      %eq3A_2840 = arith.cmpi eq, %squeeze3A_2839, %arg1 : i32
      %convert_element_type3A_2841 = arith.extui %eq3A_2840 : i1 to i32
      %cond3A_2842 = arith.constant 0 : i32
      %cond3A_2843 = arith.cmpi ne, %convert_element_type3A_2841, %cond3A_2842 : i32
      scf.if %cond3A_2843 {
        %mul3A_2919 = arith.constant 16 : i32
        %mul3A_2920 = arith.muli %scan3A_2772, %mul3A_2919 : i32
        %add3A_2921 = arith.addi %mul3A_0, %mul3A_2920 : i32
        %add3A_2922 = arith.constant 7 : i32
        %add3A_2923 = arith.addi %add3A_2921, %add3A_2922 : i32
        %dma_start3A_2924 = arith.constant 0 : i32
        %dma_start3A_2925 = arith.constant 0 : i32
        %dma_start3A_2926 = tpu.memref_slice %arg4[%add3A_2923, %dma_start3A_2924, %dma_start3A_2925] : memref<4096x32x1024xf32, #tpu.memory_space<hbm>> -> memref<1x32x1024xf32, #tpu.memory_space<hbm>>
        %dma_start3A_2927 = tpu.memref_squeeze %dma_start3A_2926 : memref<1x32x1024xf32, #tpu.memory_space<hbm>> -> memref<32x1024xf32, #tpu.memory_space<hbm>>
        %dma_start3A_2928 = arith.constant 0 : i32
        %dma_start3A_2929 = arith.constant 0 : i32
        %dma_start3A_2930 = tpu.memref_slice %arg4[%add3A_2923, %dma_start3A_2928, %dma_start3A_2929] : memref<4096x32x1024xf32, #tpu.memory_space<hbm>> -> memref<1x32x1024xf32, #tpu.memory_space<hbm>>
        %dma_start3A_2931 = tpu.memref_squeeze %dma_start3A_2930 : memref<1x32x1024xf32, #tpu.memory_space<hbm>> -> memref<32x1024xf32, #tpu.memory_space<hbm>>
        tpu.enqueue_dma source(%arg6 : memref<32x1024xf32, #tpu.memory_space<vmem>>) target(%dma_start3A_2931 : memref<32x1024xf32, #tpu.memory_space<hbm>>) target_semaphore(%arg9 : memref<!tpu.dma_semaphore, #tpu.memory_space<semaphore_mem>>)
      } else {
      }
      %add3A_2844 = arith.constant 1 : i32
      %add3A_2845 = arith.addi %select_n3A_2837, %add3A_2844 : i32
      %select_n3A_2846 = arith.select %eq3A_2840, %add3A_2845, %select_n3A_2837 : i32
      %slice3A_2847 = vector.extract_strided_slice %get3A_2778 {offsets = [8], sizes = [1], strides = [1]} : vector<16xi32> to vector<1xi32>
      %squeeze3A_2848 = vector.extract %slice3A_2847[0] : i32 from vector<1xi32>
      %eq3A_2849 = arith.cmpi eq, %squeeze3A_2848, %arg1 : i32
      %convert_element_type3A_2850 = arith.extui %eq3A_2849 : i1 to i32
      %cond3A_2851 = arith.constant 0 : i32
      %cond3A_2852 = arith.cmpi ne, %convert_element_type3A_2850, %cond3A_2851 : i32
      scf.if %cond3A_2852 {
        %mul3A_2919 = arith.constant 16 : i32
        %mul3A_2920 = arith.muli %scan3A_2772, %mul3A_2919 : i32
        %add3A_2921 = arith.addi %mul3A_0, %mul3A_2920 : i32
        %add3A_2922 = arith.constant 8 : i32
        %add3A_2923 = arith.addi %add3A_2921, %add3A_2922 : i32
        %dma_start3A_2924 = arith.constant 0 : i32
        %dma_start3A_2925 = arith.constant 0 : i32
        %dma_start3A_2926 = tpu.memref_slice %arg4[%add3A_2923, %dma_start3A_2924, %dma_start3A_2925] : memref<4096x32x1024xf32, #tpu.memory_space<hbm>> -> memref<1x32x1024xf32, #tpu.memory_space<hbm>>
        %dma_start3A_2927 = tpu.memref_squeeze %dma_start3A_2926 : memref<1x32x1024xf32, #tpu.memory_space<hbm>> -> memref<32x1024xf32, #tpu.memory_space<hbm>>
        %dma_start3A_2928 = arith.constant 0 : i32
        %dma_start3A_2929 = arith.constant 0 : i32
        %dma_start3A_2930 = tpu.memref_slice %arg4[%add3A_2923, %dma_start3A_2928, %dma_start3A_2929] : memref<4096x32x1024xf32, #tpu.memory_space<hbm>> -> memref<1x32x1024xf32, #tpu.memory_space<hbm>>
        %dma_start3A_2931 = tpu.memref_squeeze %dma_start3A_2930 : memref<1x32x1024xf32, #tpu.memory_space<hbm>> -> memref<32x1024xf32, #tpu.memory_space<hbm>>
        tpu.enqueue_dma source(%arg6 : memref<32x1024xf32, #tpu.memory_space<vmem>>) target(%dma_start3A_2931 : memref<32x1024xf32, #tpu.memory_space<hbm>>) target_semaphore(%arg9 : memref<!tpu.dma_semaphore, #tpu.memory_space<semaphore_mem>>)
      } else {
      }
      %add3A_2853 = arith.constant 1 : i32
      %add3A_2854 = arith.addi %select_n3A_2846, %add3A_2853 : i32
      %select_n3A_2855 = arith.select %eq3A_2849, %add3A_2854, %select_n3A_2846 : i32
      %slice3A_2856 = vector.extract_strided_slice %get3A_2778 {offsets = [9], sizes = [1], strides = [1]} : vector<16xi32> to vector<1xi32>
      %squeeze3A_2857 = vector.extract %slice3A_2856[0] : i32 from vector<1xi32>
      %eq3A_2858 = arith.cmpi eq, %squeeze3A_2857, %arg1 : i32
      %convert_element_type3A_2859 = arith.extui %eq3A_2858 : i1 to i32
      %cond3A_2860 = arith.constant 0 : i32
      %cond3A_2861 = arith.cmpi ne, %convert_element_type3A_2859, %cond3A_2860 : i32
      scf.if %cond3A_2861 {
        %mul3A_2919 = arith.constant 16 : i32
        %mul3A_2920 = arith.muli %scan3A_2772, %mul3A_2919 : i32
        %add3A_2921 = arith.addi %mul3A_0, %mul3A_2920 : i32
        %add3A_2922 = arith.constant 9 : i32
        %add3A_2923 = arith.addi %add3A_2921, %add3A_2922 : i32
        %dma_start3A_2924 = arith.constant 0 : i32
        %dma_start3A_2925 = arith.constant 0 : i32
        %dma_start3A_2926 = tpu.memref_slice %arg4[%add3A_2923, %dma_start3A_2924, %dma_start3A_2925] : memref<4096x32x1024xf32, #tpu.memory_space<hbm>> -> memref<1x32x1024xf32, #tpu.memory_space<hbm>>
        %dma_start3A_2927 = tpu.memref_squeeze %dma_start3A_2926 : memref<1x32x1024xf32, #tpu.memory_space<hbm>> -> memref<32x1024xf32, #tpu.memory_space<hbm>>
        %dma_start3A_2928 = arith.constant 0 : i32
        %dma_start3A_2929 = arith.constant 0 : i32
        %dma_start3A_2930 = tpu.memref_slice %arg4[%add3A_2923, %dma_start3A_2928, %dma_start3A_2929] : memref<4096x32x1024xf32, #tpu.memory_space<hbm>> -> memref<1x32x1024xf32, #tpu.memory_space<hbm>>
        %dma_start3A_2931 = tpu.memref_squeeze %dma_start3A_2930 : memref<1x32x1024xf32, #tpu.memory_space<hbm>> -> memref<32x1024xf32, #tpu.memory_space<hbm>>
        tpu.enqueue_dma source(%arg6 : memref<32x1024xf32, #tpu.memory_space<vmem>>) target(%dma_start3A_2931 : memref<32x1024xf32, #tpu.memory_space<hbm>>) target_semaphore(%arg9 : memref<!tpu.dma_semaphore, #tpu.memory_space<semaphore_mem>>)
      } else {
      }
      %add3A_2862 = arith.constant 1 : i32
      %add3A_2863 = arith.addi %select_n3A_2855, %add3A_2862 : i32
      %select_n3A_2864 = arith.select %eq3A_2858, %add3A_2863, %select_n3A_2855 : i32
      %slice3A_2865 = vector.extract_strided_slice %get3A_2778 {offsets = [10], sizes = [1], strides = [1]} : vector<16xi32> to vector<1xi32>
      %squeeze3A_2866 = vector.extract %slice3A_2865[0] : i32 from vector<1xi32>
      %eq3A_2867 = arith.cmpi eq, %squeeze3A_2866, %arg1 : i32
      %convert_element_type3A_2868 = arith.extui %eq3A_2867 : i1 to i32
      %cond3A_2869 = arith.constant 0 : i32
      %cond3A_2870 = arith.cmpi ne, %convert_element_type3A_2868, %cond3A_2869 : i32
      scf.if %cond3A_2870 {
        %mul3A_2919 = arith.constant 16 : i32
        %mul3A_2920 = arith.muli %scan3A_2772, %mul3A_2919 : i32
        %add3A_2921 = arith.addi %mul3A_0, %mul3A_2920 : i32
        %add3A_2922 = arith.constant 10 : i32
        %add3A_2923 = arith.addi %add3A_2921, %add3A_2922 : i32
        %dma_start3A_2924 = arith.constant 0 : i32
        %dma_start3A_2925 = arith.constant 0 : i32
        %dma_start3A_2926 = tpu.memref_slice %arg4[%add3A_2923, %dma_start3A_2924, %dma_start3A_2925] : memref<4096x32x1024xf32, #tpu.memory_space<hbm>> -> memref<1x32x1024xf32, #tpu.memory_space<hbm>>
        %dma_start3A_2927 = tpu.memref_squeeze %dma_start3A_2926 : memref<1x32x1024xf32, #tpu.memory_space<hbm>> -> memref<32x1024xf32, #tpu.memory_space<hbm>>
        %dma_start3A_2928 = arith.constant 0 : i32
        %dma_start3A_2929 = arith.constant 0 : i32
        %dma_start3A_2930 = tpu.memref_slice %arg4[%add3A_2923, %dma_start3A_2928, %dma_start3A_2929] : memref<4096x32x1024xf32, #tpu.memory_space<hbm>> -> memref<1x32x1024xf32, #tpu.memory_space<hbm>>
        %dma_start3A_2931 = tpu.memref_squeeze %dma_start3A_2930 : memref<1x32x1024xf32, #tpu.memory_space<hbm>> -> memref<32x1024xf32, #tpu.memory_space<hbm>>
        tpu.enqueue_dma source(%arg6 : memref<32x1024xf32, #tpu.memory_space<vmem>>) target(%dma_start3A_2931 : memref<32x1024xf32, #tpu.memory_space<hbm>>) target_semaphore(%arg9 : memref<!tpu.dma_semaphore, #tpu.memory_space<semaphore_mem>>)
      } else {
      }
      %add3A_2871 = arith.constant 1 : i32
      %add3A_2872 = arith.addi %select_n3A_2864, %add3A_2871 : i32
      %select_n3A_2873 = arith.select %eq3A_2867, %add3A_2872, %select_n3A_2864 : i32
      %slice3A_2874 = vector.extract_strided_slice %get3A_2778 {offsets = [11], sizes = [1], strides = [1]} : vector<16xi32> to vector<1xi32>
      %squeeze3A_2875 = vector.extract %slice3A_2874[0] : i32 from vector<1xi32>
      %eq3A_2876 = arith.cmpi eq, %squeeze3A_2875, %arg1 : i32
      %convert_element_type3A_2877 = arith.extui %eq3A_2876 : i1 to i32
      %cond3A_2878 = arith.constant 0 : i32
      %cond3A_2879 = arith.cmpi ne, %convert_element_type3A_2877, %cond3A_2878 : i32
      scf.if %cond3A_2879 {
        %mul3A_2919 = arith.constant 16 : i32
        %mul3A_2920 = arith.muli %scan3A_2772, %mul3A_2919 : i32
        %add3A_2921 = arith.addi %mul3A_0, %mul3A_2920 : i32
        %add3A_2922 = arith.constant 11 : i32
        %add3A_2923 = arith.addi %add3A_2921, %add3A_2922 : i32
        %dma_start3A_2924 = arith.constant 0 : i32
        %dma_start3A_2925 = arith.constant 0 : i32
        %dma_start3A_2926 = tpu.memref_slice %arg4[%add3A_2923, %dma_start3A_2924, %dma_start3A_2925] : memref<4096x32x1024xf32, #tpu.memory_space<hbm>> -> memref<1x32x1024xf32, #tpu.memory_space<hbm>>
        %dma_start3A_2927 = tpu.memref_squeeze %dma_start3A_2926 : memref<1x32x1024xf32, #tpu.memory_space<hbm>> -> memref<32x1024xf32, #tpu.memory_space<hbm>>
        %dma_start3A_2928 = arith.constant 0 : i32
        %dma_start3A_2929 = arith.constant 0 : i32
        %dma_start3A_2930 = tpu.memref_slice %arg4[%add3A_2923, %dma_start3A_2928, %dma_start3A_2929] : memref<4096x32x1024xf32, #tpu.memory_space<hbm>> -> memref<1x32x1024xf32, #tpu.memory_space<hbm>>
        %dma_start3A_2931 = tpu.memref_squeeze %dma_start3A_2930 : memref<1x32x1024xf32, #tpu.memory_space<hbm>> -> memref<32x1024xf32, #tpu.memory_space<hbm>>
        tpu.enqueue_dma source(%arg6 : memref<32x1024xf32, #tpu.memory_space<vmem>>) target(%dma_start3A_2931 : memref<32x1024xf32, #tpu.memory_space<hbm>>) target_semaphore(%arg9 : memref<!tpu.dma_semaphore, #tpu.memory_space<semaphore_mem>>)
      } else {
      }
      %add3A_2880 = arith.constant 1 : i32
      %add3A_2881 = arith.addi %select_n3A_2873, %add3A_2880 : i32
      %select_n3A_2882 = arith.select %eq3A_2876, %add3A_2881, %select_n3A_2873 : i32
      %slice3A_2883 = vector.extract_strided_slice %get3A_2778 {offsets = [12], sizes = [1], strides = [1]} : vector<16xi32> to vector<1xi32>
      %squeeze3A_2884 = vector.extract %slice3A_2883[0] : i32 from vector<1xi32>
      %eq3A_2885 = arith.cmpi eq, %squeeze3A_2884, %arg1 : i32
      %convert_element_type3A_2886 = arith.extui %eq3A_2885 : i1 to i32
      %cond3A_2887 = arith.constant 0 : i32
      %cond3A_2888 = arith.cmpi ne, %convert_element_type3A_2886, %cond3A_2887 : i32
      scf.if %cond3A_2888 {
        %mul3A_2919 = arith.constant 16 : i32
        %mul3A_2920 = arith.muli %scan3A_2772, %mul3A_2919 : i32
        %add3A_2921 = arith.addi %mul3A_0, %mul3A_2920 : i32
        %add3A_2922 = arith.constant 12 : i32
        %add3A_2923 = arith.addi %add3A_2921, %add3A_2922 : i32
        %dma_start3A_2924 = arith.constant 0 : i32
        %dma_start3A_2925 = arith.constant 0 : i32
        %dma_start3A_2926 = tpu.memref_slice %arg4[%add3A_2923, %dma_start3A_2924, %dma_start3A_2925] : memref<4096x32x1024xf32, #tpu.memory_space<hbm>> -> memref<1x32x1024xf32, #tpu.memory_space<hbm>>
        %dma_start3A_2927 = tpu.memref_squeeze %dma_start3A_2926 : memref<1x32x1024xf32, #tpu.memory_space<hbm>> -> memref<32x1024xf32, #tpu.memory_space<hbm>>
        %dma_start3A_2928 = arith.constant 0 : i32
        %dma_start3A_2929 = arith.constant 0 : i32
        %dma_start3A_2930 = tpu.memref_slice %arg4[%add3A_2923, %dma_start3A_2928, %dma_start3A_2929] : memref<4096x32x1024xf32, #tpu.memory_space<hbm>> -> memref<1x32x1024xf32, #tpu.memory_space<hbm>>
        %dma_start3A_2931 = tpu.memref_squeeze %dma_start3A_2930 : memref<1x32x1024xf32, #tpu.memory_space<hbm>> -> memref<32x1024xf32, #tpu.memory_space<hbm>>
        tpu.enqueue_dma source(%arg6 : memref<32x1024xf32, #tpu.memory_space<vmem>>) target(%dma_start3A_2931 : memref<32x1024xf32, #tpu.memory_space<hbm>>) target_semaphore(%arg9 : memref<!tpu.dma_semaphore, #tpu.memory_space<semaphore_mem>>)
      } else {
      }
      %add3A_2889 = arith.constant 1 : i32
      %add3A_2890 = arith.addi %select_n3A_2882, %add3A_2889 : i32
      %select_n3A_2891 = arith.select %eq3A_2885, %add3A_2890, %select_n3A_2882 : i32
      %slice3A_2892 = vector.extract_strided_slice %get3A_2778 {offsets = [13], sizes = [1], strides = [1]} : vector<16xi32> to vector<1xi32>
      %squeeze3A_2893 = vector.extract %slice3A_2892[0] : i32 from vector<1xi32>
      %eq3A_2894 = arith.cmpi eq, %squeeze3A_2893, %arg1 : i32
      %convert_element_type3A_2895 = arith.extui %eq3A_2894 : i1 to i32
      %cond3A_2896 = arith.constant 0 : i32
      %cond3A_2897 = arith.cmpi ne, %convert_element_type3A_2895, %cond3A_2896 : i32
      scf.if %cond3A_2897 {
        %mul3A_2919 = arith.constant 16 : i32
        %mul3A_2920 = arith.muli %scan3A_2772, %mul3A_2919 : i32
        %add3A_2921 = arith.addi %mul3A_0, %mul3A_2920 : i32
        %add3A_2922 = arith.constant 13 : i32
        %add3A_2923 = arith.addi %add3A_2921, %add3A_2922 : i32
        %dma_start3A_2924 = arith.constant 0 : i32
        %dma_start3A_2925 = arith.constant 0 : i32
        %dma_start3A_2926 = tpu.memref_slice %arg4[%add3A_2923, %dma_start3A_2924, %dma_start3A_2925] : memref<4096x32x1024xf32, #tpu.memory_space<hbm>> -> memref<1x32x1024xf32, #tpu.memory_space<hbm>>
        %dma_start3A_2927 = tpu.memref_squeeze %dma_start3A_2926 : memref<1x32x1024xf32, #tpu.memory_space<hbm>> -> memref<32x1024xf32, #tpu.memory_space<hbm>>
        %dma_start3A_2928 = arith.constant 0 : i32
        %dma_start3A_2929 = arith.constant 0 : i32
        %dma_start3A_2930 = tpu.memref_slice %arg4[%add3A_2923, %dma_start3A_2928, %dma_start3A_2929] : memref<4096x32x1024xf32, #tpu.memory_space<hbm>> -> memref<1x32x1024xf32, #tpu.memory_space<hbm>>
        %dma_start3A_2931 = tpu.memref_squeeze %dma_start3A_2930 : memref<1x32x1024xf32, #tpu.memory_space<hbm>> -> memref<32x1024xf32, #tpu.memory_space<hbm>>
        tpu.enqueue_dma source(%arg6 : memref<32x1024xf32, #tpu.memory_space<vmem>>) target(%dma_start3A_2931 : memref<32x1024xf32, #tpu.memory_space<hbm>>) target_semaphore(%arg9 : memref<!tpu.dma_semaphore, #tpu.memory_space<semaphore_mem>>)
      } else {
      }
      %add3A_2898 = arith.constant 1 : i32
      %add3A_2899 = arith.addi %select_n3A_2891, %add3A_2898 : i32
      %select_n3A_2900 = arith.select %eq3A_2894, %add3A_2899, %select_n3A_2891 : i32
      %slice3A_2901 = vector.extract_strided_slice %get3A_2778 {offsets = [14], sizes = [1], strides = [1]} : vector<16xi32> to vector<1xi32>
      %squeeze3A_2902 = vector.extract %slice3A_2901[0] : i32 from vector<1xi32>
      %eq3A_2903 = arith.cmpi eq, %squeeze3A_2902, %arg1 : i32
      %convert_element_type3A_2904 = arith.extui %eq3A_2903 : i1 to i32
      %cond3A_2905 = arith.constant 0 : i32
      %cond3A_2906 = arith.cmpi ne, %convert_element_type3A_2904, %cond3A_2905 : i32
      scf.if %cond3A_2906 {
        %mul3A_2919 = arith.constant 16 : i32
        %mul3A_2920 = arith.muli %scan3A_2772, %mul3A_2919 : i32
        %add3A_2921 = arith.addi %mul3A_0, %mul3A_2920 : i32
        %add3A_2922 = arith.constant 14 : i32
        %add3A_2923 = arith.addi %add3A_2921, %add3A_2922 : i32
        %dma_start3A_2924 = arith.constant 0 : i32
        %dma_start3A_2925 = arith.constant 0 : i32
        %dma_start3A_2926 = tpu.memref_slice %arg4[%add3A_2923, %dma_start3A_2924, %dma_start3A_2925] : memref<4096x32x1024xf32, #tpu.memory_space<hbm>> -> memref<1x32x1024xf32, #tpu.memory_space<hbm>>
        %dma_start3A_2927 = tpu.memref_squeeze %dma_start3A_2926 : memref<1x32x1024xf32, #tpu.memory_space<hbm>> -> memref<32x1024xf32, #tpu.memory_space<hbm>>
        %dma_start3A_2928 = arith.constant 0 : i32
        %dma_start3A_2929 = arith.constant 0 : i32
        %dma_start3A_2930 = tpu.memref_slice %arg4[%add3A_2923, %dma_start3A_2928, %dma_start3A_2929] : memref<4096x32x1024xf32, #tpu.memory_space<hbm>> -> memref<1x32x1024xf32, #tpu.memory_space<hbm>>
        %dma_start3A_2931 = tpu.memref_squeeze %dma_start3A_2930 : memref<1x32x1024xf32, #tpu.memory_space<hbm>> -> memref<32x1024xf32, #tpu.memory_space<hbm>>
        tpu.enqueue_dma source(%arg6 : memref<32x1024xf32, #tpu.memory_space<vmem>>) target(%dma_start3A_2931 : memref<32x1024xf32, #tpu.memory_space<hbm>>) target_semaphore(%arg9 : memref<!tpu.dma_semaphore, #tpu.memory_space<semaphore_mem>>)
      } else {
      }
      %add3A_2907 = arith.constant 1 : i32
      %add3A_2908 = arith.addi %select_n3A_2900, %add3A_2907 : i32
      %select_n3A_2909 = arith.select %eq3A_2903, %add3A_2908, %select_n3A_2900 : i32
      %slice3A_2910 = vector.extract_strided_slice %get3A_2778 {offsets = [15], sizes = [1], strides = [1]} : vector<16xi32> to vector<1xi32>
      %squeeze3A_2911 = vector.extract %slice3A_2910[0] : i32 from vector<1xi32>
      %eq3A_2912 = arith.cmpi eq, %squeeze3A_2911, %arg1 : i32
      %convert_element_type3A_2913 = arith.extui %eq3A_2912 : i1 to i32
      %cond3A_2914 = arith.constant 0 : i32
      %cond3A_2915 = arith.cmpi ne, %convert_element_type3A_2913, %cond3A_2914 : i32
      scf.if %cond3A_2915 {
        %mul3A_2919 = arith.constant 16 : i32
        %mul3A_2920 = arith.muli %scan3A_2772, %mul3A_2919 : i32
        %add3A_2921 = arith.addi %mul3A_0, %mul3A_2920 : i32
        %add3A_2922 = arith.constant 15 : i32
        %add3A_2923 = arith.addi %add3A_2921, %add3A_2922 : i32
        %dma_start3A_2924 = arith.constant 0 : i32
        %dma_start3A_2925 = arith.constant 0 : i32
        %dma_start3A_2926 = tpu.memref_slice %arg4[%add3A_2923, %dma_start3A_2924, %dma_start3A_2925] : memref<4096x32x1024xf32, #tpu.memory_space<hbm>> -> memref<1x32x1024xf32, #tpu.memory_space<hbm>>
        %dma_start3A_2927 = tpu.memref_squeeze %dma_start3A_2926 : memref<1x32x1024xf32, #tpu.memory_space<hbm>> -> memref<32x1024xf32, #tpu.memory_space<hbm>>
        %dma_start3A_2928 = arith.constant 0 : i32
        %dma_start3A_2929 = arith.constant 0 : i32
        %dma_start3A_2930 = tpu.memref_slice %arg4[%add3A_2923, %dma_start3A_2928, %dma_start3A_2929] : memref<4096x32x1024xf32, #tpu.memory_space<hbm>> -> memref<1x32x1024xf32, #tpu.memory_space<hbm>>
        %dma_start3A_2931 = tpu.memref_squeeze %dma_start3A_2930 : memref<1x32x1024xf32, #tpu.memory_space<hbm>> -> memref<32x1024xf32, #tpu.memory_space<hbm>>
        tpu.enqueue_dma source(%arg6 : memref<32x1024xf32, #tpu.memory_space<vmem>>) target(%dma_start3A_2931 : memref<32x1024xf32, #tpu.memory_space<hbm>>) target_semaphore(%arg9 : memref<!tpu.dma_semaphore, #tpu.memory_space<semaphore_mem>>)
      } else {
      }
      %add3A_2916 = arith.constant 1 : i32
      %add3A_2917 = arith.addi %select_n3A_2909, %add3A_2916 : i32
      %select_n3A_2918 = arith.select %eq3A_2912, %add3A_2917, %select_n3A_2909 : i32
      scf.yield %select_n3A_2918 : i32
    }
    %scan3A_2762 = arith.constant 128 : i32
    %while3A = arith.constant 0 : i32
    %while3A_2763 = arith.constant 0 : i32
    %while3A_2764 = arith.subi %scan3A_2761, %while3A_2763 : i32
    %while3A_2765 = arith.addi %while3A_2763, %while3A_2764 : i32
    %while3A_2766 = arith.constant 1 : i32
    %while3A_2767 = arith.divsi %while3A_2764, %while3A_2766 : i32
    %while3A_2768 = arith.muli %while3A_2767, %while3A_2766 : i32
    %while3A_2769 = arith.addi %while3A_2763, %while3A_2768 : i32
    %while3A_2770 = arith.constant 1 : i32
    scf.for %while3A_2772 = %while3A_2763 to %while3A_2769 step %while3A_2770  : i32 {
      %dma_wait3A_2773 = arith.constant 0 : i32
      %dma_wait3A_2774 = arith.constant 0 : i32
      %dma_wait3A_2775 = tpu.memref_slice %arg2[%dma_wait3A_2773, %dma_wait3A_2774] : memref<512x1024xf32, #tpu.memory_space<hbm>> -> memref<32x1024xf32, #tpu.memory_space<hbm>>
      %dma_wait3A_2776 = arith.constant 0 : i32
      %dma_wait3A_2777 = arith.constant 0 : i32
      %dma_wait3A_2778 = tpu.memref_slice %arg2[%dma_wait3A_2776, %dma_wait3A_2777] : memref<512x1024xf32, #tpu.memory_space<hbm>> -> memref<32x1024xf32, #tpu.memory_space<hbm>>
      tpu.wait_dma2 semaphore(%arg9 : memref<!tpu.dma_semaphore, #tpu.memory_space<semaphore_mem>>) src(%dma_wait3A_2778 : memref<32x1024xf32, #tpu.memory_space<hbm>>) dst(%arg6 : memref<32x1024xf32, #tpu.memory_space<vmem>>)
    }
    %while3A_2771 = arith.constant 1 : i32
    scf.for %while3A_2772 = %while3A_2769 to %while3A_2765 step %while3A_2771  : i32 {
      %dma_wait3A_2773 = arith.constant 0 : i32
      %dma_wait3A_2774 = arith.constant 0 : i32
      %dma_wait3A_2775 = tpu.memref_slice %arg2[%dma_wait3A_2773, %dma_wait3A_2774] : memref<512x1024xf32, #tpu.memory_space<hbm>> -> memref<32x1024xf32, #tpu.memory_space<hbm>>
      %dma_wait3A_2776 = arith.constant 0 : i32
      %dma_wait3A_2777 = arith.constant 0 : i32
      %dma_wait3A_2778 = tpu.memref_slice %arg2[%dma_wait3A_2776, %dma_wait3A_2777] : memref<512x1024xf32, #tpu.memory_space<hbm>> -> memref<32x1024xf32, #tpu.memory_space<hbm>>
      tpu.wait_dma2 semaphore(%arg9 : memref<!tpu.dma_semaphore, #tpu.memory_space<semaphore_mem>>) src(%dma_wait3A_2778 : memref<32x1024xf32, #tpu.memory_space<hbm>>) dst(%arg6 : memref<32x1024xf32, #tpu.memory_space<vmem>>)
    }
    return
  }
}

</mosaic_0001>

<sc_bundles>
// kernel: kernel.3.cloned.1.call-start
scs
__scs_entry_jumppad:
0x0: {  	(pc) =	sbr.rel $0x88, $3  }
0x1: {  	(tag) =	ssettag $0x0;
	lr =	simm.s32 $0x1  }
0x2: {  	[smem:$0x3F9F] =	sst lr;
	_ =	strace $0xD0000000  }
0x3: {  	_ = 	snop  }
0x4: {  	_ = 	snop  }
0x5: {  	_ = 	snop  }
0x6: {  	_ = 	snop  }
0x7: {  	_ = 	snop  }
__scs_overlays_trampoline_lowered:
0x8: {  	[smem:$0x3FAE] =	sst s0  }
0x9: {  	[smem:$0x3FAF] =	sst s1  }
0xa: {  	[smem:$0x3FB0] =	sst s2  }
0xb: {  	[smem:$0x3FB1] =	sst s3  }
0xc: {  	[smem:$0x3FB2] =	sst s4  }
0xd: {  	[smem:$0x3FB3] =	sst s5  }
0xe: {  	[smem:$0x3FB4] =	sst s6  }
0xf: {  	[smem:$0x3FB5] =	sst s7  }
0x10: {  	[smem:$0x3FB6] =	sst s8  }
0x11: {  	[smem:$0x3FB7] =	sst s9;
	s0 =	simm.s32 @!p0 $0x0  }
0x12: {  	s1 =	sld [smem:$0x3F9D];
	s0 =	simm.s32 @p0 $0x1  }
0x13: {  	[smem:$0x3FB8] =	sst s0;
	s0 =	simm.s32 @!p1 $0x0  }
0x14: {  	s2 =	sld [smem:$0x3F9C];
	s0 =	simm.s32 @p1 $0x1  }
0x15: {  	[smem:$0x3FB9] =	sst s0;
	s0 =	simm.s32 @!p2 $0x0  }
0x16: {  	s3 =	sld [smem:$0x3FDB];
	s0 =	simm.s32 @p2 $0x1  }
0x17: {  	s4 =	simm.s32 $0x1BF5;
	[smem:$0x3FBB] =	sst s0  }
0x18: {  	s0 =	sld [smem:$0x3F9E];
	_ =	swait.ge [sflag:s4], $0x0  }
0x19: {  	s7 =	sld [smem:$0x3F9F]  }
0x1a: {  	s8 =	sadd.s32 $0xFFFFE003, lr  }
0x1b: {  	s9 =	sadd.s32 $0xFFFFFEF7, lr;
	s5 =	simm.s32 $0xFFFFFFFF;
	p2 =	slt.u32 s8, $0xFFFFF086  }
0x1c: {  	p1 =	slt.u32 s9, $0xF7A;
	s5 =	simm.s32 @!p2 $0x0  }
0x1d: {  	s5 =	simm.s32 @p1 $0x1;
	p0 =	seq.s32 s7, s2  }
0x1e: {  	s7 =	smul.u32 @!p0 $0xF7A, s2;
	p2 =	seq.s32 @!p0 s5, $0x0  }
0x1f: {  	s9 =	smul.u32 $0xF7A, s1;
	s8 =	simm.s32 @!p0 $0x1BF5;
	p2 =	por !p2, p0  }
0x20: {  	[sflag:s8] =	ssyncset.s32 @!p0 $0xFFFFF086;
	s6 =	sadd.s32 @!p0 s3, s7;
	s7 =	simm.s32 @!p0 $0x108  }
0x21: {  	s3 =	sadd.s32 s3, s9;
	s6 =	sadd.s32 @!p0 $0x88, s6;
	s7 =	simm.s32 @p2 $0x1082  }
0x22: {  	[simem:s7], [sflag:s8] =	dma.local @!p0 [hbm:s6], $0xF7A  }
0x23: {  	s9 =	sor.u32 $0xD0000000, s2;
	s6 =	simm.s32 $0x108;
	_ =	swait.ge @!p0 [sflag:s8], $0x0  }
0x24: {  	s3 =	sadd.s32 $0x88, s3;
	s6 =	simm.s32 @!p1 $0x1082;
	[sflag:s4] =	ssyncset.s32 $0xFFFFF086  }
0x25: {  	[simem:s6], [sflag:s4] =	dma.local [hbm:s3], $0xF7A  }
0x26: {  	[smem:$0x3F9F] =	sst s1;
	(tag) =	ssettag s2;
	_ =	strace s9  }
0x27: {  	s1 =	sld [smem:$0x3FAF]  }
0x28: {  	s2 =	sld [smem:$0x3FB0]  }
0x29: {  	s4 =	sld [smem:$0x3FB2]  }
0x2a: {  	p0 =	seq.s32 s5, $0x0;
	s5 =	sld [smem:$0x3FB3]  }
0x2b: {  	s6 =	sld [smem:$0x3FB4]  }
0x2c: {  	s7 =	sld [smem:$0x3FB5]  }
0x2d: {  	s3 =	simm.s32 $0x108;
	s8 =	sld [smem:$0x3FB6]  }
0x2e: {  	s3 =	simm.s32 @!p0 $0x1082;
	s9 =	sld [smem:$0x3FB7]  }
0x2f: {  	lr =	sadd.s32 s0, s3;
	s0 =	sld [smem:$0x3FAE]  }
0x30: {  	s3 =	sld [smem:$0x3FB1]  }
0x31: {  	[smem:$0x3FBA] =	sst s10  }
0x32: {  	s10 =	sld [smem:$0x3FB8];
	_ =	sdelay $0x3  }
0x33: {  	p0 =	seq.s32 s10, $0x1;
	s10 =	sld [smem:$0x3FBA];
	_ =	sdelay $0x3  }
0x34: {  	[smem:$0x3FBA] =	sst s10  }
0x35: {  	s10 =	sld [smem:$0x3FB9];
	_ =	sdelay $0x3  }
0x36: {  	p1 =	seq.s32 s10, $0x1;
	s10 =	sld [smem:$0x3FBA];
	_ =	sdelay $0x3  }
0x37: {  	[smem:$0x3FBA] =	sst s10  }
0x38: {  	s10 =	sld [smem:$0x3FBB]  }
0x39: {  	_ = 	snop;
	(pc) =	sbr.ind lr, $3  }
0x3a: {  	_ = 	snop  }
0x3b: {  	_ = 	snop  }
0x3c: {  	p2 =	seq.s32 s10, $0x1;
	s10 =	sld [smem:$0x3FBA]  }
0x3d: {  	_ =	shalt  }
0x3e: {  	_ =	shalt  }
0x3f: {  	_ =	shalt  }
0x40: {  	_ =	shalt  }
0x41: {  	_ =	shalt  }
0x42: {  	_ =	shalt  }
0x43: {  	_ =	shalt  }
0x44: {  	_ =	shalt  }
0x45: {  	_ =	shalt  }
0x46: {  	_ =	shalt  }
0x47: {  	_ =	shalt  }
0x48: {  	_ =	shalt  }
0x49: {  	_ =	shalt  }
0x4a: {  	_ =	shalt  }
0x4b: {  	_ =	shalt  }
0x4c: {  	_ =	shalt  }
0x4d: {  	_ =	shalt  }
0x4e: {  	_ =	shalt  }
0x4f: {  	_ =	shalt  }
0x50: {  	_ =	shalt  }
0x51: {  	_ =	shalt  }
0x52: {  	_ =	shalt  }
0x53: {  	_ =	shalt  }
0x54: {  	_ =	shalt  }
0x55: {  	_ =	shalt  }
0x56: {  	_ =	shalt  }
0x57: {  	_ =	shalt  }
0x58: {  	_ =	shalt  }
0x59: {  	_ =	shalt  }
0x5a: {  	_ =	shalt  }
0x5b: {  	_ =	shalt  }
0x5c: {  	_ =	shalt  }
0x5d: {  	_ =	shalt  }
0x5e: {  	_ =	shalt  }
0x5f: {  	_ =	shalt  }
0x60: {  	_ =	shalt  }
0x61: {  	_ =	shalt  }
0x62: {  	_ =	shalt  }
0x63: {  	_ =	shalt  }
0x64: {  	_ =	shalt  }
0x65: {  	_ =	shalt  }
0x66: {  	_ =	shalt  }
0x67: {  	_ =	shalt  }
0x68: {  	_ =	shalt  }
0x69: {  	_ =	shalt  }
0x6a: {  	_ =	shalt  }
0x6b: {  	_ =	shalt  }
0x6c: {  	_ =	shalt  }
0x6d: {  	_ =	shalt  }
0x6e: {  	_ =	shalt  }
0x6f: {  	_ =	shalt  }
0x70: {  	_ =	shalt  }
0x71: {  	_ =	shalt  }
0x72: {  	_ =	shalt  }
0x73: {  	_ =	shalt  }
0x74: {  	_ =	shalt  }
0x75: {  	_ =	shalt  }
0x76: {  	_ =	shalt  }
0x77: {  	_ =	shalt  }
0x78: {  	_ =	shalt  }
0x79: {  	_ =	shalt  }
0x7a: {  	_ =	shalt  }
0x7b: {  	_ =	shalt  }
0x7c: {  	_ =	shalt  }
0x7d: {  	_ =	shalt  }
0x7e: {  	_ =	shalt  }
0x7f: {  	_ =	shalt  }
0x80: {  	_ =	shalt  }
0x81: {  	_ =	shalt  }
0x82: {  	_ =	shalt  }
0x83: {  	_ =	shalt  }
0x84: {  	_ =	shalt  }
0x85: {  	_ =	shalt  }
0x86: {  	_ =	shalt  }
0x87: {  	_ =	shalt  }
.Lfunc_end0:
.L_simem_size_0:
called_computation_lowered:
.L_overlay_start_0:
0x88: {  	s2 =	sld [smem:$0x3FD9]  }
0x89: {  	s3 =	sld [smem:$0x3FFE];
	_ =	sdelay $0x1  }
0x8a: {  	s1 =	srdreg.scid  }
0x8b: {  	s0 =	sand.u32 $0x1, s1  }
0x8c: {  	s14 =	sshll.u32 s0, $0xA;
	s2 =	sadd.s32 s3, s2  }
0x8d: {  	s2 =	sadd.s32 s2, s14  }
0x8e: {  	[smem:$0x3FC6] =	sst s2  }
0x8f: {  	_ = 	snop  }
0x90: {  	s2 =	sld [smem:$0x3FD0];
	_ =	sdelay $0x2  }
0x91: {  	s4 =	simm.s32 $0xA;
	s5 =	simm.s32 $0x10;
	s15 =	sld [smem:$0x3FC9]  }
0x92: {  	[smem:s5], [sflag:s4] =	dma.local [hbm:s2], $0x1  }
0x93: {  	_ =	swait.eq [sflag:s4], $0x1  }
0x94: {  	[sflag:s4] =	ssyncset.done $0x0  }
0x95: {  	s16 =	sld [smem:$0x10];
	[sflag:s4] =	ssyncadd.s32 $0xFFFFFFFF  }
0x96: {  	s17 =	sld [smem:$0x11];
	(tm) =	ssettm $0x1  }
0x97: {  	s18 =	sld [smem:$0x3FFB];
	_ =	sdelay $0x3  }
0x98: {  	_ =	strace s18  }
0x99: {  	s5 =	sld [smem:$0x3FFC];
	_ =	sdelay $0x3  }
0x9a: {  	_ =	strace s5  }
0x9b: {  	s5 =	sld [smem:$0x3FFD];
	_ =	sdelay $0x3  }
0x9c: {  	_ =	strace s5  }
0x9d: {  	_ =	strace $0x8FFFFFFF  }
0x9e: {  	s19 =	sld [smem:$0x3FDB];
	_ =	sdelay $0x1  }
0x9f: {  	s6 =	simm.s32 $_scs_section_size  }
0xa0: {  	s7 =	simm.s32 $_size__tile_overlayer_lowered;
	s8 =	simm.s32 $_tile_overlayer_lowered  }
0xa1: {  	s22 =	simm.s32 $0x1BFF;
	s21 =	sshll.u32 s8, $0x1;
	s5 =	sadd.s32 s6, s19  }
0xa2: {  	s9 =	simm.s32 $0x0;
	s20 =	sshll.u32 s7, $0x1;
	s7 =	sadd.s32 s21, s5  }
0xa3: {  	[timem:s9], [sflag:s22] =	dma.local [hbm:s7], s20  }
0xa4: {  	_ =	swait.ge [sflag:s22], s20  }
0xa5: {  	s6 =	ssub.s32 $0x0, s20;
	[sflag:s22] =	ssyncset.done $0x0  }
0xa6: {  	[sflag:s22] =	ssyncadd.s32 s6;
	_ =	sdelay $0x1  }
0xa7: {  	s23 =	simm.s32 $0x1B8B  }
0xa8: {  	_ =	swait.ge [sflag:s23], $0x1  }
0xa9: {  	[sflag:s23] =	ssyncset.done $0x0  }
0xaa: {  	s25 =	simm.s32 $0x1B8E;
	s24 =	sld [smem:$0x3FFE];
	[sflag:s23] =	ssyncadd.s32 $0xFFFFFFFF  }
0xab: {  	s26 =	simm.s32 $execute0_lowered;
	[smem:$0x3FD2] =	sst s25  }
0xac: {  	s7 =	sshll.u32 s26, $0x1;
	_ =	strace $0x80000046;
	[dreg:$0x1] =	wrdreg $0xFFFFFFFF  }
0xad: {  	s28 =	simm.s32 $_size_execute0_lowered;
	s5 =	sadd.s32 s5, s7;
	[dreg:$0x0] =	wrdreg $0x0  }
0xae: {  	s7 =	sshll.u32 s28, $0x1;
	[dreg:$0x2] =	wrdreg s5  }
0xaf: {  	[dreg:$0x3] =	wrdreg s7  }
0xb0: {  	[dreg:$0x4] =	wrdreg $0xC0  }
0xb1: {  	_ =	task [dreg:s9], $0x5FFFF  }
0xb2: {  	[dreg:$0x1] =	wrdreg $0xFFFFFFFF  }
0xb3: {  	[dreg:$0x0] =	wrdreg $0x60  }
0xb4: {  	[dreg:$0x2] =	wrdreg s15  }
0xb5: {  	[dreg:$0x3] =	wrdreg s17  }
0xb6: {  	[dreg:$0x4] =	wrdreg s16  }
0xb7: {  	[dreg:$0x5] =	wrdreg s24  }
0xb8: {  	[dreg:$0x6] =	wrdreg $0x9  }
0xb9: {  	_ =	task.clear_ibuf [dreg:s9], $0x7FFFF;
	_ =	strace $0x90000046  }
0xba: {  	s29 =	simm.s32 $0x9;
	_ =	strace $0x80000048  }
0xbb: {  	_ =	swait.ge [sflag:s29], $0x1  }
0xbc: {  	[sflag:s29] =	ssyncadd.s32 $0xFFFFFFFF  }
0xbd: {  	_ =	strace $0x90000048  }
0xbe: {  	_ =	sfence  }
0xbf: {  	s30 =	sld [smem:$0x0];
	_ =	sdelay $0x2  }
0xc0: {  	s31 =	sshll.u32 s1, $0xD;
	s1 =	sshrl.u32 s1, $0x2  }
0xc1: {  	s3 =	sand.u32 $0x4000, s31;
	s1 =	sadd.s32 s1, s30  }
0xc2: {  	s0 =	sor.u32 s3, s0;
	s1 =	sshll.u32 s1, $0x11  }
0xc3: {  	s0 =	sor.u32 s1, s0  }
0xc4: {  	s0 =	sadd.s32 $0x8F2B, s0  }
0xc5: {  	[sflag:s0] =	ssyncadd.remote.s32 $0x1  }
0xc6: {  	_ =	sfence.sel $0xFFFF  }
0xc7: {  	[dreg:$0x0] =	wrdreg $0xFFFFFFFF;
	(pc) =	sbr.abs _section_cstart, $3  }
0xc8: {  	[dreg:$0x1] =	wrdreg $0xFFFFFFFF  }
0xc9: {  	_ =	task.clear_ibuf [dreg:s9], $0x2FFFF;
	_ =	strace $0x9FFFFFFF  }
0xca: {  	(tm) =	ssettm $0x7FFFFFFF  }
0xcb: {  	_ =	shalt  }
tec
execute0_lowered:
.L_overlay_start_1:
0x0: {  	(tag) =	ssettag $0x1  }
0x1: {  	s0 =	rddreg [dreg:$0x0]  }
0x2: {  	s3 =	rddreg [dreg:$0x1]  }
0x3: {  	s4 =	rddreg [dreg:$0x2]  }
0x4: {  	s2 =	rddreg [dreg:$0x3];
	s1 =	simm.s32 $0x0  }
0x5: {  	s5 =	srdreg.scid;
	[smem:$0x7FF] =	sst s1  }
0x6: {  	s13 =	simm.s32 $0x1;
	s6 =	sand.u32 $0x1, s5;
	_ =	strace $0x80000047  }
0x7: {  	s5 =	sshll.u32 s6, $0xF;
	s7 =	ssub.s32 $0x2, s6;
	s25 =	sshll.u32 s6, $0x8  }
0x8: {  	s8 =	sadd.s32 s5, s2;
	s2 =	stileid.u32;
	s24 =	sshrl.u32 s7, $0x1  }
0x9: {  	s26 =	sadd.s32 s3, s25;
	s7 =	ssub.s32 s7, s24;
	s9 =	sshll.u32 s2, $0xC  }
.Ltmp0:
0xa: {  	[dreg:$0x5] =	wrdreg s26;
	s29 =	sshll.u32 s2, $0x7;
	(pc) =	sbr.rel .LBB2_1-.Ltmp0, $4  }
0xb: {  	s28 =	sshll.u32 s2, $0xB;
	s0 =	sadd.s32 s0, s9;
	[dreg:$0x7] =	wrdreg s29  }
0xc: {  	s31 =	smax.u32 s7, $0x1;
	[dreg:$0x6] =	wrdreg s0;
	s0 =	sadd.s32 s28, s8  }
0xd: {  	v0 =	vlaneseq.u32;
	s30 =	sshll.u32 s6, $0x17;
	[dreg:$0x9] =	wrdreg s31;
	s0 =	sadd.s32 $0x800, s0  }
0xe: {  	v1 =	vor.u32 $0x10, v0;
	s1 =	simm.s32 $0x0;
	s8 =	sadd.s32 s30, s4;
	[dreg:$0x8] =	wrdreg s0  }
.LBB2_6:
0xf: {  	[sflag:s13] =	ssyncadd.s32 $0xFFFF8000  }
.LBB2_7:
0x10: {  	s1 =	sadd.s32 $0x1, s1;
	s0 =	rddreg [dreg:$0x9]  }
0x11: {  	p0 =	sne.s32 s1, s0  }
.Ltmp1:
0x12: {  	_ = 	snop;
	(pc) =	sbr.rel @!p0 .LBB2_8-.Ltmp1, $1  }
0x13: {  	_ =	sdelay $0x3  }
.LBB2_1:
0x14: {  	[dreg:$0xa] =	wrdreg s1  }
0x15: {  	s15 =	simm.s32 $0x8000;
	s16 =	simm.s32 $0x0;
	s0 =	rddreg [dreg:$0x5]  }
0x16: {  	[tilespmem:s15], [sflag:$0x2] =	stream.linear.gather [hbm4b:s0+s16], $0x800, $0x38;
	[tilespmem:$0xC800] =	vst v63  }
0x17: {  	s17 =	rddreg [dreg:$0x6];
	s18 =	simm.s32 $0x2  }
0x18: {  	[tilespmem:s16], [sflag:$0x3] =	stream.linear.gather [hbm4b:s17+s16], $0x8000, $0x38;
	[tilespmem:$0xC800] =	vst v63  }
0x19: {  	_ =	swait.ge [sflag:s18], $0x800  }
0x1a: {  	[sflag:s18] =	ssyncset.done $0x0  }
0x1b: {  	s3 =	rddreg [dreg:$0x7];
	[sflag:s18] =	ssyncadd.s32 $0xFFFFF800  }
0x1c: {  	v2 =	vld [tilespmem:s3+$0x8000];
	_ =	sdelay $0x4  }
0x1d: {  	v2 =	vshll.u32 v2, $0x5  }
0x1e: {  	v3 =	vbroadcast v2, $0x0;
	_ =	sdelay $0x1  }
0x1f: {  	v5 =	vbroadcast v2, $0x1;
	v4 =	vor.u32 v0, v3  }
0x20: {  	v3 =	vor.u32 v1, v3;
	[tilespmem:$0x8800] =	vst v4  }
0x21: {  	v10 =	vbroadcast v2, $0x2;
	[tilespmem:$0x8810] =	vst v3;
	v3 =	vor.u32 v0, v5  }
0x22: {  	[tilespmem:$0x8880] =	vst v3;
	v3 =	vor.u32 v1, v5  }
0x23: {  	v11 =	vbroadcast v2, $0x3;
	[tilespmem:$0x8890] =	vst v3;
	v3 =	vor.u32 v0, v10  }
0x24: {  	[tilespmem:$0x8900] =	vst v3;
	v3 =	vor.u32 v1, v10  }
0x25: {  	v12 =	vbroadcast v2, $0x4;
	[tilespmem:$0x8910] =	vst v3;
	v3 =	vor.u32 v0, v11  }
0x26: {  	[tilespmem:$0x8980] =	vst v3;
	v3 =	vor.u32 v1, v11  }
0x27: {  	v13 =	vbroadcast v2, $0x5;
	[tilespmem:$0x8990] =	vst v3;
	v3 =	vor.u32 v0, v12  }
0x28: {  	[tilespmem:$0x8A00] =	vst v3;
	v3 =	vor.u32 v1, v12  }
0x29: {  	v14 =	vbroadcast v2, $0x6;
	[tilespmem:$0x8A10] =	vst v3;
	v3 =	vor.u32 v0, v13  }
0x2a: {  	[tilespmem:$0x8A80] =	vst v3;
	v3 =	vor.u32 v1, v13  }
0x2b: {  	v15 =	vbroadcast v2, $0x7;
	[tilespmem:$0x8A90] =	vst v3;
	v3 =	vor.u32 v0, v14  }
0x2c: {  	[tilespmem:$0x8B00] =	vst v3;
	v3 =	vor.u32 v1, v14  }
0x2d: {  	v16 =	vbroadcast v2, $0x8;
	(v2sf) =	vpush v2, $0xF;
	[tilespmem:$0x8B10] =	vst v3;
	v3 =	vor.u32 v0, v15  }
0x2e: {  	[tilespmem:$0x8B80] =	vst v3;
	v3 =	vor.u32 v1, v15  }
0x2f: {  	v17 =	vbroadcast v2, $0x9;
	[tilespmem:$0x8B90] =	vst v3;
	v3 =	vor.u32 v0, v16  }
0x30: {  	[tilespmem:$0x8C00] =	vst v3;
	v3 =	vor.u32 v1, v16  }
0x31: {  	v18 =	vbroadcast v2, $0xA;
	[tilespmem:$0x8C10] =	vst v3;
	v3 =	vor.u32 v0, v17  }
0x32: {  	[tilespmem:$0x8C80] =	vst v3;
	v3 =	vor.u32 v1, v17  }
0x33: {  	v19 =	vbroadcast v2, $0xB;
	[tilespmem:$0x8C90] =	vst v3;
	v3 =	vor.u32 v0, v18  }
0x34: {  	[tilespmem:$0x8D00] =	vst v3;
	v3 =	vor.u32 v1, v18  }
0x35: {  	v20 =	vbroadcast v2, $0xC;
	[tilespmem:$0x8D10] =	vst v3;
	v3 =	vor.u32 v0, v19  }
0x36: {  	[tilespmem:$0x8D80] =	vst v3;
	v3 =	vor.u32 v1, v19  }
0x37: {  	v21 =	vbroadcast v2, $0xD;
	[tilespmem:$0x8D90] =	vst v3;
	v3 =	vor.u32 v0, v20  }
0x38: {  	[tilespmem:$0x8E00] =	vst v3;
	v3 =	vor.u32 v1, v20  }
0x39: {  	v2 =	vbroadcast v2, $0xE;
	[tilespmem:$0x8E10] =	vst v3;
	v3 =	vor.u32 v0, v21  }
0x3a: {  	[tilespmem:$0x8E80] =	vst v3;
	v3 =	vor.u32 v1, v21  }
0x3b: {  	[tilespmem:$0x8E90] =	vst v3;
	v3 =	vor.u32 v0, v2  }
0x3c: {  	s19 =	spop (v2sf);
	v2 =	vor.u32 v1, v2;
	[tilespmem:$0x8F00] =	vst v3  }
0x3d: {  	[tilespmem:$0x8F10] =	vst v2;
	v2 =	vor.u32 s19, v0  }
0x3e: {  	[tilespmem:$0x8F80] =	vst v2;
	v2 =	vor.u32 s19, v1  }
0x3f: {  	[tilespmem:$0x8F90] =	vst v2  }
0x40: {  	v2 =	vld [tilespmem:s3+$0x8010];
	_ =	sdelay $0x4  }
0x41: {  	v2 =	vshll.u32 v2, $0x5  }
0x42: {  	v3 =	vbroadcast v2, $0x0;
	_ =	sdelay $0x1  }
0x43: {  	v23 =	vbroadcast v2, $0x1;
	v22 =	vor.u32 v0, v3  }
0x44: {  	v3 =	vor.u32 v1, v3;
	[tilespmem:$0x9000] =	vst v22  }
0x45: {  	v24 =	vbroadcast v2, $0x2;
	[tilespmem:$0x9010] =	vst v3;
	v3 =	vor.u32 v0, v23  }
0x46: {  	[tilespmem:$0x9080] =	vst v3;
	v3 =	vor.u32 v1, v23  }
0x47: {  	v25 =	vbroadcast v2, $0x3;
	[tilespmem:$0x9090] =	vst v3;
	v3 =	vor.u32 v0, v24  }
0x48: {  	[tilespmem:$0x9100] =	vst v3;
	v3 =	vor.u32 v1, v24  }
0x49: {  	v26 =	vbroadcast v2, $0x4;
	[tilespmem:$0x9110] =	vst v3;
	v3 =	vor.u32 v0, v25  }
0x4a: {  	[tilespmem:$0x9180] =	vst v3;
	v3 =	vor.u32 v1, v25  }
0x4b: {  	v27 =	vbroadcast v2, $0x5;
	[tilespmem:$0x9190] =	vst v3;
	v3 =	vor.u32 v0, v26  }
0x4c: {  	[tilespmem:$0x9200] =	vst v3;
	v3 =	vor.u32 v1, v26  }
0x4d: {  	v28 =	vbroadcast v2, $0x6;
	[tilespmem:$0x9210] =	vst v3;
	v3 =	vor.u32 v0, v27  }
0x4e: {  	[tilespmem:$0x9280] =	vst v3;
	v3 =	vor.u32 v1, v27  }
0x4f: {  	v29 =	vbroadcast v2, $0x7;
	[tilespmem:$0x9290] =	vst v3;
	v3 =	vor.u32 v0, v28  }
0x50: {  	[tilespmem:$0x9300] =	vst v3;
	v3 =	vor.u32 v1, v28  }
0x51: {  	v30 =	vbroadcast v2, $0x8;
	(v2sf) =	vpush v2, $0xF;
	[tilespmem:$0x9310] =	vst v3;
	v3 =	vor.u32 v0, v29  }
0x52: {  	[tilespmem:$0x9380] =	vst v3;
	v3 =	vor.u32 v1, v29  }
0x53: {  	v31 =	vbroadcast v2, $0x9;
	[tilespmem:$0x9390] =	vst v3;
	v3 =	vor.u32 v0, v30  }
0x54: {  	[tilespmem:$0x9400] =	vst v3;
	v3 =	vor.u32 v1, v30  }
0x55: {  	v32 =	vbroadcast v2, $0xA;
	[tilespmem:$0x9410] =	vst v3;
	v3 =	vor.u32 v0, v31  }
0x56: {  	[tilespmem:$0x9480] =	vst v3;
	v3 =	vor.u32 v1, v31  }
0x57: {  	v33 =	vbroadcast v2, $0xB;
	[tilespmem:$0x9490] =	vst v3;
	v3 =	vor.u32 v0, v32  }
0x58: {  	[tilespmem:$0x9500] =	vst v3;
	v3 =	vor.u32 v1, v32  }
0x59: {  	v34 =	vbroadcast v2, $0xC;
	[tilespmem:$0x9510] =	vst v3;
	v3 =	vor.u32 v0, v33  }
0x5a: {  	[tilespmem:$0x9580] =	vst v3;
	v3 =	vor.u32 v1, v33  }
0x5b: {  	v35 =	vbroadcast v2, $0xD;
	[tilespmem:$0x9590] =	vst v3;
	v3 =	vor.u32 v0, v34  }
0x5c: {  	[tilespmem:$0x9600] =	vst v3;
	v3 =	vor.u32 v1, v34  }
0x5d: {  	v2 =	vbroadcast v2, $0xE;
	[tilespmem:$0x9610] =	vst v3;
	v3 =	vor.u32 v0, v35  }
0x5e: {  	[tilespmem:$0x9680] =	vst v3;
	v3 =	vor.u32 v1, v35  }
0x5f: {  	[tilespmem:$0x9690] =	vst v3;
	v3 =	vor.u32 v0, v2  }
0x60: {  	s20 =	spop (v2sf);
	v2 =	vor.u32 v1, v2;
	[tilespmem:$0x9700] =	vst v3  }
0x61: {  	[tilespmem:$0x9710] =	vst v2;
	v2 =	vor.u32 s20, v0  }
0x62: {  	[tilespmem:$0x9780] =	vst v2;
	v2 =	vor.u32 s20, v1  }
0x63: {  	[tilespmem:$0x9790] =	vst v2  }
0x64: {  	v2 =	vld [tilespmem:s3+$0x8020];
	_ =	sdelay $0x4  }
0x65: {  	v2 =	vshll.u32 v2, $0x5  }
0x66: {  	v3 =	vbroadcast v2, $0x0;
	_ =	sdelay $0x1  }
0x67: {  	v37 =	vbroadcast v2, $0x1;
	v36 =	vor.u32 v0, v3  }
0x68: {  	v3 =	vor.u32 v1, v3;
	[tilespmem:$0x9800] =	vst v36  }
0x69: {  	v38 =	vbroadcast v2, $0x2;
	[tilespmem:$0x9810] =	vst v3;
	v3 =	vor.u32 v0, v37  }
0x6a: {  	[tilespmem:$0x9880] =	vst v3;
	v3 =	vor.u32 v1, v37  }
0x6b: {  	v39 =	vbroadcast v2, $0x3;
	[tilespmem:$0x9890] =	vst v3;
	v3 =	vor.u32 v0, v38  }
0x6c: {  	[tilespmem:$0x9900] =	vst v3;
	v3 =	vor.u32 v1, v38  }
0x6d: {  	v40 =	vbroadcast v2, $0x4;
	[tilespmem:$0x9910] =	vst v3;
	v3 =	vor.u32 v0, v39  }
0x6e: {  	[tilespmem:$0x9980] =	vst v3;
	v3 =	vor.u32 v1, v39  }
0x6f: {  	v41 =	vbroadcast v2, $0x5;
	[tilespmem:$0x9990] =	vst v3;
	v3 =	vor.u32 v0, v40  }
0x70: {  	[tilespmem:$0x9A00] =	vst v3;
	v3 =	vor.u32 v1, v40  }
0x71: {  	v42 =	vbroadcast v2, $0x6;
	[tilespmem:$0x9A10] =	vst v3;
	v3 =	vor.u32 v0, v41  }
0x72: {  	[tilespmem:$0x9A80] =	vst v3;
	v3 =	vor.u32 v1, v41  }
0x73: {  	v43 =	vbroadcast v2, $0x7;
	[tilespmem:$0x9A90] =	vst v3;
	v3 =	vor.u32 v0, v42  }
0x74: {  	[tilespmem:$0x9B00] =	vst v3;
	v3 =	vor.u32 v1, v42  }
0x75: {  	v44 =	vbroadcast v2, $0x8;
	(v2sf) =	vpush v2, $0xF;
	[tilespmem:$0x9B10] =	vst v3;
	v3 =	vor.u32 v0, v43  }
0x76: {  	[tilespmem:$0x9B80] =	vst v3;
	v3 =	vor.u32 v1, v43  }
0x77: {  	v45 =	vbroadcast v2, $0x9;
	[tilespmem:$0x9B90] =	vst v3;
	v3 =	vor.u32 v0, v44  }
0x78: {  	[tilespmem:$0x9C00] =	vst v3;
	v3 =	vor.u32 v1, v44  }
0x79: {  	v46 =	vbroadcast v2, $0xA;
	[tilespmem:$0x9C10] =	vst v3;
	v3 =	vor.u32 v0, v45  }
0x7a: {  	[tilespmem:$0x9C80] =	vst v3;
	v3 =	vor.u32 v1, v45  }
0x7b: {  	v47 =	vbroadcast v2, $0xB;
	[tilespmem:$0x9C90] =	vst v3;
	v3 =	vor.u32 v0, v46  }
0x7c: {  	[tilespmem:$0x9D00] =	vst v3;
	v3 =	vor.u32 v1, v46  }
0x7d: {  	v48 =	vbroadcast v2, $0xC;
	[tilespmem:$0x9D10] =	vst v3;
	v3 =	vor.u32 v0, v47  }
0x7e: {  	[tilespmem:$0x9D80] =	vst v3;
	v3 =	vor.u32 v1, v47  }
0x7f: {  	v49 =	vbroadcast v2, $0xD;
	[tilespmem:$0x9D90] =	vst v3;
	v3 =	vor.u32 v0, v48  }
0x80: {  	[tilespmem:$0x9E00] =	vst v3;
	v3 =	vor.u32 v1, v48  }
0x81: {  	v2 =	vbroadcast v2, $0xE;
	[tilespmem:$0x9E10] =	vst v3;
	v3 =	vor.u32 v0, v49  }
0x82: {  	[tilespmem:$0x9E80] =	vst v3;
	v3 =	vor.u32 v1, v49  }
0x83: {  	[tilespmem:$0x9E90] =	vst v3;
	v3 =	vor.u32 v0, v2  }
0x84: {  	s21 =	spop (v2sf);
	v2 =	vor.u32 v1, v2;
	[tilespmem:$0x9F00] =	vst v3  }
0x85: {  	[tilespmem:$0x9F10] =	vst v2;
	v2 =	vor.u32 s21, v0  }
0x86: {  	[tilespmem:$0x9F80] =	vst v2;
	v2 =	vor.u32 s21, v1  }
0x87: {  	[tilespmem:$0x9F90] =	vst v2  }
0x88: {  	v2 =	vld [tilespmem:s3+$0x8030];
	_ =	sdelay $0x4  }
0x89: {  	v2 =	vshll.u32 v2, $0x5  }
0x8a: {  	v3 =	vbroadcast v2, $0x0;
	_ =	sdelay $0x1  }
0x8b: {  	v51 =	vbroadcast v2, $0x1;
	v50 =	vor.u32 v0, v3  }
0x8c: {  	v3 =	vor.u32 v1, v3;
	[tilespmem:$0xA000] =	vst v50  }
0x8d: {  	v52 =	vbroadcast v2, $0x2;
	[tilespmem:$0xA010] =	vst v3;
	v3 =	vor.u32 v0, v51  }
0x8e: {  	[tilespmem:$0xA080] =	vst v3;
	v3 =	vor.u32 v1, v51  }
0x8f: {  	v53 =	vbroadcast v2, $0x3;
	[tilespmem:$0xA090] =	vst v3;
	v3 =	vor.u32 v0, v52  }
0x90: {  	[tilespmem:$0xA100] =	vst v3;
	v3 =	vor.u32 v1, v52  }
0x91: {  	v54 =	vbroadcast v2, $0x4;
	[tilespmem:$0xA110] =	vst v3;
	v3 =	vor.u32 v0, v53  }
0x92: {  	[tilespmem:$0xA180] =	vst v3;
	v3 =	vor.u32 v1, v53  }
0x93: {  	v55 =	vbroadcast v2, $0x5;
	[tilespmem:$0xA190] =	vst v3;
	v3 =	vor.u32 v0, v54  }
0x94: {  	[tilespmem:$0xA200] =	vst v3;
	v3 =	vor.u32 v1, v54  }
0x95: {  	v56 =	vbroadcast v2, $0x6;
	[tilespmem:$0xA210] =	vst v3;
	v3 =	vor.u32 v0, v55  }
0x96: {  	[tilespmem:$0xA280] =	vst v3;
	v3 =	vor.u32 v1, v55  }
0x97: {  	v57 =	vbroadcast v2, $0x7;
	[tilespmem:$0xA290] =	vst v3;
	v3 =	vor.u32 v0, v56  }
0x98: {  	[tilespmem:$0xA300] =	vst v3;
	v3 =	vor.u32 v1, v56  }
0x99: {  	v58 =	vbroadcast v2, $0x8;
	(v2sf) =	vpush v2, $0xF;
	[tilespmem:$0xA310] =	vst v3;
	v3 =	vor.u32 v0, v57  }
0x9a: {  	[tilespmem:$0xA380] =	vst v3;
	v3 =	vor.u32 v1, v57  }
0x9b: {  	v59 =	vbroadcast v2, $0x9;
	[tilespmem:$0xA390] =	vst v3;
	v3 =	vor.u32 v0, v58  }
0x9c: {  	[tilespmem:$0xA400] =	vst v3;
	v3 =	vor.u32 v1, v58  }
0x9d: {  	v60 =	vbroadcast v2, $0xA;
	[tilespmem:$0xA410] =	vst v3;
	v3 =	vor.u32 v0, v59  }
0x9e: {  	[tilespmem:$0xA480] =	vst v3;
	v3 =	vor.u32 v1, v59  }
0x9f: {  	v61 =	vbroadcast v2, $0xB;
	[tilespmem:$0xA490] =	vst v3;
	v3 =	vor.u32 v0, v60  }
0xa0: {  	[tilespmem:$0xA500] =	vst v3;
	v3 =	vor.u32 v1, v60  }
0xa1: {  	v62 =	vbroadcast v2, $0xC;
	[tilespmem:$0xA510] =	vst v3;
	v3 =	vor.u32 v0, v61  }
0xa2: {  	[tilespmem:$0xA580] =	vst v3;
	v3 =	vor.u32 v1, v61  }
0xa3: {  	v63 =	vbroadcast v2, $0xD;
	[tilespmem:$0xA590] =	vst v3;
	v3 =	vor.u32 v0, v62  }
0xa4: {  	[tilespmem:$0xA600] =	vst v3;
	v3 =	vor.u32 v1, v62  }
0xa5: {  	v2 =	vbroadcast v2, $0xE;
	[tilespmem:$0xA610] =	vst v3;
	v3 =	vor.u32 v0, v63  }
0xa6: {  	[tilespmem:$0xA680] =	vst v3;
	v3 =	vor.u32 v1, v63  }
0xa7: {  	[tilespmem:$0xA690] =	vst v3;
	v3 =	vor.u32 v0, v2  }
0xa8: {  	s22 =	spop (v2sf);
	v2 =	vor.u32 v1, v2;
	[tilespmem:$0xA700] =	vst v3  }
0xa9: {  	[tilespmem:$0xA710] =	vst v2;
	v2 =	vor.u32 s22, v0  }
0xaa: {  	[tilespmem:$0xA780] =	vst v2;
	v2 =	vor.u32 s22, v1  }
0xab: {  	[tilespmem:$0xA790] =	vst v2  }
0xac: {  	v2 =	vld [tilespmem:s3+$0x8040];
	_ =	sdelay $0x4  }
0xad: {  	v2 =	vshll.u32 v2, $0x5  }
0xae: {  	v3 =	vbroadcast v2, $0x0;
	_ =	sdelay $0x1  }
0xaf: {  	v9 =	vbroadcast v2, $0x1;
	v8 =	vor.u32 v0, v3  }
0xb0: {  	v3 =	vor.u32 v1, v3;
	[tilespmem:$0xA800] =	vst v8  }
0xb1: {  	v10 =	vbroadcast v2, $0x2;
	[tilespmem:$0xA810] =	vst v3;
	v3 =	vor.u32 v0, v9  }
0xb2: {  	[tilespmem:$0xA880] =	vst v3;
	v3 =	vor.u32 v1, v9  }
0xb3: {  	v11 =	vbroadcast v2, $0x3;
	[tilespmem:$0xA890] =	vst v3;
	v3 =	vor.u32 v0, v10  }
0xb4: {  	[tilespmem:$0xA900] =	vst v3;
	v3 =	vor.u32 v1, v10  }
0xb5: {  	v12 =	vbroadcast v2, $0x4;
	[tilespmem:$0xA910] =	vst v3;
	v3 =	vor.u32 v0, v11  }
0xb6: {  	[tilespmem:$0xA980] =	vst v3;
	v3 =	vor.u32 v1, v11  }
0xb7: {  	v13 =	vbroadcast v2, $0x5;
	[tilespmem:$0xA990] =	vst v3;
	v3 =	vor.u32 v0, v12  }
0xb8: {  	[tilespmem:$0xAA00] =	vst v3;
	v3 =	vor.u32 v1, v12  }
0xb9: {  	v14 =	vbroadcast v2, $0x6;
	[tilespmem:$0xAA10] =	vst v3;
	v3 =	vor.u32 v0, v13  }
0xba: {  	[tilespmem:$0xAA80] =	vst v3;
	v3 =	vor.u32 v1, v13  }
0xbb: {  	v15 =	vbroadcast v2, $0x7;
	[tilespmem:$0xAA90] =	vst v3;
	v3 =	vor.u32 v0, v14  }
0xbc: {  	[tilespmem:$0xAB00] =	vst v3;
	v3 =	vor.u32 v1, v14  }
0xbd: {  	v16 =	vbroadcast v2, $0x8;
	(v2sf) =	vpush v2, $0xF;
	[tilespmem:$0xAB10] =	vst v3;
	v3 =	vor.u32 v0, v15  }
0xbe: {  	[tilespmem:$0xAB80] =	vst v3;
	v3 =	vor.u32 v1, v15  }
0xbf: {  	v17 =	vbroadcast v2, $0x9;
	[tilespmem:$0xAB90] =	vst v3;
	v3 =	vor.u32 v0, v16  }
0xc0: {  	[tilespmem:$0xAC00] =	vst v3;
	v3 =	vor.u32 v1, v16  }
0xc1: {  	v18 =	vbroadcast v2, $0xA;
	[tilespmem:$0xAC10] =	vst v3;
	v3 =	vor.u32 v0, v17  }
0xc2: {  	[tilespmem:$0xAC80] =	vst v3;
	v3 =	vor.u32 v1, v17  }
0xc3: {  	v19 =	vbroadcast v2, $0xB;
	[tilespmem:$0xAC90] =	vst v3;
	v3 =	vor.u32 v0, v18  }
0xc4: {  	[tilespmem:$0xAD00] =	vst v3;
	v3 =	vor.u32 v1, v18  }
0xc5: {  	v20 =	vbroadcast v2, $0xC;
	[tilespmem:$0xAD10] =	vst v3;
	v3 =	vor.u32 v0, v19  }
0xc6: {  	[tilespmem:$0xAD80] =	vst v3;
	v3 =	vor.u32 v1, v19  }
0xc7: {  	v21 =	vbroadcast v2, $0xD;
	[tilespmem:$0xAD90] =	vst v3;
	v3 =	vor.u32 v0, v20  }
0xc8: {  	[tilespmem:$0xAE00] =	vst v3;
	v3 =	vor.u32 v1, v20  }
0xc9: {  	v2 =	vbroadcast v2, $0xE;
	[tilespmem:$0xAE10] =	vst v3;
	v3 =	vor.u32 v0, v21  }
0xca: {  	[tilespmem:$0xAE80] =	vst v3;
	v3 =	vor.u32 v1, v21  }
0xcb: {  	[tilespmem:$0xAE90] =	vst v3;
	v3 =	vor.u32 v0, v2  }
0xcc: {  	s23 =	spop (v2sf);
	v2 =	vor.u32 v1, v2;
	[tilespmem:$0xAF00] =	vst v3  }
0xcd: {  	[tilespmem:$0xAF10] =	vst v2;
	v2 =	vor.u32 s23, v0  }
0xce: {  	[tilespmem:$0xAF80] =	vst v2;
	v2 =	vor.u32 s23, v1  }
0xcf: {  	[tilespmem:$0xAF90] =	vst v2  }
0xd0: {  	v2 =	vld [tilespmem:s3+$0x8050];
	_ =	sdelay $0x4  }
0xd1: {  	v2 =	vshll.u32 v2, $0x5  }
0xd2: {  	v3 =	vbroadcast v2, $0x0;
	_ =	sdelay $0x1  }
0xd3: {  	v23 =	vbroadcast v2, $0x1;
	v22 =	vor.u32 v0, v3  }
0xd4: {  	v3 =	vor.u32 v1, v3;
	[tilespmem:$0xB000] =	vst v22  }
0xd5: {  	v24 =	vbroadcast v2, $0x2;
	[tilespmem:$0xB010] =	vst v3;
	v3 =	vor.u32 v0, v23  }
0xd6: {  	[tilespmem:$0xB080] =	vst v3;
	v3 =	vor.u32 v1, v23  }
0xd7: {  	v25 =	vbroadcast v2, $0x3;
	[tilespmem:$0xB090] =	vst v3;
	v3 =	vor.u32 v0, v24  }
0xd8: {  	[tilespmem:$0xB100] =	vst v3;
	v3 =	vor.u32 v1, v24  }
0xd9: {  	v26 =	vbroadcast v2, $0x4;
	[tilespmem:$0xB110] =	vst v3;
	v3 =	vor.u32 v0, v25  }
0xda: {  	[tilespmem:$0xB180] =	vst v3;
	v3 =	vor.u32 v1, v25  }
0xdb: {  	v27 =	vbroadcast v2, $0x5;
	[tilespmem:$0xB190] =	vst v3;
	v3 =	vor.u32 v0, v26  }
0xdc: {  	[tilespmem:$0xB200] =	vst v3;
	v3 =	vor.u32 v1, v26  }
0xdd: {  	v28 =	vbroadcast v2, $0x6;
	[tilespmem:$0xB210] =	vst v3;
	v3 =	vor.u32 v0, v27  }
0xde: {  	[tilespmem:$0xB280] =	vst v3;
	v3 =	vor.u32 v1, v27  }
0xdf: {  	v29 =	vbroadcast v2, $0x7;
	[tilespmem:$0xB290] =	vst v3;
	v3 =	vor.u32 v0, v28  }
0xe0: {  	[tilespmem:$0xB300] =	vst v3;
	v3 =	vor.u32 v1, v28  }
0xe1: {  	v30 =	vbroadcast v2, $0x8;
	(v2sf) =	vpush v2, $0xF;
	[tilespmem:$0xB310] =	vst v3;
	v3 =	vor.u32 v0, v29  }
0xe2: {  	[tilespmem:$0xB380] =	vst v3;
	v3 =	vor.u32 v1, v29  }
0xe3: {  	v31 =	vbroadcast v2, $0x9;
	[tilespmem:$0xB390] =	vst v3;
	v3 =	vor.u32 v0, v30  }
0xe4: {  	[tilespmem:$0xB400] =	vst v3;
	v3 =	vor.u32 v1, v30  }
0xe5: {  	v32 =	vbroadcast v2, $0xA;
	[tilespmem:$0xB410] =	vst v3;
	v3 =	vor.u32 v0, v31  }
0xe6: {  	[tilespmem:$0xB480] =	vst v3;
	v3 =	vor.u32 v1, v31  }
0xe7: {  	v33 =	vbroadcast v2, $0xB;
	[tilespmem:$0xB490] =	vst v3;
	v3 =	vor.u32 v0, v32  }
0xe8: {  	[tilespmem:$0xB500] =	vst v3;
	v3 =	vor.u32 v1, v32  }
0xe9: {  	v34 =	vbroadcast v2, $0xC;
	[tilespmem:$0xB510] =	vst v3;
	v3 =	vor.u32 v0, v33  }
0xea: {  	[tilespmem:$0xB580] =	vst v3;
	v3 =	vor.u32 v1, v33  }
0xeb: {  	v35 =	vbroadcast v2, $0xD;
	[tilespmem:$0xB590] =	vst v3;
	v3 =	vor.u32 v0, v34  }
0xec: {  	[tilespmem:$0xB600] =	vst v3;
	v3 =	vor.u32 v1, v34  }
0xed: {  	v2 =	vbroadcast v2, $0xE;
	[tilespmem:$0xB610] =	vst v3;
	v3 =	vor.u32 v0, v35  }
0xee: {  	[tilespmem:$0xB680] =	vst v3;
	v3 =	vor.u32 v1, v35  }
0xef: {  	[tilespmem:$0xB690] =	vst v3;
	v3 =	vor.u32 v0, v2  }
0xf0: {  	s24 =	spop (v2sf);
	v2 =	vor.u32 v1, v2;
	[tilespmem:$0xB700] =	vst v3  }
0xf1: {  	[tilespmem:$0xB710] =	vst v2;
	v2 =	vor.u32 s24, v0  }
0xf2: {  	[tilespmem:$0xB780] =	vst v2;
	v2 =	vor.u32 s24, v1  }
0xf3: {  	[tilespmem:$0xB790] =	vst v2  }
0xf4: {  	v2 =	vld [tilespmem:s3+$0x8060];
	_ =	sdelay $0x4  }
0xf5: {  	v2 =	vshll.u32 v2, $0x5  }
0xf6: {  	v3 =	vbroadcast v2, $0x0;
	_ =	sdelay $0x1  }
0xf7: {  	v37 =	vbroadcast v2, $0x1;
	v36 =	vor.u32 v0, v3  }
0xf8: {  	v3 =	vor.u32 v1, v3;
	[tilespmem:$0xB800] =	vst v36  }
0xf9: {  	v38 =	vbroadcast v2, $0x2;
	[tilespmem:$0xB810] =	vst v3;
	v3 =	vor.u32 v0, v37  }
0xfa: {  	[tilespmem:$0xB880] =	vst v3;
	v3 =	vor.u32 v1, v37  }
0xfb: {  	v39 =	vbroadcast v2, $0x3;
	[tilespmem:$0xB890] =	vst v3;
	v3 =	vor.u32 v0, v38  }
0xfc: {  	[tilespmem:$0xB900] =	vst v3;
	v3 =	vor.u32 v1, v38  }
0xfd: {  	v40 =	vbroadcast v2, $0x4;
	[tilespmem:$0xB910] =	vst v3;
	v3 =	vor.u32 v0, v39  }
0xfe: {  	[tilespmem:$0xB980] =	vst v3;
	v3 =	vor.u32 v1, v39  }
0xff: {  	v41 =	vbroadcast v2, $0x5;
	[tilespmem:$0xB990] =	vst v3;
	v3 =	vor.u32 v0, v40  }
0x100: {  	[tilespmem:$0xBA00] =	vst v3;
	v3 =	vor.u32 v1, v40  }
0x101: {  	v42 =	vbroadcast v2, $0x6;
	[tilespmem:$0xBA10] =	vst v3;
	v3 =	vor.u32 v0, v41  }
0x102: {  	[tilespmem:$0xBA80] =	vst v3;
	v3 =	vor.u32 v1, v41  }
0x103: {  	v43 =	vbroadcast v2, $0x7;
	[tilespmem:$0xBA90] =	vst v3;
	v3 =	vor.u32 v0, v42  }
0x104: {  	[tilespmem:$0xBB00] =	vst v3;
	v3 =	vor.u32 v1, v42  }
0x105: {  	v44 =	vbroadcast v2, $0x8;
	(v2sf) =	vpush v2, $0xF;
	[tilespmem:$0xBB10] =	vst v3;
	v3 =	vor.u32 v0, v43  }
0x106: {  	[tilespmem:$0xBB80] =	vst v3;
	v3 =	vor.u32 v1, v43  }
0x107: {  	v45 =	vbroadcast v2, $0x9;
	[tilespmem:$0xBB90] =	vst v3;
	v3 =	vor.u32 v0, v44  }
0x108: {  	[tilespmem:$0xBC00] =	vst v3;
	v3 =	vor.u32 v1, v44  }
0x109: {  	v46 =	vbroadcast v2, $0xA;
	[tilespmem:$0xBC10] =	vst v3;
	v3 =	vor.u32 v0, v45  }
0x10a: {  	[tilespmem:$0xBC80] =	vst v3;
	v3 =	vor.u32 v1, v45  }
0x10b: {  	v47 =	vbroadcast v2, $0xB;
	[tilespmem:$0xBC90] =	vst v3;
	v3 =	vor.u32 v0, v46  }
0x10c: {  	[tilespmem:$0xBD00] =	vst v3;
	v3 =	vor.u32 v1, v46  }
0x10d: {  	v48 =	vbroadcast v2, $0xC;
	[tilespmem:$0xBD10] =	vst v3;
	v3 =	vor.u32 v0, v47  }
0x10e: {  	[tilespmem:$0xBD80] =	vst v3;
	v3 =	vor.u32 v1, v47  }
0x10f: {  	v49 =	vbroadcast v2, $0xD;
	[tilespmem:$0xBD90] =	vst v3;
	v3 =	vor.u32 v0, v48  }
0x110: {  	[tilespmem:$0xBE00] =	vst v3;
	v3 =	vor.u32 v1, v48  }
0x111: {  	v2 =	vbroadcast v2, $0xE;
	[tilespmem:$0xBE10] =	vst v3;
	v3 =	vor.u32 v0, v49  }
0x112: {  	[tilespmem:$0xBE80] =	vst v3;
	v3 =	vor.u32 v1, v49  }
0x113: {  	[tilespmem:$0xBE90] =	vst v3;
	v3 =	vor.u32 v0, v2  }
0x114: {  	s25 =	spop (v2sf);
	v2 =	vor.u32 v1, v2;
	[tilespmem:$0xBF00] =	vst v3  }
0x115: {  	[tilespmem:$0xBF10] =	vst v2;
	v2 =	vor.u32 s25, v0  }
0x116: {  	[tilespmem:$0xBF80] =	vst v2;
	v2 =	vor.u32 s25, v1  }
0x117: {  	[tilespmem:$0xBF90] =	vst v2  }
0x118: {  	v2 =	vld [tilespmem:s3+$0x8070];
	_ =	sdelay $0x4  }
0x119: {  	v2 =	vshll.u32 v2, $0x5  }
0x11a: {  	v3 =	vbroadcast v2, $0x0;
	_ =	sdelay $0x1  }
0x11b: {  	v51 =	vbroadcast v2, $0x1;
	v50 =	vor.u32 v0, v3  }
0x11c: {  	v3 =	vor.u32 v1, v3;
	[tilespmem:$0xC000] =	vst v50  }
0x11d: {  	v52 =	vbroadcast v2, $0x2;
	[tilespmem:$0xC010] =	vst v3;
	v3 =	vor.u32 v0, v51  }
0x11e: {  	[tilespmem:$0xC080] =	vst v3;
	v3 =	vor.u32 v1, v51  }
0x11f: {  	v53 =	vbroadcast v2, $0x3;
	[tilespmem:$0xC090] =	vst v3;
	v3 =	vor.u32 v0, v52  }
0x120: {  	[tilespmem:$0xC100] =	vst v3;
	v3 =	vor.u32 v1, v52  }
0x121: {  	v54 =	vbroadcast v2, $0x4;
	[tilespmem:$0xC110] =	vst v3;
	v3 =	vor.u32 v0, v53  }
0x122: {  	[tilespmem:$0xC180] =	vst v3;
	v3 =	vor.u32 v1, v53  }
0x123: {  	v55 =	vbroadcast v2, $0x5;
	[tilespmem:$0xC190] =	vst v3;
	v3 =	vor.u32 v0, v54  }
0x124: {  	[tilespmem:$0xC200] =	vst v3;
	v3 =	vor.u32 v1, v54  }
0x125: {  	v56 =	vbroadcast v2, $0x6;
	[tilespmem:$0xC210] =	vst v3;
	v3 =	vor.u32 v0, v55  }
0x126: {  	[tilespmem:$0xC280] =	vst v3;
	v3 =	vor.u32 v1, v55  }
0x127: {  	v57 =	vbroadcast v2, $0x7;
	[tilespmem:$0xC290] =	vst v3;
	v3 =	vor.u32 v0, v56  }
0x128: {  	[tilespmem:$0xC300] =	vst v3;
	v3 =	vor.u32 v1, v56  }
0x129: {  	v58 =	vbroadcast v2, $0x8;
	(v2sf) =	vpush v2, $0xF;
	[tilespmem:$0xC310] =	vst v3;
	v3 =	vor.u32 v0, v57  }
0x12a: {  	[tilespmem:$0xC380] =	vst v3;
	v3 =	vor.u32 v1, v57  }
0x12b: {  	v59 =	vbroadcast v2, $0x9;
	[tilespmem:$0xC390] =	vst v3;
	v3 =	vor.u32 v0, v58  }
0x12c: {  	[tilespmem:$0xC400] =	vst v3;
	v3 =	vor.u32 v1, v58  }
0x12d: {  	v60 =	vbroadcast v2, $0xA;
	[tilespmem:$0xC410] =	vst v3;
	v3 =	vor.u32 v0, v59  }
0x12e: {  	[tilespmem:$0xC480] =	vst v3;
	v3 =	vor.u32 v1, v59  }
0x12f: {  	v61 =	vbroadcast v2, $0xB;
	[tilespmem:$0xC490] =	vst v3;
	v3 =	vor.u32 v0, v60  }
0x130: {  	[tilespmem:$0xC500] =	vst v3;
	v3 =	vor.u32 v1, v60  }
0x131: {  	v62 =	vbroadcast v2, $0xC;
	[tilespmem:$0xC510] =	vst v3;
	v3 =	vor.u32 v0, v61  }
0x132: {  	[tilespmem:$0xC580] =	vst v3;
	v3 =	vor.u32 v1, v61  }
0x133: {  	v63 =	vbroadcast v2, $0xD;
	[tilespmem:$0xC590] =	vst v3;
	v3 =	vor.u32 v0, v62  }
0x134: {  	[tilespmem:$0xC600] =	vst v3;
	v3 =	vor.u32 v1, v62  }
0x135: {  	v2 =	vbroadcast v2, $0xE;
	[tilespmem:$0xC610] =	vst v3;
	v3 =	vor.u32 v0, v63  }
0x136: {  	[tilespmem:$0xC680] =	vst v3;
	v3 =	vor.u32 v1, v63  }
0x137: {  	[tilespmem:$0xC690] =	vst v3;
	v3 =	vor.u32 v0, v2  }
0x138: {  	s26 =	spop (v2sf);
	v2 =	vor.u32 v1, v2;
	[tilespmem:$0xC700] =	vst v3  }
0x139: {  	[tilespmem:$0xC710] =	vst v2;
	v2 =	vor.u32 s26, v0  }
0x13a: {  	[tilespmem:$0xC780] =	vst v2;
	v2 =	vor.u32 s26, v1  }
0x13b: {  	s29 =	simm.s32 $0x8800;
	s30 =	simm.s32 $0x4;
	s28 =	rddreg [dreg:$0x8];
	[tilespmem:$0xC790] =	vst v2  }
0x13c: {  	[hbm4b:s28+s16] =	stream.linear.scatter [tilespmem:s29], [sflag:$0x4], $0x4000, $0x38;
	[tilespmem:$0xC800] =	vst v63  }
0x13d: {  	_ =	swait.ge [sflag:s30], $0x4000  }
0x13e: {  	[sflag:s30] =	ssyncset.done $0x0  }
0x13f: {  	s31 =	simm.s32 $0x3;
	[sflag:s30] =	ssyncadd.s32 $0xFFFFC000  }
0x140: {  	_ =	swait.ge [sflag:s31], $0x8000  }
0x141: {  	[sflag:s31] =	ssyncset.done $0x0  }
0x142: {  	[sflag:s31] =	ssyncadd.s32 $0xFFFF8000  }
0x143: {  	v2 =	vld [tilespmem:s15+$0x0];
	_ =	sdelay $0x4  }
0x144: {  	(v2sf) =	vpush v2, $0xC  }
0x145: {  	(v2sf) =	vpush v2, $0x6;
	_ =	sdelay $0x3  }
0x146: {  	(v2sf) =	vpush v2, $0xB  }
0x147: {  	(v2sf) =	vpush v2, $0x7  }
0x148: {  	(v2sf) =	vpush v2, $0x5  }
0x149: {  	(v2sf) =	vpush v2, $0xE  }
0x14a: {  	(v2sf) =	vpush v2, $0x2  }
0x14b: {  	(v2sf) =	vpush v2, $0xF  }
0x14c: {  	(v2sf) =	vpush v2, $0x1  }
0x14d: {  	(v2sf) =	vpush v2, $0x4  }
0x14e: {  	(v2sf) =	vpush v2, $0x8  }
0x14f: {  	(v2sf) =	vpush v2, $0x3  }
0x150: {  	s17 =	simm.s32 $0x10000;
	(v2sf) =	vpush v2, $0x0;
	s21 =	spop (v2sf)  }
0x151: {  	s18 =	simm.s32 $0x0;
	s16 =	simm.s32 $0x0;
	(v2sf) =	vpush v2, $0xD;
	s19 =	spop (v2sf)  }
.LBB2_2:
0x152: {  	_ =	sdelay $0x1  }
0x153: {  	s20 =	smov.u32 s17;
	s17 =	sadd.s32 $0x10000, s17;
	s24 =	simm.s32 $0x1  }
0x154: {  	s25 =	simm.s32 $0x1;
	p0 =	seq.s32 s17, $0x800000;
	s6 =	spop (v2sf)  }
0x155: {  	s30 =	simm.s32 $0x1;
	s0 =	simm.s32 @!p0 $0x0;
	s28 =	spop (v2sf)  }
0x156: {  	s0 =	simm.s32 @p0 $0x1;
	p0 =	seq.s32 s6, s2;
	s5 =	spop (v2sf)  }
0x157: {  	s24 =	simm.s32 @!p0 $0x0;
	p1 =	sne.s32 s5, s2;
	s23 =	spop (v2sf)  }
0x158: {  	p2 =	seq.s32 s5, s2;
	s1 =	simm.s32 @!p1 $0x0;
	s3 =	sadd.s32 @!p1 s16, s8  }
0x159: {  	p0 =	seq.s32 s23, s2;
	s7 =	spop (v2sf);
	s1 =	simm.s32 @p1 $0x1  }
0x15a: {  	s29 =	sadd.s32 @!p1 $0x5000, s3;
	s22 =	spop (v2sf);
	p6 =	sne.s32 s7, s2  }
0x15b: {  	[smem:$0x7FA] =	sst s1;
	s1 =	simm.s32 @!p0 $0x0;
	s10 =	spop (v2sf)  }
0x15c: {  	s1 =	simm.s32 @p0 $0x1;
	p0 =	seq.s32 s7, s2;
	p5 =	seq.s32 s10, s2  }
0x15d: {  	s4 =	spop (v2sf);
	s7 =	simm.s32 $0x1;
	[smem:$0x7F9] =	sst s1  }
0x15e: {  	s1 =	simm.s32 $0x1;
	p1 =	seq.s32 s4, s2;
	s31 =	spop (v2sf)  }
0x15f: {  	s1 =	simm.s32 @!p0 $0x0;
	p0 =	seq.s32 s22, s2;
	s7 =	simm.s32 @!p1 $0x0  }
0x160: {  	(v2sf) =	vpush v2, $0xA;
	p1 =	sne.s32 s10, s2;
	s9 =	spop (v2sf);
	s10 =	simm.s32 $0x1  }
0x161: {  	s3 =	simm.s32 @!p0 $0x0;
	p3 =	seq.s32 s9, s2;
	s11 =	spop (v2sf)  }
0x162: {  	s3 =	simm.s32 @p0 $0x1;
	p0 =	seq.s32 s21, s2;
	s26 =	spop (v2sf)  }
0x163: {  	[smem:$0x7FC] =	sst s3;
	s25 =	simm.s32 @!p0 $0x0;
	s3 =	simm.s32 $0x1  }
0x164: {  	p0 =	seq.s32 s19, s2;
	s3 =	simm.s32 @!p2 $0x0;
	p2 =	seq.s32 s31, s2  }
0x165: {  	s30 =	simm.s32 @!p0 $0x0;
	p0 =	sne.s32 s11, s2;
	s10 =	simm.s32 @!p2 $0x0  }
0x166: {  	p2 =	seq.s32 s11, s2;
	s11 =	simm.s32 $0x1;
	s12 =	sadd.s32 @!p0 s16, s8  }
0x167: {  	s14 =	simm.s32 @!p0 $0x0;
	s11 =	simm.s32 @!p3 $0x0;
	p3 =	seq.s32 s26, s2  }
0x168: {  	[hbm4b:s12+s14] =	stream.linear.scatter @!p0 [tilespmem:s14], [sflag:$0x1], $0x8000, $0x38;
	[tilespmem:$0xC800] =	vst v63  }
0x169: {  	[smem:$0x7FD] =	sst s0;
	s5 =	simm.s32 @!p3 $0x0  }
0x16a: {  	s0 =	simm.s32 $0x1;
	p4 =	seq.s32 s28, s2;
	s5 =	simm.s32 @p3 $0x1  }
0x16b: {  	s0 =	simm.s32 @!p4 $0x0;
	[smem:$0x7FB] =	sst s5;
	s5 =	simm.s32 $0x1  }
0x16c: {  	s12 =	sadd.s32 @!p6 s16, s8;
	p0 =	sne.s32 s9, s2;
	s5 =	simm.s32 @!p2 $0x0  }
0x16d: {  	s14 =	sld [smem:$0x7FA];
	s5 =	sadd.s32 s5, s18;
	s18 =	simm.s32 $0x1  }
0x16e: {  	s18 =	simm.s32 @!p5 $0x0;
	p5 =	sne.s32 s6, s2;
	s6 =	sld [smem:$0x7F9]  }
0x16f: {  	s9 =	sadd.s32 @!p0 s16, s8;
	p3 =	sne.s32 s21, s2;
	s21 =	spop (v2sf)  }
0x170: {  	p2 =	seq.s32 s21, s2;
	s5 =	sadd.s32 s18, s5;
	s18 =	simm.s32 $0x1  }
0x171: {  	(v2sf) =	vpush v2, $0x9;
	s1 =	sadd.s32 s1, s5;
	s5 =	sadd.s32 @!p1 s16, s8;
	p4 =	seq.s32 s6, $0x1  }
0x172: {  	s1 =	sadd.s32 s11, s1;
	s6 =	simm.s32 $0x1;
	s5 =	sadd.s32 @!p1 $0x1000, s5  }
0x173: {  	s11 =	simm.s32 @!p1 $0x0;
	s18 =	simm.s32 @!p4 $0x0;
	s6 =	simm.s32 @!p2 $0x0  }
0x174: {  	[hbm4b:s5+s11] =	stream.linear.scatter @!p1 [tilespmem:s11], [sflag:$0x1], $0x8000, $0x38;
	[tilespmem:$0xC800] =	vst v63  }
0x175: {  	s5 =	sadd.s32 @!p6 $0x2000, s12;
	s11 =	simm.s32 @!p6 $0x0;
	s12 =	simm.s32 @!p0 $0x0  }
0x176: {  	s1 =	sadd.s32 s7, s1;
	p1 =	sne.s32 s4, s2;
	p2 =	seq.s32 s14, $0x1  }
0x177: {  	s4 =	simm.s32 @!p3 $0x0;
	s7 =	simm.s32 @!p2 $0x0;
	s1 =	sadd.s32 s3, s1  }
0x178: {  	[hbm4b:s5+s11] =	stream.linear.scatter @!p6 [tilespmem:s11], [sflag:$0x1], $0x8000, $0x38;
	[tilespmem:$0xC800] =	vst v63  }
0x179: {  	s5 =	sadd.s32 @!p0 $0x3000, s9;
	s9 =	simm.s32 @!p1 $0x0;
	s1 =	sadd.s32 s30, s1  }
0x17a: {  	[hbm4b:s5+s12] =	stream.linear.scatter @!p0 [tilespmem:s12], [sflag:$0x1], $0x8000, $0x38;
	[tilespmem:$0xC800] =	vst v63  }
0x17b: {  	s30 =	sld [smem:$0x7FC];
	s5 =	sadd.s32 @!p1 s16, s8;
	p0 =	sne.s32 s19, s2  }
0x17c: {  	s0 =	sadd.s32 s0, s1;
	s5 =	sadd.s32 @!p1 $0x4000, s5;
	s11 =	sadd.s32 @!p0 s16, s8  }
0x17d: {  	[hbm4b:s5+s9] =	stream.linear.scatter @!p1 [tilespmem:s9], [sflag:$0x1], $0x8000, $0x38;
	[tilespmem:$0xC800] =	vst v63  }
0x17e: {  	s0 =	sadd.s32 s10, s0;
	s5 =	sadd.s32 @!p0 $0x6000, s11;
	p1 =	sne.s32 s28, s2  }
0x17f: {  	[hbm4b:s29+s7] =	stream.linear.scatter @!p2 [tilespmem:s7], [sflag:$0x1], $0x8000, $0x38;
	[tilespmem:$0xC800] =	vst v63  }
0x180: {  	s9 =	simm.s32 @!p0 $0x0;
	s3 =	sadd.s32 @!p1 s16, s8;
	s28 =	spop (v2sf)  }
0x181: {  	[hbm4b:s5+s9] =	stream.linear.scatter @!p0 [tilespmem:s9], [sflag:$0x1], $0x8000, $0x38;
	[tilespmem:$0xC800] =	vst v63  }
0x182: {  	s3 =	sadd.s32 @!p1 $0x7000, s3;
	s5 =	simm.s32 @!p1 $0x0;
	p0 =	sne.s32 s31, s2  }
0x183: {  	[hbm4b:s3+s5] =	stream.linear.scatter @!p1 [tilespmem:s5], [sflag:$0x1], $0x8000, $0x38;
	[tilespmem:$0xC800] =	vst v63  }
0x184: {  	s7 =	simm.s32 $0x1;
	s29 =	sld [smem:$0x7FB];
	s3 =	sadd.s32 @!p0 s16, s8  }
0x185: {  	p1 =	seq.s32 s28, s2;
	s1 =	sadd.s32 @!p0 $0x8000, s3;
	s3 =	simm.s32 $0x1  }
0x186: {  	s9 =	sadd.s32 @!p3 s16, s8;
	s5 =	simm.s32 @!p0 $0x0;
	s3 =	simm.s32 @!p1 $0x0  }
0x187: {  	[hbm4b:s1+s5] =	stream.linear.scatter @!p0 [tilespmem:s5], [sflag:$0x1], $0x8000, $0x38;
	[tilespmem:$0xC800] =	vst v63  }
0x188: {  	p1 =	sne.s32 s28, s2;
	p0 =	sne.s32 s21, s2;
	s0 =	sadd.s32 s3, s0  }
0x189: {  	s3 =	sadd.s32 @!p3 $0xC000, s9;
	s1 =	sadd.s32 @!p1 s16, s8;
	s5 =	simm.s32 @!p1 $0x0  }
0x18a: {  	s0 =	sadd.s32 s6, s0;
	s1 =	sadd.s32 @!p1 $0x9000, s1;
	s6 =	sadd.s32 @!p5 s16, s8  }
0x18b: {  	[hbm4b:s1+s5] =	stream.linear.scatter @!p1 [tilespmem:s5], [sflag:$0x1], $0x8000, $0x38;
	[tilespmem:$0xC800] =	vst v63  }
0x18c: {  	s0 =	sadd.s32 s24, s0;
	s1 =	sadd.s32 @!p0 s16, s8;
	s5 =	simm.s32 @!p0 $0x0  }
0x18d: {  	p1 =	seq.s32 s29, $0x1;
	s0 =	sadd.s32 s25, s0;
	s1 =	sadd.s32 @!p0 $0xA000, s1  }
0x18e: {  	[hbm4b:s1+s5] =	stream.linear.scatter @!p0 [tilespmem:s5], [sflag:$0x1], $0x8000, $0x38;
	[tilespmem:$0xC800] =	vst v63  }
0x18f: {  	s7 =	simm.s32 @!p1 $0x0;
	s1 =	sadd.s32 @!p5 $0xB000, s6;
	s5 =	simm.s32 @!p5 $0x0  }
0x190: {  	[hbm4b:s1+s5] =	stream.linear.scatter @!p5 [tilespmem:s5], [sflag:$0x1], $0x8000, $0x38;
	[tilespmem:$0xC800] =	vst v63  }
0x191: {  	p1 =	seq.s32 s30, $0x1;
	s0 =	sadd.s32 s7, s0;
	s1 =	simm.s32 $0x1  }
0x192: {  	p0 =	sne.s32 s26, s2;
	s0 =	sadd.s32 s18, s0;
	s1 =	simm.s32 @!p1 $0x0  }
0x193: {  	[hbm4b:s3+s4] =	stream.linear.scatter @!p3 [tilespmem:s4], [sflag:$0x1], $0x8000, $0x38;
	[tilespmem:$0xC800] =	vst v63  }
0x194: {  	p1 =	sne.s32 s23, s2;
	s3 =	sadd.s32 @!p0 s16, s8;
	s18 =	sadd.s32 s1, s0  }
0x195: {  	s1 =	simm.s32 @!p0 $0x0;
	s0 =	sadd.s32 @!p0 $0xD000, s3;
	s3 =	sadd.s32 @!p1 s16, s8  }
0x196: {  	[hbm4b:s0+s1] =	stream.linear.scatter @!p0 [tilespmem:s1], [sflag:$0x1], $0x8000, $0x38;
	[tilespmem:$0xC800] =	vst v63  }
0x197: {  	s0 =	sadd.s32 @!p1 $0xE000, s3;
	s1 =	simm.s32 @!p1 $0x0;
	p0 =	sne.s32 s22, s2  }
0x198: {  	[hbm4b:s0+s1] =	stream.linear.scatter @!p1 [tilespmem:s1], [sflag:$0x1], $0x8000, $0x38;
	[tilespmem:$0xC800] =	vst v63  }
0x199: {  	s0 =	sadd.s32 @!p0 s16, s8  }
0x19a: {  	s15 =	sadd.s32 $0x10, s15;
	s1 =	simm.s32 @!p0 $0x0;
	s0 =	sadd.s32 @!p0 $0xF000, s0  }
0x19b: {  	[hbm4b:s0+s1] =	stream.linear.scatter @!p0 [tilespmem:s1], [sflag:$0x1], $0x8000, $0x38;
	[tilespmem:$0xC800] =	vst v63  }
0x19c: {  	v2 =	vld [tilespmem:s15+$0x0];
	_ =	sdelay $0x4  }
0x19d: {  	(v2sf) =	vpush v2, $0xC  }
0x19e: {  	(v2sf) =	vpush v2, $0x6;
	_ =	sdelay $0x3  }
0x19f: {  	(v2sf) =	vpush v2, $0xB  }
0x1a0: {  	(v2sf) =	vpush v2, $0x7  }
0x1a1: {  	(v2sf) =	vpush v2, $0x5  }
0x1a2: {  	s31 =	sld [smem:$0x7FD];
	(v2sf) =	vpush v2, $0xE  }
0x1a3: {  	(v2sf) =	vpush v2, $0x2  }
0x1a4: {  	(v2sf) =	vpush v2, $0xF  }
0x1a5: {  	p0 =	seq.s32 s31, $0x1;
	(v2sf) =	vpush v2, $0x1  }
.Ltmp2:
0x1a6: {  	(v2sf) =	vpush v2, $0x4;
	(pc) =	sbr.rel @!p0 .LBB2_2-.Ltmp2, $4  }
0x1a7: {  	(v2sf) =	vpush v2, $0x8  }
0x1a8: {  	(v2sf) =	vpush v2, $0x3  }
0x1a9: {  	(v2sf) =	vpush v2, $0x0;
	s21 =	spop (v2sf)  }
0x1aa: {  	s16 =	smov.u32 s20;
	(v2sf) =	vpush v2, $0xD;
	s19 =	spop (v2sf)  }
0x1ab: {  	_ =	sdelay $0x2  }
0x1ac: {  	s0 =	spop (v2sf)  }
0x1ad: {  	s23 =	spop (v2sf)  }
0x1ae: {  	s17 =	spop (v2sf)  }
0x1af: {  	s10 =	spop (v2sf)  }
0x1b0: {  	s26 =	spop (v2sf)  }
0x1b1: {  	s28 =	spop (v2sf)  }
0x1b2: {  	s30 =	spop (v2sf)  }
0x1b3: {  	(v2sf) =	vpush v2, $0xA;
	s24 =	spop (v2sf)  }
0x1b4: {  	s15 =	spop (v2sf)  }
0x1b5: {  	s20 =	spop (v2sf)  }
0x1b6: {  	p0 =	sne.s32 s17, s2;
	s29 =	spop (v2sf)  }
0x1b7: {  	s1 =	sadd.s32 @!p0 s16, s8;
	p1 =	sne.s32 s30, s2;
	p2 =	sne.s32 s29, s2  }
0x1b8: {  	s5 =	sadd.s32 @!p1 s16, s8;
	s3 =	sadd.s32 @!p2 s16, s8;
	s4 =	simm.s32 @!p2 $0x0  }
0x1b9: {  	[hbm4b:s3+s4] =	stream.linear.scatter @!p2 [tilespmem:s4], [sflag:$0x1], $0x8000, $0x38;
	[tilespmem:$0xC800] =	vst v63  }
0x1ba: {  	p2 =	sne.s32 s26, s2;
	s3 =	sadd.s32 @!p1 $0x1000, s5;
	s4 =	simm.s32 @!p1 $0x0  }
0x1bb: {  	(v2sf) =	vpush v2, $0x9;
	[hbm4b:s3+s4] =	stream.linear.scatter @!p1 [tilespmem:s4], [sflag:$0x1], $0x8000, $0x38;
	[tilespmem:$0xC800] =	vst v63  }
0x1bc: {  	s1 =	sadd.s32 @!p0 $0x5000, s1;
	s3 =	sadd.s32 @!p2 s16, s8;
	p1 =	sne.s32 s20, s2  }
0x1bd: {  	s4 =	simm.s32 @!p2 $0x0;
	s3 =	sadd.s32 @!p2 $0x2000, s3;
	s5 =	sadd.s32 @!p1 s16, s8  }
0x1be: {  	[hbm4b:s3+s4] =	stream.linear.scatter @!p2 [tilespmem:s4], [sflag:$0x1], $0x8000, $0x38;
	[tilespmem:$0xC800] =	vst v63  }
0x1bf: {  	s3 =	simm.s32 @!p1 $0x0;
	s4 =	sadd.s32 @!p1 $0x3000, s5;
	p2 =	sne.s32 s24, s2  }
0x1c0: {  	[hbm4b:s4+s3] =	stream.linear.scatter @!p1 [tilespmem:s3], [sflag:$0x1], $0x8000, $0x38;
	[tilespmem:$0xC800] =	vst v63  }
0x1c1: {  	s22 =	spop (v2sf);
	s3 =	sadd.s32 @!p2 s16, s8;
	p1 =	sne.s32 s19, s2  }
0x1c2: {  	s4 =	simm.s32 @!p2 $0x0;
	s25 =	spop (v2sf);
	s3 =	sadd.s32 @!p2 $0x4000, s3  }
0x1c3: {  	[hbm4b:s3+s4] =	stream.linear.scatter @!p2 [tilespmem:s4], [sflag:$0x1], $0x8000, $0x38;
	[tilespmem:$0xC800] =	vst v63  }
0x1c4: {  	s3 =	simm.s32 @!p0 $0x0;
	s4 =	sadd.s32 @!p1 s16, s8;
	p2 =	sne.s32 s23, s2  }
0x1c5: {  	[hbm4b:s1+s3] =	stream.linear.scatter @!p0 [tilespmem:s3], [sflag:$0x1], $0x8000, $0x38;
	[tilespmem:$0xC800] =	vst v63  }
0x1c6: {  	s1 =	sadd.s32 @!p1 $0x6000, s4;
	s3 =	simm.s32 @!p1 $0x0;
	s4 =	sadd.s32 @!p2 s16, s8  }
0x1c7: {  	[hbm4b:s1+s3] =	stream.linear.scatter @!p1 [tilespmem:s3], [sflag:$0x1], $0x8000, $0x38;
	[tilespmem:$0xC800] =	vst v63  }
0x1c8: {  	p0 =	sne.s32 s15, s2;
	s1 =	sadd.s32 @!p2 $0x7000, s4;
	s3 =	simm.s32 @!p2 $0x0  }
0x1c9: {  	[hbm4b:s1+s3] =	stream.linear.scatter @!p2 [tilespmem:s3], [sflag:$0x1], $0x8000, $0x38;
	[tilespmem:$0xC800] =	vst v63  }
0x1ca: {  	s31 =	spop (v2sf);
	s1 =	sadd.s32 @!p0 s16, s8  }
0x1cb: {  	s4 =	simm.s32 @!p0 $0x0;
	p1 =	sne.s32 s31, s2;
	s1 =	sadd.s32 @!p0 $0x8000, s1  }
0x1cc: {  	[hbm4b:s1+s4] =	stream.linear.scatter @!p0 [tilespmem:s4], [sflag:$0x1], $0x8000, $0x38;
	[tilespmem:$0xC800] =	vst v63  }
0x1cd: {  	s1 =	sadd.s32 @!p1 s16, s8  }
0x1ce: {  	p0 =	sne.s32 s25, s2;
	s4 =	simm.s32 @!p1 $0x0;
	s1 =	sadd.s32 @!p1 $0x9000, s1  }
0x1cf: {  	[hbm4b:s1+s4] =	stream.linear.scatter @!p1 [tilespmem:s4], [sflag:$0x1], $0x8000, $0x38;
	[tilespmem:$0xC800] =	vst v63  }
0x1d0: {  	s1 =	sadd.s32 @!p0 s16, s8  }
0x1d1: {  	p1 =	sne.s32 s0, s2;
	s4 =	simm.s32 @!p0 $0x0;
	s1 =	sadd.s32 @!p0 $0xA000, s1  }
0x1d2: {  	[hbm4b:s1+s4] =	stream.linear.scatter @!p0 [tilespmem:s4], [sflag:$0x1], $0x8000, $0x38;
	[tilespmem:$0xC800] =	vst v63  }
0x1d3: {  	s1 =	sadd.s32 @!p1 s16, s8  }
0x1d4: {  	p0 =	sne.s32 s21, s2;
	s4 =	simm.s32 @!p1 $0x0;
	s1 =	sadd.s32 @!p1 $0xB000, s1  }
0x1d5: {  	[hbm4b:s1+s4] =	stream.linear.scatter @!p1 [tilespmem:s4], [sflag:$0x1], $0x8000, $0x38;
	[tilespmem:$0xC800] =	vst v63  }
0x1d6: {  	s1 =	sadd.s32 @!p0 s16, s8  }
0x1d7: {  	s4 =	simm.s32 @!p0 $0x0;
	p1 =	sne.s32 s22, s2;
	s1 =	sadd.s32 @!p0 $0xC000, s1  }
0x1d8: {  	[hbm4b:s1+s4] =	stream.linear.scatter @!p0 [tilespmem:s4], [sflag:$0x1], $0x8000, $0x38;
	[tilespmem:$0xC800] =	vst v63  }
0x1d9: {  	p4 =	seq.s32 s23, s2;
	p3 =	seq.s32 s26, s2;
	s1 =	sadd.s32 @!p1 s16, s8  }
0x1da: {  	p0 =	sne.s32 s10, s2;
	s4 =	simm.s32 @!p1 $0x0;
	s1 =	sadd.s32 @!p1 $0xD000, s1  }
0x1db: {  	[hbm4b:s1+s4] =	stream.linear.scatter @!p1 [tilespmem:s4], [sflag:$0x1], $0x8000, $0x38;
	[tilespmem:$0xC800] =	vst v63  }
0x1dc: {  	p5 =	seq.s32 s30, s2;
	p6 =	seq.s32 s29, s2;
	s1 =	sadd.s32 @!p0 s16, s8  }
0x1dd: {  	s5 =	simm.s32 $0x1;
	s4 =	simm.s32 @!p0 $0x0;
	s1 =	sadd.s32 @!p0 $0xE000, s1  }
0x1de: {  	[hbm4b:s1+s4] =	stream.linear.scatter @!p0 [tilespmem:s4], [sflag:$0x1], $0x8000, $0x38;
	[tilespmem:$0xC800] =	vst v63  }
0x1df: {  	s5 =	simm.s32 @!p5 $0x0;
	p5 =	seq.s32 s20, s2;
	p0 =	sne.s32 s28, s2  }
0x1e0: {  	p2 =	seq.s32 s0, s2;
	s3 =	simm.s32 $0x1;
	s1 =	sadd.s32 @!p0 s16, s8  }
0x1e1: {  	s0 =	simm.s32 $0x1;
	s4 =	simm.s32 @!p0 $0x0;
	s1 =	sadd.s32 @!p0 $0xF000, s1  }
0x1e2: {  	[hbm4b:s1+s4] =	stream.linear.scatter @!p0 [tilespmem:s4], [sflag:$0x1], $0x8000, $0x38;
	[tilespmem:$0xC800] =	vst v63  }
0x1e3: {  	s0 =	simm.s32 @!p3 $0x0;
	p3 =	seq.s32 s24, s2;
	s4 =	simm.s32 $0x1  }
0x1e4: {  	p1 =	seq.s32 s10, s2;
	s1 =	simm.s32 $0x1;
	s4 =	simm.s32 @!p6 $0x0  }
0x1e5: {  	p0 =	seq.s32 s28, s2;
	s1 =	simm.s32 @!p3 $0x0;
	s4 =	sadd.s32 s4, s18  }
0x1e6: {  	p3 =	seq.s32 s21, s2;
	s4 =	sadd.s32 s5, s4;
	s5 =	simm.s32 $0x1  }
0x1e7: {  	p6 =	seq.s32 s17, s2;
	s0 =	sadd.s32 s0, s4;
	s5 =	simm.s32 @!p5 $0x0  }
0x1e8: {  	s4 =	simm.s32 $0x1;
	p5 =	seq.s32 s19, s2;
	s0 =	sadd.s32 s5, s0  }
0x1e9: {  	s4 =	simm.s32 @!p6 $0x0;
	s0 =	sadd.s32 s1, s0;
	s1 =	simm.s32 $0x1  }
0x1ea: {  	p6 =	seq.s32 s15, s2;
	s1 =	simm.s32 @!p5 $0x0;
	s0 =	sadd.s32 s4, s0  }
0x1eb: {  	s4 =	simm.s32 $0x1;
	p5 =	seq.s32 s22, s2;
	s0 =	sadd.s32 s1, s0  }
0x1ec: {  	s4 =	simm.s32 @!p4 $0x0;
	p4 =	seq.s32 s25, s2;
	s1 =	simm.s32 $0x1  }
0x1ed: {  	s0 =	sadd.s32 s4, s0;
	s1 =	simm.s32 @!p6 $0x0;
	p6 =	seq.s32 s31, s2  }
0x1ee: {  	s3 =	simm.s32 @!p6 $0x0;
	s0 =	sadd.s32 s1, s0;
	s1 =	simm.s32 $0x1  }
0x1ef: {  	s1 =	simm.s32 @!p4 $0x0;
	s0 =	sadd.s32 s3, s0;
	s3 =	simm.s32 $0x1  }
0x1f0: {  	s3 =	simm.s32 @!p2 $0x0;
	s0 =	sadd.s32 s1, s0;
	s1 =	simm.s32 $0x1  }
0x1f1: {  	s1 =	simm.s32 @!p3 $0x0;
	s0 =	sadd.s32 s3, s0;
	s3 =	simm.s32 $0x1  }
0x1f2: {  	s3 =	simm.s32 @!p5 $0x0;
	s0 =	sadd.s32 s1, s0;
	s1 =	simm.s32 $0x1  }
0x1f3: {  	s1 =	simm.s32 @!p1 $0x0;
	s0 =	sadd.s32 s3, s0;
	s3 =	simm.s32 $0x1  }
0x1f4: {  	s0 =	sadd.s32 s1, s0;
	s3 =	simm.s32 @!p0 $0x0  }
0x1f5: {  	s0 =	sadd.s32 s3, s0  }
0x1f6: {  	p0 =	sgt.s32 s0, $0x0  }
.Ltmp3:
0x1f7: {  	_ = 	snop;
	(pc) =	sbr.rel @!p0 .LBB2_7-.Ltmp3, $2  }
0x1f8: {  	_ =	sdelay $0x2  }
0x1f9: {  	s1 =	rddreg [dreg:$0xa];
	s3 =	simm.s32 $0x0  }
0x1fa: {  	s3 =	sadd.s32 $0x1, s3  }
0x1fb: {  	p0 =	slt.s32 s3, s0  }
.Ltmp4:
0x1fc: {  	_ = 	snop;
	(pc) =	sbr.rel @!p0 .LBB2_6-.Ltmp4, $3  }
0x1fd: {  	_ =	sdelay $0x1  }
0x1fe: {  	_ =	swait.ge [sflag:s13], $0x8000  }
0x1ff: {  	[sflag:s13] =	ssyncset.done $0x0  }
.LBB2_5:
0x200: {  	s3 =	sadd.s32 $0x1, s3  }
0x201: {  	[sflag:s13] =	ssyncadd.s32 $0xFFFF8000;
	p0 =	slt.s32 s3, s0  }
.Ltmp5:
0x202: {  	(pc) =	sbr.rel @p0 .LBB2_5-.Ltmp5, $3  }
0x203: {  	_ =	sdelay $0x1  }
0x204: {  	_ =	swait.ge [sflag:s13], $0x8000  }
0x205: {  	[sflag:s13] =	ssyncset.done $0x0  }
.Ltmp6:
0x206: {  	_ = 	snop;
	(pc) =	sbr.rel .LBB2_6-.Ltmp6, $1  }
0x207: {  	_ =	sdelay $0x3  }
.LBB2_8:
0x208: {  	_ =	sfence.sel $0x180000  }
0x209: {  	[bflag:$0x0] =	sbarrier.arrive $0xFFFF  }
0x20a: {  	_ =	strace $0x90000047  }
0x20b: {  	[bflag:$0x2] =	sbarrier.arrive $0xFFFF  }
0x20c: {  	p0 =	sne.s32 s2, $0x0;
	s0 =	rddreg [dreg:$0x4]  }
0x20d: {  	s0 =	sadd.s32 @!p0 $0x100000, s0  }
0x20e: {  	[sflag:s0] =	ssyncadd.tile.s32 @!p0 $0x1;
	_ =	shalt  }
.Lfunc_end2:
_tile_overlayer_lowered:
.L_overlay_start_2:
0x20f: {  	(tag) =	ssettag $0x2  }
0x210: {  	s0 =	rddreg [dreg:$0x0];
	s2 =	stileid.u32  }
0x211: {  	s1 =	rddreg [dreg:$0x1];
	p0 =	sne.s32 s2, $0x0  }
0x212: {  	s3 =	rddreg [dreg:$0x2];
	[bflag:$0x3] =	sbarrier.arrive $0xFFFF;
	s2 =	simm.s32 @!p0 $0x1C04  }
0x213: {  	[timem:s3], [sflag:s2] =	dma.local @!p0 [hbm:s0], s1  }
0x214: {  	s0 =	simm.s32 @!p0 $0x4  }
0x215: {  	_ =	swait.ge @!p0 [sflag:s0], s1  }
0x216: {  	s1 =	ssub.s32 @!p0 $0x0, s1;
	[sflag:s0] =	ssyncset.done @!p0 $0x0  }
0x217: {  	[sflag:s0] =	ssyncadd.s32 @!p0 s1  }
0x218: {  	[bflag:$0x3] =	sbarrier.arrive $0xFFFF  }
0x219: {  	_ =	shalt  }

</sc_bundles>
